<compile_context>
chip_gen: v7x
topology: tpu7x:2x2x1
jax: 0.10.2.dev20260603
libtpu: 0.0.44.dev20260713+nightly
codegen_flags: <defaults>
</compile_context>

<pallas_src>
import functools

import jax
import jax.numpy as jnp
from jax import lax
from jax.experimental import pallas as pl
from jax.experimental.pallas import tpu as pltpu
from jax.experimental.pallas import tpu_sc as plsc

N = 10000
NP = 10240
E = 320000
D = 128
NC = 2
NS = 16
NW = NC * NS
EPW = E // NW
C = 80
NBUF = 4
NCHUNK = EPW // C
GROUPS = C // 16
RPT = NP // NS



def _sc_agg_body(h_hbm, idx_hbm, z128_hbm, acc_out, *rest):
    idx_v = list(rest[0:NBUF])
    rows_v = list(rest[NBUF:2 * NBUF])
    acc_sh = rest[2 * NBUF]
    isem = list(rest[2 * NBUF + 1:2 * NBUF + 1 + NBUF])
    gsem = list(rest[2 * NBUF + 1 + NBUF:2 * NBUF + 1 + 2 * NBUF])
    ssem = list(rest[2 * NBUF + 1 + 2 * NBUF:2 * NBUF + 1 + 3 * NBUF])
    c = lax.axis_index("c")
    s = lax.axis_index("s")
    wid = s * NC + c
    cbase = wid * NCHUNK

    def issue_idx(t, b):
        pltpu.async_copy(idx_hbm.at[cbase + t], idx_v[b], isem[b])

    def wait_idx(b):
        pltpu.make_async_copy(idx_hbm.at[0], idx_v[b], isem[b]).wait()

    def issue_gather(b):
        pltpu.async_copy(h_hbm.at[idx_v[b].at[0]], rows_v[b], gsem[b])

    def wait_gather(b):
        pltpu.make_async_copy(h_hbm.at[pl.ds(0, C)], rows_v[b],
                              gsem[b]).wait()

    def issue_scatter(b):
        pltpu.async_copy(rows_v[b], acc_sh.at[idx_v[b].at[1]], ssem[b],
                         add=True)

    def wait_scatter(b):
        pltpu.make_async_copy(h_hbm.at[pl.ds(0, C)], rows_v[b],
                              ssem[b]).wait()

    pltpu.sync_copy(z128_hbm.at[pl.ds(s * RPT, RPT)],
                    acc_sh.at[pl.ds(s * RPT, RPT)])
    plsc.subcore_barrier()

    for b in range(NBUF):
        issue_idx(b, b)

    def _batch(i, carry):
        t4 = i * NBUF
        for b in range(NBUF):
            wait_idx(b)
            issue_gather(b)
        for b in range(NBUF):
            wait_gather(b)
            issue_scatter(b)
        for b in range(NBUF):
            wait_scatter(b)
            issue_idx(t4 + NBUF + b, b)
        return carry

    lax.fori_loop(0, (NCHUNK - 1) // NBUF - 1, _batch, 0)

    for b in range(NBUF):
        wait_idx(b)
        issue_gather(b)
    for b in range(NBUF):
        wait_gather(b)
        issue_scatter(b)
    for b in range(NBUF):
        wait_scatter(b)

    issue_idx(NCHUNK - 1, 0)
    wait_idx(0)
    issue_gather(0)
    wait_gather(0)
    issue_scatter(0)
    wait_scatter(0)
    plsc.subcore_barrier()

    row = c * NP + s * RPT
    pltpu.sync_copy(acc_sh.at[pl.ds(s * RPT, RPT)],
                    acc_out.at[pl.ds(row, RPT)])


def _sc_cnt_body(eye_hbm, idx_hbm, ea_hbm, z128_hbm, cnt_out, *rest):
    idx_v = list(rest[0:NBUF])
    ea_v = list(rest[NBUF:2 * NBUF])
    k_v = list(rest[2 * NBUF:3 * NBUF])
    oneh_v = list(rest[3 * NBUF:4 * NBUF])
    cnt_sh = rest[4 * NBUF]
    isem = list(rest[4 * NBUF + 1:5 * NBUF + 1])
    esem = list(rest[5 * NBUF + 1:6 * NBUF + 1])
    gsem = list(rest[6 * NBUF + 1:7 * NBUF + 1])
    ssem = list(rest[7 * NBUF + 1:8 * NBUF + 1])
    c = lax.axis_index("c")
    s = lax.axis_index("s")
    wid = s * NC + c
    cbase = wid * NCHUNK

    def issue_idx(t, b):
        pltpu.async_copy(idx_hbm.at[cbase + t], idx_v[b], isem[b])
        pltpu.async_copy(ea_hbm.at[cbase + t], ea_v[b], esem[b])

    def wait_idx(b):
        pltpu.make_async_copy(idx_hbm.at[0], idx_v[b], isem[b]).wait()
        pltpu.make_async_copy(ea_hbm.at[0], ea_v[b], esem[b]).wait()

    def issue_gather(b):
        def _grp(g, cc):
            k_v[b][pl.ds(g * 16, 16)] = (
                ea_v[b][0, pl.ds(g * 16, 16)] * 3
                + ea_v[b][1, pl.ds(g * 16, 16)]
                + (wid * NBUF + b) * 16)
            return cc
        lax.fori_loop(0, GROUPS, _grp, 0)
        pltpu.async_copy(eye_hbm.at[k_v[b]], oneh_v[b], gsem[b])

    def wait_gather(b):
        pltpu.make_async_copy(z128_hbm.at[pl.ds(0, C)], oneh_v[b],
                              gsem[b]).wait()

    def issue_scatter(b):
        pltpu.async_copy(oneh_v[b], cnt_sh.at[idx_v[b].at[1]], ssem[b],
                         add=True)

    def wait_scatter(b):
        pltpu.make_async_copy(z128_hbm.at[pl.ds(0, C)], oneh_v[b],
                              ssem[b]).wait()

    pltpu.sync_copy(z128_hbm.at[pl.ds(s * RPT, RPT)],
                    cnt_sh.at[pl.ds(s * RPT, RPT)])
    plsc.subcore_barrier()

    for b in range(NBUF):
        issue_idx(b, b)

    def _batch(i, carry):
        t4 = i * NBUF
        for b in range(NBUF):
            wait_idx(b)
            issue_gather(b)
        for b in range(NBUF):
            wait_gather(b)
            issue_scatter(b)
        for b in range(NBUF):
            wait_scatter(b)
            issue_idx(t4 + NBUF + b, b)
        return carry

    lax.fori_loop(0, (NCHUNK - 1) // NBUF - 1, _batch, 0)

    for b in range(NBUF):
        wait_idx(b)
        issue_gather(b)
    for b in range(NBUF):
        wait_gather(b)
        issue_scatter(b)
    for b in range(NBUF):
        wait_scatter(b)

    issue_idx(NCHUNK - 1, 0)
    wait_idx(0)
    issue_gather(0)
    wait_gather(0)
    issue_scatter(0)
    wait_scatter(0)
    plsc.subcore_barrier()

    row = c * NP + s * RPT
    pltpu.sync_copy(cnt_sh.at[pl.ds(s * RPT, RPT)],
                    cnt_out.at[pl.ds(row, RPT)])


_SC_CACHE = {}


def _sc_agg(*args):
    if "agg" not in _SC_CACHE:
        _SC_CACHE["agg"] = functools.partial(
            pl.kernel,
            out_type=jax.ShapeDtypeStruct((NC * NP, D), jnp.float32),
            mesh=plsc.VectorSubcoreMesh(core_axis_name="c",
                                        subcore_axis_name="s"),
            scratch_types=(
                [pltpu.VMEM((2, C), jnp.int32) for _ in range(NBUF)]
                + [pltpu.VMEM((C, D), jnp.float32) for _ in range(NBUF)]
                + [pltpu.VMEM_SHARED((NP, D), jnp.float32)]
                + [pltpu.SemaphoreType.DMA for _ in range(3 * NBUF)]
            ),
        )(_sc_agg_body)
    return _SC_CACHE["agg"](*args)


def _sc_cnt(*args):
    if "cnt" not in _SC_CACHE:
        _SC_CACHE["cnt"] = functools.partial(
            pl.kernel,
            out_type=jax.ShapeDtypeStruct((NC * NP, D), jnp.float32),
            mesh=plsc.VectorSubcoreMesh(core_axis_name="c",
                                        subcore_axis_name="s"),
            scratch_types=(
                [pltpu.VMEM((2, C), jnp.int32) for _ in range(NBUF)]
                + [pltpu.VMEM((2, C), jnp.int32) for _ in range(NBUF)]
                + [pltpu.VMEM((C,), jnp.int32) for _ in range(NBUF)]
                + [pltpu.VMEM((C, D), jnp.float32) for _ in range(NBUF)]
                + [pltpu.VMEM_SHARED((NP, D), jnp.float32)]
                + [pltpu.SemaphoreType.DMA for _ in range(4 * NBUF)]
            ),
        )(_sc_cnt_body)
    return _SC_CACHE["cnt"](*args)



def _tc_embed_body(x_ref, e1_ref, e2_ref, out_ref):
    kx = x_ref[:, 0] * 3 + x_ref[:, 1]
    onehot = (kx[:, None] == lax.broadcasted_iota(jnp.int32, (1, 16), 1)
              ).astype(jnp.float32)
    rows = [e1_ref[k // 3] + e2_ref[k % 3] for k in range(9)]
    combo = jnp.stack(rows + [jnp.zeros((D,), jnp.float32)] * 7)
    out_ref[...] = jnp.dot(onehot, combo,
                           precision=lax.Precision.HIGHEST,
                           preferred_element_type=jnp.float32)


_tc_embed = pl.pallas_call(
    _tc_embed_body,
    out_shape=jax.ShapeDtypeStruct((N, D), jnp.float32),
)


def _tc_update_body(relu_out, acc_ref, cnt_ref, hprev_ref, e1_ref, e2_ref,
                    w1_ref, b1_ref, w2_ref, b2_ref, g_ref, bt_ref, out_ref):
    accsum = acc_ref[0:N] + acc_ref[NP:NP + N]
    cntsum = cnt_ref[0:N] + cnt_ref[NP:NP + N]
    rows = [e1_ref[k // 3] + e2_ref[k % 3] for k in range(9)]
    combo = jnp.stack(rows + [jnp.zeros((D,), jnp.float32)] * (D - 9))
    slconst = e1_ref[4] + e2_ref[0]
    agg = (accsum + hprev_ref[...] + slconst[None, :]
           + jnp.dot(cntsum, combo, precision=lax.Precision.HIGHEST,
                     preferred_element_type=jnp.float32))
    hid = jnp.maximum(
        jnp.dot(agg, w1_ref[...], preferred_element_type=jnp.float32)
        + b1_ref[...][None, :], 0.0)
    h2 = (jnp.dot(hid, w2_ref[...], preferred_element_type=jnp.float32)
          + b2_ref[...][None, :])
    mu = jnp.mean(h2, axis=0, keepdims=True)
    var = jnp.mean((h2 - mu) ** 2, axis=0, keepdims=True)
    out = (h2 - mu) * lax.rsqrt(var + 1e-5) * g_ref[...][None, :] \
        + bt_ref[...][None, :]
    if relu_out:
        out = jnp.maximum(out, 0.0)
    out_ref[...] = out


def _tc_update(relu_out):
    return pl.pallas_call(
        functools.partial(_tc_update_body, relu_out),
        out_shape=jax.ShapeDtypeStruct((N, D), jnp.float32),
    )



def kernel(x, edge_index, edge_attr, params):
    xi = x.astype(jnp.int32)
    src = edge_index[0].astype(jnp.int32)
    dst = edge_index[1].astype(jnp.int32)
    ea0 = edge_attr[:, 0].astype(jnp.int32)
    ea1 = edge_attr[:, 1].astype(jnp.int32)
    z128 = jnp.zeros((NP, D), jnp.float32)
    eye16 = jnp.tile(jnp.eye(16, D, dtype=jnp.float32), (NW * NBUF, 1))
    idx = jnp.stack([src.reshape(NW, NCHUNK, C),
                     dst.reshape(NW, NCHUNK, C)],
                    axis=2).reshape(NW * NCHUNK, 2, C)

    ea = jnp.stack([ea0.reshape(NW, NCHUNK, C),
                    ea1.reshape(NW, NCHUNK, C)],
                   axis=2).reshape(NW * NCHUNK, 2, C)
    cnt = _sc_cnt(eye16, idx, ea, z128)
    h = _tc_embed(xi, params['x_emb1'], params['x_emb2'])
    n_layers = len(params['layers'])
    for i, p in enumerate(params['layers']):
        acc = _sc_agg(h, idx, z128)
        h = _tc_update(i < n_layers - 1)(
            acc, cnt, h, p['edge_emb1'], p['edge_emb2'],
            p['W1'], p['b1'], p['W2'], p['b2'], p['gamma'], p['beta'])
    return h

# --- scband reference (transcript-rebuilt; emitter-appended) ---
"""Pipeline reference for scband-gnn-24653112279570 (READ-ONLY COPY).

The authoritative reference and input builder live on the scoring server;
editing this copy changes nothing except your own understanding.
"""

import jax, jax.numpy as jnp
import numpy as np

N = 10000
E = 320000
EMB = 128
NUM_LAYER = 2


def setup_inputs(seed: int = 0) -> dict:
    key = jax.random.key(seed)
    ks = jax.random.split(key, 4 + NUM_LAYER * 8)
    x = jax.random.randint(ks[0], (N, 2), 0, 3, dtype=jnp.int64) if jax.config.jax_enable_x64 else jax.random.randint(ks[0], (N, 2), 0, 3, dtype=jnp.int32)
    edge_index = jax.random.randint(ks[1], (2, E), 0, N, dtype=x.dtype)
    edge_attr = jax.random.randint(ks[2], (E, 2), 0, 3, dtype=x.dtype)
    d = EMB

    def nrm(k, shape, scale=0.05):
        return jax.random.normal(k, shape, dtype=jnp.float32) * scale

    layers = []
    for i in range(NUM_LAYER):
        base = 4 + i * 8
        layers.append({
            'edge_emb1': nrm(ks[base + 0], (6, d)),
            'edge_emb2': nrm(ks[base + 1], (3, d)),
            'W1': nrm(ks[base + 2], (d, 2 * d)),
            'b1': jnp.zeros((2 * d,), jnp.float32),
            'W2': nrm(ks[base + 3], (2 * d, d)),
            'b2': jnp.zeros((d,), jnp.float32),
            'gamma': jnp.ones((d,), jnp.float32),
            'beta': jnp.zeros((d,), jnp.float32),
        })
    params = {
        'x_emb1': nrm(ks[3], (120, d)),
        'x_emb2': nrm(ks[4 + NUM_LAYER * 8 - 1], (3, d)),
        'layers': layers,
    }
    return {'x': x, 'edge_index': edge_index, 'edge_attr': edge_attr, 'params': params}


def _gin_layer(h, edge_index, edge_attr, p):
    n = h.shape[0]
    loop = jnp.arange(n, dtype=edge_index.dtype)
    ei = jnp.concatenate([edge_index, jnp.stack([loop, loop], axis=0)], axis=1)
    self_loop_attr = jnp.zeros((n, 2), dtype=edge_attr.dtype).at[:, 0].set(4)
    ea = jnp.concatenate([edge_attr, self_loop_attr], axis=0)
    e = jnp.take(p['edge_emb1'], ea[:, 0], axis=0) + jnp.take(p['edge_emb2'], ea[:, 1], axis=0)
    # message: x_j + edge_attr  (j = source = ei[0]); aggregate 'add' at target i = ei[1]
    msg = jnp.take(h, ei[0], axis=0) + e
    agg = jax.ops.segment_sum(msg, ei[1], num_segments=n)
    # update: MLP  Linear(d, 2d) -> ReLU -> Linear(2d, d)
    hid = jax.nn.relu(agg @ p['W1'] + p['b1'])
    return hid @ p['W2'] + p['b2']


def _batch_norm(h, gamma, beta, eps=1e-5):
    mu = jnp.mean(h, axis=0)
    var = jnp.mean((h - mu) ** 2, axis=0)
    return (h - mu) / jnp.sqrt(var + eps) * gamma + beta


def reference(x, edge_index, edge_attr, params):
    h = jnp.take(params['x_emb1'], x[:, 0], axis=0) + jnp.take(params['x_emb2'], x[:, 1], axis=0)
    n_layers = len(params['layers'])
    for i, p in enumerate(params['layers']):
        h = _gin_layer(h, edge_index, edge_attr, p)
        h = _batch_norm(h, p['gamma'], p['beta'])
        if i < n_layers - 1:
            h = jax.nn.relu(h)
        # dropout with drop_ratio=0.0 is identity
    return h  # JK='last'

if __name__ == "__main__":
    import jax
    _d = setup_inputs()
    print(jax.jit(kernel)(*tuple(_d.values())))

</pallas_src>

<mosaic_0001>
#map = affine_map<(d0, d1) -> (0, 0)>
#map1 = affine_map<(d0, d1) -> (0, 0, 0)>
module attributes {stable_mosaic.version = 14 : i64} {
  func.func @_sc_agg_body(%arg0: i32, %arg1: i32, %arg2: memref<10000x128xf32, #tpu.memory_space<hbm>>, %arg3: memref<4000x2x80xi32, #tpu.memory_space<hbm>>, %arg4: memref<10240x128xf32, #tpu.memory_space<hbm>>, %arg5: memref<20480x128xf32, #tpu.memory_space<hbm>>, %arg6: memref<2x80xi32, #tpu.memory_space<vmem>>, %arg7: memref<2x80xi32, #tpu.memory_space<vmem>>, %arg8: memref<2x80xi32, #tpu.memory_space<vmem>>, %arg9: memref<2x80xi32, #tpu.memory_space<vmem>>, %arg10: memref<80x128xf32, #tpu.memory_space<vmem>>, %arg11: memref<80x128xf32, #tpu.memory_space<vmem>>, %arg12: memref<80x128xf32, #tpu.memory_space<vmem>>, %arg13: memref<80x128xf32, #tpu.memory_space<vmem>>, %arg14: memref<10240x128xf32, #tpu.memory_space<vmem_shared>>, %arg15: memref<!tpu.dma_semaphore, #tpu.memory_space<semaphore_mem>>, %arg16: memref<!tpu.dma_semaphore, #tpu.memory_space<semaphore_mem>>, %arg17: memref<!tpu.dma_semaphore, #tpu.memory_space<semaphore_mem>>, %arg18: memref<!tpu.dma_semaphore, #tpu.memory_space<semaphore_mem>>, %arg19: memref<!tpu.dma_semaphore, #tpu.memory_space<semaphore_mem>>, %arg20: memref<!tpu.dma_semaphore, #tpu.memory_space<semaphore_mem>>, %arg21: memref<!tpu.dma_semaphore, #tpu.memory_space<semaphore_mem>>, %arg22: memref<!tpu.dma_semaphore, #tpu.memory_space<semaphore_mem>>, %arg23: memref<!tpu.dma_semaphore, #tpu.memory_space<semaphore_mem>>, %arg24: memref<!tpu.dma_semaphore, #tpu.memory_space<semaphore_mem>>, %arg25: memref<!tpu.dma_semaphore, #tpu.memory_space<semaphore_mem>>, %arg26: memref<!tpu.dma_semaphore, #tpu.memory_space<semaphore_mem>>) attributes {dimension_semantics = [#tpu.dimension_semantics<core_parallel>, #tpu.dimension_semantics<subcore_parallel>], iteration_bounds = array<i64: 2, 16>, scalar_prefetch = 0 : i64, scratch_operands = 21 : i64, tpu.core_type = #tpu.core_type<sc_vector_subcore>, window_params = [{transform_indices = #map}, {transform_indices = #map1}, {transform_indices = #map}, {transform_indices = #map}]} {
    %mul3A = arith.constant 2 : i32
    %mul3A_0 = arith.muli %arg1, %mul3A : i32
    %add3A = arith.addi %mul3A_0, %arg0 : i32
    %mul3A_1 = arith.constant 125 : i32
    %mul3A_2 = arith.muli %add3A, %mul3A_1 : i32
    %mul3A_3 = arith.constant 640 : i32
    %mul3A_4 = arith.muli %arg1, %mul3A_3 : i32
    %mul3A_5 = arith.constant 640 : i32
    %mul3A_6 = arith.muli %arg1, %mul3A_5 : i32
    "tpu.region"() ({
      %run_scoped3A = tpu.sem_alloc : memref<!tpu.dma_semaphore, #tpu.memory_space<semaphore_mem>>
      %dma_start3A_243 = arith.constant 0 : i32
      %dma_start3A_244 = tpu.memref_slice %arg14[%mul3A_6, %dma_start3A_243] : memref<10240x128xf32, #tpu.memory_space<vmem_shared>> -> memref<640x128xf32, #tpu.memory_space<vmem_shared>>
      %dma_start3A_245 = arith.constant 0 : i32
      %dma_start3A_246 = tpu.memref_slice %arg4[%mul3A_4, %dma_start3A_245] : memref<10240x128xf32, #tpu.memory_space<hbm>> -> memref<640x128xf32, #tpu.memory_space<hbm>>
      tpu.enqueue_dma source(%dma_start3A_246 : memref<640x128xf32, #tpu.memory_space<hbm>>) target(%dma_start3A_244 : memref<640x128xf32, #tpu.memory_space<vmem_shared>>) target_semaphore(%run_scoped3A : memref<!tpu.dma_semaphore, #tpu.memory_space<semaphore_mem>>)
      %dma_wait3A_247 = arith.constant 0 : i32
      %dma_wait3A_248 = tpu.memref_slice %arg14[%mul3A_6, %dma_wait3A_247] : memref<10240x128xf32, #tpu.memory_space<vmem_shared>> -> memref<640x128xf32, #tpu.memory_space<vmem_shared>>
      %dma_wait3A_249 = arith.constant 0 : i32
      %dma_wait3A_250 = tpu.memref_slice %arg4[%mul3A_4, %dma_wait3A_249] : memref<10240x128xf32, #tpu.memory_space<hbm>> -> memref<640x128xf32, #tpu.memory_space<hbm>>
      tpu.wait_dma2 semaphore(%run_scoped3A : memref<!tpu.dma_semaphore, #tpu.memory_space<semaphore_mem>>) src(%dma_wait3A_250 : memref<640x128xf32, #tpu.memory_space<hbm>>) dst(%dma_wait3A_248 : memref<640x128xf32, #tpu.memory_space<vmem_shared>>)
      tpu.yield
    }) : () -> ()
    %barrier3A = arith.constant 0 : index
    tpu.barrier barrier_id(%barrier3A)
    %add3A_7 = arith.constant 0 : i32
    %add3A_8 = arith.addi %mul3A_2, %add3A_7 : i32
    %dma_start3A = arith.constant 0 : i32
    %dma_start3A_9 = arith.constant 0 : i32
    %dma_start3A_10 = tpu.memref_slice %arg3[%add3A_8, %dma_start3A, %dma_start3A_9] : memref<4000x2x80xi32, #tpu.memory_space<hbm>> -> memref<1x2x80xi32, #tpu.memory_space<hbm>>
    %dma_start3A_11 = tpu.memref_squeeze %dma_start3A_10 : memref<1x2x80xi32, #tpu.memory_space<hbm>> -> memref<2x80xi32, #tpu.memory_space<hbm>>
    %dma_start3A_12 = arith.constant 0 : i32
    %dma_start3A_13 = arith.constant 0 : i32
    %dma_start3A_14 = tpu.memref_slice %arg3[%add3A_8, %dma_start3A_12, %dma_start3A_13] : memref<4000x2x80xi32, #tpu.memory_space<hbm>> -> memref<1x2x80xi32, #tpu.memory_space<hbm>>
    %dma_start3A_15 = tpu.memref_squeeze %dma_start3A_14 : memref<1x2x80xi32, #tpu.memory_space<hbm>> -> memref<2x80xi32, #tpu.memory_space<hbm>>
    tpu.enqueue_dma source(%dma_start3A_15 : memref<2x80xi32, #tpu.memory_space<hbm>>) target(%arg6 : memref<2x80xi32, #tpu.memory_space<vmem>>) target_semaphore(%arg15 : memref<!tpu.dma_semaphore, #tpu.memory_space<semaphore_mem>>)
    %add3A_16 = arith.constant 1 : i32
    %add3A_17 = arith.addi %mul3A_2, %add3A_16 : i32
    %dma_start3A_18 = arith.constant 0 : i32
    %dma_start3A_19 = arith.constant 0 : i32
    %dma_start3A_20 = tpu.memref_slice %arg3[%add3A_17, %dma_start3A_18, %dma_start3A_19] : memref<4000x2x80xi32, #tpu.memory_space<hbm>> -> memref<1x2x80xi32, #tpu.memory_space<hbm>>
    %dma_start3A_21 = tpu.memref_squeeze %dma_start3A_20 : memref<1x2x80xi32, #tpu.memory_space<hbm>> -> memref<2x80xi32, #tpu.memory_space<hbm>>
    %dma_start3A_22 = arith.constant 0 : i32
    %dma_start3A_23 = arith.constant 0 : i32
    %dma_start3A_24 = tpu.memref_slice %arg3[%add3A_17, %dma_start3A_22, %dma_start3A_23] : memref<4000x2x80xi32, #tpu.memory_space<hbm>> -> memref<1x2x80xi32, #tpu.memory_space<hbm>>
    %dma_start3A_25 = tpu.memref_squeeze %dma_start3A_24 : memref<1x2x80xi32, #tpu.memory_space<hbm>> -> memref<2x80xi32, #tpu.memory_space<hbm>>
    tpu.enqueue_dma source(%dma_start3A_25 : memref<2x80xi32, #tpu.memory_space<hbm>>) target(%arg7 : memref<2x80xi32, #tpu.memory_space<vmem>>) target_semaphore(%arg16 : memref<!tpu.dma_semaphore, #tpu.memory_space<semaphore_mem>>)
    %add3A_26 = arith.constant 2 : i32
    %add3A_27 = arith.addi %mul3A_2, %add3A_26 : i32
    %dma_start3A_28 = arith.constant 0 : i32
    %dma_start3A_29 = arith.constant 0 : i32
    %dma_start3A_30 = tpu.memref_slice %arg3[%add3A_27, %dma_start3A_28, %dma_start3A_29] : memref<4000x2x80xi32, #tpu.memory_space<hbm>> -> memref<1x2x80xi32, #tpu.memory_space<hbm>>
    %dma_start3A_31 = tpu.memref_squeeze %dma_start3A_30 : memref<1x2x80xi32, #tpu.memory_space<hbm>> -> memref<2x80xi32, #tpu.memory_space<hbm>>
    %dma_start3A_32 = arith.constant 0 : i32
    %dma_start3A_33 = arith.constant 0 : i32
    %dma_start3A_34 = tpu.memref_slice %arg3[%add3A_27, %dma_start3A_32, %dma_start3A_33] : memref<4000x2x80xi32, #tpu.memory_space<hbm>> -> memref<1x2x80xi32, #tpu.memory_space<hbm>>
    %dma_start3A_35 = tpu.memref_squeeze %dma_start3A_34 : memref<1x2x80xi32, #tpu.memory_space<hbm>> -> memref<2x80xi32, #tpu.memory_space<hbm>>
    tpu.enqueue_dma source(%dma_start3A_35 : memref<2x80xi32, #tpu.memory_space<hbm>>) target(%arg8 : memref<2x80xi32, #tpu.memory_space<vmem>>) target_semaphore(%arg17 : memref<!tpu.dma_semaphore, #tpu.memory_space<semaphore_mem>>)
    %add3A_36 = arith.constant 3 : i32
    %add3A_37 = arith.addi %mul3A_2, %add3A_36 : i32
    %dma_start3A_38 = arith.constant 0 : i32
    %dma_start3A_39 = arith.constant 0 : i32
    %dma_start3A_40 = tpu.memref_slice %arg3[%add3A_37, %dma_start3A_38, %dma_start3A_39] : memref<4000x2x80xi32, #tpu.memory_space<hbm>> -> memref<1x2x80xi32, #tpu.memory_space<hbm>>
    %dma_start3A_41 = tpu.memref_squeeze %dma_start3A_40 : memref<1x2x80xi32, #tpu.memory_space<hbm>> -> memref<2x80xi32, #tpu.memory_space<hbm>>
    %dma_start3A_42 = arith.constant 0 : i32
    %dma_start3A_43 = arith.constant 0 : i32
    %dma_start3A_44 = tpu.memref_slice %arg3[%add3A_37, %dma_start3A_42, %dma_start3A_43] : memref<4000x2x80xi32, #tpu.memory_space<hbm>> -> memref<1x2x80xi32, #tpu.memory_space<hbm>>
    %dma_start3A_45 = tpu.memref_squeeze %dma_start3A_44 : memref<1x2x80xi32, #tpu.memory_space<hbm>> -> memref<2x80xi32, #tpu.memory_space<hbm>>
    tpu.enqueue_dma source(%dma_start3A_45 : memref<2x80xi32, #tpu.memory_space<hbm>>) target(%arg9 : memref<2x80xi32, #tpu.memory_space<vmem>>) target_semaphore(%arg18 : memref<!tpu.dma_semaphore, #tpu.memory_space<semaphore_mem>>)
    %scan3A = arith.constant 0 : i32
    %scan3A_46 = arith.constant 0 : i32
    %scan3A_47 = arith.constant 30 : i32
    %scan3A_48 = arith.addi %scan3A_46, %scan3A_47 : i32
    %scan3A_49 = arith.constant 1 : i32
    scf.for %scan3A_243 = %scan3A_46 to %scan3A_48 step %scan3A_49  : i32 {
      %mul3A_244 = arith.constant 4 : i32
      %mul3A_245 = arith.muli %scan3A_243, %mul3A_244 : i32
      %dma_wait3A_246 = arith.constant 0 : i32
      %dma_wait3A_247 = arith.constant 0 : i32
      %dma_wait3A_248 = arith.constant 0 : i32
      %dma_wait3A_249 = tpu.memref_slice %arg3[%dma_wait3A_246, %dma_wait3A_247, %dma_wait3A_248] : memref<4000x2x80xi32, #tpu.memory_space<hbm>> -> memref<1x2x80xi32, #tpu.memory_space<hbm>>
      %dma_wait3A_250 = tpu.memref_squeeze %dma_wait3A_249 : memref<1x2x80xi32, #tpu.memory_space<hbm>> -> memref<2x80xi32, #tpu.memory_space<hbm>>
      %dma_wait3A_251 = arith.constant 0 : i32
      %dma_wait3A_252 = arith.constant 0 : i32
      %dma_wait3A_253 = tpu.memref_slice %arg3[%dma_wait3A_246, %dma_wait3A_251, %dma_wait3A_252] : memref<4000x2x80xi32, #tpu.memory_space<hbm>> -> memref<1x2x80xi32, #tpu.memory_space<hbm>>
      %dma_wait3A_254 = tpu.memref_squeeze %dma_wait3A_253 : memref<1x2x80xi32, #tpu.memory_space<hbm>> -> memref<2x80xi32, #tpu.memory_space<hbm>>
      tpu.wait_dma2 semaphore(%arg15 : memref<!tpu.dma_semaphore, #tpu.memory_space<semaphore_mem>>) src(%dma_wait3A_254 : memref<2x80xi32, #tpu.memory_space<hbm>>) dst(%arg6 : memref<2x80xi32, #tpu.memory_space<vmem>>)
      %dma_start3A_255 = arith.constant 0 : i32
      %dma_start3A_256 = arith.constant 0 : i32
      %dma_start3A_257 = tpu.memref_slice %arg6[%dma_start3A_255, %dma_start3A_256] : memref<2x80xi32, #tpu.memory_space<vmem>> -> memref<1x80xi32, #tpu.memory_space<vmem>>
      %dma_start3A_258 = tpu.memref_squeeze %dma_start3A_257 : memref<1x80xi32, #tpu.memory_space<vmem>> -> memref<80xi32, #tpu.memory_space<vmem>>
      %dma_start3A_259 = arith.constant 0 : i32
      %dma_start3A_260 = arith.constant 0 : i32
      %dma_start3A_261 = tpu.memref_slice %arg2[%dma_start3A_259, %dma_start3A_260] : memref<10000x128xf32, #tpu.memory_space<hbm>> -> memref<10000x128xf32, #tpu.memory_space<hbm>>
      tpu.enqueue_indirect_dma source(%dma_start3A_261 : memref<10000x128xf32, #tpu.memory_space<hbm>>) target(%arg10 : memref<80x128xf32, #tpu.memory_space<vmem>>) offsets(%dma_start3A_258 : memref<80xi32, #tpu.memory_space<vmem>>) semaphore(%arg19 : memref<!tpu.dma_semaphore, #tpu.memory_space<semaphore_mem>>)
      %dma_wait3A_262 = arith.constant 0 : i32
      %dma_wait3A_263 = arith.constant 0 : i32
      %dma_wait3A_264 = arith.constant 0 : i32
      %dma_wait3A_265 = tpu.memref_slice %arg3[%dma_wait3A_262, %dma_wait3A_263, %dma_wait3A_264] : memref<4000x2x80xi32, #tpu.memory_space<hbm>> -> memref<1x2x80xi32, #tpu.memory_space<hbm>>
      %dma_wait3A_266 = tpu.memref_squeeze %dma_wait3A_265 : memref<1x2x80xi32, #tpu.memory_space<hbm>> -> memref<2x80xi32, #tpu.memory_space<hbm>>
      %dma_wait3A_267 = arith.constant 0 : i32
      %dma_wait3A_268 = arith.constant 0 : i32
      %dma_wait3A_269 = tpu.memref_slice %arg3[%dma_wait3A_262, %dma_wait3A_267, %dma_wait3A_268] : memref<4000x2x80xi32, #tpu.memory_space<hbm>> -> memref<1x2x80xi32, #tpu.memory_space<hbm>>
      %dma_wait3A_270 = tpu.memref_squeeze %dma_wait3A_269 : memref<1x2x80xi32, #tpu.memory_space<hbm>> -> memref<2x80xi32, #tpu.memory_space<hbm>>
      tpu.wait_dma2 semaphore(%arg16 : memref<!tpu.dma_semaphore, #tpu.memory_space<semaphore_mem>>) src(%dma_wait3A_270 : memref<2x80xi32, #tpu.memory_space<hbm>>) dst(%arg7 : memref<2x80xi32, #tpu.memory_space<vmem>>)
      %dma_start3A_271 = arith.constant 0 : i32
      %dma_start3A_272 = arith.constant 0 : i32
      %dma_start3A_273 = tpu.memref_slice %arg7[%dma_start3A_271, %dma_start3A_272] : memref<2x80xi32, #tpu.memory_space<vmem>> -> memref<1x80xi32, #tpu.memory_space<vmem>>
      %dma_start3A_274 = tpu.memref_squeeze %dma_start3A_273 : memref<1x80xi32, #tpu.memory_space<vmem>> -> memref<80xi32, #tpu.memory_space<vmem>>
      %dma_start3A_275 = arith.constant 0 : i32
      %dma_start3A_276 = arith.constant 0 : i32
      %dma_start3A_277 = tpu.memref_slice %arg2[%dma_start3A_275, %dma_start3A_276] : memref<10000x128xf32, #tpu.memory_space<hbm>> -> memref<10000x128xf32, #tpu.memory_space<hbm>>
      tpu.enqueue_indirect_dma source(%dma_start3A_277 : memref<10000x128xf32, #tpu.memory_space<hbm>>) target(%arg11 : memref<80x128xf32, #tpu.memory_space<vmem>>) offsets(%dma_start3A_274 : memref<80xi32, #tpu.memory_space<vmem>>) semaphore(%arg20 : memref<!tpu.dma_semaphore, #tpu.memory_space<semaphore_mem>>)
      %dma_wait3A_278 = arith.constant 0 : i32
      %dma_wait3A_279 = arith.constant 0 : i32
      %dma_wait3A_280 = arith.constant 0 : i32
      %dma_wait3A_281 = tpu.memref_slice %arg3[%dma_wait3A_278, %dma_wait3A_279, %dma_wait3A_280] : memref<4000x2x80xi32, #tpu.memory_space<hbm>> -> memref<1x2x80xi32, #tpu.memory_space<hbm>>
      %dma_wait3A_282 = tpu.memref_squeeze %dma_wait3A_281 : memref<1x2x80xi32, #tpu.memory_space<hbm>> -> memref<2x80xi32, #tpu.memory_space<hbm>>
      %dma_wait3A_283 = arith.constant 0 : i32
      %dma_wait3A_284 = arith.constant 0 : i32
      %dma_wait3A_285 = tpu.memref_slice %arg3[%dma_wait3A_278, %dma_wait3A_283, %dma_wait3A_284] : memref<4000x2x80xi32, #tpu.memory_space<hbm>> -> memref<1x2x80xi32, #tpu.memory_space<hbm>>
      %dma_wait3A_286 = tpu.memref_squeeze %dma_wait3A_285 : memref<1x2x80xi32, #tpu.memory_space<hbm>> -> memref<2x80xi32, #tpu.memory_space<hbm>>
      tpu.wait_dma2 semaphore(%arg17 : memref<!tpu.dma_semaphore, #tpu.memory_space<semaphore_mem>>) src(%dma_wait3A_286 : memref<2x80xi32, #tpu.memory_space<hbm>>) dst(%arg8 : memref<2x80xi32, #tpu.memory_space<vmem>>)
      %dma_start3A_287 = arith.constant 0 : i32
      %dma_start3A_288 = arith.constant 0 : i32
      %dma_start3A_289 = tpu.memref_slice %arg8[%dma_start3A_287, %dma_start3A_288] : memref<2x80xi32, #tpu.memory_space<vmem>> -> memref<1x80xi32, #tpu.memory_space<vmem>>
      %dma_start3A_290 = tpu.memref_squeeze %dma_start3A_289 : memref<1x80xi32, #tpu.memory_space<vmem>> -> memref<80xi32, #tpu.memory_space<vmem>>
      %dma_start3A_291 = arith.constant 0 : i32
      %dma_start3A_292 = arith.constant 0 : i32
      %dma_start3A_293 = tpu.memref_slice %arg2[%dma_start3A_291, %dma_start3A_292] : memref<10000x128xf32, #tpu.memory_space<hbm>> -> memref<10000x128xf32, #tpu.memory_space<hbm>>
      tpu.enqueue_indirect_dma source(%dma_start3A_293 : memref<10000x128xf32, #tpu.memory_space<hbm>>) target(%arg12 : memref<80x128xf32, #tpu.memory_space<vmem>>) offsets(%dma_start3A_290 : memref<80xi32, #tpu.memory_space<vmem>>) semaphore(%arg21 : memref<!tpu.dma_semaphore, #tpu.memory_space<semaphore_mem>>)
      %dma_wait3A_294 = arith.constant 0 : i32
      %dma_wait3A_295 = arith.constant 0 : i32
      %dma_wait3A_296 = arith.constant 0 : i32
      %dma_wait3A_297 = tpu.memref_slice %arg3[%dma_wait3A_294, %dma_wait3A_295, %dma_wait3A_296] : memref<4000x2x80xi32, #tpu.memory_space<hbm>> -> memref<1x2x80xi32, #tpu.memory_space<hbm>>
      %dma_wait3A_298 = tpu.memref_squeeze %dma_wait3A_297 : memref<1x2x80xi32, #tpu.memory_space<hbm>> -> memref<2x80xi32, #tpu.memory_space<hbm>>
      %dma_wait3A_299 = arith.constant 0 : i32
      %dma_wait3A_300 = arith.constant 0 : i32
      %dma_wait3A_301 = tpu.memref_slice %arg3[%dma_wait3A_294, %dma_wait3A_299, %dma_wait3A_300] : memref<4000x2x80xi32, #tpu.memory_space<hbm>> -> memref<1x2x80xi32, #tpu.memory_space<hbm>>
      %dma_wait3A_302 = tpu.memref_squeeze %dma_wait3A_301 : memref<1x2x80xi32, #tpu.memory_space<hbm>> -> memref<2x80xi32, #tpu.memory_space<hbm>>
      tpu.wait_dma2 semaphore(%arg18 : memref<!tpu.dma_semaphore, #tpu.memory_space<semaphore_mem>>) src(%dma_wait3A_302 : memref<2x80xi32, #tpu.memory_space<hbm>>) dst(%arg9 : memref<2x80xi32, #tpu.memory_space<vmem>>)
      %dma_start3A_303 = arith.constant 0 : i32
      %dma_start3A_304 = arith.constant 0 : i32
      %dma_start3A_305 = tpu.memref_slice %arg9[%dma_start3A_303, %dma_start3A_304] : memref<2x80xi32, #tpu.memory_space<vmem>> -> memref<1x80xi32, #tpu.memory_space<vmem>>
      %dma_start3A_306 = tpu.memref_squeeze %dma_start3A_305 : memref<1x80xi32, #tpu.memory_space<vmem>> -> memref<80xi32, #tpu.memory_space<vmem>>
      %dma_start3A_307 = arith.constant 0 : i32
      %dma_start3A_308 = arith.constant 0 : i32
      %dma_start3A_309 = tpu.memref_slice %arg2[%dma_start3A_307, %dma_start3A_308] : memref<10000x128xf32, #tpu.memory_space<hbm>> -> memref<10000x128xf32, #tpu.memory_space<hbm>>
      tpu.enqueue_indirect_dma source(%dma_start3A_309 : memref<10000x128xf32, #tpu.memory_space<hbm>>) target(%arg13 : memref<80x128xf32, #tpu.memory_space<vmem>>) offsets(%dma_start3A_306 : memref<80xi32, #tpu.memory_space<vmem>>) semaphore(%arg22 : memref<!tpu.dma_semaphore, #tpu.memory_space<semaphore_mem>>)
      %dma_wait3A_310 = arith.constant 0 : i32
      %dma_wait3A_311 = arith.constant 0 : i32
      %dma_wait3A_312 = tpu.memref_slice %arg2[%dma_wait3A_310, %dma_wait3A_311] : memref<10000x128xf32, #tpu.memory_space<hbm>> -> memref<80x128xf32, #tpu.memory_space<hbm>>
      %dma_wait3A_313 = arith.constant 0 : i32
      %dma_wait3A_314 = arith.constant 0 : i32
      %dma_wait3A_315 = tpu.memref_slice %arg2[%dma_wait3A_313, %dma_wait3A_314] : memref<10000x128xf32, #tpu.memory_space<hbm>> -> memref<80x128xf32, #tpu.memory_space<hbm>>
      tpu.wait_dma2 semaphore(%arg19 : memref<!tpu.dma_semaphore, #tpu.memory_space<semaphore_mem>>) src(%dma_wait3A_315 : memref<80x128xf32, #tpu.memory_space<hbm>>) dst(%arg10 : memref<80x128xf32, #tpu.memory_space<vmem>>)
      %dma_start3A_316 = arith.constant 1 : i32
      %dma_start3A_317 = arith.constant 0 : i32
      %dma_start3A_318 = tpu.memref_slice %arg6[%dma_start3A_316, %dma_start3A_317] : memref<2x80xi32, #tpu.memory_space<vmem>> -> memref<1x80xi32, #tpu.memory_space<vmem>>
      %dma_start3A_319 = tpu.memref_squeeze %dma_start3A_318 : memref<1x80xi32, #tpu.memory_space<vmem>> -> memref<80xi32, #tpu.memory_space<vmem>>
      %dma_start3A_320 = arith.constant 0 : i32
      %dma_start3A_321 = arith.constant 0 : i32
      %dma_start3A_322 = tpu.memref_slice %arg14[%dma_start3A_320, %dma_start3A_321] : memref<10240x128xf32, #tpu.memory_space<vmem_shared>> -> memref<10240x128xf32, #tpu.memory_space<vmem_shared>>
      tpu.enqueue_indirect_dma source(%arg10 : memref<80x128xf32, #tpu.memory_space<vmem>>) target(%dma_start3A_322 : memref<10240x128xf32, #tpu.memory_space<vmem_shared>>) offsets(%dma_start3A_319 : memref<80xi32, #tpu.memory_space<vmem>>) semaphore(%arg23 : memref<!tpu.dma_semaphore, #tpu.memory_space<semaphore_mem>>) {add = true}
      %dma_wait3A_323 = arith.constant 0 : i32
      %dma_wait3A_324 = arith.constant 0 : i32
      %dma_wait3A_325 = tpu.memref_slice %arg2[%dma_wait3A_323, %dma_wait3A_324] : memref<10000x128xf32, #tpu.memory_space<hbm>> -> memref<80x128xf32, #tpu.memory_space<hbm>>
      %dma_wait3A_326 = arith.constant 0 : i32
      %dma_wait3A_327 = arith.constant 0 : i32
      %dma_wait3A_328 = tpu.memref_slice %arg2[%dma_wait3A_326, %dma_wait3A_327] : memref<10000x128xf32, #tpu.memory_space<hbm>> -> memref<80x128xf32, #tpu.memory_space<hbm>>
      tpu.wait_dma2 semaphore(%arg20 : memref<!tpu.dma_semaphore, #tpu.memory_space<semaphore_mem>>) src(%dma_wait3A_328 : memref<80x128xf32, #tpu.memory_space<hbm>>) dst(%arg11 : memref<80x128xf32, #tpu.memory_space<vmem>>)
      %dma_start3A_329 = arith.constant 1 : i32
      %dma_start3A_330 = arith.constant 0 : i32
      %dma_start3A_331 = tpu.memref_slice %arg7[%dma_start3A_329, %dma_start3A_330] : memref<2x80xi32, #tpu.memory_space<vmem>> -> memref<1x80xi32, #tpu.memory_space<vmem>>
      %dma_start3A_332 = tpu.memref_squeeze %dma_start3A_331 : memref<1x80xi32, #tpu.memory_space<vmem>> -> memref<80xi32, #tpu.memory_space<vmem>>
      %dma_start3A_333 = arith.constant 0 : i32
      %dma_start3A_334 = arith.constant 0 : i32
      %dma_start3A_335 = tpu.memref_slice %arg14[%dma_start3A_333, %dma_start3A_334] : memref<10240x128xf32, #tpu.memory_space<vmem_shared>> -> memref<10240x128xf32, #tpu.memory_space<vmem_shared>>
      tpu.enqueue_indirect_dma source(%arg11 : memref<80x128xf32, #tpu.memory_space<vmem>>) target(%dma_start3A_335 : memref<10240x128xf32, #tpu.memory_space<vmem_shared>>) offsets(%dma_start3A_332 : memref<80xi32, #tpu.memory_space<vmem>>) semaphore(%arg24 : memref<!tpu.dma_semaphore, #tpu.memory_space<semaphore_mem>>) {add = true}
      %dma_wait3A_336 = arith.constant 0 : i32
      %dma_wait3A_337 = arith.constant 0 : i32
      %dma_wait3A_338 = tpu.memref_slice %arg2[%dma_wait3A_336, %dma_wait3A_337] : memref<10000x128xf32, #tpu.memory_space<hbm>> -> memref<80x128xf32, #tpu.memory_space<hbm>>
      %dma_wait3A_339 = arith.constant 0 : i32
      %dma_wait3A_340 = arith.constant 0 : i32
      %dma_wait3A_341 = tpu.memref_slice %arg2[%dma_wait3A_339, %dma_wait3A_340] : memref<10000x128xf32, #tpu.memory_space<hbm>> -> memref<80x128xf32, #tpu.memory_space<hbm>>
      tpu.wait_dma2 semaphore(%arg21 : memref<!tpu.dma_semaphore, #tpu.memory_space<semaphore_mem>>) src(%dma_wait3A_341 : memref<80x128xf32, #tpu.memory_space<hbm>>) dst(%arg12 : memref<80x128xf32, #tpu.memory_space<vmem>>)
      %dma_start3A_342 = arith.constant 1 : i32
      %dma_start3A_343 = arith.constant 0 : i32
      %dma_start3A_344 = tpu.memref_slice %arg8[%dma_start3A_342, %dma_start3A_343] : memref<2x80xi32, #tpu.memory_space<vmem>> -> memref<1x80xi32, #tpu.memory_space<vmem>>
      %dma_start3A_345 = tpu.memref_squeeze %dma_start3A_344 : memref<1x80xi32, #tpu.memory_space<vmem>> -> memref<80xi32, #tpu.memory_space<vmem>>
      %dma_start3A_346 = arith.constant 0 : i32
      %dma_start3A_347 = arith.constant 0 : i32
      %dma_start3A_348 = tpu.memref_slice %arg14[%dma_start3A_346, %dma_start3A_347] : memref<10240x128xf32, #tpu.memory_space<vmem_shared>> -> memref<10240x128xf32, #tpu.memory_space<vmem_shared>>
      tpu.enqueue_indirect_dma source(%arg12 : memref<80x128xf32, #tpu.memory_space<vmem>>) target(%dma_start3A_348 : memref<10240x128xf32, #tpu.memory_space<vmem_shared>>) offsets(%dma_start3A_345 : memref<80xi32, #tpu.memory_space<vmem>>) semaphore(%arg25 : memref<!tpu.dma_semaphore, #tpu.memory_space<semaphore_mem>>) {add = true}
      %dma_wait3A_349 = arith.constant 0 : i32
      %dma_wait3A_350 = arith.constant 0 : i32
      %dma_wait3A_351 = tpu.memref_slice %arg2[%dma_wait3A_349, %dma_wait3A_350] : memref<10000x128xf32, #tpu.memory_space<hbm>> -> memref<80x128xf32, #tpu.memory_space<hbm>>
      %dma_wait3A_352 = arith.constant 0 : i32
      %dma_wait3A_353 = arith.constant 0 : i32
      %dma_wait3A_354 = tpu.memref_slice %arg2[%dma_wait3A_352, %dma_wait3A_353] : memref<10000x128xf32, #tpu.memory_space<hbm>> -> memref<80x128xf32, #tpu.memory_space<hbm>>
      tpu.wait_dma2 semaphore(%arg22 : memref<!tpu.dma_semaphore, #tpu.memory_space<semaphore_mem>>) src(%dma_wait3A_354 : memref<80x128xf32, #tpu.memory_space<hbm>>) dst(%arg13 : memref<80x128xf32, #tpu.memory_space<vmem>>)
      %dma_start3A_355 = arith.constant 1 : i32
      %dma_start3A_356 = arith.constant 0 : i32
      %dma_start3A_357 = tpu.memref_slice %arg9[%dma_start3A_355, %dma_start3A_356] : memref<2x80xi32, #tpu.memory_space<vmem>> -> memref<1x80xi32, #tpu.memory_space<vmem>>
      %dma_start3A_358 = tpu.memref_squeeze %dma_start3A_357 : memref<1x80xi32, #tpu.memory_space<vmem>> -> memref<80xi32, #tpu.memory_space<vmem>>
      %dma_start3A_359 = arith.constant 0 : i32
      %dma_start3A_360 = arith.constant 0 : i32
      %dma_start3A_361 = tpu.memref_slice %arg14[%dma_start3A_359, %dma_start3A_360] : memref<10240x128xf32, #tpu.memory_space<vmem_shared>> -> memref<10240x128xf32, #tpu.memory_space<vmem_shared>>
      tpu.enqueue_indirect_dma source(%arg13 : memref<80x128xf32, #tpu.memory_space<vmem>>) target(%dma_start3A_361 : memref<10240x128xf32, #tpu.memory_space<vmem_shared>>) offsets(%dma_start3A_358 : memref<80xi32, #tpu.memory_space<vmem>>) semaphore(%arg26 : memref<!tpu.dma_semaphore, #tpu.memory_space<semaphore_mem>>) {add = true}
      %dma_wait3A_362 = arith.constant 0 : i32
      %dma_wait3A_363 = arith.constant 0 : i32
      %dma_wait3A_364 = tpu.memref_slice %arg2[%dma_wait3A_362, %dma_wait3A_363] : memref<10000x128xf32, #tpu.memory_space<hbm>> -> memref<80x128xf32, #tpu.memory_space<hbm>>
      %dma_wait3A_365 = arith.constant 0 : i32
      %dma_wait3A_366 = arith.constant 0 : i32
      %dma_wait3A_367 = tpu.memref_slice %arg2[%dma_wait3A_365, %dma_wait3A_366] : memref<10000x128xf32, #tpu.memory_space<hbm>> -> memref<80x128xf32, #tpu.memory_space<hbm>>
      tpu.wait_dma2 semaphore(%arg23 : memref<!tpu.dma_semaphore, #tpu.memory_space<semaphore_mem>>) src(%dma_wait3A_367 : memref<80x128xf32, #tpu.memory_space<hbm>>) dst(%arg10 : memref<80x128xf32, #tpu.memory_space<vmem>>)
      %add3A_368 = arith.constant 4 : i32
      %add3A_369 = arith.addi %mul3A_245, %add3A_368 : i32
      %add3A_370 = arith.constant 0 : i32
      %add3A_371 = arith.addi %add3A_369, %add3A_370 : i32
      %add3A_372 = arith.addi %mul3A_2, %add3A_371 : i32
      %dma_start3A_373 = arith.constant 0 : i32
      %dma_start3A_374 = arith.constant 0 : i32
      %dma_start3A_375 = tpu.memref_slice %arg3[%add3A_372, %dma_start3A_373, %dma_start3A_374] : memref<4000x2x80xi32, #tpu.memory_space<hbm>> -> memref<1x2x80xi32, #tpu.memory_space<hbm>>
      %dma_start3A_376 = tpu.memref_squeeze %dma_start3A_375 : memref<1x2x80xi32, #tpu.memory_space<hbm>> -> memref<2x80xi32, #tpu.memory_space<hbm>>
      %dma_start3A_377 = arith.constant 0 : i32
      %dma_start3A_378 = arith.constant 0 : i32
      %dma_start3A_379 = tpu.memref_slice %arg3[%add3A_372, %dma_start3A_377, %dma_start3A_378] : memref<4000x2x80xi32, #tpu.memory_space<hbm>> -> memref<1x2x80xi32, #tpu.memory_space<hbm>>
      %dma_start3A_380 = tpu.memref_squeeze %dma_start3A_379 : memref<1x2x80xi32, #tpu.memory_space<hbm>> -> memref<2x80xi32, #tpu.memory_space<hbm>>
      tpu.enqueue_dma source(%dma_start3A_380 : memref<2x80xi32, #tpu.memory_space<hbm>>) target(%arg6 : memref<2x80xi32, #tpu.memory_space<vmem>>) target_semaphore(%arg15 : memref<!tpu.dma_semaphore, #tpu.memory_space<semaphore_mem>>)
      %dma_wait3A_381 = arith.constant 0 : i32
      %dma_wait3A_382 = arith.constant 0 : i32
      %dma_wait3A_383 = tpu.memref_slice %arg2[%dma_wait3A_381, %dma_wait3A_382] : memref<10000x128xf32, #tpu.memory_space<hbm>> -> memref<80x128xf32, #tpu.memory_space<hbm>>
      %dma_wait3A_384 = arith.constant 0 : i32
      %dma_wait3A_385 = arith.constant 0 : i32
      %dma_wait3A_386 = tpu.memref_slice %arg2[%dma_wait3A_384, %dma_wait3A_385] : memref<10000x128xf32, #tpu.memory_space<hbm>> -> memref<80x128xf32, #tpu.memory_space<hbm>>
      tpu.wait_dma2 semaphore(%arg24 : memref<!tpu.dma_semaphore, #tpu.memory_space<semaphore_mem>>) src(%dma_wait3A_386 : memref<80x128xf32, #tpu.memory_space<hbm>>) dst(%arg11 : memref<80x128xf32, #tpu.memory_space<vmem>>)
      %add3A_387 = arith.constant 4 : i32
      %add3A_388 = arith.addi %mul3A_245, %add3A_387 : i32
      %add3A_389 = arith.constant 1 : i32
      %add3A_390 = arith.addi %add3A_388, %add3A_389 : i32
      %add3A_391 = arith.addi %mul3A_2, %add3A_390 : i32
      %dma_start3A_392 = arith.constant 0 : i32
      %dma_start3A_393 = arith.constant 0 : i32
      %dma_start3A_394 = tpu.memref_slice %arg3[%add3A_391, %dma_start3A_392, %dma_start3A_393] : memref<4000x2x80xi32, #tpu.memory_space<hbm>> -> memref<1x2x80xi32, #tpu.memory_space<hbm>>
      %dma_start3A_395 = tpu.memref_squeeze %dma_start3A_394 : memref<1x2x80xi32, #tpu.memory_space<hbm>> -> memref<2x80xi32, #tpu.memory_space<hbm>>
      %dma_start3A_396 = arith.constant 0 : i32
      %dma_start3A_397 = arith.constant 0 : i32
      %dma_start3A_398 = tpu.memref_slice %arg3[%add3A_391, %dma_start3A_396, %dma_start3A_397] : memref<4000x2x80xi32, #tpu.memory_space<hbm>> -> memref<1x2x80xi32, #tpu.memory_space<hbm>>
      %dma_start3A_399 = tpu.memref_squeeze %dma_start3A_398 : memref<1x2x80xi32, #tpu.memory_space<hbm>> -> memref<2x80xi32, #tpu.memory_space<hbm>>
      tpu.enqueue_dma source(%dma_start3A_399 : memref<2x80xi32, #tpu.memory_space<hbm>>) target(%arg7 : memref<2x80xi32, #tpu.memory_space<vmem>>) target_semaphore(%arg16 : memref<!tpu.dma_semaphore, #tpu.memory_space<semaphore_mem>>)
      %dma_wait3A_400 = arith.constant 0 : i32
      %dma_wait3A_401 = arith.constant 0 : i32
      %dma_wait3A_402 = tpu.memref_slice %arg2[%dma_wait3A_400, %dma_wait3A_401] : memref<10000x128xf32, #tpu.memory_space<hbm>> -> memref<80x128xf32, #tpu.memory_space<hbm>>
      %dma_wait3A_403 = arith.constant 0 : i32
      %dma_wait3A_404 = arith.constant 0 : i32
      %dma_wait3A_405 = tpu.memref_slice %arg2[%dma_wait3A_403, %dma_wait3A_404] : memref<10000x128xf32, #tpu.memory_space<hbm>> -> memref<80x128xf32, #tpu.memory_space<hbm>>
      tpu.wait_dma2 semaphore(%arg25 : memref<!tpu.dma_semaphore, #tpu.memory_space<semaphore_mem>>) src(%dma_wait3A_405 : memref<80x128xf32, #tpu.memory_space<hbm>>) dst(%arg12 : memref<80x128xf32, #tpu.memory_space<vmem>>)
      %add3A_406 = arith.constant 4 : i32
      %add3A_407 = arith.addi %mul3A_245, %add3A_406 : i32
      %add3A_408 = arith.constant 2 : i32
      %add3A_409 = arith.addi %add3A_407, %add3A_408 : i32
      %add3A_410 = arith.addi %mul3A_2, %add3A_409 : i32
      %dma_start3A_411 = arith.constant 0 : i32
      %dma_start3A_412 = arith.constant 0 : i32
      %dma_start3A_413 = tpu.memref_slice %arg3[%add3A_410, %dma_start3A_411, %dma_start3A_412] : memref<4000x2x80xi32, #tpu.memory_space<hbm>> -> memref<1x2x80xi32, #tpu.memory_space<hbm>>
      %dma_start3A_414 = tpu.memref_squeeze %dma_start3A_413 : memref<1x2x80xi32, #tpu.memory_space<hbm>> -> memref<2x80xi32, #tpu.memory_space<hbm>>
      %dma_start3A_415 = arith.constant 0 : i32
      %dma_start3A_416 = arith.constant 0 : i32
      %dma_start3A_417 = tpu.memref_slice %arg3[%add3A_410, %dma_start3A_415, %dma_start3A_416] : memref<4000x2x80xi32, #tpu.memory_space<hbm>> -> memref<1x2x80xi32, #tpu.memory_space<hbm>>
      %dma_start3A_418 = tpu.memref_squeeze %dma_start3A_417 : memref<1x2x80xi32, #tpu.memory_space<hbm>> -> memref<2x80xi32, #tpu.memory_space<hbm>>
      tpu.enqueue_dma source(%dma_start3A_418 : memref<2x80xi32, #tpu.memory_space<hbm>>) target(%arg8 : memref<2x80xi32, #tpu.memory_space<vmem>>) target_semaphore(%arg17 : memref<!tpu.dma_semaphore, #tpu.memory_space<semaphore_mem>>)
      %dma_wait3A_419 = arith.constant 0 : i32
      %dma_wait3A_420 = arith.constant 0 : i32
      %dma_wait3A_421 = tpu.memref_slice %arg2[%dma_wait3A_419, %dma_wait3A_420] : memref<10000x128xf32, #tpu.memory_space<hbm>> -> memref<80x128xf32, #tpu.memory_space<hbm>>
      %dma_wait3A_422 = arith.constant 0 : i32
      %dma_wait3A_423 = arith.constant 0 : i32
      %dma_wait3A_424 = tpu.memref_slice %arg2[%dma_wait3A_422, %dma_wait3A_423] : memref<10000x128xf32, #tpu.memory_space<hbm>> -> memref<80x128xf32, #tpu.memory_space<hbm>>
      tpu.wait_dma2 semaphore(%arg26 : memref<!tpu.dma_semaphore, #tpu.memory_space<semaphore_mem>>) src(%dma_wait3A_424 : memref<80x128xf32, #tpu.memory_space<hbm>>) dst(%arg13 : memref<80x128xf32, #tpu.memory_space<vmem>>)
      %add3A_425 = arith.constant 4 : i32
      %add3A_426 = arith.addi %mul3A_245, %add3A_425 : i32
      %add3A_427 = arith.constant 3 : i32
      %add3A_428 = arith.addi %add3A_426, %add3A_427 : i32
      %add3A_429 = arith.addi %mul3A_2, %add3A_428 : i32
      %dma_start3A_430 = arith.constant 0 : i32
      %dma_start3A_431 = arith.constant 0 : i32
      %dma_start3A_432 = tpu.memref_slice %arg3[%add3A_429, %dma_start3A_430, %dma_start3A_431] : memref<4000x2x80xi32, #tpu.memory_space<hbm>> -> memref<1x2x80xi32, #tpu.memory_space<hbm>>
      %dma_start3A_433 = tpu.memref_squeeze %dma_start3A_432 : memref<1x2x80xi32, #tpu.memory_space<hbm>> -> memref<2x80xi32, #tpu.memory_space<hbm>>
      %dma_start3A_434 = arith.constant 0 : i32
      %dma_start3A_435 = arith.constant 0 : i32
      %dma_start3A_436 = tpu.memref_slice %arg3[%add3A_429, %dma_start3A_434, %dma_start3A_435] : memref<4000x2x80xi32, #tpu.memory_space<hbm>> -> memref<1x2x80xi32, #tpu.memory_space<hbm>>
      %dma_start3A_437 = tpu.memref_squeeze %dma_start3A_436 : memref<1x2x80xi32, #tpu.memory_space<hbm>> -> memref<2x80xi32, #tpu.memory_space<hbm>>
      tpu.enqueue_dma source(%dma_start3A_437 : memref<2x80xi32, #tpu.memory_space<hbm>>) target(%arg9 : memref<2x80xi32, #tpu.memory_space<vmem>>) target_semaphore(%arg18 : memref<!tpu.dma_semaphore, #tpu.memory_space<semaphore_mem>>)
    }
    %scan3A_50 = arith.constant 30 : i32
    %dma_wait3A = arith.constant 0 : i32
    %dma_wait3A_51 = arith.constant 0 : i32
    %dma_wait3A_52 = arith.constant 0 : i32
    %dma_wait3A_53 = tpu.memref_slice %arg3[%dma_wait3A, %dma_wait3A_51, %dma_wait3A_52] : memref<4000x2x80xi32, #tpu.memory_space<hbm>> -> memref<1x2x80xi32, #tpu.memory_space<hbm>>
    %dma_wait3A_54 = tpu.memref_squeeze %dma_wait3A_53 : memref<1x2x80xi32, #tpu.memory_space<hbm>> -> memref<2x80xi32, #tpu.memory_space<hbm>>
    %dma_wait3A_55 = arith.constant 0 : i32
    %dma_wait3A_56 = arith.constant 0 : i32
    %dma_wait3A_57 = tpu.memref_slice %arg3[%dma_wait3A, %dma_wait3A_55, %dma_wait3A_56] : memref<4000x2x80xi32, #tpu.memory_space<hbm>> -> memref<1x2x80xi32, #tpu.memory_space<hbm>>
    %dma_wait3A_58 = tpu.memref_squeeze %dma_wait3A_57 : memref<1x2x80xi32, #tpu.memory_space<hbm>> -> memref<2x80xi32, #tpu.memory_space<hbm>>
    tpu.wait_dma2 semaphore(%arg15 : memref<!tpu.dma_semaphore, #tpu.memory_space<semaphore_mem>>) src(%dma_wait3A_58 : memref<2x80xi32, #tpu.memory_space<hbm>>) dst(%arg6 : memref<2x80xi32, #tpu.memory_space<vmem>>)
    %dma_start3A_59 = arith.constant 0 : i32
    %dma_start3A_60 = arith.constant 0 : i32
    %dma_start3A_61 = tpu.memref_slice %arg6[%dma_start3A_59, %dma_start3A_60] : memref<2x80xi32, #tpu.memory_space<vmem>> -> memref<1x80xi32, #tpu.memory_space<vmem>>
    %dma_start3A_62 = tpu.memref_squeeze %dma_start3A_61 : memref<1x80xi32, #tpu.memory_space<vmem>> -> memref<80xi32, #tpu.memory_space<vmem>>
    %dma_start3A_63 = arith.constant 0 : i32
    %dma_start3A_64 = arith.constant 0 : i32
    %dma_start3A_65 = tpu.memref_slice %arg2[%dma_start3A_63, %dma_start3A_64] : memref<10000x128xf32, #tpu.memory_space<hbm>> -> memref<10000x128xf32, #tpu.memory_space<hbm>>
    tpu.enqueue_indirect_dma source(%dma_start3A_65 : memref<10000x128xf32, #tpu.memory_space<hbm>>) target(%arg10 : memref<80x128xf32, #tpu.memory_space<vmem>>) offsets(%dma_start3A_62 : memref<80xi32, #tpu.memory_space<vmem>>) semaphore(%arg19 : memref<!tpu.dma_semaphore, #tpu.memory_space<semaphore_mem>>)
    %dma_wait3A_66 = arith.constant 0 : i32
    %dma_wait3A_67 = arith.constant 0 : i32
    %dma_wait3A_68 = arith.constant 0 : i32
    %dma_wait3A_69 = tpu.memref_slice %arg3[%dma_wait3A_66, %dma_wait3A_67, %dma_wait3A_68] : memref<4000x2x80xi32, #tpu.memory_space<hbm>> -> memref<1x2x80xi32, #tpu.memory_space<hbm>>
    %dma_wait3A_70 = tpu.memref_squeeze %dma_wait3A_69 : memref<1x2x80xi32, #tpu.memory_space<hbm>> -> memref<2x80xi32, #tpu.memory_space<hbm>>
    %dma_wait3A_71 = arith.constant 0 : i32
    %dma_wait3A_72 = arith.constant 0 : i32
    %dma_wait3A_73 = tpu.memref_slice %arg3[%dma_wait3A_66, %dma_wait3A_71, %dma_wait3A_72] : memref<4000x2x80xi32, #tpu.memory_space<hbm>> -> memref<1x2x80xi32, #tpu.memory_space<hbm>>
    %dma_wait3A_74 = tpu.memref_squeeze %dma_wait3A_73 : memref<1x2x80xi32, #tpu.memory_space<hbm>> -> memref<2x80xi32, #tpu.memory_space<hbm>>
    tpu.wait_dma2 semaphore(%arg16 : memref<!tpu.dma_semaphore, #tpu.memory_space<semaphore_mem>>) src(%dma_wait3A_74 : memref<2x80xi32, #tpu.memory_space<hbm>>) dst(%arg7 : memref<2x80xi32, #tpu.memory_space<vmem>>)
    %dma_start3A_75 = arith.constant 0 : i32
    %dma_start3A_76 = arith.constant 0 : i32
    %dma_start3A_77 = tpu.memref_slice %arg7[%dma_start3A_75, %dma_start3A_76] : memref<2x80xi32, #tpu.memory_space<vmem>> -> memref<1x80xi32, #tpu.memory_space<vmem>>
    %dma_start3A_78 = tpu.memref_squeeze %dma_start3A_77 : memref<1x80xi32, #tpu.memory_space<vmem>> -> memref<80xi32, #tpu.memory_space<vmem>>
    %dma_start3A_79 = arith.constant 0 : i32
    %dma_start3A_80 = arith.constant 0 : i32
    %dma_start3A_81 = tpu.memref_slice %arg2[%dma_start3A_79, %dma_start3A_80] : memref<10000x128xf32, #tpu.memory_space<hbm>> -> memref<10000x128xf32, #tpu.memory_space<hbm>>
    tpu.enqueue_indirect_dma source(%dma_start3A_81 : memref<10000x128xf32, #tpu.memory_space<hbm>>) target(%arg11 : memref<80x128xf32, #tpu.memory_space<vmem>>) offsets(%dma_start3A_78 : memref<80xi32, #tpu.memory_space<vmem>>) semaphore(%arg20 : memref<!tpu.dma_semaphore, #tpu.memory_space<semaphore_mem>>)
    %dma_wait3A_82 = arith.constant 0 : i32
    %dma_wait3A_83 = arith.constant 0 : i32
    %dma_wait3A_84 = arith.constant 0 : i32
    %dma_wait3A_85 = tpu.memref_slice %arg3[%dma_wait3A_82, %dma_wait3A_83, %dma_wait3A_84] : memref<4000x2x80xi32, #tpu.memory_space<hbm>> -> memref<1x2x80xi32, #tpu.memory_space<hbm>>
    %dma_wait3A_86 = tpu.memref_squeeze %dma_wait3A_85 : memref<1x2x80xi32, #tpu.memory_space<hbm>> -> memref<2x80xi32, #tpu.memory_space<hbm>>
    %dma_wait3A_87 = arith.constant 0 : i32
    %dma_wait3A_88 = arith.constant 0 : i32
    %dma_wait3A_89 = tpu.memref_slice %arg3[%dma_wait3A_82, %dma_wait3A_87, %dma_wait3A_88] : memref<4000x2x80xi32, #tpu.memory_space<hbm>> -> memref<1x2x80xi32, #tpu.memory_space<hbm>>
    %dma_wait3A_90 = tpu.memref_squeeze %dma_wait3A_89 : memref<1x2x80xi32, #tpu.memory_space<hbm>> -> memref<2x80xi32, #tpu.memory_space<hbm>>
    tpu.wait_dma2 semaphore(%arg17 : memref<!tpu.dma_semaphore, #tpu.memory_space<semaphore_mem>>) src(%dma_wait3A_90 : memref<2x80xi32, #tpu.memory_space<hbm>>) dst(%arg8 : memref<2x80xi32, #tpu.memory_space<vmem>>)
    %dma_start3A_91 = arith.constant 0 : i32
    %dma_start3A_92 = arith.constant 0 : i32
    %dma_start3A_93 = tpu.memref_slice %arg8[%dma_start3A_91, %dma_start3A_92] : memref<2x80xi32, #tpu.memory_space<vmem>> -> memref<1x80xi32, #tpu.memory_space<vmem>>
    %dma_start3A_94 = tpu.memref_squeeze %dma_start3A_93 : memref<1x80xi32, #tpu.memory_space<vmem>> -> memref<80xi32, #tpu.memory_space<vmem>>
    %dma_start3A_95 = arith.constant 0 : i32
    %dma_start3A_96 = arith.constant 0 : i32
    %dma_start3A_97 = tpu.memref_slice %arg2[%dma_start3A_95, %dma_start3A_96] : memref<10000x128xf32, #tpu.memory_space<hbm>> -> memref<10000x128xf32, #tpu.memory_space<hbm>>
    tpu.enqueue_indirect_dma source(%dma_start3A_97 : memref<10000x128xf32, #tpu.memory_space<hbm>>) target(%arg12 : memref<80x128xf32, #tpu.memory_space<vmem>>) offsets(%dma_start3A_94 : memref<80xi32, #tpu.memory_space<vmem>>) semaphore(%arg21 : memref<!tpu.dma_semaphore, #tpu.memory_space<semaphore_mem>>)
    %dma_wait3A_98 = arith.constant 0 : i32
    %dma_wait3A_99 = arith.constant 0 : i32
    %dma_wait3A_100 = arith.constant 0 : i32
    %dma_wait3A_101 = tpu.memref_slice %arg3[%dma_wait3A_98, %dma_wait3A_99, %dma_wait3A_100] : memref<4000x2x80xi32, #tpu.memory_space<hbm>> -> memref<1x2x80xi32, #tpu.memory_space<hbm>>
    %dma_wait3A_102 = tpu.memref_squeeze %dma_wait3A_101 : memref<1x2x80xi32, #tpu.memory_space<hbm>> -> memref<2x80xi32, #tpu.memory_space<hbm>>
    %dma_wait3A_103 = arith.constant 0 : i32
    %dma_wait3A_104 = arith.constant 0 : i32
    %dma_wait3A_105 = tpu.memref_slice %arg3[%dma_wait3A_98, %dma_wait3A_103, %dma_wait3A_104] : memref<4000x2x80xi32, #tpu.memory_space<hbm>> -> memref<1x2x80xi32, #tpu.memory_space<hbm>>
    %dma_wait3A_106 = tpu.memref_squeeze %dma_wait3A_105 : memref<1x2x80xi32, #tpu.memory_space<hbm>> -> memref<2x80xi32, #tpu.memory_space<hbm>>
    tpu.wait_dma2 semaphore(%arg18 : memref<!tpu.dma_semaphore, #tpu.memory_space<semaphore_mem>>) src(%dma_wait3A_106 : memref<2x80xi32, #tpu.memory_space<hbm>>) dst(%arg9 : memref<2x80xi32, #tpu.memory_space<vmem>>)
    %dma_start3A_107 = arith.constant 0 : i32
    %dma_start3A_108 = arith.constant 0 : i32
    %dma_start3A_109 = tpu.memref_slice %arg9[%dma_start3A_107, %dma_start3A_108] : memref<2x80xi32, #tpu.memory_space<vmem>> -> memref<1x80xi32, #tpu.memory_space<vmem>>
    %dma_start3A_110 = tpu.memref_squeeze %dma_start3A_109 : memref<1x80xi32, #tpu.memory_space<vmem>> -> memref<80xi32, #tpu.memory_space<vmem>>
    %dma_start3A_111 = arith.constant 0 : i32
    %dma_start3A_112 = arith.constant 0 : i32
    %dma_start3A_113 = tpu.memref_slice %arg2[%dma_start3A_111, %dma_start3A_112] : memref<10000x128xf32, #tpu.memory_space<hbm>> -> memref<10000x128xf32, #tpu.memory_space<hbm>>
    tpu.enqueue_indirect_dma source(%dma_start3A_113 : memref<10000x128xf32, #tpu.memory_space<hbm>>) target(%arg13 : memref<80x128xf32, #tpu.memory_space<vmem>>) offsets(%dma_start3A_110 : memref<80xi32, #tpu.memory_space<vmem>>) semaphore(%arg22 : memref<!tpu.dma_semaphore, #tpu.memory_space<semaphore_mem>>)
    %dma_wait3A_114 = arith.constant 0 : i32
    %dma_wait3A_115 = arith.constant 0 : i32
    %dma_wait3A_116 = tpu.memref_slice %arg2[%dma_wait3A_114, %dma_wait3A_115] : memref<10000x128xf32, #tpu.memory_space<hbm>> -> memref<80x128xf32, #tpu.memory_space<hbm>>
    %dma_wait3A_117 = arith.constant 0 : i32
    %dma_wait3A_118 = arith.constant 0 : i32
    %dma_wait3A_119 = tpu.memref_slice %arg2[%dma_wait3A_117, %dma_wait3A_118] : memref<10000x128xf32, #tpu.memory_space<hbm>> -> memref<80x128xf32, #tpu.memory_space<hbm>>
    tpu.wait_dma2 semaphore(%arg19 : memref<!tpu.dma_semaphore, #tpu.memory_space<semaphore_mem>>) src(%dma_wait3A_119 : memref<80x128xf32, #tpu.memory_space<hbm>>) dst(%arg10 : memref<80x128xf32, #tpu.memory_space<vmem>>)
    %dma_start3A_120 = arith.constant 1 : i32
    %dma_start3A_121 = arith.constant 0 : i32
    %dma_start3A_122 = tpu.memref_slice %arg6[%dma_start3A_120, %dma_start3A_121] : memref<2x80xi32, #tpu.memory_space<vmem>> -> memref<1x80xi32, #tpu.memory_space<vmem>>
    %dma_start3A_123 = tpu.memref_squeeze %dma_start3A_122 : memref<1x80xi32, #tpu.memory_space<vmem>> -> memref<80xi32, #tpu.memory_space<vmem>>
    %dma_start3A_124 = arith.constant 0 : i32
    %dma_start3A_125 = arith.constant 0 : i32
    %dma_start3A_126 = tpu.memref_slice %arg14[%dma_start3A_124, %dma_start3A_125] : memref<10240x128xf32, #tpu.memory_space<vmem_shared>> -> memref<10240x128xf32, #tpu.memory_space<vmem_shared>>
    tpu.enqueue_indirect_dma source(%arg10 : memref<80x128xf32, #tpu.memory_space<vmem>>) target(%dma_start3A_126 : memref<10240x128xf32, #tpu.memory_space<vmem_shared>>) offsets(%dma_start3A_123 : memref<80xi32, #tpu.memory_space<vmem>>) semaphore(%arg23 : memref<!tpu.dma_semaphore, #tpu.memory_space<semaphore_mem>>) {add = true}
    %dma_wait3A_127 = arith.constant 0 : i32
    %dma_wait3A_128 = arith.constant 0 : i32
    %dma_wait3A_129 = tpu.memref_slice %arg2[%dma_wait3A_127, %dma_wait3A_128] : memref<10000x128xf32, #tpu.memory_space<hbm>> -> memref<80x128xf32, #tpu.memory_space<hbm>>
    %dma_wait3A_130 = arith.constant 0 : i32
    %dma_wait3A_131 = arith.constant 0 : i32
    %dma_wait3A_132 = tpu.memref_slice %arg2[%dma_wait3A_130, %dma_wait3A_131] : memref<10000x128xf32, #tpu.memory_space<hbm>> -> memref<80x128xf32, #tpu.memory_space<hbm>>
    tpu.wait_dma2 semaphore(%arg20 : memref<!tpu.dma_semaphore, #tpu.memory_space<semaphore_mem>>) src(%dma_wait3A_132 : memref<80x128xf32, #tpu.memory_space<hbm>>) dst(%arg11 : memref<80x128xf32, #tpu.memory_space<vmem>>)
    %dma_start3A_133 = arith.constant 1 : i32
    %dma_start3A_134 = arith.constant 0 : i32
    %dma_start3A_135 = tpu.memref_slice %arg7[%dma_start3A_133, %dma_start3A_134] : memref<2x80xi32, #tpu.memory_space<vmem>> -> memref<1x80xi32, #tpu.memory_space<vmem>>
    %dma_start3A_136 = tpu.memref_squeeze %dma_start3A_135 : memref<1x80xi32, #tpu.memory_space<vmem>> -> memref<80xi32, #tpu.memory_space<vmem>>
    %dma_start3A_137 = arith.constant 0 : i32
    %dma_start3A_138 = arith.constant 0 : i32
    %dma_start3A_139 = tpu.memref_slice %arg14[%dma_start3A_137, %dma_start3A_138] : memref<10240x128xf32, #tpu.memory_space<vmem_shared>> -> memref<10240x128xf32, #tpu.memory_space<vmem_shared>>
    tpu.enqueue_indirect_dma source(%arg11 : memref<80x128xf32, #tpu.memory_space<vmem>>) target(%dma_start3A_139 : memref<10240x128xf32, #tpu.memory_space<vmem_shared>>) offsets(%dma_start3A_136 : memref<80xi32, #tpu.memory_space<vmem>>) semaphore(%arg24 : memref<!tpu.dma_semaphore, #tpu.memory_space<semaphore_mem>>) {add = true}
    %dma_wait3A_140 = arith.constant 0 : i32
    %dma_wait3A_141 = arith.constant 0 : i32
    %dma_wait3A_142 = tpu.memref_slice %arg2[%dma_wait3A_140, %dma_wait3A_141] : memref<10000x128xf32, #tpu.memory_space<hbm>> -> memref<80x128xf32, #tpu.memory_space<hbm>>
    %dma_wait3A_143 = arith.constant 0 : i32
    %dma_wait3A_144 = arith.constant 0 : i32
    %dma_wait3A_145 = tpu.memref_slice %arg2[%dma_wait3A_143, %dma_wait3A_144] : memref<10000x128xf32, #tpu.memory_space<hbm>> -> memref<80x128xf32, #tpu.memory_space<hbm>>
    tpu.wait_dma2 semaphore(%arg21 : memref<!tpu.dma_semaphore, #tpu.memory_space<semaphore_mem>>) src(%dma_wait3A_145 : memref<80x128xf32, #tpu.memory_space<hbm>>) dst(%arg12 : memref<80x128xf32, #tpu.memory_space<vmem>>)
    %dma_start3A_146 = arith.constant 1 : i32
    %dma_start3A_147 = arith.constant 0 : i32
    %dma_start3A_148 = tpu.memref_slice %arg8[%dma_start3A_146, %dma_start3A_147] : memref<2x80xi32, #tpu.memory_space<vmem>> -> memref<1x80xi32, #tpu.memory_space<vmem>>
    %dma_start3A_149 = tpu.memref_squeeze %dma_start3A_148 : memref<1x80xi32, #tpu.memory_space<vmem>> -> memref<80xi32, #tpu.memory_space<vmem>>
    %dma_start3A_150 = arith.constant 0 : i32
    %dma_start3A_151 = arith.constant 0 : i32
    %dma_start3A_152 = tpu.memref_slice %arg14[%dma_start3A_150, %dma_start3A_151] : memref<10240x128xf32, #tpu.memory_space<vmem_shared>> -> memref<10240x128xf32, #tpu.memory_space<vmem_shared>>
    tpu.enqueue_indirect_dma source(%arg12 : memref<80x128xf32, #tpu.memory_space<vmem>>) target(%dma_start3A_152 : memref<10240x128xf32, #tpu.memory_space<vmem_shared>>) offsets(%dma_start3A_149 : memref<80xi32, #tpu.memory_space<vmem>>) semaphore(%arg25 : memref<!tpu.dma_semaphore, #tpu.memory_space<semaphore_mem>>) {add = true}
    %dma_wait3A_153 = arith.constant 0 : i32
    %dma_wait3A_154 = arith.constant 0 : i32
    %dma_wait3A_155 = tpu.memref_slice %arg2[%dma_wait3A_153, %dma_wait3A_154] : memref<10000x128xf32, #tpu.memory_space<hbm>> -> memref<80x128xf32, #tpu.memory_space<hbm>>
    %dma_wait3A_156 = arith.constant 0 : i32
    %dma_wait3A_157 = arith.constant 0 : i32
    %dma_wait3A_158 = tpu.memref_slice %arg2[%dma_wait3A_156, %dma_wait3A_157] : memref<10000x128xf32, #tpu.memory_space<hbm>> -> memref<80x128xf32, #tpu.memory_space<hbm>>
    tpu.wait_dma2 semaphore(%arg22 : memref<!tpu.dma_semaphore, #tpu.memory_space<semaphore_mem>>) src(%dma_wait3A_158 : memref<80x128xf32, #tpu.memory_space<hbm>>) dst(%arg13 : memref<80x128xf32, #tpu.memory_space<vmem>>)
    %dma_start3A_159 = arith.constant 1 : i32
    %dma_start3A_160 = arith.constant 0 : i32
    %dma_start3A_161 = tpu.memref_slice %arg9[%dma_start3A_159, %dma_start3A_160] : memref<2x80xi32, #tpu.memory_space<vmem>> -> memref<1x80xi32, #tpu.memory_space<vmem>>
    %dma_start3A_162 = tpu.memref_squeeze %dma_start3A_161 : memref<1x80xi32, #tpu.memory_space<vmem>> -> memref<80xi32, #tpu.memory_space<vmem>>
    %dma_start3A_163 = arith.constant 0 : i32
    %dma_start3A_164 = arith.constant 0 : i32
    %dma_start3A_165 = tpu.memref_slice %arg14[%dma_start3A_163, %dma_start3A_164] : memref<10240x128xf32, #tpu.memory_space<vmem_shared>> -> memref<10240x128xf32, #tpu.memory_space<vmem_shared>>
    tpu.enqueue_indirect_dma source(%arg13 : memref<80x128xf32, #tpu.memory_space<vmem>>) target(%dma_start3A_165 : memref<10240x128xf32, #tpu.memory_space<vmem_shared>>) offsets(%dma_start3A_162 : memref<80xi32, #tpu.memory_space<vmem>>) semaphore(%arg26 : memref<!tpu.dma_semaphore, #tpu.memory_space<semaphore_mem>>) {add = true}
    %dma_wait3A_166 = arith.constant 0 : i32
    %dma_wait3A_167 = arith.constant 0 : i32
    %dma_wait3A_168 = tpu.memref_slice %arg2[%dma_wait3A_166, %dma_wait3A_167] : memref<10000x128xf32, #tpu.memory_space<hbm>> -> memref<80x128xf32, #tpu.memory_space<hbm>>
    %dma_wait3A_169 = arith.constant 0 : i32
    %dma_wait3A_170 = arith.constant 0 : i32
    %dma_wait3A_171 = tpu.memref_slice %arg2[%dma_wait3A_169, %dma_wait3A_170] : memref<10000x128xf32, #tpu.memory_space<hbm>> -> memref<80x128xf32, #tpu.memory_space<hbm>>
    tpu.wait_dma2 semaphore(%arg23 : memref<!tpu.dma_semaphore, #tpu.memory_space<semaphore_mem>>) src(%dma_wait3A_171 : memref<80x128xf32, #tpu.memory_space<hbm>>) dst(%arg10 : memref<80x128xf32, #tpu.memory_space<vmem>>)
    %dma_wait3A_172 = arith.constant 0 : i32
    %dma_wait3A_173 = arith.constant 0 : i32
    %dma_wait3A_174 = tpu.memref_slice %arg2[%dma_wait3A_172, %dma_wait3A_173] : memref<10000x128xf32, #tpu.memory_space<hbm>> -> memref<80x128xf32, #tpu.memory_space<hbm>>
    %dma_wait3A_175 = arith.constant 0 : i32
    %dma_wait3A_176 = arith.constant 0 : i32
    %dma_wait3A_177 = tpu.memref_slice %arg2[%dma_wait3A_175, %dma_wait3A_176] : memref<10000x128xf32, #tpu.memory_space<hbm>> -> memref<80x128xf32, #tpu.memory_space<hbm>>
    tpu.wait_dma2 semaphore(%arg24 : memref<!tpu.dma_semaphore, #tpu.memory_space<semaphore_mem>>) src(%dma_wait3A_177 : memref<80x128xf32, #tpu.memory_space<hbm>>) dst(%arg11 : memref<80x128xf32, #tpu.memory_space<vmem>>)
    %dma_wait3A_178 = arith.constant 0 : i32
    %dma_wait3A_179 = arith.constant 0 : i32
    %dma_wait3A_180 = tpu.memref_slice %arg2[%dma_wait3A_178, %dma_wait3A_179] : memref<10000x128xf32, #tpu.memory_space<hbm>> -> memref<80x128xf32, #tpu.memory_space<hbm>>
    %dma_wait3A_181 = arith.constant 0 : i32
    %dma_wait3A_182 = arith.constant 0 : i32
    %dma_wait3A_183 = tpu.memref_slice %arg2[%dma_wait3A_181, %dma_wait3A_182] : memref<10000x128xf32, #tpu.memory_space<hbm>> -> memref<80x128xf32, #tpu.memory_space<hbm>>
    tpu.wait_dma2 semaphore(%arg25 : memref<!tpu.dma_semaphore, #tpu.memory_space<semaphore_mem>>) src(%dma_wait3A_183 : memref<80x128xf32, #tpu.memory_space<hbm>>) dst(%arg12 : memref<80x128xf32, #tpu.memory_space<vmem>>)
    %dma_wait3A_184 = arith.constant 0 : i32
    %dma_wait3A_185 = arith.constant 0 : i32
    %dma_wait3A_186 = tpu.memref_slice %arg2[%dma_wait3A_184, %dma_wait3A_185] : memref<10000x128xf32, #tpu.memory_space<hbm>> -> memref<80x128xf32, #tpu.memory_space<hbm>>
    %dma_wait3A_187 = arith.constant 0 : i32
    %dma_wait3A_188 = arith.constant 0 : i32
    %dma_wait3A_189 = tpu.memref_slice %arg2[%dma_wait3A_187, %dma_wait3A_188] : memref<10000x128xf32, #tpu.memory_space<hbm>> -> memref<80x128xf32, #tpu.memory_space<hbm>>
    tpu.wait_dma2 semaphore(%arg26 : memref<!tpu.dma_semaphore, #tpu.memory_space<semaphore_mem>>) src(%dma_wait3A_189 : memref<80x128xf32, #tpu.memory_space<hbm>>) dst(%arg13 : memref<80x128xf32, #tpu.memory_space<vmem>>)
    %add3A_190 = arith.constant 124 : i32
    %add3A_191 = arith.addi %mul3A_2, %add3A_190 : i32
    %dma_start3A_192 = arith.constant 0 : i32
    %dma_start3A_193 = arith.constant 0 : i32
    %dma_start3A_194 = tpu.memref_slice %arg3[%add3A_191, %dma_start3A_192, %dma_start3A_193] : memref<4000x2x80xi32, #tpu.memory_space<hbm>> -> memref<1x2x80xi32, #tpu.memory_space<hbm>>
    %dma_start3A_195 = tpu.memref_squeeze %dma_start3A_194 : memref<1x2x80xi32, #tpu.memory_space<hbm>> -> memref<2x80xi32, #tpu.memory_space<hbm>>
    %dma_start3A_196 = arith.constant 0 : i32
    %dma_start3A_197 = arith.constant 0 : i32
    %dma_start3A_198 = tpu.memref_slice %arg3[%add3A_191, %dma_start3A_196, %dma_start3A_197] : memref<4000x2x80xi32, #tpu.memory_space<hbm>> -> memref<1x2x80xi32, #tpu.memory_space<hbm>>
    %dma_start3A_199 = tpu.memref_squeeze %dma_start3A_198 : memref<1x2x80xi32, #tpu.memory_space<hbm>> -> memref<2x80xi32, #tpu.memory_space<hbm>>
    tpu.enqueue_dma source(%dma_start3A_199 : memref<2x80xi32, #tpu.memory_space<hbm>>) target(%arg6 : memref<2x80xi32, #tpu.memory_space<vmem>>) target_semaphore(%arg15 : memref<!tpu.dma_semaphore, #tpu.memory_space<semaphore_mem>>)
    %dma_wait3A_200 = arith.constant 0 : i32
    %dma_wait3A_201 = arith.constant 0 : i32
    %dma_wait3A_202 = arith.constant 0 : i32
    %dma_wait3A_203 = tpu.memref_slice %arg3[%dma_wait3A_200, %dma_wait3A_201, %dma_wait3A_202] : memref<4000x2x80xi32, #tpu.memory_space<hbm>> -> memref<1x2x80xi32, #tpu.memory_space<hbm>>
    %dma_wait3A_204 = tpu.memref_squeeze %dma_wait3A_203 : memref<1x2x80xi32, #tpu.memory_space<hbm>> -> memref<2x80xi32, #tpu.memory_space<hbm>>
    %dma_wait3A_205 = arith.constant 0 : i32
    %dma_wait3A_206 = arith.constant 0 : i32
    %dma_wait3A_207 = tpu.memref_slice %arg3[%dma_wait3A_200, %dma_wait3A_205, %dma_wait3A_206] : memref<4000x2x80xi32, #tpu.memory_space<hbm>> -> memref<1x2x80xi32, #tpu.memory_space<hbm>>
    %dma_wait3A_208 = tpu.memref_squeeze %dma_wait3A_207 : memref<1x2x80xi32, #tpu.memory_space<hbm>> -> memref<2x80xi32, #tpu.memory_space<hbm>>
    tpu.wait_dma2 semaphore(%arg15 : memref<!tpu.dma_semaphore, #tpu.memory_space<semaphore_mem>>) src(%dma_wait3A_208 : memref<2x80xi32, #tpu.memory_space<hbm>>) dst(%arg6 : memref<2x80xi32, #tpu.memory_space<vmem>>)
    %dma_start3A_209 = arith.constant 0 : i32
    %dma_start3A_210 = arith.constant 0 : i32
    %dma_start3A_211 = tpu.memref_slice %arg6[%dma_start3A_209, %dma_start3A_210] : memref<2x80xi32, #tpu.memory_space<vmem>> -> memref<1x80xi32, #tpu.memory_space<vmem>>
    %dma_start3A_212 = tpu.memref_squeeze %dma_start3A_211 : memref<1x80xi32, #tpu.memory_space<vmem>> -> memref<80xi32, #tpu.memory_space<vmem>>
    %dma_start3A_213 = arith.constant 0 : i32
    %dma_start3A_214 = arith.constant 0 : i32
    %dma_start3A_215 = tpu.memref_slice %arg2[%dma_start3A_213, %dma_start3A_214] : memref<10000x128xf32, #tpu.memory_space<hbm>> -> memref<10000x128xf32, #tpu.memory_space<hbm>>
    tpu.enqueue_indirect_dma source(%dma_start3A_215 : memref<10000x128xf32, #tpu.memory_space<hbm>>) target(%arg10 : memref<80x128xf32, #tpu.memory_space<vmem>>) offsets(%dma_start3A_212 : memref<80xi32, #tpu.memory_space<vmem>>) semaphore(%arg19 : memref<!tpu.dma_semaphore, #tpu.memory_space<semaphore_mem>>)
    %dma_wait3A_216 = arith.constant 0 : i32
    %dma_wait3A_217 = arith.constant 0 : i32
    %dma_wait3A_218 = tpu.memref_slice %arg2[%dma_wait3A_216, %dma_wait3A_217] : memref<10000x128xf32, #tpu.memory_space<hbm>> -> memref<80x128xf32, #tpu.memory_space<hbm>>
    %dma_wait3A_219 = arith.constant 0 : i32
    %dma_wait3A_220 = arith.constant 0 : i32
    %dma_wait3A_221 = tpu.memref_slice %arg2[%dma_wait3A_219, %dma_wait3A_220] : memref<10000x128xf32, #tpu.memory_space<hbm>> -> memref<80x128xf32, #tpu.memory_space<hbm>>
    tpu.wait_dma2 semaphore(%arg19 : memref<!tpu.dma_semaphore, #tpu.memory_space<semaphore_mem>>) src(%dma_wait3A_221 : memref<80x128xf32, #tpu.memory_space<hbm>>) dst(%arg10 : memref<80x128xf32, #tpu.memory_space<vmem>>)
    %dma_start3A_222 = arith.constant 1 : i32
    %dma_start3A_223 = arith.constant 0 : i32
    %dma_start3A_224 = tpu.memref_slice %arg6[%dma_start3A_222, %dma_start3A_223] : memref<2x80xi32, #tpu.memory_space<vmem>> -> memref<1x80xi32, #tpu.memory_space<vmem>>
    %dma_start3A_225 = tpu.memref_squeeze %dma_start3A_224 : memref<1x80xi32, #tpu.memory_space<vmem>> -> memref<80xi32, #tpu.memory_space<vmem>>
    %dma_start3A_226 = arith.constant 0 : i32
    %dma_start3A_227 = arith.constant 0 : i32
    %dma_start3A_228 = tpu.memref_slice %arg14[%dma_start3A_226, %dma_start3A_227] : memref<10240x128xf32, #tpu.memory_space<vmem_shared>> -> memref<10240x128xf32, #tpu.memory_space<vmem_shared>>
    tpu.enqueue_indirect_dma source(%arg10 : memref<80x128xf32, #tpu.memory_space<vmem>>) target(%dma_start3A_228 : memref<10240x128xf32, #tpu.memory_space<vmem_shared>>) offsets(%dma_start3A_225 : memref<80xi32, #tpu.memory_space<vmem>>) semaphore(%arg23 : memref<!tpu.dma_semaphore, #tpu.memory_space<semaphore_mem>>) {add = true}
    %dma_wait3A_229 = arith.constant 0 : i32
    %dma_wait3A_230 = arith.constant 0 : i32
    %dma_wait3A_231 = tpu.memref_slice %arg2[%dma_wait3A_229, %dma_wait3A_230] : memref<10000x128xf32, #tpu.memory_space<hbm>> -> memref<80x128xf32, #tpu.memory_space<hbm>>
    %dma_wait3A_232 = arith.constant 0 : i32
    %dma_wait3A_233 = arith.constant 0 : i32
    %dma_wait3A_234 = tpu.memref_slice %arg2[%dma_wait3A_232, %dma_wait3A_233] : memref<10000x128xf32, #tpu.memory_space<hbm>> -> memref<80x128xf32, #tpu.memory_space<hbm>>
    tpu.wait_dma2 semaphore(%arg23 : memref<!tpu.dma_semaphore, #tpu.memory_space<semaphore_mem>>) src(%dma_wait3A_234 : memref<80x128xf32, #tpu.memory_space<hbm>>) dst(%arg10 : memref<80x128xf32, #tpu.memory_space<vmem>>)
    %barrier3A_235 = arith.constant 0 : index
    tpu.barrier barrier_id(%barrier3A_235)
    %mul3A_236 = arith.constant 10240 : i32
    %mul3A_237 = arith.muli %arg0, %mul3A_236 : i32
    %mul3A_238 = arith.constant 640 : i32
    %mul3A_239 = arith.muli %arg1, %mul3A_238 : i32
    %add3A_240 = arith.addi %mul3A_237, %mul3A_239 : i32
    %mul3A_241 = arith.constant 640 : i32
    %mul3A_242 = arith.muli %arg1, %mul3A_241 : i32
    "tpu.region"() ({
      %run_scoped3A = tpu.sem_alloc : memref<!tpu.dma_semaphore, #tpu.memory_space<semaphore_mem>>
      %dma_start3A_243 = arith.constant 0 : i32
      %dma_start3A_244 = tpu.memref_slice %arg5[%add3A_240, %dma_start3A_243] : memref<20480x128xf32, #tpu.memory_space<hbm>> -> memref<640x128xf32, #tpu.memory_space<hbm>>
      %dma_start3A_245 = arith.constant 0 : i32
      %dma_start3A_246 = tpu.memref_slice %arg14[%mul3A_242, %dma_start3A_245] : memref<10240x128xf32, #tpu.memory_space<vmem_shared>> -> memref<640x128xf32, #tpu.memory_space<vmem_shared>>
      tpu.enqueue_dma source(%dma_start3A_246 : memref<640x128xf32, #tpu.memory_space<vmem_shared>>) target(%dma_start3A_244 : memref<640x128xf32, #tpu.memory_space<hbm>>) target_semaphore(%run_scoped3A : memref<!tpu.dma_semaphore, #tpu.memory_space<semaphore_mem>>)
      %dma_wait3A_247 = arith.constant 0 : i32
      %dma_wait3A_248 = tpu.memref_slice %arg5[%add3A_240, %dma_wait3A_247] : memref<20480x128xf32, #tpu.memory_space<hbm>> -> memref<640x128xf32, #tpu.memory_space<hbm>>
      %dma_wait3A_249 = arith.constant 0 : i32
      %dma_wait3A_250 = tpu.memref_slice %arg14[%mul3A_242, %dma_wait3A_249] : memref<10240x128xf32, #tpu.memory_space<vmem_shared>> -> memref<640x128xf32, #tpu.memory_space<vmem_shared>>
      tpu.wait_dma2 semaphore(%run_scoped3A : memref<!tpu.dma_semaphore, #tpu.memory_space<semaphore_mem>>) src(%dma_wait3A_250 : memref<640x128xf32, #tpu.memory_space<vmem_shared>>) dst(%dma_wait3A_248 : memref<640x128xf32, #tpu.memory_space<hbm>>)
      tpu.yield
    }) : () -> ()
    return
  }
}

#map = affine_map<(d0, d1) -> (0, 0)>
#map1 = affine_map<(d0, d1) -> (0, 0, 0)>
module attributes {stable_mosaic.version = 14 : i64} {
  func.func @_sc_cnt_body(%arg0: i32, %arg1: i32, %arg2: memref<2048x128xf32, #tpu.memory_space<hbm>>, %arg3: memref<4000x2x80xi32, #tpu.memory_space<hbm>>, %arg4: memref<4000x2x80xi32, #tpu.memory_space<hbm>>, %arg5: memref<10240x128xf32, #tpu.memory_space<hbm>>, %arg6: memref<20480x128xf32, #tpu.memory_space<hbm>>, %arg7: memref<2x80xi32, #tpu.memory_space<vmem>>, %arg8: memref<2x80xi32, #tpu.memory_space<vmem>>, %arg9: memref<2x80xi32, #tpu.memory_space<vmem>>, %arg10: memref<2x80xi32, #tpu.memory_space<vmem>>, %arg11: memref<2x80xi32, #tpu.memory_space<vmem>>, %arg12: memref<2x80xi32, #tpu.memory_space<vmem>>, %arg13: memref<2x80xi32, #tpu.memory_space<vmem>>, %arg14: memref<2x80xi32, #tpu.memory_space<vmem>>, %arg15: memref<80xi32, #tpu.memory_space<vmem>>, %arg16: memref<80xi32, #tpu.memory_space<vmem>>, %arg17: memref<80xi32, #tpu.memory_space<vmem>>, %arg18: memref<80xi32, #tpu.memory_space<vmem>>, %arg19: memref<80x128xf32, #tpu.memory_space<vmem>>, %arg20: memref<80x128xf32, #tpu.memory_space<vmem>>, %arg21: memref<80x128xf32, #tpu.memory_space<vmem>>, %arg22: memref<80x128xf32, #tpu.memory_space<vmem>>, %arg23: memref<10240x128xf32, #tpu.memory_space<vmem_shared>>, %arg24: memref<!tpu.dma_semaphore, #tpu.memory_space<semaphore_mem>>, %arg25: memref<!tpu.dma_semaphore, #tpu.memory_space<semaphore_mem>>, %arg26: memref<!tpu.dma_semaphore, #tpu.memory_space<semaphore_mem>>, %arg27: memref<!tpu.dma_semaphore, #tpu.memory_space<semaphore_mem>>, %arg28: memref<!tpu.dma_semaphore, #tpu.memory_space<semaphore_mem>>, %arg29: memref<!tpu.dma_semaphore, #tpu.memory_space<semaphore_mem>>, %arg30: memref<!tpu.dma_semaphore, #tpu.memory_space<semaphore_mem>>, %arg31: memref<!tpu.dma_semaphore, #tpu.memory_space<semaphore_mem>>, %arg32: memref<!tpu.dma_semaphore, #tpu.memory_space<semaphore_mem>>, %arg33: memref<!tpu.dma_semaphore, #tpu.memory_space<semaphore_mem>>, %arg34: memref<!tpu.dma_semaphore, #tpu.memory_space<semaphore_mem>>, %arg35: memref<!tpu.dma_semaphore, #tpu.memory_space<semaphore_mem>>, %arg36: memref<!tpu.dma_semaphore, #tpu.memory_space<semaphore_mem>>, %arg37: memref<!tpu.dma_semaphore, #tpu.memory_space<semaphore_mem>>, %arg38: memref<!tpu.dma_semaphore, #tpu.memory_space<semaphore_mem>>, %arg39: memref<!tpu.dma_semaphore, #tpu.memory_space<semaphore_mem>>) attributes {dimension_semantics = [#tpu.dimension_semantics<core_parallel>, #tpu.dimension_semantics<subcore_parallel>], iteration_bounds = array<i64: 2, 16>, scalar_prefetch = 0 : i64, scratch_operands = 33 : i64, tpu.core_type = #tpu.core_type<sc_vector_subcore>, window_params = [{transform_indices = #map}, {transform_indices = #map1}, {transform_indices = #map1}, {transform_indices = #map}, {transform_indices = #map}]} {
    %mul3A = arith.constant 2 : i32
    %mul3A_0 = arith.muli %arg1, %mul3A : i32
    %add3A = arith.addi %mul3A_0, %arg0 : i32
    %mul3A_1 = arith.constant 125 : i32
    %mul3A_2 = arith.muli %add3A, %mul3A_1 : i32
    %mul3A_3 = arith.constant 640 : i32
    %mul3A_4 = arith.muli %arg1, %mul3A_3 : i32
    %mul3A_5 = arith.constant 640 : i32
    %mul3A_6 = arith.muli %arg1, %mul3A_5 : i32
    "tpu.region"() ({
      %run_scoped3A = tpu.sem_alloc : memref<!tpu.dma_semaphore, #tpu.memory_space<semaphore_mem>>
      %dma_start3A_348 = arith.constant 0 : i32
      %dma_start3A_349 = tpu.memref_slice %arg23[%mul3A_6, %dma_start3A_348] : memref<10240x128xf32, #tpu.memory_space<vmem_shared>> -> memref<640x128xf32, #tpu.memory_space<vmem_shared>>
      %dma_start3A_350 = arith.constant 0 : i32
      %dma_start3A_351 = tpu.memref_slice %arg5[%mul3A_4, %dma_start3A_350] : memref<10240x128xf32, #tpu.memory_space<hbm>> -> memref<640x128xf32, #tpu.memory_space<hbm>>
      tpu.enqueue_dma source(%dma_start3A_351 : memref<640x128xf32, #tpu.memory_space<hbm>>) target(%dma_start3A_349 : memref<640x128xf32, #tpu.memory_space<vmem_shared>>) target_semaphore(%run_scoped3A : memref<!tpu.dma_semaphore, #tpu.memory_space<semaphore_mem>>)
      %dma_wait3A_352 = arith.constant 0 : i32
      %dma_wait3A_353 = tpu.memref_slice %arg23[%mul3A_6, %dma_wait3A_352] : memref<10240x128xf32, #tpu.memory_space<vmem_shared>> -> memref<640x128xf32, #tpu.memory_space<vmem_shared>>
      %dma_wait3A_354 = arith.constant 0 : i32
      %dma_wait3A_355 = tpu.memref_slice %arg5[%mul3A_4, %dma_wait3A_354] : memref<10240x128xf32, #tpu.memory_space<hbm>> -> memref<640x128xf32, #tpu.memory_space<hbm>>
      tpu.wait_dma2 semaphore(%run_scoped3A : memref<!tpu.dma_semaphore, #tpu.memory_space<semaphore_mem>>) src(%dma_wait3A_355 : memref<640x128xf32, #tpu.memory_space<hbm>>) dst(%dma_wait3A_353 : memref<640x128xf32, #tpu.memory_space<vmem_shared>>)
      tpu.yield
    }) : () -> ()
    %barrier3A = arith.constant 0 : index
    tpu.barrier barrier_id(%barrier3A)
    %add3A_7 = arith.constant 0 : i32
    %add3A_8 = arith.addi %mul3A_2, %add3A_7 : i32
    %dma_start3A = arith.constant 0 : i32
    %dma_start3A_9 = arith.constant 0 : i32
    %dma_start3A_10 = tpu.memref_slice %arg3[%add3A_8, %dma_start3A, %dma_start3A_9] : memref<4000x2x80xi32, #tpu.memory_space<hbm>> -> memref<1x2x80xi32, #tpu.memory_space<hbm>>
    %dma_start3A_11 = tpu.memref_squeeze %dma_start3A_10 : memref<1x2x80xi32, #tpu.memory_space<hbm>> -> memref<2x80xi32, #tpu.memory_space<hbm>>
    %dma_start3A_12 = arith.constant 0 : i32
    %dma_start3A_13 = arith.constant 0 : i32
    %dma_start3A_14 = tpu.memref_slice %arg3[%add3A_8, %dma_start3A_12, %dma_start3A_13] : memref<4000x2x80xi32, #tpu.memory_space<hbm>> -> memref<1x2x80xi32, #tpu.memory_space<hbm>>
    %dma_start3A_15 = tpu.memref_squeeze %dma_start3A_14 : memref<1x2x80xi32, #tpu.memory_space<hbm>> -> memref<2x80xi32, #tpu.memory_space<hbm>>
    tpu.enqueue_dma source(%dma_start3A_15 : memref<2x80xi32, #tpu.memory_space<hbm>>) target(%arg7 : memref<2x80xi32, #tpu.memory_space<vmem>>) target_semaphore(%arg24 : memref<!tpu.dma_semaphore, #tpu.memory_space<semaphore_mem>>)
    %add3A_16 = arith.constant 0 : i32
    %add3A_17 = arith.addi %mul3A_2, %add3A_16 : i32
    %dma_start3A_18 = arith.constant 0 : i32
    %dma_start3A_19 = arith.constant 0 : i32
    %dma_start3A_20 = tpu.memref_slice %arg4[%add3A_17, %dma_start3A_18, %dma_start3A_19] : memref<4000x2x80xi32, #tpu.memory_space<hbm>> -> memref<1x2x80xi32, #tpu.memory_space<hbm>>
    %dma_start3A_21 = tpu.memref_squeeze %dma_start3A_20 : memref<1x2x80xi32, #tpu.memory_space<hbm>> -> memref<2x80xi32, #tpu.memory_space<hbm>>
    %dma_start3A_22 = arith.constant 0 : i32
    %dma_start3A_23 = arith.constant 0 : i32
    %dma_start3A_24 = tpu.memref_slice %arg4[%add3A_17, %dma_start3A_22, %dma_start3A_23] : memref<4000x2x80xi32, #tpu.memory_space<hbm>> -> memref<1x2x80xi32, #tpu.memory_space<hbm>>
    %dma_start3A_25 = tpu.memref_squeeze %dma_start3A_24 : memref<1x2x80xi32, #tpu.memory_space<hbm>> -> memref<2x80xi32, #tpu.memory_space<hbm>>
    tpu.enqueue_dma source(%dma_start3A_25 : memref<2x80xi32, #tpu.memory_space<hbm>>) target(%arg11 : memref<2x80xi32, #tpu.memory_space<vmem>>) target_semaphore(%arg28 : memref<!tpu.dma_semaphore, #tpu.memory_space<semaphore_mem>>)
    %add3A_26 = arith.constant 1 : i32
    %add3A_27 = arith.addi %mul3A_2, %add3A_26 : i32
    %dma_start3A_28 = arith.constant 0 : i32
    %dma_start3A_29 = arith.constant 0 : i32
    %dma_start3A_30 = tpu.memref_slice %arg3[%add3A_27, %dma_start3A_28, %dma_start3A_29] : memref<4000x2x80xi32, #tpu.memory_space<hbm>> -> memref<1x2x80xi32, #tpu.memory_space<hbm>>
    %dma_start3A_31 = tpu.memref_squeeze %dma_start3A_30 : memref<1x2x80xi32, #tpu.memory_space<hbm>> -> memref<2x80xi32, #tpu.memory_space<hbm>>
    %dma_start3A_32 = arith.constant 0 : i32
    %dma_start3A_33 = arith.constant 0 : i32
    %dma_start3A_34 = tpu.memref_slice %arg3[%add3A_27, %dma_start3A_32, %dma_start3A_33] : memref<4000x2x80xi32, #tpu.memory_space<hbm>> -> memref<1x2x80xi32, #tpu.memory_space<hbm>>
    %dma_start3A_35 = tpu.memref_squeeze %dma_start3A_34 : memref<1x2x80xi32, #tpu.memory_space<hbm>> -> memref<2x80xi32, #tpu.memory_space<hbm>>
    tpu.enqueue_dma source(%dma_start3A_35 : memref<2x80xi32, #tpu.memory_space<hbm>>) target(%arg8 : memref<2x80xi32, #tpu.memory_space<vmem>>) target_semaphore(%arg25 : memref<!tpu.dma_semaphore, #tpu.memory_space<semaphore_mem>>)
    %add3A_36 = arith.constant 1 : i32
    %add3A_37 = arith.addi %mul3A_2, %add3A_36 : i32
    %dma_start3A_38 = arith.constant 0 : i32
    %dma_start3A_39 = arith.constant 0 : i32
    %dma_start3A_40 = tpu.memref_slice %arg4[%add3A_37, %dma_start3A_38, %dma_start3A_39] : memref<4000x2x80xi32, #tpu.memory_space<hbm>> -> memref<1x2x80xi32, #tpu.memory_space<hbm>>
    %dma_start3A_41 = tpu.memref_squeeze %dma_start3A_40 : memref<1x2x80xi32, #tpu.memory_space<hbm>> -> memref<2x80xi32, #tpu.memory_space<hbm>>
    %dma_start3A_42 = arith.constant 0 : i32
    %dma_start3A_43 = arith.constant 0 : i32
    %dma_start3A_44 = tpu.memref_slice %arg4[%add3A_37, %dma_start3A_42, %dma_start3A_43] : memref<4000x2x80xi32, #tpu.memory_space<hbm>> -> memref<1x2x80xi32, #tpu.memory_space<hbm>>
    %dma_start3A_45 = tpu.memref_squeeze %dma_start3A_44 : memref<1x2x80xi32, #tpu.memory_space<hbm>> -> memref<2x80xi32, #tpu.memory_space<hbm>>
    tpu.enqueue_dma source(%dma_start3A_45 : memref<2x80xi32, #tpu.memory_space<hbm>>) target(%arg12 : memref<2x80xi32, #tpu.memory_space<vmem>>) target_semaphore(%arg29 : memref<!tpu.dma_semaphore, #tpu.memory_space<semaphore_mem>>)
    %add3A_46 = arith.constant 2 : i32
    %add3A_47 = arith.addi %mul3A_2, %add3A_46 : i32
    %dma_start3A_48 = arith.constant 0 : i32
    %dma_start3A_49 = arith.constant 0 : i32
    %dma_start3A_50 = tpu.memref_slice %arg3[%add3A_47, %dma_start3A_48, %dma_start3A_49] : memref<4000x2x80xi32, #tpu.memory_space<hbm>> -> memref<1x2x80xi32, #tpu.memory_space<hbm>>
    %dma_start3A_51 = tpu.memref_squeeze %dma_start3A_50 : memref<1x2x80xi32, #tpu.memory_space<hbm>> -> memref<2x80xi32, #tpu.memory_space<hbm>>
    %dma_start3A_52 = arith.constant 0 : i32
    %dma_start3A_53 = arith.constant 0 : i32
    %dma_start3A_54 = tpu.memref_slice %arg3[%add3A_47, %dma_start3A_52, %dma_start3A_53] : memref<4000x2x80xi32, #tpu.memory_space<hbm>> -> memref<1x2x80xi32, #tpu.memory_space<hbm>>
    %dma_start3A_55 = tpu.memref_squeeze %dma_start3A_54 : memref<1x2x80xi32, #tpu.memory_space<hbm>> -> memref<2x80xi32, #tpu.memory_space<hbm>>
    tpu.enqueue_dma source(%dma_start3A_55 : memref<2x80xi32, #tpu.memory_space<hbm>>) target(%arg9 : memref<2x80xi32, #tpu.memory_space<vmem>>) target_semaphore(%arg26 : memref<!tpu.dma_semaphore, #tpu.memory_space<semaphore_mem>>)
    %add3A_56 = arith.constant 2 : i32
    %add3A_57 = arith.addi %mul3A_2, %add3A_56 : i32
    %dma_start3A_58 = arith.constant 0 : i32
    %dma_start3A_59 = arith.constant 0 : i32
    %dma_start3A_60 = tpu.memref_slice %arg4[%add3A_57, %dma_start3A_58, %dma_start3A_59] : memref<4000x2x80xi32, #tpu.memory_space<hbm>> -> memref<1x2x80xi32, #tpu.memory_space<hbm>>
    %dma_start3A_61 = tpu.memref_squeeze %dma_start3A_60 : memref<1x2x80xi32, #tpu.memory_space<hbm>> -> memref<2x80xi32, #tpu.memory_space<hbm>>
    %dma_start3A_62 = arith.constant 0 : i32
    %dma_start3A_63 = arith.constant 0 : i32
    %dma_start3A_64 = tpu.memref_slice %arg4[%add3A_57, %dma_start3A_62, %dma_start3A_63] : memref<4000x2x80xi32, #tpu.memory_space<hbm>> -> memref<1x2x80xi32, #tpu.memory_space<hbm>>
    %dma_start3A_65 = tpu.memref_squeeze %dma_start3A_64 : memref<1x2x80xi32, #tpu.memory_space<hbm>> -> memref<2x80xi32, #tpu.memory_space<hbm>>
    tpu.enqueue_dma source(%dma_start3A_65 : memref<2x80xi32, #tpu.memory_space<hbm>>) target(%arg13 : memref<2x80xi32, #tpu.memory_space<vmem>>) target_semaphore(%arg30 : memref<!tpu.dma_semaphore, #tpu.memory_space<semaphore_mem>>)
    %add3A_66 = arith.constant 3 : i32
    %add3A_67 = arith.addi %mul3A_2, %add3A_66 : i32
    %dma_start3A_68 = arith.constant 0 : i32
    %dma_start3A_69 = arith.constant 0 : i32
    %dma_start3A_70 = tpu.memref_slice %arg3[%add3A_67, %dma_start3A_68, %dma_start3A_69] : memref<4000x2x80xi32, #tpu.memory_space<hbm>> -> memref<1x2x80xi32, #tpu.memory_space<hbm>>
    %dma_start3A_71 = tpu.memref_squeeze %dma_start3A_70 : memref<1x2x80xi32, #tpu.memory_space<hbm>> -> memref<2x80xi32, #tpu.memory_space<hbm>>
    %dma_start3A_72 = arith.constant 0 : i32
    %dma_start3A_73 = arith.constant 0 : i32
    %dma_start3A_74 = tpu.memref_slice %arg3[%add3A_67, %dma_start3A_72, %dma_start3A_73] : memref<4000x2x80xi32, #tpu.memory_space<hbm>> -> memref<1x2x80xi32, #tpu.memory_space<hbm>>
    %dma_start3A_75 = tpu.memref_squeeze %dma_start3A_74 : memref<1x2x80xi32, #tpu.memory_space<hbm>> -> memref<2x80xi32, #tpu.memory_space<hbm>>
    tpu.enqueue_dma source(%dma_start3A_75 : memref<2x80xi32, #tpu.memory_space<hbm>>) target(%arg10 : memref<2x80xi32, #tpu.memory_space<vmem>>) target_semaphore(%arg27 : memref<!tpu.dma_semaphore, #tpu.memory_space<semaphore_mem>>)
    %add3A_76 = arith.constant 3 : i32
    %add3A_77 = arith.addi %mul3A_2, %add3A_76 : i32
    %dma_start3A_78 = arith.constant 0 : i32
    %dma_start3A_79 = arith.constant 0 : i32
    %dma_start3A_80 = tpu.memref_slice %arg4[%add3A_77, %dma_start3A_78, %dma_start3A_79] : memref<4000x2x80xi32, #tpu.memory_space<hbm>> -> memref<1x2x80xi32, #tpu.memory_space<hbm>>
    %dma_start3A_81 = tpu.memref_squeeze %dma_start3A_80 : memref<1x2x80xi32, #tpu.memory_space<hbm>> -> memref<2x80xi32, #tpu.memory_space<hbm>>
    %dma_start3A_82 = arith.constant 0 : i32
    %dma_start3A_83 = arith.constant 0 : i32
    %dma_start3A_84 = tpu.memref_slice %arg4[%add3A_77, %dma_start3A_82, %dma_start3A_83] : memref<4000x2x80xi32, #tpu.memory_space<hbm>> -> memref<1x2x80xi32, #tpu.memory_space<hbm>>
    %dma_start3A_85 = tpu.memref_squeeze %dma_start3A_84 : memref<1x2x80xi32, #tpu.memory_space<hbm>> -> memref<2x80xi32, #tpu.memory_space<hbm>>
    tpu.enqueue_dma source(%dma_start3A_85 : memref<2x80xi32, #tpu.memory_space<hbm>>) target(%arg14 : memref<2x80xi32, #tpu.memory_space<vmem>>) target_semaphore(%arg31 : memref<!tpu.dma_semaphore, #tpu.memory_space<semaphore_mem>>)
    %scan3A = arith.constant 0 : i32
    %scan3A_86 = arith.constant 0 : i32
    %scan3A_87 = arith.constant 30 : i32
    %scan3A_88 = arith.addi %scan3A_86, %scan3A_87 : i32
    %scan3A_89 = arith.constant 1 : i32
    scf.for %scan3A_348 = %scan3A_86 to %scan3A_88 step %scan3A_89  : i32 {
      %mul3A_349 = arith.constant 4 : i32
      %mul3A_350 = arith.muli %scan3A_348, %mul3A_349 : i32
      %dma_wait3A_351 = arith.constant 0 : i32
      %dma_wait3A_352 = arith.constant 0 : i32
      %dma_wait3A_353 = arith.constant 0 : i32
      %dma_wait3A_354 = tpu.memref_slice %arg3[%dma_wait3A_351, %dma_wait3A_352, %dma_wait3A_353] : memref<4000x2x80xi32, #tpu.memory_space<hbm>> -> memref<1x2x80xi32, #tpu.memory_space<hbm>>
      %dma_wait3A_355 = tpu.memref_squeeze %dma_wait3A_354 : memref<1x2x80xi32, #tpu.memory_space<hbm>> -> memref<2x80xi32, #tpu.memory_space<hbm>>
      %dma_wait3A_356 = arith.constant 0 : i32
      %dma_wait3A_357 = arith.constant 0 : i32
      %dma_wait3A_358 = tpu.memref_slice %arg3[%dma_wait3A_351, %dma_wait3A_356, %dma_wait3A_357] : memref<4000x2x80xi32, #tpu.memory_space<hbm>> -> memref<1x2x80xi32, #tpu.memory_space<hbm>>
      %dma_wait3A_359 = tpu.memref_squeeze %dma_wait3A_358 : memref<1x2x80xi32, #tpu.memory_space<hbm>> -> memref<2x80xi32, #tpu.memory_space<hbm>>
      tpu.wait_dma2 semaphore(%arg24 : memref<!tpu.dma_semaphore, #tpu.memory_space<semaphore_mem>>) src(%dma_wait3A_359 : memref<2x80xi32, #tpu.memory_space<hbm>>) dst(%arg7 : memref<2x80xi32, #tpu.memory_space<vmem>>)
      %dma_wait3A_360 = arith.constant 0 : i32
      %dma_wait3A_361 = arith.constant 0 : i32
      %dma_wait3A_362 = arith.constant 0 : i32
      %dma_wait3A_363 = tpu.memref_slice %arg4[%dma_wait3A_360, %dma_wait3A_361, %dma_wait3A_362] : memref<4000x2x80xi32, #tpu.memory_space<hbm>> -> memref<1x2x80xi32, #tpu.memory_space<hbm>>
      %dma_wait3A_364 = tpu.memref_squeeze %dma_wait3A_363 : memref<1x2x80xi32, #tpu.memory_space<hbm>> -> memref<2x80xi32, #tpu.memory_space<hbm>>
      %dma_wait3A_365 = arith.constant 0 : i32
      %dma_wait3A_366 = arith.constant 0 : i32
      %dma_wait3A_367 = tpu.memref_slice %arg4[%dma_wait3A_360, %dma_wait3A_365, %dma_wait3A_366] : memref<4000x2x80xi32, #tpu.memory_space<hbm>> -> memref<1x2x80xi32, #tpu.memory_space<hbm>>
      %dma_wait3A_368 = tpu.memref_squeeze %dma_wait3A_367 : memref<1x2x80xi32, #tpu.memory_space<hbm>> -> memref<2x80xi32, #tpu.memory_space<hbm>>
      tpu.wait_dma2 semaphore(%arg28 : memref<!tpu.dma_semaphore, #tpu.memory_space<semaphore_mem>>) src(%dma_wait3A_368 : memref<2x80xi32, #tpu.memory_space<hbm>>) dst(%arg11 : memref<2x80xi32, #tpu.memory_space<vmem>>)
      %scan3A_369 = arith.constant 0 : i32
      %scan3A_370 = arith.constant 0 : i32
      %scan3A_371 = arith.constant 5 : i32
      %scan3A_372 = arith.addi %scan3A_370, %scan3A_371 : i32
      %scan3A_373 = arith.constant 1 : i32
      scf.for %scan3A_623 = %scan3A_370 to %scan3A_372 step %scan3A_373  : i32 {
        %mul3A_624 = arith.constant 16 : i32
        %mul3A_625 = arith.muli %scan3A_623, %mul3A_624 : i32
        %get3A = arith.constant 0 : i32
        %get3A_626 = arith.index_cast %get3A : i32 to index
        %get3A_627 = arith.index_cast %mul3A_625 : i32 to index
        %get3A_628 = tpu.vector_load %arg11[%get3A_626, %get3A_627] {strides = array<i32>} : memref<2x80xi32, #tpu.memory_space<vmem>>, vector<1x16xi32>,
        %get3A_629 = vector.shape_cast %get3A_628 : vector<1x16xi32> to vector<16xi32>
        %mul3A_630 = arith.constant 3 : i32
        %mul3A_631 = vector.broadcast %mul3A_630 : i32 to vector<16xi32>
        %mul3A_632 = arith.muli %get3A_629, %mul3A_631 : vector<16xi32>
        %mul3A_633 = arith.constant 16 : i32
        %mul3A_634 = arith.muli %scan3A_623, %mul3A_633 : i32
        %get3A_635 = arith.constant 1 : i32
        %get3A_636 = arith.index_cast %get3A_635 : i32 to index
        %get3A_637 = arith.index_cast %mul3A_634 : i32 to index
        %get3A_638 = tpu.vector_load %arg11[%get3A_636, %get3A_637] {strides = array<i32>} : memref<2x80xi32, #tpu.memory_space<vmem>>, vector<1x16xi32>,
        %get3A_639 = vector.shape_cast %get3A_638 : vector<1x16xi32> to vector<16xi32>
        %add3A_640 = arith.addi %mul3A_632, %get3A_639 : vector<16xi32>
        %mul3A_641 = arith.constant 4 : i32
        %mul3A_642 = arith.muli %add3A, %mul3A_641 : i32
        %add3A_643 = arith.constant 0 : i32
        %add3A_644 = arith.addi %mul3A_642, %add3A_643 : i32
        %mul3A_645 = arith.constant 16 : i32
        %mul3A_646 = arith.muli %add3A_644, %mul3A_645 : i32
        %add3A_647 = vector.broadcast %mul3A_646 : i32 to vector<16xi32>
        %add3A_648 = arith.addi %add3A_640, %add3A_647 : vector<16xi32>
        %mul3A_649 = arith.constant 16 : i32
        %mul3A_650 = arith.muli %scan3A_623, %mul3A_649 : i32
        %swap3A = arith.index_cast %mul3A_650 : i32 to index
        %swap3A_651 = tpu.vector_load %arg15[%swap3A] {strides = array<i32>} : memref<80xi32, #tpu.memory_space<vmem>>, vector<16xi32>,
        %swap3A_652 = vector.shape_cast %swap3A_651 : vector<16xi32> to vector<16xi32>
        %swap3A_653 = vector.shape_cast %add3A_648 : vector<16xi32> to vector<16xi32>
        tpu.vector_store %arg15[%swap3A], %swap3A_653 {strides = array<i32>} : memref<80xi32, #tpu.memory_space<vmem>>, vector<16xi32>,
      }
      %scan3A_374 = arith.constant 5 : i32
      %dma_start3A_375 = arith.constant 0 : i32
      %dma_start3A_376 = arith.constant 0 : i32
      %dma_start3A_377 = tpu.memref_slice %arg2[%dma_start3A_375, %dma_start3A_376] : memref<2048x128xf32, #tpu.memory_space<hbm>> -> memref<2048x128xf32, #tpu.memory_space<hbm>>
      tpu.enqueue_indirect_dma source(%dma_start3A_377 : memref<2048x128xf32, #tpu.memory_space<hbm>>) target(%arg19 : memref<80x128xf32, #tpu.memory_space<vmem>>) offsets(%arg15 : memref<80xi32, #tpu.memory_space<vmem>>) semaphore(%arg32 : memref<!tpu.dma_semaphore, #tpu.memory_space<semaphore_mem>>)
      %dma_wait3A_378 = arith.constant 0 : i32
      %dma_wait3A_379 = arith.constant 0 : i32
      %dma_wait3A_380 = arith.constant 0 : i32
      %dma_wait3A_381 = tpu.memref_slice %arg3[%dma_wait3A_378, %dma_wait3A_379, %dma_wait3A_380] : memref<4000x2x80xi32, #tpu.memory_space<hbm>> -> memref<1x2x80xi32, #tpu.memory_space<hbm>>
      %dma_wait3A_382 = tpu.memref_squeeze %dma_wait3A_381 : memref<1x2x80xi32, #tpu.memory_space<hbm>> -> memref<2x80xi32, #tpu.memory_space<hbm>>
      %dma_wait3A_383 = arith.constant 0 : i32
      %dma_wait3A_384 = arith.constant 0 : i32
      %dma_wait3A_385 = tpu.memref_slice %arg3[%dma_wait3A_378, %dma_wait3A_383, %dma_wait3A_384] : memref<4000x2x80xi32, #tpu.memory_space<hbm>> -> memref<1x2x80xi32, #tpu.memory_space<hbm>>
      %dma_wait3A_386 = tpu.memref_squeeze %dma_wait3A_385 : memref<1x2x80xi32, #tpu.memory_space<hbm>> -> memref<2x80xi32, #tpu.memory_space<hbm>>
      tpu.wait_dma2 semaphore(%arg25 : memref<!tpu.dma_semaphore, #tpu.memory_space<semaphore_mem>>) src(%dma_wait3A_386 : memref<2x80xi32, #tpu.memory_space<hbm>>) dst(%arg8 : memref<2x80xi32, #tpu.memory_space<vmem>>)
      %dma_wait3A_387 = arith.constant 0 : i32
      %dma_wait3A_388 = arith.constant 0 : i32
      %dma_wait3A_389 = arith.constant 0 : i32
      %dma_wait3A_390 = tpu.memref_slice %arg4[%dma_wait3A_387, %dma_wait3A_388, %dma_wait3A_389] : memref<4000x2x80xi32, #tpu.memory_space<hbm>> -> memref<1x2x80xi32, #tpu.memory_space<hbm>>
      %dma_wait3A_391 = tpu.memref_squeeze %dma_wait3A_390 : memref<1x2x80xi32, #tpu.memory_space<hbm>> -> memref<2x80xi32, #tpu.memory_space<hbm>>
      %dma_wait3A_392 = arith.constant 0 : i32
      %dma_wait3A_393 = arith.constant 0 : i32
      %dma_wait3A_394 = tpu.memref_slice %arg4[%dma_wait3A_387, %dma_wait3A_392, %dma_wait3A_393] : memref<4000x2x80xi32, #tpu.memory_space<hbm>> -> memref<1x2x80xi32, #tpu.memory_space<hbm>>
      %dma_wait3A_395 = tpu.memref_squeeze %dma_wait3A_394 : memref<1x2x80xi32, #tpu.memory_space<hbm>> -> memref<2x80xi32, #tpu.memory_space<hbm>>
      tpu.wait_dma2 semaphore(%arg29 : memref<!tpu.dma_semaphore, #tpu.memory_space<semaphore_mem>>) src(%dma_wait3A_395 : memref<2x80xi32, #tpu.memory_space<hbm>>) dst(%arg12 : memref<2x80xi32, #tpu.memory_space<vmem>>)
      %scan3A_396 = arith.constant 0 : i32
      %scan3A_397 = arith.constant 0 : i32
      %scan3A_398 = arith.constant 5 : i32
      %scan3A_399 = arith.addi %scan3A_397, %scan3A_398 : i32
      %scan3A_400 = arith.constant 1 : i32
      scf.for %scan3A_623 = %scan3A_397 to %scan3A_399 step %scan3A_400  : i32 {
        %mul3A_624 = arith.constant 16 : i32
        %mul3A_625 = arith.muli %scan3A_623, %mul3A_624 : i32
        %get3A = arith.constant 0 : i32
        %get3A_626 = arith.index_cast %get3A : i32 to index
        %get3A_627 = arith.index_cast %mul3A_625 : i32 to index
        %get3A_628 = tpu.vector_load %arg12[%get3A_626, %get3A_627] {strides = array<i32>} : memref<2x80xi32, #tpu.memory_space<vmem>>, vector<1x16xi32>,
        %get3A_629 = vector.shape_cast %get3A_628 : vector<1x16xi32> to vector<16xi32>
        %mul3A_630 = arith.constant 3 : i32
        %mul3A_631 = vector.broadcast %mul3A_630 : i32 to vector<16xi32>
        %mul3A_632 = arith.muli %get3A_629, %mul3A_631 : vector<16xi32>
        %mul3A_633 = arith.constant 16 : i32
        %mul3A_634 = arith.muli %scan3A_623, %mul3A_633 : i32
        %get3A_635 = arith.constant 1 : i32
        %get3A_636 = arith.index_cast %get3A_635 : i32 to index
        %get3A_637 = arith.index_cast %mul3A_634 : i32 to index
        %get3A_638 = tpu.vector_load %arg12[%get3A_636, %get3A_637] {strides = array<i32>} : memref<2x80xi32, #tpu.memory_space<vmem>>, vector<1x16xi32>,
        %get3A_639 = vector.shape_cast %get3A_638 : vector<1x16xi32> to vector<16xi32>
        %add3A_640 = arith.addi %mul3A_632, %get3A_639 : vector<16xi32>
        %mul3A_641 = arith.constant 4 : i32
        %mul3A_642 = arith.muli %add3A, %mul3A_641 : i32
        %add3A_643 = arith.constant 1 : i32
        %add3A_644 = arith.addi %mul3A_642, %add3A_643 : i32
        %mul3A_645 = arith.constant 16 : i32
        %mul3A_646 = arith.muli %add3A_644, %mul3A_645 : i32
        %add3A_647 = vector.broadcast %mul3A_646 : i32 to vector<16xi32>
        %add3A_648 = arith.addi %add3A_640, %add3A_647 : vector<16xi32>
        %mul3A_649 = arith.constant 16 : i32
        %mul3A_650 = arith.muli %scan3A_623, %mul3A_649 : i32
        %swap3A = arith.index_cast %mul3A_650 : i32 to index
        %swap3A_651 = tpu.vector_load %arg16[%swap3A] {strides = array<i32>} : memref<80xi32, #tpu.memory_space<vmem>>, vector<16xi32>,
        %swap3A_652 = vector.shape_cast %swap3A_651 : vector<16xi32> to vector<16xi32>
        %swap3A_653 = vector.shape_cast %add3A_648 : vector<16xi32> to vector<16xi32>
        tpu.vector_store %arg16[%swap3A], %swap3A_653 {strides = array<i32>} : memref<80xi32, #tpu.memory_space<vmem>>, vector<16xi32>,
      }
      %scan3A_401 = arith.constant 5 : i32
      %dma_start3A_402 = arith.constant 0 : i32
      %dma_start3A_403 = arith.constant 0 : i32
      %dma_start3A_404 = tpu.memref_slice %arg2[%dma_start3A_402, %dma_start3A_403] : memref<2048x128xf32, #tpu.memory_space<hbm>> -> memref<2048x128xf32, #tpu.memory_space<hbm>>
      tpu.enqueue_indirect_dma source(%dma_start3A_404 : memref<2048x128xf32, #tpu.memory_space<hbm>>) target(%arg20 : memref<80x128xf32, #tpu.memory_space<vmem>>) offsets(%arg16 : memref<80xi32, #tpu.memory_space<vmem>>) semaphore(%arg33 : memref<!tpu.dma_semaphore, #tpu.memory_space<semaphore_mem>>)
      %dma_wait3A_405 = arith.constant 0 : i32
      %dma_wait3A_406 = arith.constant 0 : i32
      %dma_wait3A_407 = arith.constant 0 : i32
      %dma_wait3A_408 = tpu.memref_slice %arg3[%dma_wait3A_405, %dma_wait3A_406, %dma_wait3A_407] : memref<4000x2x80xi32, #tpu.memory_space<hbm>> -> memref<1x2x80xi32, #tpu.memory_space<hbm>>
      %dma_wait3A_409 = tpu.memref_squeeze %dma_wait3A_408 : memref<1x2x80xi32, #tpu.memory_space<hbm>> -> memref<2x80xi32, #tpu.memory_space<hbm>>
      %dma_wait3A_410 = arith.constant 0 : i32
      %dma_wait3A_411 = arith.constant 0 : i32
      %dma_wait3A_412 = tpu.memref_slice %arg3[%dma_wait3A_405, %dma_wait3A_410, %dma_wait3A_411] : memref<4000x2x80xi32, #tpu.memory_space<hbm>> -> memref<1x2x80xi32, #tpu.memory_space<hbm>>
      %dma_wait3A_413 = tpu.memref_squeeze %dma_wait3A_412 : memref<1x2x80xi32, #tpu.memory_space<hbm>> -> memref<2x80xi32, #tpu.memory_space<hbm>>
      tpu.wait_dma2 semaphore(%arg26 : memref<!tpu.dma_semaphore, #tpu.memory_space<semaphore_mem>>) src(%dma_wait3A_413 : memref<2x80xi32, #tpu.memory_space<hbm>>) dst(%arg9 : memref<2x80xi32, #tpu.memory_space<vmem>>)
      %dma_wait3A_414 = arith.constant 0 : i32
      %dma_wait3A_415 = arith.constant 0 : i32
      %dma_wait3A_416 = arith.constant 0 : i32
      %dma_wait3A_417 = tpu.memref_slice %arg4[%dma_wait3A_414, %dma_wait3A_415, %dma_wait3A_416] : memref<4000x2x80xi32, #tpu.memory_space<hbm>> -> memref<1x2x80xi32, #tpu.memory_space<hbm>>
      %dma_wait3A_418 = tpu.memref_squeeze %dma_wait3A_417 : memref<1x2x80xi32, #tpu.memory_space<hbm>> -> memref<2x80xi32, #tpu.memory_space<hbm>>
      %dma_wait3A_419 = arith.constant 0 : i32
      %dma_wait3A_420 = arith.constant 0 : i32
      %dma_wait3A_421 = tpu.memref_slice %arg4[%dma_wait3A_414, %dma_wait3A_419, %dma_wait3A_420] : memref<4000x2x80xi32, #tpu.memory_space<hbm>> -> memref<1x2x80xi32, #tpu.memory_space<hbm>>
      %dma_wait3A_422 = tpu.memref_squeeze %dma_wait3A_421 : memref<1x2x80xi32, #tpu.memory_space<hbm>> -> memref<2x80xi32, #tpu.memory_space<hbm>>
      tpu.wait_dma2 semaphore(%arg30 : memref<!tpu.dma_semaphore, #tpu.memory_space<semaphore_mem>>) src(%dma_wait3A_422 : memref<2x80xi32, #tpu.memory_space<hbm>>) dst(%arg13 : memref<2x80xi32, #tpu.memory_space<vmem>>)
      %scan3A_423 = arith.constant 0 : i32
      %scan3A_424 = arith.constant 0 : i32
      %scan3A_425 = arith.constant 5 : i32
      %scan3A_426 = arith.addi %scan3A_424, %scan3A_425 : i32
      %scan3A_427 = arith.constant 1 : i32
      scf.for %scan3A_623 = %scan3A_424 to %scan3A_426 step %scan3A_427  : i32 {
        %mul3A_624 = arith.constant 16 : i32
        %mul3A_625 = arith.muli %scan3A_623, %mul3A_624 : i32
        %get3A = arith.constant 0 : i32
        %get3A_626 = arith.index_cast %get3A : i32 to index
        %get3A_627 = arith.index_cast %mul3A_625 : i32 to index
        %get3A_628 = tpu.vector_load %arg13[%get3A_626, %get3A_627] {strides = array<i32>} : memref<2x80xi32, #tpu.memory_space<vmem>>, vector<1x16xi32>,
        %get3A_629 = vector.shape_cast %get3A_628 : vector<1x16xi32> to vector<16xi32>
        %mul3A_630 = arith.constant 3 : i32
        %mul3A_631 = vector.broadcast %mul3A_630 : i32 to vector<16xi32>
        %mul3A_632 = arith.muli %get3A_629, %mul3A_631 : vector<16xi32>
        %mul3A_633 = arith.constant 16 : i32
        %mul3A_634 = arith.muli %scan3A_623, %mul3A_633 : i32
        %get3A_635 = arith.constant 1 : i32
        %get3A_636 = arith.index_cast %get3A_635 : i32 to index
        %get3A_637 = arith.index_cast %mul3A_634 : i32 to index
        %get3A_638 = tpu.vector_load %arg13[%get3A_636, %get3A_637] {strides = array<i32>} : memref<2x80xi32, #tpu.memory_space<vmem>>, vector<1x16xi32>,
        %get3A_639 = vector.shape_cast %get3A_638 : vector<1x16xi32> to vector<16xi32>
        %add3A_640 = arith.addi %mul3A_632, %get3A_639 : vector<16xi32>
        %mul3A_641 = arith.constant 4 : i32
        %mul3A_642 = arith.muli %add3A, %mul3A_641 : i32
        %add3A_643 = arith.constant 2 : i32
        %add3A_644 = arith.addi %mul3A_642, %add3A_643 : i32
        %mul3A_645 = arith.constant 16 : i32
        %mul3A_646 = arith.muli %add3A_644, %mul3A_645 : i32
        %add3A_647 = vector.broadcast %mul3A_646 : i32 to vector<16xi32>
        %add3A_648 = arith.addi %add3A_640, %add3A_647 : vector<16xi32>
        %mul3A_649 = arith.constant 16 : i32
        %mul3A_650 = arith.muli %scan3A_623, %mul3A_649 : i32
        %swap3A = arith.index_cast %mul3A_650 : i32 to index
        %swap3A_651 = tpu.vector_load %arg17[%swap3A] {strides = array<i32>} : memref<80xi32, #tpu.memory_space<vmem>>, vector<16xi32>,
        %swap3A_652 = vector.shape_cast %swap3A_651 : vector<16xi32> to vector<16xi32>
        %swap3A_653 = vector.shape_cast %add3A_648 : vector<16xi32> to vector<16xi32>
        tpu.vector_store %arg17[%swap3A], %swap3A_653 {strides = array<i32>} : memref<80xi32, #tpu.memory_space<vmem>>, vector<16xi32>,
      }
      %scan3A_428 = arith.constant 5 : i32
      %dma_start3A_429 = arith.constant 0 : i32
      %dma_start3A_430 = arith.constant 0 : i32
      %dma_start3A_431 = tpu.memref_slice %arg2[%dma_start3A_429, %dma_start3A_430] : memref<2048x128xf32, #tpu.memory_space<hbm>> -> memref<2048x128xf32, #tpu.memory_space<hbm>>
      tpu.enqueue_indirect_dma source(%dma_start3A_431 : memref<2048x128xf32, #tpu.memory_space<hbm>>) target(%arg21 : memref<80x128xf32, #tpu.memory_space<vmem>>) offsets(%arg17 : memref<80xi32, #tpu.memory_space<vmem>>) semaphore(%arg34 : memref<!tpu.dma_semaphore, #tpu.memory_space<semaphore_mem>>)
      %dma_wait3A_432 = arith.constant 0 : i32
      %dma_wait3A_433 = arith.constant 0 : i32
      %dma_wait3A_434 = arith.constant 0 : i32
      %dma_wait3A_435 = tpu.memref_slice %arg3[%dma_wait3A_432, %dma_wait3A_433, %dma_wait3A_434] : memref<4000x2x80xi32, #tpu.memory_space<hbm>> -> memref<1x2x80xi32, #tpu.memory_space<hbm>>
      %dma_wait3A_436 = tpu.memref_squeeze %dma_wait3A_435 : memref<1x2x80xi32, #tpu.memory_space<hbm>> -> memref<2x80xi32, #tpu.memory_space<hbm>>
      %dma_wait3A_437 = arith.constant 0 : i32
      %dma_wait3A_438 = arith.constant 0 : i32
      %dma_wait3A_439 = tpu.memref_slice %arg3[%dma_wait3A_432, %dma_wait3A_437, %dma_wait3A_438] : memref<4000x2x80xi32, #tpu.memory_space<hbm>> -> memref<1x2x80xi32, #tpu.memory_space<hbm>>
      %dma_wait3A_440 = tpu.memref_squeeze %dma_wait3A_439 : memref<1x2x80xi32, #tpu.memory_space<hbm>> -> memref<2x80xi32, #tpu.memory_space<hbm>>
      tpu.wait_dma2 semaphore(%arg27 : memref<!tpu.dma_semaphore, #tpu.memory_space<semaphore_mem>>) src(%dma_wait3A_440 : memref<2x80xi32, #tpu.memory_space<hbm>>) dst(%arg10 : memref<2x80xi32, #tpu.memory_space<vmem>>)
      %dma_wait3A_441 = arith.constant 0 : i32
      %dma_wait3A_442 = arith.constant 0 : i32
      %dma_wait3A_443 = arith.constant 0 : i32
      %dma_wait3A_444 = tpu.memref_slice %arg4[%dma_wait3A_441, %dma_wait3A_442, %dma_wait3A_443] : memref<4000x2x80xi32, #tpu.memory_space<hbm>> -> memref<1x2x80xi32, #tpu.memory_space<hbm>>
      %dma_wait3A_445 = tpu.memref_squeeze %dma_wait3A_444 : memref<1x2x80xi32, #tpu.memory_space<hbm>> -> memref<2x80xi32, #tpu.memory_space<hbm>>
      %dma_wait3A_446 = arith.constant 0 : i32
      %dma_wait3A_447 = arith.constant 0 : i32
      %dma_wait3A_448 = tpu.memref_slice %arg4[%dma_wait3A_441, %dma_wait3A_446, %dma_wait3A_447] : memref<4000x2x80xi32, #tpu.memory_space<hbm>> -> memref<1x2x80xi32, #tpu.memory_space<hbm>>
      %dma_wait3A_449 = tpu.memref_squeeze %dma_wait3A_448 : memref<1x2x80xi32, #tpu.memory_space<hbm>> -> memref<2x80xi32, #tpu.memory_space<hbm>>
      tpu.wait_dma2 semaphore(%arg31 : memref<!tpu.dma_semaphore, #tpu.memory_space<semaphore_mem>>) src(%dma_wait3A_449 : memref<2x80xi32, #tpu.memory_space<hbm>>) dst(%arg14 : memref<2x80xi32, #tpu.memory_space<vmem>>)
      %scan3A_450 = arith.constant 0 : i32
      %scan3A_451 = arith.constant 0 : i32
      %scan3A_452 = arith.constant 5 : i32
      %scan3A_453 = arith.addi %scan3A_451, %scan3A_452 : i32
      %scan3A_454 = arith.constant 1 : i32
      scf.for %scan3A_623 = %scan3A_451 to %scan3A_453 step %scan3A_454  : i32 {
        %mul3A_624 = arith.constant 16 : i32
        %mul3A_625 = arith.muli %scan3A_623, %mul3A_624 : i32
        %get3A = arith.constant 0 : i32
        %get3A_626 = arith.index_cast %get3A : i32 to index
        %get3A_627 = arith.index_cast %mul3A_625 : i32 to index
        %get3A_628 = tpu.vector_load %arg14[%get3A_626, %get3A_627] {strides = array<i32>} : memref<2x80xi32, #tpu.memory_space<vmem>>, vector<1x16xi32>,
        %get3A_629 = vector.shape_cast %get3A_628 : vector<1x16xi32> to vector<16xi32>
        %mul3A_630 = arith.constant 3 : i32
        %mul3A_631 = vector.broadcast %mul3A_630 : i32 to vector<16xi32>
        %mul3A_632 = arith.muli %get3A_629, %mul3A_631 : vector<16xi32>
        %mul3A_633 = arith.constant 16 : i32
        %mul3A_634 = arith.muli %scan3A_623, %mul3A_633 : i32
        %get3A_635 = arith.constant 1 : i32
        %get3A_636 = arith.index_cast %get3A_635 : i32 to index
        %get3A_637 = arith.index_cast %mul3A_634 : i32 to index
        %get3A_638 = tpu.vector_load %arg14[%get3A_636, %get3A_637] {strides = array<i32>} : memref<2x80xi32, #tpu.memory_space<vmem>>, vector<1x16xi32>,
        %get3A_639 = vector.shape_cast %get3A_638 : vector<1x16xi32> to vector<16xi32>
        %add3A_640 = arith.addi %mul3A_632, %get3A_639 : vector<16xi32>
        %mul3A_641 = arith.constant 4 : i32
        %mul3A_642 = arith.muli %add3A, %mul3A_641 : i32
        %add3A_643 = arith.constant 3 : i32
        %add3A_644 = arith.addi %mul3A_642, %add3A_643 : i32
        %mul3A_645 = arith.constant 16 : i32
        %mul3A_646 = arith.muli %add3A_644, %mul3A_645 : i32
        %add3A_647 = vector.broadcast %mul3A_646 : i32 to vector<16xi32>
        %add3A_648 = arith.addi %add3A_640, %add3A_647 : vector<16xi32>
        %mul3A_649 = arith.constant 16 : i32
        %mul3A_650 = arith.muli %scan3A_623, %mul3A_649 : i32
        %swap3A = arith.index_cast %mul3A_650 : i32 to index
        %swap3A_651 = tpu.vector_load %arg18[%swap3A] {strides = array<i32>} : memref<80xi32, #tpu.memory_space<vmem>>, vector<16xi32>,
        %swap3A_652 = vector.shape_cast %swap3A_651 : vector<16xi32> to vector<16xi32>
        %swap3A_653 = vector.shape_cast %add3A_648 : vector<16xi32> to vector<16xi32>
        tpu.vector_store %arg18[%swap3A], %swap3A_653 {strides = array<i32>} : memref<80xi32, #tpu.memory_space<vmem>>, vector<16xi32>,
      }
      %scan3A_455 = arith.constant 5 : i32
      %dma_start3A_456 = arith.constant 0 : i32
      %dma_start3A_457 = arith.constant 0 : i32
      %dma_start3A_458 = tpu.memref_slice %arg2[%dma_start3A_456, %dma_start3A_457] : memref<2048x128xf32, #tpu.memory_space<hbm>> -> memref<2048x128xf32, #tpu.memory_space<hbm>>
      tpu.enqueue_indirect_dma source(%dma_start3A_458 : memref<2048x128xf32, #tpu.memory_space<hbm>>) target(%arg22 : memref<80x128xf32, #tpu.memory_space<vmem>>) offsets(%arg18 : memref<80xi32, #tpu.memory_space<vmem>>) semaphore(%arg35 : memref<!tpu.dma_semaphore, #tpu.memory_space<semaphore_mem>>)
      %dma_wait3A_459 = arith.constant 0 : i32
      %dma_wait3A_460 = arith.constant 0 : i32
      %dma_wait3A_461 = tpu.memref_slice %arg5[%dma_wait3A_459, %dma_wait3A_460] : memref<10240x128xf32, #tpu.memory_space<hbm>> -> memref<80x128xf32, #tpu.memory_space<hbm>>
      %dma_wait3A_462 = arith.constant 0 : i32
      %dma_wait3A_463 = arith.constant 0 : i32
      %dma_wait3A_464 = tpu.memref_slice %arg5[%dma_wait3A_462, %dma_wait3A_463] : memref<10240x128xf32, #tpu.memory_space<hbm>> -> memref<80x128xf32, #tpu.memory_space<hbm>>
      tpu.wait_dma2 semaphore(%arg32 : memref<!tpu.dma_semaphore, #tpu.memory_space<semaphore_mem>>) src(%dma_wait3A_464 : memref<80x128xf32, #tpu.memory_space<hbm>>) dst(%arg19 : memref<80x128xf32, #tpu.memory_space<vmem>>)
      %dma_start3A_465 = arith.constant 1 : i32
      %dma_start3A_466 = arith.constant 0 : i32
      %dma_start3A_467 = tpu.memref_slice %arg7[%dma_start3A_465, %dma_start3A_466] : memref<2x80xi32, #tpu.memory_space<vmem>> -> memref<1x80xi32, #tpu.memory_space<vmem>>
      %dma_start3A_468 = tpu.memref_squeeze %dma_start3A_467 : memref<1x80xi32, #tpu.memory_space<vmem>> -> memref<80xi32, #tpu.memory_space<vmem>>
      %dma_start3A_469 = arith.constant 0 : i32
      %dma_start3A_470 = arith.constant 0 : i32
      %dma_start3A_471 = tpu.memref_slice %arg23[%dma_start3A_469, %dma_start3A_470] : memref<10240x128xf32, #tpu.memory_space<vmem_shared>> -> memref<10240x128xf32, #tpu.memory_space<vmem_shared>>
      tpu.enqueue_indirect_dma source(%arg19 : memref<80x128xf32, #tpu.memory_space<vmem>>) target(%dma_start3A_471 : memref<10240x128xf32, #tpu.memory_space<vmem_shared>>) offsets(%dma_start3A_468 : memref<80xi32, #tpu.memory_space<vmem>>) semaphore(%arg36 : memref<!tpu.dma_semaphore, #tpu.memory_space<semaphore_mem>>) {add = true}
      %dma_wait3A_472 = arith.constant 0 : i32
      %dma_wait3A_473 = arith.constant 0 : i32
      %dma_wait3A_474 = tpu.memref_slice %arg5[%dma_wait3A_472, %dma_wait3A_473] : memref<10240x128xf32, #tpu.memory_space<hbm>> -> memref<80x128xf32, #tpu.memory_space<hbm>>
      %dma_wait3A_475 = arith.constant 0 : i32
      %dma_wait3A_476 = arith.constant 0 : i32
      %dma_wait3A_477 = tpu.memref_slice %arg5[%dma_wait3A_475, %dma_wait3A_476] : memref<10240x128xf32, #tpu.memory_space<hbm>> -> memref<80x128xf32, #tpu.memory_space<hbm>>
      tpu.wait_dma2 semaphore(%arg33 : memref<!tpu.dma_semaphore, #tpu.memory_space<semaphore_mem>>) src(%dma_wait3A_477 : memref<80x128xf32, #tpu.memory_space<hbm>>) dst(%arg20 : memref<80x128xf32, #tpu.memory_space<vmem>>)
      %dma_start3A_478 = arith.constant 1 : i32
      %dma_start3A_479 = arith.constant 0 : i32
      %dma_start3A_480 = tpu.memref_slice %arg8[%dma_start3A_478, %dma_start3A_479] : memref<2x80xi32, #tpu.memory_space<vmem>> -> memref<1x80xi32, #tpu.memory_space<vmem>>
      %dma_start3A_481 = tpu.memref_squeeze %dma_start3A_480 : memref<1x80xi32, #tpu.memory_space<vmem>> -> memref<80xi32, #tpu.memory_space<vmem>>
      %dma_start3A_482 = arith.constant 0 : i32
      %dma_start3A_483 = arith.constant 0 : i32
      %dma_start3A_484 = tpu.memref_slice %arg23[%dma_start3A_482, %dma_start3A_483] : memref<10240x128xf32, #tpu.memory_space<vmem_shared>> -> memref<10240x128xf32, #tpu.memory_space<vmem_shared>>
      tpu.enqueue_indirect_dma source(%arg20 : memref<80x128xf32, #tpu.memory_space<vmem>>) target(%dma_start3A_484 : memref<10240x128xf32, #tpu.memory_space<vmem_shared>>) offsets(%dma_start3A_481 : memref<80xi32, #tpu.memory_space<vmem>>) semaphore(%arg37 : memref<!tpu.dma_semaphore, #tpu.memory_space<semaphore_mem>>) {add = true}
      %dma_wait3A_485 = arith.constant 0 : i32
      %dma_wait3A_486 = arith.constant 0 : i32
      %dma_wait3A_487 = tpu.memref_slice %arg5[%dma_wait3A_485, %dma_wait3A_486] : memref<10240x128xf32, #tpu.memory_space<hbm>> -> memref<80x128xf32, #tpu.memory_space<hbm>>
      %dma_wait3A_488 = arith.constant 0 : i32
      %dma_wait3A_489 = arith.constant 0 : i32
      %dma_wait3A_490 = tpu.memref_slice %arg5[%dma_wait3A_488, %dma_wait3A_489] : memref<10240x128xf32, #tpu.memory_space<hbm>> -> memref<80x128xf32, #tpu.memory_space<hbm>>
      tpu.wait_dma2 semaphore(%arg34 : memref<!tpu.dma_semaphore, #tpu.memory_space<semaphore_mem>>) src(%dma_wait3A_490 : memref<80x128xf32, #tpu.memory_space<hbm>>) dst(%arg21 : memref<80x128xf32, #tpu.memory_space<vmem>>)
      %dma_start3A_491 = arith.constant 1 : i32
      %dma_start3A_492 = arith.constant 0 : i32
      %dma_start3A_493 = tpu.memref_slice %arg9[%dma_start3A_491, %dma_start3A_492] : memref<2x80xi32, #tpu.memory_space<vmem>> -> memref<1x80xi32, #tpu.memory_space<vmem>>
      %dma_start3A_494 = tpu.memref_squeeze %dma_start3A_493 : memref<1x80xi32, #tpu.memory_space<vmem>> -> memref<80xi32, #tpu.memory_space<vmem>>
      %dma_start3A_495 = arith.constant 0 : i32
      %dma_start3A_496 = arith.constant 0 : i32
      %dma_start3A_497 = tpu.memref_slice %arg23[%dma_start3A_495, %dma_start3A_496] : memref<10240x128xf32, #tpu.memory_space<vmem_shared>> -> memref<10240x128xf32, #tpu.memory_space<vmem_shared>>
      tpu.enqueue_indirect_dma source(%arg21 : memref<80x128xf32, #tpu.memory_space<vmem>>) target(%dma_start3A_497 : memref<10240x128xf32, #tpu.memory_space<vmem_shared>>) offsets(%dma_start3A_494 : memref<80xi32, #tpu.memory_space<vmem>>) semaphore(%arg38 : memref<!tpu.dma_semaphore, #tpu.memory_space<semaphore_mem>>) {add = true}
      %dma_wait3A_498 = arith.constant 0 : i32
      %dma_wait3A_499 = arith.constant 0 : i32
      %dma_wait3A_500 = tpu.memref_slice %arg5[%dma_wait3A_498, %dma_wait3A_499] : memref<10240x128xf32, #tpu.memory_space<hbm>> -> memref<80x128xf32, #tpu.memory_space<hbm>>
      %dma_wait3A_501 = arith.constant 0 : i32
      %dma_wait3A_502 = arith.constant 0 : i32
      %dma_wait3A_503 = tpu.memref_slice %arg5[%dma_wait3A_501, %dma_wait3A_502] : memref<10240x128xf32, #tpu.memory_space<hbm>> -> memref<80x128xf32, #tpu.memory_space<hbm>>
      tpu.wait_dma2 semaphore(%arg35 : memref<!tpu.dma_semaphore, #tpu.memory_space<semaphore_mem>>) src(%dma_wait3A_503 : memref<80x128xf32, #tpu.memory_space<hbm>>) dst(%arg22 : memref<80x128xf32, #tpu.memory_space<vmem>>)
      %dma_start3A_504 = arith.constant 1 : i32
      %dma_start3A_505 = arith.constant 0 : i32
      %dma_start3A_506 = tpu.memref_slice %arg10[%dma_start3A_504, %dma_start3A_505] : memref<2x80xi32, #tpu.memory_space<vmem>> -> memref<1x80xi32, #tpu.memory_space<vmem>>
      %dma_start3A_507 = tpu.memref_squeeze %dma_start3A_506 : memref<1x80xi32, #tpu.memory_space<vmem>> -> memref<80xi32, #tpu.memory_space<vmem>>
      %dma_start3A_508 = arith.constant 0 : i32
      %dma_start3A_509 = arith.constant 0 : i32
      %dma_start3A_510 = tpu.memref_slice %arg23[%dma_start3A_508, %dma_start3A_509] : memref<10240x128xf32, #tpu.memory_space<vmem_shared>> -> memref<10240x128xf32, #tpu.memory_space<vmem_shared>>
      tpu.enqueue_indirect_dma source(%arg22 : memref<80x128xf32, #tpu.memory_space<vmem>>) target(%dma_start3A_510 : memref<10240x128xf32, #tpu.memory_space<vmem_shared>>) offsets(%dma_start3A_507 : memref<80xi32, #tpu.memory_space<vmem>>) semaphore(%arg39 : memref<!tpu.dma_semaphore, #tpu.memory_space<semaphore_mem>>) {add = true}
      %dma_wait3A_511 = arith.constant 0 : i32
      %dma_wait3A_512 = arith.constant 0 : i32
      %dma_wait3A_513 = tpu.memref_slice %arg5[%dma_wait3A_511, %dma_wait3A_512] : memref<10240x128xf32, #tpu.memory_space<hbm>> -> memref<80x128xf32, #tpu.memory_space<hbm>>
      %dma_wait3A_514 = arith.constant 0 : i32
      %dma_wait3A_515 = arith.constant 0 : i32
      %dma_wait3A_516 = tpu.memref_slice %arg5[%dma_wait3A_514, %dma_wait3A_515] : memref<10240x128xf32, #tpu.memory_space<hbm>> -> memref<80x128xf32, #tpu.memory_space<hbm>>
      tpu.wait_dma2 semaphore(%arg36 : memref<!tpu.dma_semaphore, #tpu.memory_space<semaphore_mem>>) src(%dma_wait3A_516 : memref<80x128xf32, #tpu.memory_space<hbm>>) dst(%arg19 : memref<80x128xf32, #tpu.memory_space<vmem>>)
      %add3A_517 = arith.constant 4 : i32
      %add3A_518 = arith.addi %mul3A_350, %add3A_517 : i32
      %add3A_519 = arith.constant 0 : i32
      %add3A_520 = arith.addi %add3A_518, %add3A_519 : i32
      %add3A_521 = arith.addi %mul3A_2, %add3A_520 : i32
      %dma_start3A_522 = arith.constant 0 : i32
      %dma_start3A_523 = arith.constant 0 : i32
      %dma_start3A_524 = tpu.memref_slice %arg3[%add3A_521, %dma_start3A_522, %dma_start3A_523] : memref<4000x2x80xi32, #tpu.memory_space<hbm>> -> memref<1x2x80xi32, #tpu.memory_space<hbm>>
      %dma_start3A_525 = tpu.memref_squeeze %dma_start3A_524 : memref<1x2x80xi32, #tpu.memory_space<hbm>> -> memref<2x80xi32, #tpu.memory_space<hbm>>
      %dma_start3A_526 = arith.constant 0 : i32
      %dma_start3A_527 = arith.constant 0 : i32
      %dma_start3A_528 = tpu.memref_slice %arg3[%add3A_521, %dma_start3A_526, %dma_start3A_527] : memref<4000x2x80xi32, #tpu.memory_space<hbm>> -> memref<1x2x80xi32, #tpu.memory_space<hbm>>
      %dma_start3A_529 = tpu.memref_squeeze %dma_start3A_528 : memref<1x2x80xi32, #tpu.memory_space<hbm>> -> memref<2x80xi32, #tpu.memory_space<hbm>>
      tpu.enqueue_dma source(%dma_start3A_529 : memref<2x80xi32, #tpu.memory_space<hbm>>) target(%arg7 : memref<2x80xi32, #tpu.memory_space<vmem>>) target_semaphore(%arg24 : memref<!tpu.dma_semaphore, #tpu.memory_space<semaphore_mem>>)
      %add3A_530 = arith.addi %mul3A_2, %add3A_520 : i32
      %dma_start3A_531 = arith.constant 0 : i32
      %dma_start3A_532 = arith.constant 0 : i32
      %dma_start3A_533 = tpu.memref_slice %arg4[%add3A_530, %dma_start3A_531, %dma_start3A_532] : memref<4000x2x80xi32, #tpu.memory_space<hbm>> -> memref<1x2x80xi32, #tpu.memory_space<hbm>>
      %dma_start3A_534 = tpu.memref_squeeze %dma_start3A_533 : memref<1x2x80xi32, #tpu.memory_space<hbm>> -> memref<2x80xi32, #tpu.memory_space<hbm>>
      %dma_start3A_535 = arith.constant 0 : i32
      %dma_start3A_536 = arith.constant 0 : i32
      %dma_start3A_537 = tpu.memref_slice %arg4[%add3A_530, %dma_start3A_535, %dma_start3A_536] : memref<4000x2x80xi32, #tpu.memory_space<hbm>> -> memref<1x2x80xi32, #tpu.memory_space<hbm>>
      %dma_start3A_538 = tpu.memref_squeeze %dma_start3A_537 : memref<1x2x80xi32, #tpu.memory_space<hbm>> -> memref<2x80xi32, #tpu.memory_space<hbm>>
      tpu.enqueue_dma source(%dma_start3A_538 : memref<2x80xi32, #tpu.memory_space<hbm>>) target(%arg11 : memref<2x80xi32, #tpu.memory_space<vmem>>) target_semaphore(%arg28 : memref<!tpu.dma_semaphore, #tpu.memory_space<semaphore_mem>>)
      %dma_wait3A_539 = arith.constant 0 : i32
      %dma_wait3A_540 = arith.constant 0 : i32
      %dma_wait3A_541 = tpu.memref_slice %arg5[%dma_wait3A_539, %dma_wait3A_540] : memref<10240x128xf32, #tpu.memory_space<hbm>> -> memref<80x128xf32, #tpu.memory_space<hbm>>
      %dma_wait3A_542 = arith.constant 0 : i32
      %dma_wait3A_543 = arith.constant 0 : i32
      %dma_wait3A_544 = tpu.memref_slice %arg5[%dma_wait3A_542, %dma_wait3A_543] : memref<10240x128xf32, #tpu.memory_space<hbm>> -> memref<80x128xf32, #tpu.memory_space<hbm>>
      tpu.wait_dma2 semaphore(%arg37 : memref<!tpu.dma_semaphore, #tpu.memory_space<semaphore_mem>>) src(%dma_wait3A_544 : memref<80x128xf32, #tpu.memory_space<hbm>>) dst(%arg20 : memref<80x128xf32, #tpu.memory_space<vmem>>)
      %add3A_545 = arith.constant 4 : i32
      %add3A_546 = arith.addi %mul3A_350, %add3A_545 : i32
      %add3A_547 = arith.constant 1 : i32
      %add3A_548 = arith.addi %add3A_546, %add3A_547 : i32
      %add3A_549 = arith.addi %mul3A_2, %add3A_548 : i32
      %dma_start3A_550 = arith.constant 0 : i32
      %dma_start3A_551 = arith.constant 0 : i32
      %dma_start3A_552 = tpu.memref_slice %arg3[%add3A_549, %dma_start3A_550, %dma_start3A_551] : memref<4000x2x80xi32, #tpu.memory_space<hbm>> -> memref<1x2x80xi32, #tpu.memory_space<hbm>>
      %dma_start3A_553 = tpu.memref_squeeze %dma_start3A_552 : memref<1x2x80xi32, #tpu.memory_space<hbm>> -> memref<2x80xi32, #tpu.memory_space<hbm>>
      %dma_start3A_554 = arith.constant 0 : i32
      %dma_start3A_555 = arith.constant 0 : i32
      %dma_start3A_556 = tpu.memref_slice %arg3[%add3A_549, %dma_start3A_554, %dma_start3A_555] : memref<4000x2x80xi32, #tpu.memory_space<hbm>> -> memref<1x2x80xi32, #tpu.memory_space<hbm>>
      %dma_start3A_557 = tpu.memref_squeeze %dma_start3A_556 : memref<1x2x80xi32, #tpu.memory_space<hbm>> -> memref<2x80xi32, #tpu.memory_space<hbm>>
      tpu.enqueue_dma source(%dma_start3A_557 : memref<2x80xi32, #tpu.memory_space<hbm>>) target(%arg8 : memref<2x80xi32, #tpu.memory_space<vmem>>) target_semaphore(%arg25 : memref<!tpu.dma_semaphore, #tpu.memory_space<semaphore_mem>>)
      %add3A_558 = arith.addi %mul3A_2, %add3A_548 : i32
      %dma_start3A_559 = arith.constant 0 : i32
      %dma_start3A_560 = arith.constant 0 : i32
      %dma_start3A_561 = tpu.memref_slice %arg4[%add3A_558, %dma_start3A_559, %dma_start3A_560] : memref<4000x2x80xi32, #tpu.memory_space<hbm>> -> memref<1x2x80xi32, #tpu.memory_space<hbm>>
      %dma_start3A_562 = tpu.memref_squeeze %dma_start3A_561 : memref<1x2x80xi32, #tpu.memory_space<hbm>> -> memref<2x80xi32, #tpu.memory_space<hbm>>
      %dma_start3A_563 = arith.constant 0 : i32
      %dma_start3A_564 = arith.constant 0 : i32
      %dma_start3A_565 = tpu.memref_slice %arg4[%add3A_558, %dma_start3A_563, %dma_start3A_564] : memref<4000x2x80xi32, #tpu.memory_space<hbm>> -> memref<1x2x80xi32, #tpu.memory_space<hbm>>
      %dma_start3A_566 = tpu.memref_squeeze %dma_start3A_565 : memref<1x2x80xi32, #tpu.memory_space<hbm>> -> memref<2x80xi32, #tpu.memory_space<hbm>>
      tpu.enqueue_dma source(%dma_start3A_566 : memref<2x80xi32, #tpu.memory_space<hbm>>) target(%arg12 : memref<2x80xi32, #tpu.memory_space<vmem>>) target_semaphore(%arg29 : memref<!tpu.dma_semaphore, #tpu.memory_space<semaphore_mem>>)
      %dma_wait3A_567 = arith.constant 0 : i32
      %dma_wait3A_568 = arith.constant 0 : i32
      %dma_wait3A_569 = tpu.memref_slice %arg5[%dma_wait3A_567, %dma_wait3A_568] : memref<10240x128xf32, #tpu.memory_space<hbm>> -> memref<80x128xf32, #tpu.memory_space<hbm>>
      %dma_wait3A_570 = arith.constant 0 : i32
      %dma_wait3A_571 = arith.constant 0 : i32
      %dma_wait3A_572 = tpu.memref_slice %arg5[%dma_wait3A_570, %dma_wait3A_571] : memref<10240x128xf32, #tpu.memory_space<hbm>> -> memref<80x128xf32, #tpu.memory_space<hbm>>
      tpu.wait_dma2 semaphore(%arg38 : memref<!tpu.dma_semaphore, #tpu.memory_space<semaphore_mem>>) src(%dma_wait3A_572 : memref<80x128xf32, #tpu.memory_space<hbm>>) dst(%arg21 : memref<80x128xf32, #tpu.memory_space<vmem>>)
      %add3A_573 = arith.constant 4 : i32
      %add3A_574 = arith.addi %mul3A_350, %add3A_573 : i32
      %add3A_575 = arith.constant 2 : i32
      %add3A_576 = arith.addi %add3A_574, %add3A_575 : i32
      %add3A_577 = arith.addi %mul3A_2, %add3A_576 : i32
      %dma_start3A_578 = arith.constant 0 : i32
      %dma_start3A_579 = arith.constant 0 : i32
      %dma_start3A_580 = tpu.memref_slice %arg3[%add3A_577, %dma_start3A_578, %dma_start3A_579] : memref<4000x2x80xi32, #tpu.memory_space<hbm>> -> memref<1x2x80xi32, #tpu.memory_space<hbm>>
      %dma_start3A_581 = tpu.memref_squeeze %dma_start3A_580 : memref<1x2x80xi32, #tpu.memory_space<hbm>> -> memref<2x80xi32, #tpu.memory_space<hbm>>
      %dma_start3A_582 = arith.constant 0 : i32
      %dma_start3A_583 = arith.constant 0 : i32
      %dma_start3A_584 = tpu.memref_slice %arg3[%add3A_577, %dma_start3A_582, %dma_start3A_583] : memref<4000x2x80xi32, #tpu.memory_space<hbm>> -> memref<1x2x80xi32, #tpu.memory_space<hbm>>
      %dma_start3A_585 = tpu.memref_squeeze %dma_start3A_584 : memref<1x2x80xi32, #tpu.memory_space<hbm>> -> memref<2x80xi32, #tpu.memory_space<hbm>>
      tpu.enqueue_dma source(%dma_start3A_585 : memref<2x80xi32, #tpu.memory_space<hbm>>) target(%arg9 : memref<2x80xi32, #tpu.memory_space<vmem>>) target_semaphore(%arg26 : memref<!tpu.dma_semaphore, #tpu.memory_space<semaphore_mem>>)
      %add3A_586 = arith.addi %mul3A_2, %add3A_576 : i32
      %dma_start3A_587 = arith.constant 0 : i32
      %dma_start3A_588 = arith.constant 0 : i32
      %dma_start3A_589 = tpu.memref_slice %arg4[%add3A_586, %dma_start3A_587, %dma_start3A_588] : memref<4000x2x80xi32, #tpu.memory_space<hbm>> -> memref<1x2x80xi32, #tpu.memory_space<hbm>>
      %dma_start3A_590 = tpu.memref_squeeze %dma_start3A_589 : memref<1x2x80xi32, #tpu.memory_space<hbm>> -> memref<2x80xi32, #tpu.memory_space<hbm>>
      %dma_start3A_591 = arith.constant 0 : i32
      %dma_start3A_592 = arith.constant 0 : i32
      %dma_start3A_593 = tpu.memref_slice %arg4[%add3A_586, %dma_start3A_591, %dma_start3A_592] : memref<4000x2x80xi32, #tpu.memory_space<hbm>> -> memref<1x2x80xi32, #tpu.memory_space<hbm>>
      %dma_start3A_594 = tpu.memref_squeeze %dma_start3A_593 : memref<1x2x80xi32, #tpu.memory_space<hbm>> -> memref<2x80xi32, #tpu.memory_space<hbm>>
      tpu.enqueue_dma source(%dma_start3A_594 : memref<2x80xi32, #tpu.memory_space<hbm>>) target(%arg13 : memref<2x80xi32, #tpu.memory_space<vmem>>) target_semaphore(%arg30 : memref<!tpu.dma_semaphore, #tpu.memory_space<semaphore_mem>>)
      %dma_wait3A_595 = arith.constant 0 : i32
      %dma_wait3A_596 = arith.constant 0 : i32
      %dma_wait3A_597 = tpu.memref_slice %arg5[%dma_wait3A_595, %dma_wait3A_596] : memref<10240x128xf32, #tpu.memory_space<hbm>> -> memref<80x128xf32, #tpu.memory_space<hbm>>
      %dma_wait3A_598 = arith.constant 0 : i32
      %dma_wait3A_599 = arith.constant 0 : i32
      %dma_wait3A_600 = tpu.memref_slice %arg5[%dma_wait3A_598, %dma_wait3A_599] : memref<10240x128xf32, #tpu.memory_space<hbm>> -> memref<80x128xf32, #tpu.memory_space<hbm>>
      tpu.wait_dma2 semaphore(%arg39 : memref<!tpu.dma_semaphore, #tpu.memory_space<semaphore_mem>>) src(%dma_wait3A_600 : memref<80x128xf32, #tpu.memory_space<hbm>>) dst(%arg22 : memref<80x128xf32, #tpu.memory_space<vmem>>)
      %add3A_601 = arith.constant 4 : i32
      %add3A_602 = arith.addi %mul3A_350, %add3A_601 : i32
      %add3A_603 = arith.constant 3 : i32
      %add3A_604 = arith.addi %add3A_602, %add3A_603 : i32
      %add3A_605 = arith.addi %mul3A_2, %add3A_604 : i32
      %dma_start3A_606 = arith.constant 0 : i32
      %dma_start3A_607 = arith.constant 0 : i32
      %dma_start3A_608 = tpu.memref_slice %arg3[%add3A_605, %dma_start3A_606, %dma_start3A_607] : memref<4000x2x80xi32, #tpu.memory_space<hbm>> -> memref<1x2x80xi32, #tpu.memory_space<hbm>>
      %dma_start3A_609 = tpu.memref_squeeze %dma_start3A_608 : memref<1x2x80xi32, #tpu.memory_space<hbm>> -> memref<2x80xi32, #tpu.memory_space<hbm>>
      %dma_start3A_610 = arith.constant 0 : i32
      %dma_start3A_611 = arith.constant 0 : i32
      %dma_start3A_612 = tpu.memref_slice %arg3[%add3A_605, %dma_start3A_610, %dma_start3A_611] : memref<4000x2x80xi32, #tpu.memory_space<hbm>> -> memref<1x2x80xi32, #tpu.memory_space<hbm>>
      %dma_start3A_613 = tpu.memref_squeeze %dma_start3A_612 : memref<1x2x80xi32, #tpu.memory_space<hbm>> -> memref<2x80xi32, #tpu.memory_space<hbm>>
      tpu.enqueue_dma source(%dma_start3A_613 : memref<2x80xi32, #tpu.memory_space<hbm>>) target(%arg10 : memref<2x80xi32, #tpu.memory_space<vmem>>) target_semaphore(%arg27 : memref<!tpu.dma_semaphore, #tpu.memory_space<semaphore_mem>>)
      %add3A_614 = arith.addi %mul3A_2, %add3A_604 : i32
      %dma_start3A_615 = arith.constant 0 : i32
      %dma_start3A_616 = arith.constant 0 : i32
      %dma_start3A_617 = tpu.memref_slice %arg4[%add3A_614, %dma_start3A_615, %dma_start3A_616] : memref<4000x2x80xi32, #tpu.memory_space<hbm>> -> memref<1x2x80xi32, #tpu.memory_space<hbm>>
      %dma_start3A_618 = tpu.memref_squeeze %dma_start3A_617 : memref<1x2x80xi32, #tpu.memory_space<hbm>> -> memref<2x80xi32, #tpu.memory_space<hbm>>
      %dma_start3A_619 = arith.constant 0 : i32
      %dma_start3A_620 = arith.constant 0 : i32
      %dma_start3A_621 = tpu.memref_slice %arg4[%add3A_614, %dma_start3A_619, %dma_start3A_620] : memref<4000x2x80xi32, #tpu.memory_space<hbm>> -> memref<1x2x80xi32, #tpu.memory_space<hbm>>
      %dma_start3A_622 = tpu.memref_squeeze %dma_start3A_621 : memref<1x2x80xi32, #tpu.memory_space<hbm>> -> memref<2x80xi32, #tpu.memory_space<hbm>>
      tpu.enqueue_dma source(%dma_start3A_622 : memref<2x80xi32, #tpu.memory_space<hbm>>) target(%arg14 : memref<2x80xi32, #tpu.memory_space<vmem>>) target_semaphore(%arg31 : memref<!tpu.dma_semaphore, #tpu.memory_space<semaphore_mem>>)
    }
    %scan3A_90 = arith.constant 30 : i32
    %dma_wait3A = arith.constant 0 : i32
    %dma_wait3A_91 = arith.constant 0 : i32
    %dma_wait3A_92 = arith.constant 0 : i32
    %dma_wait3A_93 = tpu.memref_slice %arg3[%dma_wait3A, %dma_wait3A_91, %dma_wait3A_92] : memref<4000x2x80xi32, #tpu.memory_space<hbm>> -> memref<1x2x80xi32, #tpu.memory_space<hbm>>
    %dma_wait3A_94 = tpu.memref_squeeze %dma_wait3A_93 : memref<1x2x80xi32, #tpu.memory_space<hbm>> -> memref<2x80xi32, #tpu.memory_space<hbm>>
    %dma_wait3A_95 = arith.constant 0 : i32
    %dma_wait3A_96 = arith.constant 0 : i32
    %dma_wait3A_97 = tpu.memref_slice %arg3[%dma_wait3A, %dma_wait3A_95, %dma_wait3A_96] : memref<4000x2x80xi32, #tpu.memory_space<hbm>> -> memref<1x2x80xi32, #tpu.memory_space<hbm>>
    %dma_wait3A_98 = tpu.memref_squeeze %dma_wait3A_97 : memref<1x2x80xi32, #tpu.memory_space<hbm>> -> memref<2x80xi32, #tpu.memory_space<hbm>>
    tpu.wait_dma2 semaphore(%arg24 : memref<!tpu.dma_semaphore, #tpu.memory_space<semaphore_mem>>) src(%dma_wait3A_98 : memref<2x80xi32, #tpu.memory_space<hbm>>) dst(%arg7 : memref<2x80xi32, #tpu.memory_space<vmem>>)
    %dma_wait3A_99 = arith.constant 0 : i32
    %dma_wait3A_100 = arith.constant 0 : i32
    %dma_wait3A_101 = arith.constant 0 : i32
    %dma_wait3A_102 = tpu.memref_slice %arg4[%dma_wait3A_99, %dma_wait3A_100, %dma_wait3A_101] : memref<4000x2x80xi32, #tpu.memory_space<hbm>> -> memref<1x2x80xi32, #tpu.memory_space<hbm>>
    %dma_wait3A_103 = tpu.memref_squeeze %dma_wait3A_102 : memref<1x2x80xi32, #tpu.memory_space<hbm>> -> memref<2x80xi32, #tpu.memory_space<hbm>>
    %dma_wait3A_104 = arith.constant 0 : i32
    %dma_wait3A_105 = arith.constant 0 : i32
    %dma_wait3A_106 = tpu.memref_slice %arg4[%dma_wait3A_99, %dma_wait3A_104, %dma_wait3A_105] : memref<4000x2x80xi32, #tpu.memory_space<hbm>> -> memref<1x2x80xi32, #tpu.memory_space<hbm>>
    %dma_wait3A_107 = tpu.memref_squeeze %dma_wait3A_106 : memref<1x2x80xi32, #tpu.memory_space<hbm>> -> memref<2x80xi32, #tpu.memory_space<hbm>>
    tpu.wait_dma2 semaphore(%arg28 : memref<!tpu.dma_semaphore, #tpu.memory_space<semaphore_mem>>) src(%dma_wait3A_107 : memref<2x80xi32, #tpu.memory_space<hbm>>) dst(%arg11 : memref<2x80xi32, #tpu.memory_space<vmem>>)
    %scan3A_108 = arith.constant 0 : i32
    %scan3A_109 = arith.constant 0 : i32
    %scan3A_110 = arith.constant 5 : i32
    %scan3A_111 = arith.addi %scan3A_109, %scan3A_110 : i32
    %scan3A_112 = arith.constant 1 : i32
    scf.for %scan3A_348 = %scan3A_109 to %scan3A_111 step %scan3A_112  : i32 {
      %mul3A_349 = arith.constant 16 : i32
      %mul3A_350 = arith.muli %scan3A_348, %mul3A_349 : i32
      %get3A = arith.constant 0 : i32
      %get3A_351 = arith.index_cast %get3A : i32 to index
      %get3A_352 = arith.index_cast %mul3A_350 : i32 to index
      %get3A_353 = tpu.vector_load %arg11[%get3A_351, %get3A_352] {strides = array<i32>} : memref<2x80xi32, #tpu.memory_space<vmem>>, vector<1x16xi32>,
      %get3A_354 = vector.shape_cast %get3A_353 : vector<1x16xi32> to vector<16xi32>
      %mul3A_355 = arith.constant 3 : i32
      %mul3A_356 = vector.broadcast %mul3A_355 : i32 to vector<16xi32>
      %mul3A_357 = arith.muli %get3A_354, %mul3A_356 : vector<16xi32>
      %mul3A_358 = arith.constant 16 : i32
      %mul3A_359 = arith.muli %scan3A_348, %mul3A_358 : i32
      %get3A_360 = arith.constant 1 : i32
      %get3A_361 = arith.index_cast %get3A_360 : i32 to index
      %get3A_362 = arith.index_cast %mul3A_359 : i32 to index
      %get3A_363 = tpu.vector_load %arg11[%get3A_361, %get3A_362] {strides = array<i32>} : memref<2x80xi32, #tpu.memory_space<vmem>>, vector<1x16xi32>,
      %get3A_364 = vector.shape_cast %get3A_363 : vector<1x16xi32> to vector<16xi32>
      %add3A_365 = arith.addi %mul3A_357, %get3A_364 : vector<16xi32>
      %mul3A_366 = arith.constant 4 : i32
      %mul3A_367 = arith.muli %add3A, %mul3A_366 : i32
      %add3A_368 = arith.constant 0 : i32
      %add3A_369 = arith.addi %mul3A_367, %add3A_368 : i32
      %mul3A_370 = arith.constant 16 : i32
      %mul3A_371 = arith.muli %add3A_369, %mul3A_370 : i32
      %add3A_372 = vector.broadcast %mul3A_371 : i32 to vector<16xi32>
      %add3A_373 = arith.addi %add3A_365, %add3A_372 : vector<16xi32>
      %mul3A_374 = arith.constant 16 : i32
      %mul3A_375 = arith.muli %scan3A_348, %mul3A_374 : i32
      %swap3A = arith.index_cast %mul3A_375 : i32 to index
      %swap3A_376 = tpu.vector_load %arg15[%swap3A] {strides = array<i32>} : memref<80xi32, #tpu.memory_space<vmem>>, vector<16xi32>,
      %swap3A_377 = vector.shape_cast %swap3A_376 : vector<16xi32> to vector<16xi32>
      %swap3A_378 = vector.shape_cast %add3A_373 : vector<16xi32> to vector<16xi32>
      tpu.vector_store %arg15[%swap3A], %swap3A_378 {strides = array<i32>} : memref<80xi32, #tpu.memory_space<vmem>>, vector<16xi32>,
    }
    %scan3A_113 = arith.constant 5 : i32
    %dma_start3A_114 = arith.constant 0 : i32
    %dma_start3A_115 = arith.constant 0 : i32
    %dma_start3A_116 = tpu.memref_slice %arg2[%dma_start3A_114, %dma_start3A_115] : memref<2048x128xf32, #tpu.memory_space<hbm>> -> memref<2048x128xf32, #tpu.memory_space<hbm>>
    tpu.enqueue_indirect_dma source(%dma_start3A_116 : memref<2048x128xf32, #tpu.memory_space<hbm>>) target(%arg19 : memref<80x128xf32, #tpu.memory_space<vmem>>) offsets(%arg15 : memref<80xi32, #tpu.memory_space<vmem>>) semaphore(%arg32 : memref<!tpu.dma_semaphore, #tpu.memory_space<semaphore_mem>>)
    %dma_wait3A_117 = arith.constant 0 : i32
    %dma_wait3A_118 = arith.constant 0 : i32
    %dma_wait3A_119 = arith.constant 0 : i32
    %dma_wait3A_120 = tpu.memref_slice %arg3[%dma_wait3A_117, %dma_wait3A_118, %dma_wait3A_119] : memref<4000x2x80xi32, #tpu.memory_space<hbm>> -> memref<1x2x80xi32, #tpu.memory_space<hbm>>
    %dma_wait3A_121 = tpu.memref_squeeze %dma_wait3A_120 : memref<1x2x80xi32, #tpu.memory_space<hbm>> -> memref<2x80xi32, #tpu.memory_space<hbm>>
    %dma_wait3A_122 = arith.constant 0 : i32
    %dma_wait3A_123 = arith.constant 0 : i32
    %dma_wait3A_124 = tpu.memref_slice %arg3[%dma_wait3A_117, %dma_wait3A_122, %dma_wait3A_123] : memref<4000x2x80xi32, #tpu.memory_space<hbm>> -> memref<1x2x80xi32, #tpu.memory_space<hbm>>
    %dma_wait3A_125 = tpu.memref_squeeze %dma_wait3A_124 : memref<1x2x80xi32, #tpu.memory_space<hbm>> -> memref<2x80xi32, #tpu.memory_space<hbm>>
    tpu.wait_dma2 semaphore(%arg25 : memref<!tpu.dma_semaphore, #tpu.memory_space<semaphore_mem>>) src(%dma_wait3A_125 : memref<2x80xi32, #tpu.memory_space<hbm>>) dst(%arg8 : memref<2x80xi32, #tpu.memory_space<vmem>>)
    %dma_wait3A_126 = arith.constant 0 : i32
    %dma_wait3A_127 = arith.constant 0 : i32
    %dma_wait3A_128 = arith.constant 0 : i32
    %dma_wait3A_129 = tpu.memref_slice %arg4[%dma_wait3A_126, %dma_wait3A_127, %dma_wait3A_128] : memref<4000x2x80xi32, #tpu.memory_space<hbm>> -> memref<1x2x80xi32, #tpu.memory_space<hbm>>
    %dma_wait3A_130 = tpu.memref_squeeze %dma_wait3A_129 : memref<1x2x80xi32, #tpu.memory_space<hbm>> -> memref<2x80xi32, #tpu.memory_space<hbm>>
    %dma_wait3A_131 = arith.constant 0 : i32
    %dma_wait3A_132 = arith.constant 0 : i32
    %dma_wait3A_133 = tpu.memref_slice %arg4[%dma_wait3A_126, %dma_wait3A_131, %dma_wait3A_132] : memref<4000x2x80xi32, #tpu.memory_space<hbm>> -> memref<1x2x80xi32, #tpu.memory_space<hbm>>
    %dma_wait3A_134 = tpu.memref_squeeze %dma_wait3A_133 : memref<1x2x80xi32, #tpu.memory_space<hbm>> -> memref<2x80xi32, #tpu.memory_space<hbm>>
    tpu.wait_dma2 semaphore(%arg29 : memref<!tpu.dma_semaphore, #tpu.memory_space<semaphore_mem>>) src(%dma_wait3A_134 : memref<2x80xi32, #tpu.memory_space<hbm>>) dst(%arg12 : memref<2x80xi32, #tpu.memory_space<vmem>>)
    %scan3A_135 = arith.constant 0 : i32
    %scan3A_136 = arith.constant 0 : i32
    %scan3A_137 = arith.constant 5 : i32
    %scan3A_138 = arith.addi %scan3A_136, %scan3A_137 : i32
    %scan3A_139 = arith.constant 1 : i32
    scf.for %scan3A_348 = %scan3A_136 to %scan3A_138 step %scan3A_139  : i32 {
      %mul3A_349 = arith.constant 16 : i32
      %mul3A_350 = arith.muli %scan3A_348, %mul3A_349 : i32
      %get3A = arith.constant 0 : i32
      %get3A_351 = arith.index_cast %get3A : i32 to index
      %get3A_352 = arith.index_cast %mul3A_350 : i32 to index
      %get3A_353 = tpu.vector_load %arg12[%get3A_351, %get3A_352] {strides = array<i32>} : memref<2x80xi32, #tpu.memory_space<vmem>>, vector<1x16xi32>,
      %get3A_354 = vector.shape_cast %get3A_353 : vector<1x16xi32> to vector<16xi32>
      %mul3A_355 = arith.constant 3 : i32
      %mul3A_356 = vector.broadcast %mul3A_355 : i32 to vector<16xi32>
      %mul3A_357 = arith.muli %get3A_354, %mul3A_356 : vector<16xi32>
      %mul3A_358 = arith.constant 16 : i32
      %mul3A_359 = arith.muli %scan3A_348, %mul3A_358 : i32
      %get3A_360 = arith.constant 1 : i32
      %get3A_361 = arith.index_cast %get3A_360 : i32 to index
      %get3A_362 = arith.index_cast %mul3A_359 : i32 to index
      %get3A_363 = tpu.vector_load %arg12[%get3A_361, %get3A_362] {strides = array<i32>} : memref<2x80xi32, #tpu.memory_space<vmem>>, vector<1x16xi32>,
      %get3A_364 = vector.shape_cast %get3A_363 : vector<1x16xi32> to vector<16xi32>
      %add3A_365 = arith.addi %mul3A_357, %get3A_364 : vector<16xi32>
      %mul3A_366 = arith.constant 4 : i32
      %mul3A_367 = arith.muli %add3A, %mul3A_366 : i32
      %add3A_368 = arith.constant 1 : i32
      %add3A_369 = arith.addi %mul3A_367, %add3A_368 : i32
      %mul3A_370 = arith.constant 16 : i32
      %mul3A_371 = arith.muli %add3A_369, %mul3A_370 : i32
      %add3A_372 = vector.broadcast %mul3A_371 : i32 to vector<16xi32>
      %add3A_373 = arith.addi %add3A_365, %add3A_372 : vector<16xi32>
      %mul3A_374 = arith.constant 16 : i32
      %mul3A_375 = arith.muli %scan3A_348, %mul3A_374 : i32
      %swap3A = arith.index_cast %mul3A_375 : i32 to index
      %swap3A_376 = tpu.vector_load %arg16[%swap3A] {strides = array<i32>} : memref<80xi32, #tpu.memory_space<vmem>>, vector<16xi32>,
      %swap3A_377 = vector.shape_cast %swap3A_376 : vector<16xi32> to vector<16xi32>
      %swap3A_378 = vector.shape_cast %add3A_373 : vector<16xi32> to vector<16xi32>
      tpu.vector_store %arg16[%swap3A], %swap3A_378 {strides = array<i32>} : memref<80xi32, #tpu.memory_space<vmem>>, vector<16xi32>,
    }
    %scan3A_140 = arith.constant 5 : i32
    %dma_start3A_141 = arith.constant 0 : i32
    %dma_start3A_142 = arith.constant 0 : i32
    %dma_start3A_143 = tpu.memref_slice %arg2[%dma_start3A_141, %dma_start3A_142] : memref<2048x128xf32, #tpu.memory_space<hbm>> -> memref<2048x128xf32, #tpu.memory_space<hbm>>
    tpu.enqueue_indirect_dma source(%dma_start3A_143 : memref<2048x128xf32, #tpu.memory_space<hbm>>) target(%arg20 : memref<80x128xf32, #tpu.memory_space<vmem>>) offsets(%arg16 : memref<80xi32, #tpu.memory_space<vmem>>) semaphore(%arg33 : memref<!tpu.dma_semaphore, #tpu.memory_space<semaphore_mem>>)
    %dma_wait3A_144 = arith.constant 0 : i32
    %dma_wait3A_145 = arith.constant 0 : i32
    %dma_wait3A_146 = arith.constant 0 : i32
    %dma_wait3A_147 = tpu.memref_slice %arg3[%dma_wait3A_144, %dma_wait3A_145, %dma_wait3A_146] : memref<4000x2x80xi32, #tpu.memory_space<hbm>> -> memref<1x2x80xi32, #tpu.memory_space<hbm>>
    %dma_wait3A_148 = tpu.memref_squeeze %dma_wait3A_147 : memref<1x2x80xi32, #tpu.memory_space<hbm>> -> memref<2x80xi32, #tpu.memory_space<hbm>>
    %dma_wait3A_149 = arith.constant 0 : i32
    %dma_wait3A_150 = arith.constant 0 : i32
    %dma_wait3A_151 = tpu.memref_slice %arg3[%dma_wait3A_144, %dma_wait3A_149, %dma_wait3A_150] : memref<4000x2x80xi32, #tpu.memory_space<hbm>> -> memref<1x2x80xi32, #tpu.memory_space<hbm>>
    %dma_wait3A_152 = tpu.memref_squeeze %dma_wait3A_151 : memref<1x2x80xi32, #tpu.memory_space<hbm>> -> memref<2x80xi32, #tpu.memory_space<hbm>>
    tpu.wait_dma2 semaphore(%arg26 : memref<!tpu.dma_semaphore, #tpu.memory_space<semaphore_mem>>) src(%dma_wait3A_152 : memref<2x80xi32, #tpu.memory_space<hbm>>) dst(%arg9 : memref<2x80xi32, #tpu.memory_space<vmem>>)
    %dma_wait3A_153 = arith.constant 0 : i32
    %dma_wait3A_154 = arith.constant 0 : i32
    %dma_wait3A_155 = arith.constant 0 : i32
    %dma_wait3A_156 = tpu.memref_slice %arg4[%dma_wait3A_153, %dma_wait3A_154, %dma_wait3A_155] : memref<4000x2x80xi32, #tpu.memory_space<hbm>> -> memref<1x2x80xi32, #tpu.memory_space<hbm>>
    %dma_wait3A_157 = tpu.memref_squeeze %dma_wait3A_156 : memref<1x2x80xi32, #tpu.memory_space<hbm>> -> memref<2x80xi32, #tpu.memory_space<hbm>>
    %dma_wait3A_158 = arith.constant 0 : i32
    %dma_wait3A_159 = arith.constant 0 : i32
    %dma_wait3A_160 = tpu.memref_slice %arg4[%dma_wait3A_153, %dma_wait3A_158, %dma_wait3A_159] : memref<4000x2x80xi32, #tpu.memory_space<hbm>> -> memref<1x2x80xi32, #tpu.memory_space<hbm>>
    %dma_wait3A_161 = tpu.memref_squeeze %dma_wait3A_160 : memref<1x2x80xi32, #tpu.memory_space<hbm>> -> memref<2x80xi32, #tpu.memory_space<hbm>>
    tpu.wait_dma2 semaphore(%arg30 : memref<!tpu.dma_semaphore, #tpu.memory_space<semaphore_mem>>) src(%dma_wait3A_161 : memref<2x80xi32, #tpu.memory_space<hbm>>) dst(%arg13 : memref<2x80xi32, #tpu.memory_space<vmem>>)
    %scan3A_162 = arith.constant 0 : i32
    %scan3A_163 = arith.constant 0 : i32
    %scan3A_164 = arith.constant 5 : i32
    %scan3A_165 = arith.addi %scan3A_163, %scan3A_164 : i32
    %scan3A_166 = arith.constant 1 : i32
    scf.for %scan3A_348 = %scan3A_163 to %scan3A_165 step %scan3A_166  : i32 {
      %mul3A_349 = arith.constant 16 : i32
      %mul3A_350 = arith.muli %scan3A_348, %mul3A_349 : i32
      %get3A = arith.constant 0 : i32
      %get3A_351 = arith.index_cast %get3A : i32 to index
      %get3A_352 = arith.index_cast %mul3A_350 : i32 to index
      %get3A_353 = tpu.vector_load %arg13[%get3A_351, %get3A_352] {strides = array<i32>} : memref<2x80xi32, #tpu.memory_space<vmem>>, vector<1x16xi32>,
      %get3A_354 = vector.shape_cast %get3A_353 : vector<1x16xi32> to vector<16xi32>
      %mul3A_355 = arith.constant 3 : i32
      %mul3A_356 = vector.broadcast %mul3A_355 : i32 to vector<16xi32>
      %mul3A_357 = arith.muli %get3A_354, %mul3A_356 : vector<16xi32>
      %mul3A_358 = arith.constant 16 : i32
      %mul3A_359 = arith.muli %scan3A_348, %mul3A_358 : i32
      %get3A_360 = arith.constant 1 : i32
      %get3A_361 = arith.index_cast %get3A_360 : i32 to index
      %get3A_362 = arith.index_cast %mul3A_359 : i32 to index
      %get3A_363 = tpu.vector_load %arg13[%get3A_361, %get3A_362] {strides = array<i32>} : memref<2x80xi32, #tpu.memory_space<vmem>>, vector<1x16xi32>,
      %get3A_364 = vector.shape_cast %get3A_363 : vector<1x16xi32> to vector<16xi32>
      %add3A_365 = arith.addi %mul3A_357, %get3A_364 : vector<16xi32>
      %mul3A_366 = arith.constant 4 : i32
      %mul3A_367 = arith.muli %add3A, %mul3A_366 : i32
      %add3A_368 = arith.constant 2 : i32
      %add3A_369 = arith.addi %mul3A_367, %add3A_368 : i32
      %mul3A_370 = arith.constant 16 : i32
      %mul3A_371 = arith.muli %add3A_369, %mul3A_370 : i32
      %add3A_372 = vector.broadcast %mul3A_371 : i32 to vector<16xi32>
      %add3A_373 = arith.addi %add3A_365, %add3A_372 : vector<16xi32>
      %mul3A_374 = arith.constant 16 : i32
      %mul3A_375 = arith.muli %scan3A_348, %mul3A_374 : i32
      %swap3A = arith.index_cast %mul3A_375 : i32 to index
      %swap3A_376 = tpu.vector_load %arg17[%swap3A] {strides = array<i32>} : memref<80xi32, #tpu.memory_space<vmem>>, vector<16xi32>,
      %swap3A_377 = vector.shape_cast %swap3A_376 : vector<16xi32> to vector<16xi32>
      %swap3A_378 = vector.shape_cast %add3A_373 : vector<16xi32> to vector<16xi32>
      tpu.vector_store %arg17[%swap3A], %swap3A_378 {strides = array<i32>} : memref<80xi32, #tpu.memory_space<vmem>>, vector<16xi32>,
    }
    %scan3A_167 = arith.constant 5 : i32
    %dma_start3A_168 = arith.constant 0 : i32
    %dma_start3A_169 = arith.constant 0 : i32
    %dma_start3A_170 = tpu.memref_slice %arg2[%dma_start3A_168, %dma_start3A_169] : memref<2048x128xf32, #tpu.memory_space<hbm>> -> memref<2048x128xf32, #tpu.memory_space<hbm>>
    tpu.enqueue_indirect_dma source(%dma_start3A_170 : memref<2048x128xf32, #tpu.memory_space<hbm>>) target(%arg21 : memref<80x128xf32, #tpu.memory_space<vmem>>) offsets(%arg17 : memref<80xi32, #tpu.memory_space<vmem>>) semaphore(%arg34 : memref<!tpu.dma_semaphore, #tpu.memory_space<semaphore_mem>>)
    %dma_wait3A_171 = arith.constant 0 : i32
    %dma_wait3A_172 = arith.constant 0 : i32
    %dma_wait3A_173 = arith.constant 0 : i32
    %dma_wait3A_174 = tpu.memref_slice %arg3[%dma_wait3A_171, %dma_wait3A_172, %dma_wait3A_173] : memref<4000x2x80xi32, #tpu.memory_space<hbm>> -> memref<1x2x80xi32, #tpu.memory_space<hbm>>
    %dma_wait3A_175 = tpu.memref_squeeze %dma_wait3A_174 : memref<1x2x80xi32, #tpu.memory_space<hbm>> -> memref<2x80xi32, #tpu.memory_space<hbm>>
    %dma_wait3A_176 = arith.constant 0 : i32
    %dma_wait3A_177 = arith.constant 0 : i32
    %dma_wait3A_178 = tpu.memref_slice %arg3[%dma_wait3A_171, %dma_wait3A_176, %dma_wait3A_177] : memref<4000x2x80xi32, #tpu.memory_space<hbm>> -> memref<1x2x80xi32, #tpu.memory_space<hbm>>
    %dma_wait3A_179 = tpu.memref_squeeze %dma_wait3A_178 : memref<1x2x80xi32, #tpu.memory_space<hbm>> -> memref<2x80xi32, #tpu.memory_space<hbm>>
    tpu.wait_dma2 semaphore(%arg27 : memref<!tpu.dma_semaphore, #tpu.memory_space<semaphore_mem>>) src(%dma_wait3A_179 : memref<2x80xi32, #tpu.memory_space<hbm>>) dst(%arg10 : memref<2x80xi32, #tpu.memory_space<vmem>>)
    %dma_wait3A_180 = arith.constant 0 : i32
    %dma_wait3A_181 = arith.constant 0 : i32
    %dma_wait3A_182 = arith.constant 0 : i32
    %dma_wait3A_183 = tpu.memref_slice %arg4[%dma_wait3A_180, %dma_wait3A_181, %dma_wait3A_182] : memref<4000x2x80xi32, #tpu.memory_space<hbm>> -> memref<1x2x80xi32, #tpu.memory_space<hbm>>
    %dma_wait3A_184 = tpu.memref_squeeze %dma_wait3A_183 : memref<1x2x80xi32, #tpu.memory_space<hbm>> -> memref<2x80xi32, #tpu.memory_space<hbm>>
    %dma_wait3A_185 = arith.constant 0 : i32
    %dma_wait3A_186 = arith.constant 0 : i32
    %dma_wait3A_187 = tpu.memref_slice %arg4[%dma_wait3A_180, %dma_wait3A_185, %dma_wait3A_186] : memref<4000x2x80xi32, #tpu.memory_space<hbm>> -> memref<1x2x80xi32, #tpu.memory_space<hbm>>
    %dma_wait3A_188 = tpu.memref_squeeze %dma_wait3A_187 : memref<1x2x80xi32, #tpu.memory_space<hbm>> -> memref<2x80xi32, #tpu.memory_space<hbm>>
    tpu.wait_dma2 semaphore(%arg31 : memref<!tpu.dma_semaphore, #tpu.memory_space<semaphore_mem>>) src(%dma_wait3A_188 : memref<2x80xi32, #tpu.memory_space<hbm>>) dst(%arg14 : memref<2x80xi32, #tpu.memory_space<vmem>>)
    %scan3A_189 = arith.constant 0 : i32
    %scan3A_190 = arith.constant 0 : i32
    %scan3A_191 = arith.constant 5 : i32
    %scan3A_192 = arith.addi %scan3A_190, %scan3A_191 : i32
    %scan3A_193 = arith.constant 1 : i32
    scf.for %scan3A_348 = %scan3A_190 to %scan3A_192 step %scan3A_193  : i32 {
      %mul3A_349 = arith.constant 16 : i32
      %mul3A_350 = arith.muli %scan3A_348, %mul3A_349 : i32
      %get3A = arith.constant 0 : i32
      %get3A_351 = arith.index_cast %get3A : i32 to index
      %get3A_352 = arith.index_cast %mul3A_350 : i32 to index
      %get3A_353 = tpu.vector_load %arg14[%get3A_351, %get3A_352] {strides = array<i32>} : memref<2x80xi32, #tpu.memory_space<vmem>>, vector<1x16xi32>,
      %get3A_354 = vector.shape_cast %get3A_353 : vector<1x16xi32> to vector<16xi32>
      %mul3A_355 = arith.constant 3 : i32
      %mul3A_356 = vector.broadcast %mul3A_355 : i32 to vector<16xi32>
      %mul3A_357 = arith.muli %get3A_354, %mul3A_356 : vector<16xi32>
      %mul3A_358 = arith.constant 16 : i32
      %mul3A_359 = arith.muli %scan3A_348, %mul3A_358 : i32
      %get3A_360 = arith.constant 1 : i32
      %get3A_361 = arith.index_cast %get3A_360 : i32 to index
      %get3A_362 = arith.index_cast %mul3A_359 : i32 to index
      %get3A_363 = tpu.vector_load %arg14[%get3A_361, %get3A_362] {strides = array<i32>} : memref<2x80xi32, #tpu.memory_space<vmem>>, vector<1x16xi32>,
      %get3A_364 = vector.shape_cast %get3A_363 : vector<1x16xi32> to vector<16xi32>
      %add3A_365 = arith.addi %mul3A_357, %get3A_364 : vector<16xi32>
      %mul3A_366 = arith.constant 4 : i32
      %mul3A_367 = arith.muli %add3A, %mul3A_366 : i32
      %add3A_368 = arith.constant 3 : i32
      %add3A_369 = arith.addi %mul3A_367, %add3A_368 : i32
      %mul3A_370 = arith.constant 16 : i32
      %mul3A_371 = arith.muli %add3A_369, %mul3A_370 : i32
      %add3A_372 = vector.broadcast %mul3A_371 : i32 to vector<16xi32>
      %add3A_373 = arith.addi %add3A_365, %add3A_372 : vector<16xi32>
      %mul3A_374 = arith.constant 16 : i32
      %mul3A_375 = arith.muli %scan3A_348, %mul3A_374 : i32
      %swap3A = arith.index_cast %mul3A_375 : i32 to index
      %swap3A_376 = tpu.vector_load %arg18[%swap3A] {strides = array<i32>} : memref<80xi32, #tpu.memory_space<vmem>>, vector<16xi32>,
      %swap3A_377 = vector.shape_cast %swap3A_376 : vector<16xi32> to vector<16xi32>
      %swap3A_378 = vector.shape_cast %add3A_373 : vector<16xi32> to vector<16xi32>
      tpu.vector_store %arg18[%swap3A], %swap3A_378 {strides = array<i32>} : memref<80xi32, #tpu.memory_space<vmem>>, vector<16xi32>,
    }
    %scan3A_194 = arith.constant 5 : i32
    %dma_start3A_195 = arith.constant 0 : i32
    %dma_start3A_196 = arith.constant 0 : i32
    %dma_start3A_197 = tpu.memref_slice %arg2[%dma_start3A_195, %dma_start3A_196] : memref<2048x128xf32, #tpu.memory_space<hbm>> -> memref<2048x128xf32, #tpu.memory_space<hbm>>
    tpu.enqueue_indirect_dma source(%dma_start3A_197 : memref<2048x128xf32, #tpu.memory_space<hbm>>) target(%arg22 : memref<80x128xf32, #tpu.memory_space<vmem>>) offsets(%arg18 : memref<80xi32, #tpu.memory_space<vmem>>) semaphore(%arg35 : memref<!tpu.dma_semaphore, #tpu.memory_space<semaphore_mem>>)
    %dma_wait3A_198 = arith.constant 0 : i32
    %dma_wait3A_199 = arith.constant 0 : i32
    %dma_wait3A_200 = tpu.memref_slice %arg5[%dma_wait3A_198, %dma_wait3A_199] : memref<10240x128xf32, #tpu.memory_space<hbm>> -> memref<80x128xf32, #tpu.memory_space<hbm>>
    %dma_wait3A_201 = arith.constant 0 : i32
    %dma_wait3A_202 = arith.constant 0 : i32
    %dma_wait3A_203 = tpu.memref_slice %arg5[%dma_wait3A_201, %dma_wait3A_202] : memref<10240x128xf32, #tpu.memory_space<hbm>> -> memref<80x128xf32, #tpu.memory_space<hbm>>
    tpu.wait_dma2 semaphore(%arg32 : memref<!tpu.dma_semaphore, #tpu.memory_space<semaphore_mem>>) src(%dma_wait3A_203 : memref<80x128xf32, #tpu.memory_space<hbm>>) dst(%arg19 : memref<80x128xf32, #tpu.memory_space<vmem>>)
    %dma_start3A_204 = arith.constant 1 : i32
    %dma_start3A_205 = arith.constant 0 : i32
    %dma_start3A_206 = tpu.memref_slice %arg7[%dma_start3A_204, %dma_start3A_205] : memref<2x80xi32, #tpu.memory_space<vmem>> -> memref<1x80xi32, #tpu.memory_space<vmem>>
    %dma_start3A_207 = tpu.memref_squeeze %dma_start3A_206 : memref<1x80xi32, #tpu.memory_space<vmem>> -> memref<80xi32, #tpu.memory_space<vmem>>
    %dma_start3A_208 = arith.constant 0 : i32
    %dma_start3A_209 = arith.constant 0 : i32
    %dma_start3A_210 = tpu.memref_slice %arg23[%dma_start3A_208, %dma_start3A_209] : memref<10240x128xf32, #tpu.memory_space<vmem_shared>> -> memref<10240x128xf32, #tpu.memory_space<vmem_shared>>
    tpu.enqueue_indirect_dma source(%arg19 : memref<80x128xf32, #tpu.memory_space<vmem>>) target(%dma_start3A_210 : memref<10240x128xf32, #tpu.memory_space<vmem_shared>>) offsets(%dma_start3A_207 : memref<80xi32, #tpu.memory_space<vmem>>) semaphore(%arg36 : memref<!tpu.dma_semaphore, #tpu.memory_space<semaphore_mem>>) {add = true}
    %dma_wait3A_211 = arith.constant 0 : i32
    %dma_wait3A_212 = arith.constant 0 : i32
    %dma_wait3A_213 = tpu.memref_slice %arg5[%dma_wait3A_211, %dma_wait3A_212] : memref<10240x128xf32, #tpu.memory_space<hbm>> -> memref<80x128xf32, #tpu.memory_space<hbm>>
    %dma_wait3A_214 = arith.constant 0 : i32
    %dma_wait3A_215 = arith.constant 0 : i32
    %dma_wait3A_216 = tpu.memref_slice %arg5[%dma_wait3A_214, %dma_wait3A_215] : memref<10240x128xf32, #tpu.memory_space<hbm>> -> memref<80x128xf32, #tpu.memory_space<hbm>>
    tpu.wait_dma2 semaphore(%arg33 : memref<!tpu.dma_semaphore, #tpu.memory_space<semaphore_mem>>) src(%dma_wait3A_216 : memref<80x128xf32, #tpu.memory_space<hbm>>) dst(%arg20 : memref<80x128xf32, #tpu.memory_space<vmem>>)
    %dma_start3A_217 = arith.constant 1 : i32
    %dma_start3A_218 = arith.constant 0 : i32
    %dma_start3A_219 = tpu.memref_slice %arg8[%dma_start3A_217, %dma_start3A_218] : memref<2x80xi32, #tpu.memory_space<vmem>> -> memref<1x80xi32, #tpu.memory_space<vmem>>
    %dma_start3A_220 = tpu.memref_squeeze %dma_start3A_219 : memref<1x80xi32, #tpu.memory_space<vmem>> -> memref<80xi32, #tpu.memory_space<vmem>>
    %dma_start3A_221 = arith.constant 0 : i32
    %dma_start3A_222 = arith.constant 0 : i32
    %dma_start3A_223 = tpu.memref_slice %arg23[%dma_start3A_221, %dma_start3A_222] : memref<10240x128xf32, #tpu.memory_space<vmem_shared>> -> memref<10240x128xf32, #tpu.memory_space<vmem_shared>>
    tpu.enqueue_indirect_dma source(%arg20 : memref<80x128xf32, #tpu.memory_space<vmem>>) target(%dma_start3A_223 : memref<10240x128xf32, #tpu.memory_space<vmem_shared>>) offsets(%dma_start3A_220 : memref<80xi32, #tpu.memory_space<vmem>>) semaphore(%arg37 : memref<!tpu.dma_semaphore, #tpu.memory_space<semaphore_mem>>) {add = true}
    %dma_wait3A_224 = arith.constant 0 : i32
    %dma_wait3A_225 = arith.constant 0 : i32
    %dma_wait3A_226 = tpu.memref_slice %arg5[%dma_wait3A_224, %dma_wait3A_225] : memref<10240x128xf32, #tpu.memory_space<hbm>> -> memref<80x128xf32, #tpu.memory_space<hbm>>
    %dma_wait3A_227 = arith.constant 0 : i32
    %dma_wait3A_228 = arith.constant 0 : i32
    %dma_wait3A_229 = tpu.memref_slice %arg5[%dma_wait3A_227, %dma_wait3A_228] : memref<10240x128xf32, #tpu.memory_space<hbm>> -> memref<80x128xf32, #tpu.memory_space<hbm>>
    tpu.wait_dma2 semaphore(%arg34 : memref<!tpu.dma_semaphore, #tpu.memory_space<semaphore_mem>>) src(%dma_wait3A_229 : memref<80x128xf32, #tpu.memory_space<hbm>>) dst(%arg21 : memref<80x128xf32, #tpu.memory_space<vmem>>)
    %dma_start3A_230 = arith.constant 1 : i32
    %dma_start3A_231 = arith.constant 0 : i32
    %dma_start3A_232 = tpu.memref_slice %arg9[%dma_start3A_230, %dma_start3A_231] : memref<2x80xi32, #tpu.memory_space<vmem>> -> memref<1x80xi32, #tpu.memory_space<vmem>>
    %dma_start3A_233 = tpu.memref_squeeze %dma_start3A_232 : memref<1x80xi32, #tpu.memory_space<vmem>> -> memref<80xi32, #tpu.memory_space<vmem>>
    %dma_start3A_234 = arith.constant 0 : i32
    %dma_start3A_235 = arith.constant 0 : i32
    %dma_start3A_236 = tpu.memref_slice %arg23[%dma_start3A_234, %dma_start3A_235] : memref<10240x128xf32, #tpu.memory_space<vmem_shared>> -> memref<10240x128xf32, #tpu.memory_space<vmem_shared>>
    tpu.enqueue_indirect_dma source(%arg21 : memref<80x128xf32, #tpu.memory_space<vmem>>) target(%dma_start3A_236 : memref<10240x128xf32, #tpu.memory_space<vmem_shared>>) offsets(%dma_start3A_233 : memref<80xi32, #tpu.memory_space<vmem>>) semaphore(%arg38 : memref<!tpu.dma_semaphore, #tpu.memory_space<semaphore_mem>>) {add = true}
    %dma_wait3A_237 = arith.constant 0 : i32
    %dma_wait3A_238 = arith.constant 0 : i32
    %dma_wait3A_239 = tpu.memref_slice %arg5[%dma_wait3A_237, %dma_wait3A_238] : memref<10240x128xf32, #tpu.memory_space<hbm>> -> memref<80x128xf32, #tpu.memory_space<hbm>>
    %dma_wait3A_240 = arith.constant 0 : i32
    %dma_wait3A_241 = arith.constant 0 : i32
    %dma_wait3A_242 = tpu.memref_slice %arg5[%dma_wait3A_240, %dma_wait3A_241] : memref<10240x128xf32, #tpu.memory_space<hbm>> -> memref<80x128xf32, #tpu.memory_space<hbm>>
    tpu.wait_dma2 semaphore(%arg35 : memref<!tpu.dma_semaphore, #tpu.memory_space<semaphore_mem>>) src(%dma_wait3A_242 : memref<80x128xf32, #tpu.memory_space<hbm>>) dst(%arg22 : memref<80x128xf32, #tpu.memory_space<vmem>>)
    %dma_start3A_243 = arith.constant 1 : i32
    %dma_start3A_244 = arith.constant 0 : i32
    %dma_start3A_245 = tpu.memref_slice %arg10[%dma_start3A_243, %dma_start3A_244] : memref<2x80xi32, #tpu.memory_space<vmem>> -> memref<1x80xi32, #tpu.memory_space<vmem>>
    %dma_start3A_246 = tpu.memref_squeeze %dma_start3A_245 : memref<1x80xi32, #tpu.memory_space<vmem>> -> memref<80xi32, #tpu.memory_space<vmem>>
    %dma_start3A_247 = arith.constant 0 : i32
    %dma_start3A_248 = arith.constant 0 : i32
    %dma_start3A_249 = tpu.memref_slice %arg23[%dma_start3A_247, %dma_start3A_248] : memref<10240x128xf32, #tpu.memory_space<vmem_shared>> -> memref<10240x128xf32, #tpu.memory_space<vmem_shared>>
    tpu.enqueue_indirect_dma source(%arg22 : memref<80x128xf32, #tpu.memory_space<vmem>>) target(%dma_start3A_249 : memref<10240x128xf32, #tpu.memory_space<vmem_shared>>) offsets(%dma_start3A_246 : memref<80xi32, #tpu.memory_space<vmem>>) semaphore(%arg39 : memref<!tpu.dma_semaphore, #tpu.memory_space<semaphore_mem>>) {add = true}
    %dma_wait3A_250 = arith.constant 0 : i32
    %dma_wait3A_251 = arith.constant 0 : i32
    %dma_wait3A_252 = tpu.memref_slice %arg5[%dma_wait3A_250, %dma_wait3A_251] : memref<10240x128xf32, #tpu.memory_space<hbm>> -> memref<80x128xf32, #tpu.memory_space<hbm>>
    %dma_wait3A_253 = arith.constant 0 : i32
    %dma_wait3A_254 = arith.constant 0 : i32
    %dma_wait3A_255 = tpu.memref_slice %arg5[%dma_wait3A_253, %dma_wait3A_254] : memref<10240x128xf32, #tpu.memory_space<hbm>> -> memref<80x128xf32, #tpu.memory_space<hbm>>
    tpu.wait_dma2 semaphore(%arg36 : memref<!tpu.dma_semaphore, #tpu.memory_space<semaphore_mem>>) src(%dma_wait3A_255 : memref<80x128xf32, #tpu.memory_space<hbm>>) dst(%arg19 : memref<80x128xf32, #tpu.memory_space<vmem>>)
    %dma_wait3A_256 = arith.constant 0 : i32
    %dma_wait3A_257 = arith.constant 0 : i32
    %dma_wait3A_258 = tpu.memref_slice %arg5[%dma_wait3A_256, %dma_wait3A_257] : memref<10240x128xf32, #tpu.memory_space<hbm>> -> memref<80x128xf32, #tpu.memory_space<hbm>>
    %dma_wait3A_259 = arith.constant 0 : i32
    %dma_wait3A_260 = arith.constant 0 : i32
    %dma_wait3A_261 = tpu.memref_slice %arg5[%dma_wait3A_259, %dma_wait3A_260] : memref<10240x128xf32, #tpu.memory_space<hbm>> -> memref<80x128xf32, #tpu.memory_space<hbm>>
    tpu.wait_dma2 semaphore(%arg37 : memref<!tpu.dma_semaphore, #tpu.memory_space<semaphore_mem>>) src(%dma_wait3A_261 : memref<80x128xf32, #tpu.memory_space<hbm>>) dst(%arg20 : memref<80x128xf32, #tpu.memory_space<vmem>>)
    %dma_wait3A_262 = arith.constant 0 : i32
    %dma_wait3A_263 = arith.constant 0 : i32
    %dma_wait3A_264 = tpu.memref_slice %arg5[%dma_wait3A_262, %dma_wait3A_263] : memref<10240x128xf32, #tpu.memory_space<hbm>> -> memref<80x128xf32, #tpu.memory_space<hbm>>
    %dma_wait3A_265 = arith.constant 0 : i32
    %dma_wait3A_266 = arith.constant 0 : i32
    %dma_wait3A_267 = tpu.memref_slice %arg5[%dma_wait3A_265, %dma_wait3A_266] : memref<10240x128xf32, #tpu.memory_space<hbm>> -> memref<80x128xf32, #tpu.memory_space<hbm>>
    tpu.wait_dma2 semaphore(%arg38 : memref<!tpu.dma_semaphore, #tpu.memory_space<semaphore_mem>>) src(%dma_wait3A_267 : memref<80x128xf32, #tpu.memory_space<hbm>>) dst(%arg21 : memref<80x128xf32, #tpu.memory_space<vmem>>)
    %dma_wait3A_268 = arith.constant 0 : i32
    %dma_wait3A_269 = arith.constant 0 : i32
    %dma_wait3A_270 = tpu.memref_slice %arg5[%dma_wait3A_268, %dma_wait3A_269] : memref<10240x128xf32, #tpu.memory_space<hbm>> -> memref<80x128xf32, #tpu.memory_space<hbm>>
    %dma_wait3A_271 = arith.constant 0 : i32
    %dma_wait3A_272 = arith.constant 0 : i32
    %dma_wait3A_273 = tpu.memref_slice %arg5[%dma_wait3A_271, %dma_wait3A_272] : memref<10240x128xf32, #tpu.memory_space<hbm>> -> memref<80x128xf32, #tpu.memory_space<hbm>>
    tpu.wait_dma2 semaphore(%arg39 : memref<!tpu.dma_semaphore, #tpu.memory_space<semaphore_mem>>) src(%dma_wait3A_273 : memref<80x128xf32, #tpu.memory_space<hbm>>) dst(%arg22 : memref<80x128xf32, #tpu.memory_space<vmem>>)
    %add3A_274 = arith.constant 124 : i32
    %add3A_275 = arith.addi %mul3A_2, %add3A_274 : i32
    %dma_start3A_276 = arith.constant 0 : i32
    %dma_start3A_277 = arith.constant 0 : i32
    %dma_start3A_278 = tpu.memref_slice %arg3[%add3A_275, %dma_start3A_276, %dma_start3A_277] : memref<4000x2x80xi32, #tpu.memory_space<hbm>> -> memref<1x2x80xi32, #tpu.memory_space<hbm>>
    %dma_start3A_279 = tpu.memref_squeeze %dma_start3A_278 : memref<1x2x80xi32, #tpu.memory_space<hbm>> -> memref<2x80xi32, #tpu.memory_space<hbm>>
    %dma_start3A_280 = arith.constant 0 : i32
    %dma_start3A_281 = arith.constant 0 : i32
    %dma_start3A_282 = tpu.memref_slice %arg3[%add3A_275, %dma_start3A_280, %dma_start3A_281] : memref<4000x2x80xi32, #tpu.memory_space<hbm>> -> memref<1x2x80xi32, #tpu.memory_space<hbm>>
    %dma_start3A_283 = tpu.memref_squeeze %dma_start3A_282 : memref<1x2x80xi32, #tpu.memory_space<hbm>> -> memref<2x80xi32, #tpu.memory_space<hbm>>
    tpu.enqueue_dma source(%dma_start3A_283 : memref<2x80xi32, #tpu.memory_space<hbm>>) target(%arg7 : memref<2x80xi32, #tpu.memory_space<vmem>>) target_semaphore(%arg24 : memref<!tpu.dma_semaphore, #tpu.memory_space<semaphore_mem>>)
    %add3A_284 = arith.constant 124 : i32
    %add3A_285 = arith.addi %mul3A_2, %add3A_284 : i32
    %dma_start3A_286 = arith.constant 0 : i32
    %dma_start3A_287 = arith.constant 0 : i32
    %dma_start3A_288 = tpu.memref_slice %arg4[%add3A_285, %dma_start3A_286, %dma_start3A_287] : memref<4000x2x80xi32, #tpu.memory_space<hbm>> -> memref<1x2x80xi32, #tpu.memory_space<hbm>>
    %dma_start3A_289 = tpu.memref_squeeze %dma_start3A_288 : memref<1x2x80xi32, #tpu.memory_space<hbm>> -> memref<2x80xi32, #tpu.memory_space<hbm>>
    %dma_start3A_290 = arith.constant 0 : i32
    %dma_start3A_291 = arith.constant 0 : i32
    %dma_start3A_292 = tpu.memref_slice %arg4[%add3A_285, %dma_start3A_290, %dma_start3A_291] : memref<4000x2x80xi32, #tpu.memory_space<hbm>> -> memref<1x2x80xi32, #tpu.memory_space<hbm>>
    %dma_start3A_293 = tpu.memref_squeeze %dma_start3A_292 : memref<1x2x80xi32, #tpu.memory_space<hbm>> -> memref<2x80xi32, #tpu.memory_space<hbm>>
    tpu.enqueue_dma source(%dma_start3A_293 : memref<2x80xi32, #tpu.memory_space<hbm>>) target(%arg11 : memref<2x80xi32, #tpu.memory_space<vmem>>) target_semaphore(%arg28 : memref<!tpu.dma_semaphore, #tpu.memory_space<semaphore_mem>>)
    %dma_wait3A_294 = arith.constant 0 : i32
    %dma_wait3A_295 = arith.constant 0 : i32
    %dma_wait3A_296 = arith.constant 0 : i32
    %dma_wait3A_297 = tpu.memref_slice %arg3[%dma_wait3A_294, %dma_wait3A_295, %dma_wait3A_296] : memref<4000x2x80xi32, #tpu.memory_space<hbm>> -> memref<1x2x80xi32, #tpu.memory_space<hbm>>
    %dma_wait3A_298 = tpu.memref_squeeze %dma_wait3A_297 : memref<1x2x80xi32, #tpu.memory_space<hbm>> -> memref<2x80xi32, #tpu.memory_space<hbm>>
    %dma_wait3A_299 = arith.constant 0 : i32
    %dma_wait3A_300 = arith.constant 0 : i32
    %dma_wait3A_301 = tpu.memref_slice %arg3[%dma_wait3A_294, %dma_wait3A_299, %dma_wait3A_300] : memref<4000x2x80xi32, #tpu.memory_space<hbm>> -> memref<1x2x80xi32, #tpu.memory_space<hbm>>
    %dma_wait3A_302 = tpu.memref_squeeze %dma_wait3A_301 : memref<1x2x80xi32, #tpu.memory_space<hbm>> -> memref<2x80xi32, #tpu.memory_space<hbm>>
    tpu.wait_dma2 semaphore(%arg24 : memref<!tpu.dma_semaphore, #tpu.memory_space<semaphore_mem>>) src(%dma_wait3A_302 : memref<2x80xi32, #tpu.memory_space<hbm>>) dst(%arg7 : memref<2x80xi32, #tpu.memory_space<vmem>>)
    %dma_wait3A_303 = arith.constant 0 : i32
    %dma_wait3A_304 = arith.constant 0 : i32
    %dma_wait3A_305 = arith.constant 0 : i32
    %dma_wait3A_306 = tpu.memref_slice %arg4[%dma_wait3A_303, %dma_wait3A_304, %dma_wait3A_305] : memref<4000x2x80xi32, #tpu.memory_space<hbm>> -> memref<1x2x80xi32, #tpu.memory_space<hbm>>
    %dma_wait3A_307 = tpu.memref_squeeze %dma_wait3A_306 : memref<1x2x80xi32, #tpu.memory_space<hbm>> -> memref<2x80xi32, #tpu.memory_space<hbm>>
    %dma_wait3A_308 = arith.constant 0 : i32
    %dma_wait3A_309 = arith.constant 0 : i32
    %dma_wait3A_310 = tpu.memref_slice %arg4[%dma_wait3A_303, %dma_wait3A_308, %dma_wait3A_309] : memref<4000x2x80xi32, #tpu.memory_space<hbm>> -> memref<1x2x80xi32, #tpu.memory_space<hbm>>
    %dma_wait3A_311 = tpu.memref_squeeze %dma_wait3A_310 : memref<1x2x80xi32, #tpu.memory_space<hbm>> -> memref<2x80xi32, #tpu.memory_space<hbm>>
    tpu.wait_dma2 semaphore(%arg28 : memref<!tpu.dma_semaphore, #tpu.memory_space<semaphore_mem>>) src(%dma_wait3A_311 : memref<2x80xi32, #tpu.memory_space<hbm>>) dst(%arg11 : memref<2x80xi32, #tpu.memory_space<vmem>>)
    %scan3A_312 = arith.constant 0 : i32
    %scan3A_313 = arith.constant 0 : i32
    %scan3A_314 = arith.constant 5 : i32
    %scan3A_315 = arith.addi %scan3A_313, %scan3A_314 : i32
    %scan3A_316 = arith.constant 1 : i32
    scf.for %scan3A_348 = %scan3A_313 to %scan3A_315 step %scan3A_316  : i32 {
      %mul3A_349 = arith.constant 16 : i32
      %mul3A_350 = arith.muli %scan3A_348, %mul3A_349 : i32
      %get3A = arith.constant 0 : i32
      %get3A_351 = arith.index_cast %get3A : i32 to index
      %get3A_352 = arith.index_cast %mul3A_350 : i32 to index
      %get3A_353 = tpu.vector_load %arg11[%get3A_351, %get3A_352] {strides = array<i32>} : memref<2x80xi32, #tpu.memory_space<vmem>>, vector<1x16xi32>,
      %get3A_354 = vector.shape_cast %get3A_353 : vector<1x16xi32> to vector<16xi32>
      %mul3A_355 = arith.constant 3 : i32
      %mul3A_356 = vector.broadcast %mul3A_355 : i32 to vector<16xi32>
      %mul3A_357 = arith.muli %get3A_354, %mul3A_356 : vector<16xi32>
      %mul3A_358 = arith.constant 16 : i32
      %mul3A_359 = arith.muli %scan3A_348, %mul3A_358 : i32
      %get3A_360 = arith.constant 1 : i32
      %get3A_361 = arith.index_cast %get3A_360 : i32 to index
      %get3A_362 = arith.index_cast %mul3A_359 : i32 to index
      %get3A_363 = tpu.vector_load %arg11[%get3A_361, %get3A_362] {strides = array<i32>} : memref<2x80xi32, #tpu.memory_space<vmem>>, vector<1x16xi32>,
      %get3A_364 = vector.shape_cast %get3A_363 : vector<1x16xi32> to vector<16xi32>
      %add3A_365 = arith.addi %mul3A_357, %get3A_364 : vector<16xi32>
      %mul3A_366 = arith.constant 4 : i32
      %mul3A_367 = arith.muli %add3A, %mul3A_366 : i32
      %add3A_368 = arith.constant 0 : i32
      %add3A_369 = arith.addi %mul3A_367, %add3A_368 : i32
      %mul3A_370 = arith.constant 16 : i32
      %mul3A_371 = arith.muli %add3A_369, %mul3A_370 : i32
      %add3A_372 = vector.broadcast %mul3A_371 : i32 to vector<16xi32>
      %add3A_373 = arith.addi %add3A_365, %add3A_372 : vector<16xi32>
      %mul3A_374 = arith.constant 16 : i32
      %mul3A_375 = arith.muli %scan3A_348, %mul3A_374 : i32
      %swap3A = arith.index_cast %mul3A_375 : i32 to index
      %swap3A_376 = tpu.vector_load %arg15[%swap3A] {strides = array<i32>} : memref<80xi32, #tpu.memory_space<vmem>>, vector<16xi32>,
      %swap3A_377 = vector.shape_cast %swap3A_376 : vector<16xi32> to vector<16xi32>
      %swap3A_378 = vector.shape_cast %add3A_373 : vector<16xi32> to vector<16xi32>
      tpu.vector_store %arg15[%swap3A], %swap3A_378 {strides = array<i32>} : memref<80xi32, #tpu.memory_space<vmem>>, vector<16xi32>,
    }
    %scan3A_317 = arith.constant 5 : i32
    %dma_start3A_318 = arith.constant 0 : i32
    %dma_start3A_319 = arith.constant 0 : i32
    %dma_start3A_320 = tpu.memref_slice %arg2[%dma_start3A_318, %dma_start3A_319] : memref<2048x128xf32, #tpu.memory_space<hbm>> -> memref<2048x128xf32, #tpu.memory_space<hbm>>
    tpu.enqueue_indirect_dma source(%dma_start3A_320 : memref<2048x128xf32, #tpu.memory_space<hbm>>) target(%arg19 : memref<80x128xf32, #tpu.memory_space<vmem>>) offsets(%arg15 : memref<80xi32, #tpu.memory_space<vmem>>) semaphore(%arg32 : memref<!tpu.dma_semaphore, #tpu.memory_space<semaphore_mem>>)
    %dma_wait3A_321 = arith.constant 0 : i32
    %dma_wait3A_322 = arith.constant 0 : i32
    %dma_wait3A_323 = tpu.memref_slice %arg5[%dma_wait3A_321, %dma_wait3A_322] : memref<10240x128xf32, #tpu.memory_space<hbm>> -> memref<80x128xf32, #tpu.memory_space<hbm>>
    %dma_wait3A_324 = arith.constant 0 : i32
    %dma_wait3A_325 = arith.constant 0 : i32
    %dma_wait3A_326 = tpu.memref_slice %arg5[%dma_wait3A_324, %dma_wait3A_325] : memref<10240x128xf32, #tpu.memory_space<hbm>> -> memref<80x128xf32, #tpu.memory_space<hbm>>
    tpu.wait_dma2 semaphore(%arg32 : memref<!tpu.dma_semaphore, #tpu.memory_space<semaphore_mem>>) src(%dma_wait3A_326 : memref<80x128xf32, #tpu.memory_space<hbm>>) dst(%arg19 : memref<80x128xf32, #tpu.memory_space<vmem>>)
    %dma_start3A_327 = arith.constant 1 : i32
    %dma_start3A_328 = arith.constant 0 : i32
    %dma_start3A_329 = tpu.memref_slice %arg7[%dma_start3A_327, %dma_start3A_328] : memref<2x80xi32, #tpu.memory_space<vmem>> -> memref<1x80xi32, #tpu.memory_space<vmem>>
    %dma_start3A_330 = tpu.memref_squeeze %dma_start3A_329 : memref<1x80xi32, #tpu.memory_space<vmem>> -> memref<80xi32, #tpu.memory_space<vmem>>
    %dma_start3A_331 = arith.constant 0 : i32
    %dma_start3A_332 = arith.constant 0 : i32
    %dma_start3A_333 = tpu.memref_slice %arg23[%dma_start3A_331, %dma_start3A_332] : memref<10240x128xf32, #tpu.memory_space<vmem_shared>> -> memref<10240x128xf32, #tpu.memory_space<vmem_shared>>
    tpu.enqueue_indirect_dma source(%arg19 : memref<80x128xf32, #tpu.memory_space<vmem>>) target(%dma_start3A_333 : memref<10240x128xf32, #tpu.memory_space<vmem_shared>>) offsets(%dma_start3A_330 : memref<80xi32, #tpu.memory_space<vmem>>) semaphore(%arg36 : memref<!tpu.dma_semaphore, #tpu.memory_space<semaphore_mem>>) {add = true}
    %dma_wait3A_334 = arith.constant 0 : i32
    %dma_wait3A_335 = arith.constant 0 : i32
    %dma_wait3A_336 = tpu.memref_slice %arg5[%dma_wait3A_334, %dma_wait3A_335] : memref<10240x128xf32, #tpu.memory_space<hbm>> -> memref<80x128xf32, #tpu.memory_space<hbm>>
    %dma_wait3A_337 = arith.constant 0 : i32
    %dma_wait3A_338 = arith.constant 0 : i32
    %dma_wait3A_339 = tpu.memref_slice %arg5[%dma_wait3A_337, %dma_wait3A_338] : memref<10240x128xf32, #tpu.memory_space<hbm>> -> memref<80x128xf32, #tpu.memory_space<hbm>>
    tpu.wait_dma2 semaphore(%arg36 : memref<!tpu.dma_semaphore, #tpu.memory_space<semaphore_mem>>) src(%dma_wait3A_339 : memref<80x128xf32, #tpu.memory_space<hbm>>) dst(%arg19 : memref<80x128xf32, #tpu.memory_space<vmem>>)
    %barrier3A_340 = arith.constant 0 : index
    tpu.barrier barrier_id(%barrier3A_340)
    %mul3A_341 = arith.constant 10240 : i32
    %mul3A_342 = arith.muli %arg0, %mul3A_341 : i32
    %mul3A_343 = arith.constant 640 : i32
    %mul3A_344 = arith.muli %arg1, %mul3A_343 : i32
    %add3A_345 = arith.addi %mul3A_342, %mul3A_344 : i32
    %mul3A_346 = arith.constant 640 : i32
    %mul3A_347 = arith.muli %arg1, %mul3A_346 : i32
    "tpu.region"() ({
      %run_scoped3A = tpu.sem_alloc : memref<!tpu.dma_semaphore, #tpu.memory_space<semaphore_mem>>
      %dma_start3A_348 = arith.constant 0 : i32
      %dma_start3A_349 = tpu.memref_slice %arg6[%add3A_345, %dma_start3A_348] : memref<20480x128xf32, #tpu.memory_space<hbm>> -> memref<640x128xf32, #tpu.memory_space<hbm>>
      %dma_start3A_350 = arith.constant 0 : i32
      %dma_start3A_351 = tpu.memref_slice %arg23[%mul3A_347, %dma_start3A_350] : memref<10240x128xf32, #tpu.memory_space<vmem_shared>> -> memref<640x128xf32, #tpu.memory_space<vmem_shared>>
      tpu.enqueue_dma source(%dma_start3A_351 : memref<640x128xf32, #tpu.memory_space<vmem_shared>>) target(%dma_start3A_349 : memref<640x128xf32, #tpu.memory_space<hbm>>) target_semaphore(%run_scoped3A : memref<!tpu.dma_semaphore, #tpu.memory_space<semaphore_mem>>)
      %dma_wait3A_352 = arith.constant 0 : i32
      %dma_wait3A_353 = tpu.memref_slice %arg6[%add3A_345, %dma_wait3A_352] : memref<20480x128xf32, #tpu.memory_space<hbm>> -> memref<640x128xf32, #tpu.memory_space<hbm>>
      %dma_wait3A_354 = arith.constant 0 : i32
      %dma_wait3A_355 = tpu.memref_slice %arg23[%mul3A_347, %dma_wait3A_354] : memref<10240x128xf32, #tpu.memory_space<vmem_shared>> -> memref<640x128xf32, #tpu.memory_space<vmem_shared>>
      tpu.wait_dma2 semaphore(%run_scoped3A : memref<!tpu.dma_semaphore, #tpu.memory_space<semaphore_mem>>) src(%dma_wait3A_355 : memref<640x128xf32, #tpu.memory_space<vmem_shared>>) dst(%dma_wait3A_353 : memref<640x128xf32, #tpu.memory_space<hbm>>)
      tpu.yield
    }) : () -> ()
    return
  }
}

#map = affine_map<(d0, d1) -> (0, 0)>
#map1 = affine_map<(d0, d1) -> (0, 0, 0)>
module attributes {stable_mosaic.version = 14 : i64} {
  func.func @_sc_agg_body(%arg0: i32, %arg1: i32, %arg2: memref<10000x128xf32, #tpu.memory_space<hbm>>, %arg3: memref<4000x2x80xi32, #tpu.memory_space<hbm>>, %arg4: memref<10240x128xf32, #tpu.memory_space<hbm>>, %arg5: memref<20480x128xf32, #tpu.memory_space<hbm>>, %arg6: memref<2x80xi32, #tpu.memory_space<vmem>>, %arg7: memref<2x80xi32, #tpu.memory_space<vmem>>, %arg8: memref<2x80xi32, #tpu.memory_space<vmem>>, %arg9: memref<2x80xi32, #tpu.memory_space<vmem>>, %arg10: memref<80x128xf32, #tpu.memory_space<vmem>>, %arg11: memref<80x128xf32, #tpu.memory_space<vmem>>, %arg12: memref<80x128xf32, #tpu.memory_space<vmem>>, %arg13: memref<80x128xf32, #tpu.memory_space<vmem>>, %arg14: memref<10240x128xf32, #tpu.memory_space<vmem_shared>>, %arg15: memref<!tpu.dma_semaphore, #tpu.memory_space<semaphore_mem>>, %arg16: memref<!tpu.dma_semaphore, #tpu.memory_space<semaphore_mem>>, %arg17: memref<!tpu.dma_semaphore, #tpu.memory_space<semaphore_mem>>, %arg18: memref<!tpu.dma_semaphore, #tpu.memory_space<semaphore_mem>>, %arg19: memref<!tpu.dma_semaphore, #tpu.memory_space<semaphore_mem>>, %arg20: memref<!tpu.dma_semaphore, #tpu.memory_space<semaphore_mem>>, %arg21: memref<!tpu.dma_semaphore, #tpu.memory_space<semaphore_mem>>, %arg22: memref<!tpu.dma_semaphore, #tpu.memory_space<semaphore_mem>>, %arg23: memref<!tpu.dma_semaphore, #tpu.memory_space<semaphore_mem>>, %arg24: memref<!tpu.dma_semaphore, #tpu.memory_space<semaphore_mem>>, %arg25: memref<!tpu.dma_semaphore, #tpu.memory_space<semaphore_mem>>, %arg26: memref<!tpu.dma_semaphore, #tpu.memory_space<semaphore_mem>>) attributes {dimension_semantics = [#tpu.dimension_semantics<core_parallel>, #tpu.dimension_semantics<subcore_parallel>], iteration_bounds = array<i64: 2, 16>, scalar_prefetch = 0 : i64, scratch_operands = 21 : i64, tpu.core_type = #tpu.core_type<sc_vector_subcore>, window_params = [{transform_indices = #map}, {transform_indices = #map1}, {transform_indices = #map}, {transform_indices = #map}]} {
    %mul3A = arith.constant 2 : i32
    %mul3A_0 = arith.muli %arg1, %mul3A : i32
    %add3A = arith.addi %mul3A_0, %arg0 : i32
    %mul3A_1 = arith.constant 125 : i32
    %mul3A_2 = arith.muli %add3A, %mul3A_1 : i32
    %mul3A_3 = arith.constant 640 : i32
    %mul3A_4 = arith.muli %arg1, %mul3A_3 : i32
    %mul3A_5 = arith.constant 640 : i32
    %mul3A_6 = arith.muli %arg1, %mul3A_5 : i32
    "tpu.region"() ({
      %run_scoped3A = tpu.sem_alloc : memref<!tpu.dma_semaphore, #tpu.memory_space<semaphore_mem>>
      %dma_start3A_243 = arith.constant 0 : i32
      %dma_start3A_244 = tpu.memref_slice %arg14[%mul3A_6, %dma_start3A_243] : memref<10240x128xf32, #tpu.memory_space<vmem_shared>> -> memref<640x128xf32, #tpu.memory_space<vmem_shared>>
      %dma_start3A_245 = arith.constant 0 : i32
      %dma_start3A_246 = tpu.memref_slice %arg4[%mul3A_4, %dma_start3A_245] : memref<10240x128xf32, #tpu.memory_space<hbm>> -> memref<640x128xf32, #tpu.memory_space<hbm>>
      tpu.enqueue_dma source(%dma_start3A_246 : memref<640x128xf32, #tpu.memory_space<hbm>>) target(%dma_start3A_244 : memref<640x128xf32, #tpu.memory_space<vmem_shared>>) target_semaphore(%run_scoped3A : memref<!tpu.dma_semaphore, #tpu.memory_space<semaphore_mem>>)
      %dma_wait3A_247 = arith.constant 0 : i32
      %dma_wait3A_248 = tpu.memref_slice %arg14[%mul3A_6, %dma_wait3A_247] : memref<10240x128xf32, #tpu.memory_space<vmem_shared>> -> memref<640x128xf32, #tpu.memory_space<vmem_shared>>
      %dma_wait3A_249 = arith.constant 0 : i32
      %dma_wait3A_250 = tpu.memref_slice %arg4[%mul3A_4, %dma_wait3A_249] : memref<10240x128xf32, #tpu.memory_space<hbm>> -> memref<640x128xf32, #tpu.memory_space<hbm>>
      tpu.wait_dma2 semaphore(%run_scoped3A : memref<!tpu.dma_semaphore, #tpu.memory_space<semaphore_mem>>) src(%dma_wait3A_250 : memref<640x128xf32, #tpu.memory_space<hbm>>) dst(%dma_wait3A_248 : memref<640x128xf32, #tpu.memory_space<vmem_shared>>)
      tpu.yield
    }) : () -> ()
    %barrier3A = arith.constant 0 : index
    tpu.barrier barrier_id(%barrier3A)
    %add3A_7 = arith.constant 0 : i32
    %add3A_8 = arith.addi %mul3A_2, %add3A_7 : i32
    %dma_start3A = arith.constant 0 : i32
    %dma_start3A_9 = arith.constant 0 : i32
    %dma_start3A_10 = tpu.memref_slice %arg3[%add3A_8, %dma_start3A, %dma_start3A_9] : memref<4000x2x80xi32, #tpu.memory_space<hbm>> -> memref<1x2x80xi32, #tpu.memory_space<hbm>>
    %dma_start3A_11 = tpu.memref_squeeze %dma_start3A_10 : memref<1x2x80xi32, #tpu.memory_space<hbm>> -> memref<2x80xi32, #tpu.memory_space<hbm>>
    %dma_start3A_12 = arith.constant 0 : i32
    %dma_start3A_13 = arith.constant 0 : i32
    %dma_start3A_14 = tpu.memref_slice %arg3[%add3A_8, %dma_start3A_12, %dma_start3A_13] : memref<4000x2x80xi32, #tpu.memory_space<hbm>> -> memref<1x2x80xi32, #tpu.memory_space<hbm>>
    %dma_start3A_15 = tpu.memref_squeeze %dma_start3A_14 : memref<1x2x80xi32, #tpu.memory_space<hbm>> -> memref<2x80xi32, #tpu.memory_space<hbm>>
    tpu.enqueue_dma source(%dma_start3A_15 : memref<2x80xi32, #tpu.memory_space<hbm>>) target(%arg6 : memref<2x80xi32, #tpu.memory_space<vmem>>) target_semaphore(%arg15 : memref<!tpu.dma_semaphore, #tpu.memory_space<semaphore_mem>>)
    %add3A_16 = arith.constant 1 : i32
    %add3A_17 = arith.addi %mul3A_2, %add3A_16 : i32
    %dma_start3A_18 = arith.constant 0 : i32
    %dma_start3A_19 = arith.constant 0 : i32
    %dma_start3A_20 = tpu.memref_slice %arg3[%add3A_17, %dma_start3A_18, %dma_start3A_19] : memref<4000x2x80xi32, #tpu.memory_space<hbm>> -> memref<1x2x80xi32, #tpu.memory_space<hbm>>
    %dma_start3A_21 = tpu.memref_squeeze %dma_start3A_20 : memref<1x2x80xi32, #tpu.memory_space<hbm>> -> memref<2x80xi32, #tpu.memory_space<hbm>>
    %dma_start3A_22 = arith.constant 0 : i32
    %dma_start3A_23 = arith.constant 0 : i32
    %dma_start3A_24 = tpu.memref_slice %arg3[%add3A_17, %dma_start3A_22, %dma_start3A_23] : memref<4000x2x80xi32, #tpu.memory_space<hbm>> -> memref<1x2x80xi32, #tpu.memory_space<hbm>>
    %dma_start3A_25 = tpu.memref_squeeze %dma_start3A_24 : memref<1x2x80xi32, #tpu.memory_space<hbm>> -> memref<2x80xi32, #tpu.memory_space<hbm>>
    tpu.enqueue_dma source(%dma_start3A_25 : memref<2x80xi32, #tpu.memory_space<hbm>>) target(%arg7 : memref<2x80xi32, #tpu.memory_space<vmem>>) target_semaphore(%arg16 : memref<!tpu.dma_semaphore, #tpu.memory_space<semaphore_mem>>)
    %add3A_26 = arith.constant 2 : i32
    %add3A_27 = arith.addi %mul3A_2, %add3A_26 : i32
    %dma_start3A_28 = arith.constant 0 : i32
    %dma_start3A_29 = arith.constant 0 : i32
    %dma_start3A_30 = tpu.memref_slice %arg3[%add3A_27, %dma_start3A_28, %dma_start3A_29] : memref<4000x2x80xi32, #tpu.memory_space<hbm>> -> memref<1x2x80xi32, #tpu.memory_space<hbm>>
    %dma_start3A_31 = tpu.memref_squeeze %dma_start3A_30 : memref<1x2x80xi32, #tpu.memory_space<hbm>> -> memref<2x80xi32, #tpu.memory_space<hbm>>
    %dma_start3A_32 = arith.constant 0 : i32
    %dma_start3A_33 = arith.constant 0 : i32
    %dma_start3A_34 = tpu.memref_slice %arg3[%add3A_27, %dma_start3A_32, %dma_start3A_33] : memref<4000x2x80xi32, #tpu.memory_space<hbm>> -> memref<1x2x80xi32, #tpu.memory_space<hbm>>
    %dma_start3A_35 = tpu.memref_squeeze %dma_start3A_34 : memref<1x2x80xi32, #tpu.memory_space<hbm>> -> memref<2x80xi32, #tpu.memory_space<hbm>>
    tpu.enqueue_dma source(%dma_start3A_35 : memref<2x80xi32, #tpu.memory_space<hbm>>) target(%arg8 : memref<2x80xi32, #tpu.memory_space<vmem>>) target_semaphore(%arg17 : memref<!tpu.dma_semaphore, #tpu.memory_space<semaphore_mem>>)
    %add3A_36 = arith.constant 3 : i32
    %add3A_37 = arith.addi %mul3A_2, %add3A_36 : i32
    %dma_start3A_38 = arith.constant 0 : i32
    %dma_start3A_39 = arith.constant 0 : i32
    %dma_start3A_40 = tpu.memref_slice %arg3[%add3A_37, %dma_start3A_38, %dma_start3A_39] : memref<4000x2x80xi32, #tpu.memory_space<hbm>> -> memref<1x2x80xi32, #tpu.memory_space<hbm>>
    %dma_start3A_41 = tpu.memref_squeeze %dma_start3A_40 : memref<1x2x80xi32, #tpu.memory_space<hbm>> -> memref<2x80xi32, #tpu.memory_space<hbm>>
    %dma_start3A_42 = arith.constant 0 : i32
    %dma_start3A_43 = arith.constant 0 : i32
    %dma_start3A_44 = tpu.memref_slice %arg3[%add3A_37, %dma_start3A_42, %dma_start3A_43] : memref<4000x2x80xi32, #tpu.memory_space<hbm>> -> memref<1x2x80xi32, #tpu.memory_space<hbm>>
    %dma_start3A_45 = tpu.memref_squeeze %dma_start3A_44 : memref<1x2x80xi32, #tpu.memory_space<hbm>> -> memref<2x80xi32, #tpu.memory_space<hbm>>
    tpu.enqueue_dma source(%dma_start3A_45 : memref<2x80xi32, #tpu.memory_space<hbm>>) target(%arg9 : memref<2x80xi32, #tpu.memory_space<vmem>>) target_semaphore(%arg18 : memref<!tpu.dma_semaphore, #tpu.memory_space<semaphore_mem>>)
    %scan3A = arith.constant 0 : i32
    %scan3A_46 = arith.constant 0 : i32
    %scan3A_47 = arith.constant 30 : i32
    %scan3A_48 = arith.addi %scan3A_46, %scan3A_47 : i32
    %scan3A_49 = arith.constant 1 : i32
    scf.for %scan3A_243 = %scan3A_46 to %scan3A_48 step %scan3A_49  : i32 {
      %mul3A_244 = arith.constant 4 : i32
      %mul3A_245 = arith.muli %scan3A_243, %mul3A_244 : i32
      %dma_wait3A_246 = arith.constant 0 : i32
      %dma_wait3A_247 = arith.constant 0 : i32
      %dma_wait3A_248 = arith.constant 0 : i32
      %dma_wait3A_249 = tpu.memref_slice %arg3[%dma_wait3A_246, %dma_wait3A_247, %dma_wait3A_248] : memref<4000x2x80xi32, #tpu.memory_space<hbm>> -> memref<1x2x80xi32, #tpu.memory_space<hbm>>
      %dma_wait3A_250 = tpu.memref_squeeze %dma_wait3A_249 : memref<1x2x80xi32, #tpu.memory_space<hbm>> -> memref<2x80xi32, #tpu.memory_space<hbm>>
      %dma_wait3A_251 = arith.constant 0 : i32
      %dma_wait3A_252 = arith.constant 0 : i32
      %dma_wait3A_253 = tpu.memref_slice %arg3[%dma_wait3A_246, %dma_wait3A_251, %dma_wait3A_252] : memref<4000x2x80xi32, #tpu.memory_space<hbm>> -> memref<1x2x80xi32, #tpu.memory_space<hbm>>
      %dma_wait3A_254 = tpu.memref_squeeze %dma_wait3A_253 : memref<1x2x80xi32, #tpu.memory_space<hbm>> -> memref<2x80xi32, #tpu.memory_space<hbm>>
      tpu.wait_dma2 semaphore(%arg15 : memref<!tpu.dma_semaphore, #tpu.memory_space<semaphore_mem>>) src(%dma_wait3A_254 : memref<2x80xi32, #tpu.memory_space<hbm>>) dst(%arg6 : memref<2x80xi32, #tpu.memory_space<vmem>>)
      %dma_start3A_255 = arith.constant 0 : i32
      %dma_start3A_256 = arith.constant 0 : i32
      %dma_start3A_257 = tpu.memref_slice %arg6[%dma_start3A_255, %dma_start3A_256] : memref<2x80xi32, #tpu.memory_space<vmem>> -> memref<1x80xi32, #tpu.memory_space<vmem>>
      %dma_start3A_258 = tpu.memref_squeeze %dma_start3A_257 : memref<1x80xi32, #tpu.memory_space<vmem>> -> memref<80xi32, #tpu.memory_space<vmem>>
      %dma_start3A_259 = arith.constant 0 : i32
      %dma_start3A_260 = arith.constant 0 : i32
      %dma_start3A_261 = tpu.memref_slice %arg2[%dma_start3A_259, %dma_start3A_260] : memref<10000x128xf32, #tpu.memory_space<hbm>> -> memref<10000x128xf32, #tpu.memory_space<hbm>>
      tpu.enqueue_indirect_dma source(%dma_start3A_261 : memref<10000x128xf32, #tpu.memory_space<hbm>>) target(%arg10 : memref<80x128xf32, #tpu.memory_space<vmem>>) offsets(%dma_start3A_258 : memref<80xi32, #tpu.memory_space<vmem>>) semaphore(%arg19 : memref<!tpu.dma_semaphore, #tpu.memory_space<semaphore_mem>>)
      %dma_wait3A_262 = arith.constant 0 : i32
      %dma_wait3A_263 = arith.constant 0 : i32
      %dma_wait3A_264 = arith.constant 0 : i32
      %dma_wait3A_265 = tpu.memref_slice %arg3[%dma_wait3A_262, %dma_wait3A_263, %dma_wait3A_264] : memref<4000x2x80xi32, #tpu.memory_space<hbm>> -> memref<1x2x80xi32, #tpu.memory_space<hbm>>
      %dma_wait3A_266 = tpu.memref_squeeze %dma_wait3A_265 : memref<1x2x80xi32, #tpu.memory_space<hbm>> -> memref<2x80xi32, #tpu.memory_space<hbm>>
      %dma_wait3A_267 = arith.constant 0 : i32
      %dma_wait3A_268 = arith.constant 0 : i32
      %dma_wait3A_269 = tpu.memref_slice %arg3[%dma_wait3A_262, %dma_wait3A_267, %dma_wait3A_268] : memref<4000x2x80xi32, #tpu.memory_space<hbm>> -> memref<1x2x80xi32, #tpu.memory_space<hbm>>
      %dma_wait3A_270 = tpu.memref_squeeze %dma_wait3A_269 : memref<1x2x80xi32, #tpu.memory_space<hbm>> -> memref<2x80xi32, #tpu.memory_space<hbm>>
      tpu.wait_dma2 semaphore(%arg16 : memref<!tpu.dma_semaphore, #tpu.memory_space<semaphore_mem>>) src(%dma_wait3A_270 : memref<2x80xi32, #tpu.memory_space<hbm>>) dst(%arg7 : memref<2x80xi32, #tpu.memory_space<vmem>>)
      %dma_start3A_271 = arith.constant 0 : i32
      %dma_start3A_272 = arith.constant 0 : i32
      %dma_start3A_273 = tpu.memref_slice %arg7[%dma_start3A_271, %dma_start3A_272] : memref<2x80xi32, #tpu.memory_space<vmem>> -> memref<1x80xi32, #tpu.memory_space<vmem>>
      %dma_start3A_274 = tpu.memref_squeeze %dma_start3A_273 : memref<1x80xi32, #tpu.memory_space<vmem>> -> memref<80xi32, #tpu.memory_space<vmem>>
      %dma_start3A_275 = arith.constant 0 : i32
      %dma_start3A_276 = arith.constant 0 : i32
      %dma_start3A_277 = tpu.memref_slice %arg2[%dma_start3A_275, %dma_start3A_276] : memref<10000x128xf32, #tpu.memory_space<hbm>> -> memref<10000x128xf32, #tpu.memory_space<hbm>>
      tpu.enqueue_indirect_dma source(%dma_start3A_277 : memref<10000x128xf32, #tpu.memory_space<hbm>>) target(%arg11 : memref<80x128xf32, #tpu.memory_space<vmem>>) offsets(%dma_start3A_274 : memref<80xi32, #tpu.memory_space<vmem>>) semaphore(%arg20 : memref<!tpu.dma_semaphore, #tpu.memory_space<semaphore_mem>>)
      %dma_wait3A_278 = arith.constant 0 : i32
      %dma_wait3A_279 = arith.constant 0 : i32
      %dma_wait3A_280 = arith.constant 0 : i32
      %dma_wait3A_281 = tpu.memref_slice %arg3[%dma_wait3A_278, %dma_wait3A_279, %dma_wait3A_280] : memref<4000x2x80xi32, #tpu.memory_space<hbm>> -> memref<1x2x80xi32, #tpu.memory_space<hbm>>
      %dma_wait3A_282 = tpu.memref_squeeze %dma_wait3A_281 : memref<1x2x80xi32, #tpu.memory_space<hbm>> -> memref<2x80xi32, #tpu.memory_space<hbm>>
      %dma_wait3A_283 = arith.constant 0 : i32
      %dma_wait3A_284 = arith.constant 0 : i32
      %dma_wait3A_285 = tpu.memref_slice %arg3[%dma_wait3A_278, %dma_wait3A_283, %dma_wait3A_284] : memref<4000x2x80xi32, #tpu.memory_space<hbm>> -> memref<1x2x80xi32, #tpu.memory_space<hbm>>
      %dma_wait3A_286 = tpu.memref_squeeze %dma_wait3A_285 : memref<1x2x80xi32, #tpu.memory_space<hbm>> -> memref<2x80xi32, #tpu.memory_space<hbm>>
      tpu.wait_dma2 semaphore(%arg17 : memref<!tpu.dma_semaphore, #tpu.memory_space<semaphore_mem>>) src(%dma_wait3A_286 : memref<2x80xi32, #tpu.memory_space<hbm>>) dst(%arg8 : memref<2x80xi32, #tpu.memory_space<vmem>>)
      %dma_start3A_287 = arith.constant 0 : i32
      %dma_start3A_288 = arith.constant 0 : i32
      %dma_start3A_289 = tpu.memref_slice %arg8[%dma_start3A_287, %dma_start3A_288] : memref<2x80xi32, #tpu.memory_space<vmem>> -> memref<1x80xi32, #tpu.memory_space<vmem>>
      %dma_start3A_290 = tpu.memref_squeeze %dma_start3A_289 : memref<1x80xi32, #tpu.memory_space<vmem>> -> memref<80xi32, #tpu.memory_space<vmem>>
      %dma_start3A_291 = arith.constant 0 : i32
      %dma_start3A_292 = arith.constant 0 : i32
      %dma_start3A_293 = tpu.memref_slice %arg2[%dma_start3A_291, %dma_start3A_292] : memref<10000x128xf32, #tpu.memory_space<hbm>> -> memref<10000x128xf32, #tpu.memory_space<hbm>>
      tpu.enqueue_indirect_dma source(%dma_start3A_293 : memref<10000x128xf32, #tpu.memory_space<hbm>>) target(%arg12 : memref<80x128xf32, #tpu.memory_space<vmem>>) offsets(%dma_start3A_290 : memref<80xi32, #tpu.memory_space<vmem>>) semaphore(%arg21 : memref<!tpu.dma_semaphore, #tpu.memory_space<semaphore_mem>>)
      %dma_wait3A_294 = arith.constant 0 : i32
      %dma_wait3A_295 = arith.constant 0 : i32
      %dma_wait3A_296 = arith.constant 0 : i32
      %dma_wait3A_297 = tpu.memref_slice %arg3[%dma_wait3A_294, %dma_wait3A_295, %dma_wait3A_296] : memref<4000x2x80xi32, #tpu.memory_space<hbm>> -> memref<1x2x80xi32, #tpu.memory_space<hbm>>
      %dma_wait3A_298 = tpu.memref_squeeze %dma_wait3A_297 : memref<1x2x80xi32, #tpu.memory_space<hbm>> -> memref<2x80xi32, #tpu.memory_space<hbm>>
      %dma_wait3A_299 = arith.constant 0 : i32
      %dma_wait3A_300 = arith.constant 0 : i32
      %dma_wait3A_301 = tpu.memref_slice %arg3[%dma_wait3A_294, %dma_wait3A_299, %dma_wait3A_300] : memref<4000x2x80xi32, #tpu.memory_space<hbm>> -> memref<1x2x80xi32, #tpu.memory_space<hbm>>
      %dma_wait3A_302 = tpu.memref_squeeze %dma_wait3A_301 : memref<1x2x80xi32, #tpu.memory_space<hbm>> -> memref<2x80xi32, #tpu.memory_space<hbm>>
      tpu.wait_dma2 semaphore(%arg18 : memref<!tpu.dma_semaphore, #tpu.memory_space<semaphore_mem>>) src(%dma_wait3A_302 : memref<2x80xi32, #tpu.memory_space<hbm>>) dst(%arg9 : memref<2x80xi32, #tpu.memory_space<vmem>>)
      %dma_start3A_303 = arith.constant 0 : i32
      %dma_start3A_304 = arith.constant 0 : i32
      %dma_start3A_305 = tpu.memref_slice %arg9[%dma_start3A_303, %dma_start3A_304] : memref<2x80xi32, #tpu.memory_space<vmem>> -> memref<1x80xi32, #tpu.memory_space<vmem>>
      %dma_start3A_306 = tpu.memref_squeeze %dma_start3A_305 : memref<1x80xi32, #tpu.memory_space<vmem>> -> memref<80xi32, #tpu.memory_space<vmem>>
      %dma_start3A_307 = arith.constant 0 : i32
      %dma_start3A_308 = arith.constant 0 : i32
      %dma_start3A_309 = tpu.memref_slice %arg2[%dma_start3A_307, %dma_start3A_308] : memref<10000x128xf32, #tpu.memory_space<hbm>> -> memref<10000x128xf32, #tpu.memory_space<hbm>>
      tpu.enqueue_indirect_dma source(%dma_start3A_309 : memref<10000x128xf32, #tpu.memory_space<hbm>>) target(%arg13 : memref<80x128xf32, #tpu.memory_space<vmem>>) offsets(%dma_start3A_306 : memref<80xi32, #tpu.memory_space<vmem>>) semaphore(%arg22 : memref<!tpu.dma_semaphore, #tpu.memory_space<semaphore_mem>>)
      %dma_wait3A_310 = arith.constant 0 : i32
      %dma_wait3A_311 = arith.constant 0 : i32
      %dma_wait3A_312 = tpu.memref_slice %arg2[%dma_wait3A_310, %dma_wait3A_311] : memref<10000x128xf32, #tpu.memory_space<hbm>> -> memref<80x128xf32, #tpu.memory_space<hbm>>
      %dma_wait3A_313 = arith.constant 0 : i32
      %dma_wait3A_314 = arith.constant 0 : i32
      %dma_wait3A_315 = tpu.memref_slice %arg2[%dma_wait3A_313, %dma_wait3A_314] : memref<10000x128xf32, #tpu.memory_space<hbm>> -> memref<80x128xf32, #tpu.memory_space<hbm>>
      tpu.wait_dma2 semaphore(%arg19 : memref<!tpu.dma_semaphore, #tpu.memory_space<semaphore_mem>>) src(%dma_wait3A_315 : memref<80x128xf32, #tpu.memory_space<hbm>>) dst(%arg10 : memref<80x128xf32, #tpu.memory_space<vmem>>)
      %dma_start3A_316 = arith.constant 1 : i32
      %dma_start3A_317 = arith.constant 0 : i32
      %dma_start3A_318 = tpu.memref_slice %arg6[%dma_start3A_316, %dma_start3A_317] : memref<2x80xi32, #tpu.memory_space<vmem>> -> memref<1x80xi32, #tpu.memory_space<vmem>>
      %dma_start3A_319 = tpu.memref_squeeze %dma_start3A_318 : memref<1x80xi32, #tpu.memory_space<vmem>> -> memref<80xi32, #tpu.memory_space<vmem>>
      %dma_start3A_320 = arith.constant 0 : i32
      %dma_start3A_321 = arith.constant 0 : i32
      %dma_start3A_322 = tpu.memref_slice %arg14[%dma_start3A_320, %dma_start3A_321] : memref<10240x128xf32, #tpu.memory_space<vmem_shared>> -> memref<10240x128xf32, #tpu.memory_space<vmem_shared>>
      tpu.enqueue_indirect_dma source(%arg10 : memref<80x128xf32, #tpu.memory_space<vmem>>) target(%dma_start3A_322 : memref<10240x128xf32, #tpu.memory_space<vmem_shared>>) offsets(%dma_start3A_319 : memref<80xi32, #tpu.memory_space<vmem>>) semaphore(%arg23 : memref<!tpu.dma_semaphore, #tpu.memory_space<semaphore_mem>>) {add = true}
      %dma_wait3A_323 = arith.constant 0 : i32
      %dma_wait3A_324 = arith.constant 0 : i32
      %dma_wait3A_325 = tpu.memref_slice %arg2[%dma_wait3A_323, %dma_wait3A_324] : memref<10000x128xf32, #tpu.memory_space<hbm>> -> memref<80x128xf32, #tpu.memory_space<hbm>>
      %dma_wait3A_326 = arith.constant 0 : i32
      %dma_wait3A_327 = arith.constant 0 : i32
      %dma_wait3A_328 = tpu.memref_slice %arg2[%dma_wait3A_326, %dma_wait3A_327] : memref<10000x128xf32, #tpu.memory_space<hbm>> -> memref<80x128xf32, #tpu.memory_space<hbm>>
      tpu.wait_dma2 semaphore(%arg20 : memref<!tpu.dma_semaphore, #tpu.memory_space<semaphore_mem>>) src(%dma_wait3A_328 : memref<80x128xf32, #tpu.memory_space<hbm>>) dst(%arg11 : memref<80x128xf32, #tpu.memory_space<vmem>>)
      %dma_start3A_329 = arith.constant 1 : i32
      %dma_start3A_330 = arith.constant 0 : i32
      %dma_start3A_331 = tpu.memref_slice %arg7[%dma_start3A_329, %dma_start3A_330] : memref<2x80xi32, #tpu.memory_space<vmem>> -> memref<1x80xi32, #tpu.memory_space<vmem>>
      %dma_start3A_332 = tpu.memref_squeeze %dma_start3A_331 : memref<1x80xi32, #tpu.memory_space<vmem>> -> memref<80xi32, #tpu.memory_space<vmem>>
      %dma_start3A_333 = arith.constant 0 : i32
      %dma_start3A_334 = arith.constant 0 : i32
      %dma_start3A_335 = tpu.memref_slice %arg14[%dma_start3A_333, %dma_start3A_334] : memref<10240x128xf32, #tpu.memory_space<vmem_shared>> -> memref<10240x128xf32, #tpu.memory_space<vmem_shared>>
      tpu.enqueue_indirect_dma source(%arg11 : memref<80x128xf32, #tpu.memory_space<vmem>>) target(%dma_start3A_335 : memref<10240x128xf32, #tpu.memory_space<vmem_shared>>) offsets(%dma_start3A_332 : memref<80xi32, #tpu.memory_space<vmem>>) semaphore(%arg24 : memref<!tpu.dma_semaphore, #tpu.memory_space<semaphore_mem>>) {add = true}
      %dma_wait3A_336 = arith.constant 0 : i32
      %dma_wait3A_337 = arith.constant 0 : i32
      %dma_wait3A_338 = tpu.memref_slice %arg2[%dma_wait3A_336, %dma_wait3A_337] : memref<10000x128xf32, #tpu.memory_space<hbm>> -> memref<80x128xf32, #tpu.memory_space<hbm>>
      %dma_wait3A_339 = arith.constant 0 : i32
      %dma_wait3A_340 = arith.constant 0 : i32
      %dma_wait3A_341 = tpu.memref_slice %arg2[%dma_wait3A_339, %dma_wait3A_340] : memref<10000x128xf32, #tpu.memory_space<hbm>> -> memref<80x128xf32, #tpu.memory_space<hbm>>
      tpu.wait_dma2 semaphore(%arg21 : memref<!tpu.dma_semaphore, #tpu.memory_space<semaphore_mem>>) src(%dma_wait3A_341 : memref<80x128xf32, #tpu.memory_space<hbm>>) dst(%arg12 : memref<80x128xf32, #tpu.memory_space<vmem>>)
      %dma_start3A_342 = arith.constant 1 : i32
      %dma_start3A_343 = arith.constant 0 : i32
      %dma_start3A_344 = tpu.memref_slice %arg8[%dma_start3A_342, %dma_start3A_343] : memref<2x80xi32, #tpu.memory_space<vmem>> -> memref<1x80xi32, #tpu.memory_space<vmem>>
      %dma_start3A_345 = tpu.memref_squeeze %dma_start3A_344 : memref<1x80xi32, #tpu.memory_space<vmem>> -> memref<80xi32, #tpu.memory_space<vmem>>
      %dma_start3A_346 = arith.constant 0 : i32
      %dma_start3A_347 = arith.constant 0 : i32
      %dma_start3A_348 = tpu.memref_slice %arg14[%dma_start3A_346, %dma_start3A_347] : memref<10240x128xf32, #tpu.memory_space<vmem_shared>> -> memref<10240x128xf32, #tpu.memory_space<vmem_shared>>
      tpu.enqueue_indirect_dma source(%arg12 : memref<80x128xf32, #tpu.memory_space<vmem>>) target(%dma_start3A_348 : memref<10240x128xf32, #tpu.memory_space<vmem_shared>>) offsets(%dma_start3A_345 : memref<80xi32, #tpu.memory_space<vmem>>) semaphore(%arg25 : memref<!tpu.dma_semaphore, #tpu.memory_space<semaphore_mem>>) {add = true}
      %dma_wait3A_349 = arith.constant 0 : i32
      %dma_wait3A_350 = arith.constant 0 : i32
      %dma_wait3A_351 = tpu.memref_slice %arg2[%dma_wait3A_349, %dma_wait3A_350] : memref<10000x128xf32, #tpu.memory_space<hbm>> -> memref<80x128xf32, #tpu.memory_space<hbm>>
      %dma_wait3A_352 = arith.constant 0 : i32
      %dma_wait3A_353 = arith.constant 0 : i32
      %dma_wait3A_354 = tpu.memref_slice %arg2[%dma_wait3A_352, %dma_wait3A_353] : memref<10000x128xf32, #tpu.memory_space<hbm>> -> memref<80x128xf32, #tpu.memory_space<hbm>>
      tpu.wait_dma2 semaphore(%arg22 : memref<!tpu.dma_semaphore, #tpu.memory_space<semaphore_mem>>) src(%dma_wait3A_354 : memref<80x128xf32, #tpu.memory_space<hbm>>) dst(%arg13 : memref<80x128xf32, #tpu.memory_space<vmem>>)
      %dma_start3A_355 = arith.constant 1 : i32
      %dma_start3A_356 = arith.constant 0 : i32
      %dma_start3A_357 = tpu.memref_slice %arg9[%dma_start3A_355, %dma_start3A_356] : memref<2x80xi32, #tpu.memory_space<vmem>> -> memref<1x80xi32, #tpu.memory_space<vmem>>
      %dma_start3A_358 = tpu.memref_squeeze %dma_start3A_357 : memref<1x80xi32, #tpu.memory_space<vmem>> -> memref<80xi32, #tpu.memory_space<vmem>>
      %dma_start3A_359 = arith.constant 0 : i32
      %dma_start3A_360 = arith.constant 0 : i32
      %dma_start3A_361 = tpu.memref_slice %arg14[%dma_start3A_359, %dma_start3A_360] : memref<10240x128xf32, #tpu.memory_space<vmem_shared>> -> memref<10240x128xf32, #tpu.memory_space<vmem_shared>>
      tpu.enqueue_indirect_dma source(%arg13 : memref<80x128xf32, #tpu.memory_space<vmem>>) target(%dma_start3A_361 : memref<10240x128xf32, #tpu.memory_space<vmem_shared>>) offsets(%dma_start3A_358 : memref<80xi32, #tpu.memory_space<vmem>>) semaphore(%arg26 : memref<!tpu.dma_semaphore, #tpu.memory_space<semaphore_mem>>) {add = true}
      %dma_wait3A_362 = arith.constant 0 : i32
      %dma_wait3A_363 = arith.constant 0 : i32
      %dma_wait3A_364 = tpu.memref_slice %arg2[%dma_wait3A_362, %dma_wait3A_363] : memref<10000x128xf32, #tpu.memory_space<hbm>> -> memref<80x128xf32, #tpu.memory_space<hbm>>
      %dma_wait3A_365 = arith.constant 0 : i32
      %dma_wait3A_366 = arith.constant 0 : i32
      %dma_wait3A_367 = tpu.memref_slice %arg2[%dma_wait3A_365, %dma_wait3A_366] : memref<10000x128xf32, #tpu.memory_space<hbm>> -> memref<80x128xf32, #tpu.memory_space<hbm>>
      tpu.wait_dma2 semaphore(%arg23 : memref<!tpu.dma_semaphore, #tpu.memory_space<semaphore_mem>>) src(%dma_wait3A_367 : memref<80x128xf32, #tpu.memory_space<hbm>>) dst(%arg10 : memref<80x128xf32, #tpu.memory_space<vmem>>)
      %add3A_368 = arith.constant 4 : i32
      %add3A_369 = arith.addi %mul3A_245, %add3A_368 : i32
      %add3A_370 = arith.constant 0 : i32
      %add3A_371 = arith.addi %add3A_369, %add3A_370 : i32
      %add3A_372 = arith.addi %mul3A_2, %add3A_371 : i32
      %dma_start3A_373 = arith.constant 0 : i32
      %dma_start3A_374 = arith.constant 0 : i32
      %dma_start3A_375 = tpu.memref_slice %arg3[%add3A_372, %dma_start3A_373, %dma_start3A_374] : memref<4000x2x80xi32, #tpu.memory_space<hbm>> -> memref<1x2x80xi32, #tpu.memory_space<hbm>>
      %dma_start3A_376 = tpu.memref_squeeze %dma_start3A_375 : memref<1x2x80xi32, #tpu.memory_space<hbm>> -> memref<2x80xi32, #tpu.memory_space<hbm>>
      %dma_start3A_377 = arith.constant 0 : i32
      %dma_start3A_378 = arith.constant 0 : i32
      %dma_start3A_379 = tpu.memref_slice %arg3[%add3A_372, %dma_start3A_377, %dma_start3A_378] : memref<4000x2x80xi32, #tpu.memory_space<hbm>> -> memref<1x2x80xi32, #tpu.memory_space<hbm>>
      %dma_start3A_380 = tpu.memref_squeeze %dma_start3A_379 : memref<1x2x80xi32, #tpu.memory_space<hbm>> -> memref<2x80xi32, #tpu.memory_space<hbm>>
      tpu.enqueue_dma source(%dma_start3A_380 : memref<2x80xi32, #tpu.memory_space<hbm>>) target(%arg6 : memref<2x80xi32, #tpu.memory_space<vmem>>) target_semaphore(%arg15 : memref<!tpu.dma_semaphore, #tpu.memory_space<semaphore_mem>>)
      %dma_wait3A_381 = arith.constant 0 : i32
      %dma_wait3A_382 = arith.constant 0 : i32
      %dma_wait3A_383 = tpu.memref_slice %arg2[%dma_wait3A_381, %dma_wait3A_382] : memref<10000x128xf32, #tpu.memory_space<hbm>> -> memref<80x128xf32, #tpu.memory_space<hbm>>
      %dma_wait3A_384 = arith.constant 0 : i32
      %dma_wait3A_385 = arith.constant 0 : i32
      %dma_wait3A_386 = tpu.memref_slice %arg2[%dma_wait3A_384, %dma_wait3A_385] : memref<10000x128xf32, #tpu.memory_space<hbm>> -> memref<80x128xf32, #tpu.memory_space<hbm>>
      tpu.wait_dma2 semaphore(%arg24 : memref<!tpu.dma_semaphore, #tpu.memory_space<semaphore_mem>>) src(%dma_wait3A_386 : memref<80x128xf32, #tpu.memory_space<hbm>>) dst(%arg11 : memref<80x128xf32, #tpu.memory_space<vmem>>)
      %add3A_387 = arith.constant 4 : i32
      %add3A_388 = arith.addi %mul3A_245, %add3A_387 : i32
      %add3A_389 = arith.constant 1 : i32
      %add3A_390 = arith.addi %add3A_388, %add3A_389 : i32
      %add3A_391 = arith.addi %mul3A_2, %add3A_390 : i32
      %dma_start3A_392 = arith.constant 0 : i32
      %dma_start3A_393 = arith.constant 0 : i32
      %dma_start3A_394 = tpu.memref_slice %arg3[%add3A_391, %dma_start3A_392, %dma_start3A_393] : memref<4000x2x80xi32, #tpu.memory_space<hbm>> -> memref<1x2x80xi32, #tpu.memory_space<hbm>>
      %dma_start3A_395 = tpu.memref_squeeze %dma_start3A_394 : memref<1x2x80xi32, #tpu.memory_space<hbm>> -> memref<2x80xi32, #tpu.memory_space<hbm>>
      %dma_start3A_396 = arith.constant 0 : i32
      %dma_start3A_397 = arith.constant 0 : i32
      %dma_start3A_398 = tpu.memref_slice %arg3[%add3A_391, %dma_start3A_396, %dma_start3A_397] : memref<4000x2x80xi32, #tpu.memory_space<hbm>> -> memref<1x2x80xi32, #tpu.memory_space<hbm>>
      %dma_start3A_399 = tpu.memref_squeeze %dma_start3A_398 : memref<1x2x80xi32, #tpu.memory_space<hbm>> -> memref<2x80xi32, #tpu.memory_space<hbm>>
      tpu.enqueue_dma source(%dma_start3A_399 : memref<2x80xi32, #tpu.memory_space<hbm>>) target(%arg7 : memref<2x80xi32, #tpu.memory_space<vmem>>) target_semaphore(%arg16 : memref<!tpu.dma_semaphore, #tpu.memory_space<semaphore_mem>>)
      %dma_wait3A_400 = arith.constant 0 : i32
      %dma_wait3A_401 = arith.constant 0 : i32
      %dma_wait3A_402 = tpu.memref_slice %arg2[%dma_wait3A_400, %dma_wait3A_401] : memref<10000x128xf32, #tpu.memory_space<hbm>> -> memref<80x128xf32, #tpu.memory_space<hbm>>
      %dma_wait3A_403 = arith.constant 0 : i32
      %dma_wait3A_404 = arith.constant 0 : i32
      %dma_wait3A_405 = tpu.memref_slice %arg2[%dma_wait3A_403, %dma_wait3A_404] : memref<10000x128xf32, #tpu.memory_space<hbm>> -> memref<80x128xf32, #tpu.memory_space<hbm>>
      tpu.wait_dma2 semaphore(%arg25 : memref<!tpu.dma_semaphore, #tpu.memory_space<semaphore_mem>>) src(%dma_wait3A_405 : memref<80x128xf32, #tpu.memory_space<hbm>>) dst(%arg12 : memref<80x128xf32, #tpu.memory_space<vmem>>)
      %add3A_406 = arith.constant 4 : i32
      %add3A_407 = arith.addi %mul3A_245, %add3A_406 : i32
      %add3A_408 = arith.constant 2 : i32
      %add3A_409 = arith.addi %add3A_407, %add3A_408 : i32
      %add3A_410 = arith.addi %mul3A_2, %add3A_409 : i32
      %dma_start3A_411 = arith.constant 0 : i32
      %dma_start3A_412 = arith.constant 0 : i32
      %dma_start3A_413 = tpu.memref_slice %arg3[%add3A_410, %dma_start3A_411, %dma_start3A_412] : memref<4000x2x80xi32, #tpu.memory_space<hbm>> -> memref<1x2x80xi32, #tpu.memory_space<hbm>>
      %dma_start3A_414 = tpu.memref_squeeze %dma_start3A_413 : memref<1x2x80xi32, #tpu.memory_space<hbm>> -> memref<2x80xi32, #tpu.memory_space<hbm>>
      %dma_start3A_415 = arith.constant 0 : i32
      %dma_start3A_416 = arith.constant 0 : i32
      %dma_start3A_417 = tpu.memref_slice %arg3[%add3A_410, %dma_start3A_415, %dma_start3A_416] : memref<4000x2x80xi32, #tpu.memory_space<hbm>> -> memref<1x2x80xi32, #tpu.memory_space<hbm>>
      %dma_start3A_418 = tpu.memref_squeeze %dma_start3A_417 : memref<1x2x80xi32, #tpu.memory_space<hbm>> -> memref<2x80xi32, #tpu.memory_space<hbm>>
      tpu.enqueue_dma source(%dma_start3A_418 : memref<2x80xi32, #tpu.memory_space<hbm>>) target(%arg8 : memref<2x80xi32, #tpu.memory_space<vmem>>) target_semaphore(%arg17 : memref<!tpu.dma_semaphore, #tpu.memory_space<semaphore_mem>>)
      %dma_wait3A_419 = arith.constant 0 : i32
      %dma_wait3A_420 = arith.constant 0 : i32
      %dma_wait3A_421 = tpu.memref_slice %arg2[%dma_wait3A_419, %dma_wait3A_420] : memref<10000x128xf32, #tpu.memory_space<hbm>> -> memref<80x128xf32, #tpu.memory_space<hbm>>
      %dma_wait3A_422 = arith.constant 0 : i32
      %dma_wait3A_423 = arith.constant 0 : i32
      %dma_wait3A_424 = tpu.memref_slice %arg2[%dma_wait3A_422, %dma_wait3A_423] : memref<10000x128xf32, #tpu.memory_space<hbm>> -> memref<80x128xf32, #tpu.memory_space<hbm>>
      tpu.wait_dma2 semaphore(%arg26 : memref<!tpu.dma_semaphore, #tpu.memory_space<semaphore_mem>>) src(%dma_wait3A_424 : memref<80x128xf32, #tpu.memory_space<hbm>>) dst(%arg13 : memref<80x128xf32, #tpu.memory_space<vmem>>)
      %add3A_425 = arith.constant 4 : i32
      %add3A_426 = arith.addi %mul3A_245, %add3A_425 : i32
      %add3A_427 = arith.constant 3 : i32
      %add3A_428 = arith.addi %add3A_426, %add3A_427 : i32
      %add3A_429 = arith.addi %mul3A_2, %add3A_428 : i32
      %dma_start3A_430 = arith.constant 0 : i32
      %dma_start3A_431 = arith.constant 0 : i32
      %dma_start3A_432 = tpu.memref_slice %arg3[%add3A_429, %dma_start3A_430, %dma_start3A_431] : memref<4000x2x80xi32, #tpu.memory_space<hbm>> -> memref<1x2x80xi32, #tpu.memory_space<hbm>>
      %dma_start3A_433 = tpu.memref_squeeze %dma_start3A_432 : memref<1x2x80xi32, #tpu.memory_space<hbm>> -> memref<2x80xi32, #tpu.memory_space<hbm>>
      %dma_start3A_434 = arith.constant 0 : i32
      %dma_start3A_435 = arith.constant 0 : i32
      %dma_start3A_436 = tpu.memref_slice %arg3[%add3A_429, %dma_start3A_434, %dma_start3A_435] : memref<4000x2x80xi32, #tpu.memory_space<hbm>> -> memref<1x2x80xi32, #tpu.memory_space<hbm>>
      %dma_start3A_437 = tpu.memref_squeeze %dma_start3A_436 : memref<1x2x80xi32, #tpu.memory_space<hbm>> -> memref<2x80xi32, #tpu.memory_space<hbm>>
      tpu.enqueue_dma source(%dma_start3A_437 : memref<2x80xi32, #tpu.memory_space<hbm>>) target(%arg9 : memref<2x80xi32, #tpu.memory_space<vmem>>) target_semaphore(%arg18 : memref<!tpu.dma_semaphore, #tpu.memory_space<semaphore_mem>>)
    }
    %scan3A_50 = arith.constant 30 : i32
    %dma_wait3A = arith.constant 0 : i32
    %dma_wait3A_51 = arith.constant 0 : i32
    %dma_wait3A_52 = arith.constant 0 : i32
    %dma_wait3A_53 = tpu.memref_slice %arg3[%dma_wait3A, %dma_wait3A_51, %dma_wait3A_52] : memref<4000x2x80xi32, #tpu.memory_space<hbm>> -> memref<1x2x80xi32, #tpu.memory_space<hbm>>
    %dma_wait3A_54 = tpu.memref_squeeze %dma_wait3A_53 : memref<1x2x80xi32, #tpu.memory_space<hbm>> -> memref<2x80xi32, #tpu.memory_space<hbm>>
    %dma_wait3A_55 = arith.constant 0 : i32
    %dma_wait3A_56 = arith.constant 0 : i32
    %dma_wait3A_57 = tpu.memref_slice %arg3[%dma_wait3A, %dma_wait3A_55, %dma_wait3A_56] : memref<4000x2x80xi32, #tpu.memory_space<hbm>> -> memref<1x2x80xi32, #tpu.memory_space<hbm>>
    %dma_wait3A_58 = tpu.memref_squeeze %dma_wait3A_57 : memref<1x2x80xi32, #tpu.memory_space<hbm>> -> memref<2x80xi32, #tpu.memory_space<hbm>>
    tpu.wait_dma2 semaphore(%arg15 : memref<!tpu.dma_semaphore, #tpu.memory_space<semaphore_mem>>) src(%dma_wait3A_58 : memref<2x80xi32, #tpu.memory_space<hbm>>) dst(%arg6 : memref<2x80xi32, #tpu.memory_space<vmem>>)
    %dma_start3A_59 = arith.constant 0 : i32
    %dma_start3A_60 = arith.constant 0 : i32
    %dma_start3A_61 = tpu.memref_slice %arg6[%dma_start3A_59, %dma_start3A_60] : memref<2x80xi32, #tpu.memory_space<vmem>> -> memref<1x80xi32, #tpu.memory_space<vmem>>
    %dma_start3A_62 = tpu.memref_squeeze %dma_start3A_61 : memref<1x80xi32, #tpu.memory_space<vmem>> -> memref<80xi32, #tpu.memory_space<vmem>>
    %dma_start3A_63 = arith.constant 0 : i32
    %dma_start3A_64 = arith.constant 0 : i32
    %dma_start3A_65 = tpu.memref_slice %arg2[%dma_start3A_63, %dma_start3A_64] : memref<10000x128xf32, #tpu.memory_space<hbm>> -> memref<10000x128xf32, #tpu.memory_space<hbm>>
    tpu.enqueue_indirect_dma source(%dma_start3A_65 : memref<10000x128xf32, #tpu.memory_space<hbm>>) target(%arg10 : memref<80x128xf32, #tpu.memory_space<vmem>>) offsets(%dma_start3A_62 : memref<80xi32, #tpu.memory_space<vmem>>) semaphore(%arg19 : memref<!tpu.dma_semaphore, #tpu.memory_space<semaphore_mem>>)
    %dma_wait3A_66 = arith.constant 0 : i32
    %dma_wait3A_67 = arith.constant 0 : i32
    %dma_wait3A_68 = arith.constant 0 : i32
    %dma_wait3A_69 = tpu.memref_slice %arg3[%dma_wait3A_66, %dma_wait3A_67, %dma_wait3A_68] : memref<4000x2x80xi32, #tpu.memory_space<hbm>> -> memref<1x2x80xi32, #tpu.memory_space<hbm>>
    %dma_wait3A_70 = tpu.memref_squeeze %dma_wait3A_69 : memref<1x2x80xi32, #tpu.memory_space<hbm>> -> memref<2x80xi32, #tpu.memory_space<hbm>>
    %dma_wait3A_71 = arith.constant 0 : i32
    %dma_wait3A_72 = arith.constant 0 : i32
    %dma_wait3A_73 = tpu.memref_slice %arg3[%dma_wait3A_66, %dma_wait3A_71, %dma_wait3A_72] : memref<4000x2x80xi32, #tpu.memory_space<hbm>> -> memref<1x2x80xi32, #tpu.memory_space<hbm>>
    %dma_wait3A_74 = tpu.memref_squeeze %dma_wait3A_73 : memref<1x2x80xi32, #tpu.memory_space<hbm>> -> memref<2x80xi32, #tpu.memory_space<hbm>>
    tpu.wait_dma2 semaphore(%arg16 : memref<!tpu.dma_semaphore, #tpu.memory_space<semaphore_mem>>) src(%dma_wait3A_74 : memref<2x80xi32, #tpu.memory_space<hbm>>) dst(%arg7 : memref<2x80xi32, #tpu.memory_space<vmem>>)
    %dma_start3A_75 = arith.constant 0 : i32
    %dma_start3A_76 = arith.constant 0 : i32
    %dma_start3A_77 = tpu.memref_slice %arg7[%dma_start3A_75, %dma_start3A_76] : memref<2x80xi32, #tpu.memory_space<vmem>> -> memref<1x80xi32, #tpu.memory_space<vmem>>
    %dma_start3A_78 = tpu.memref_squeeze %dma_start3A_77 : memref<1x80xi32, #tpu.memory_space<vmem>> -> memref<80xi32, #tpu.memory_space<vmem>>
    %dma_start3A_79 = arith.constant 0 : i32
    %dma_start3A_80 = arith.constant 0 : i32
    %dma_start3A_81 = tpu.memref_slice %arg2[%dma_start3A_79, %dma_start3A_80] : memref<10000x128xf32, #tpu.memory_space<hbm>> -> memref<10000x128xf32, #tpu.memory_space<hbm>>
    tpu.enqueue_indirect_dma source(%dma_start3A_81 : memref<10000x128xf32, #tpu.memory_space<hbm>>) target(%arg11 : memref<80x128xf32, #tpu.memory_space<vmem>>) offsets(%dma_start3A_78 : memref<80xi32, #tpu.memory_space<vmem>>) semaphore(%arg20 : memref<!tpu.dma_semaphore, #tpu.memory_space<semaphore_mem>>)
    %dma_wait3A_82 = arith.constant 0 : i32
    %dma_wait3A_83 = arith.constant 0 : i32
    %dma_wait3A_84 = arith.constant 0 : i32
    %dma_wait3A_85 = tpu.memref_slice %arg3[%dma_wait3A_82, %dma_wait3A_83, %dma_wait3A_84] : memref<4000x2x80xi32, #tpu.memory_space<hbm>> -> memref<1x2x80xi32, #tpu.memory_space<hbm>>
    %dma_wait3A_86 = tpu.memref_squeeze %dma_wait3A_85 : memref<1x2x80xi32, #tpu.memory_space<hbm>> -> memref<2x80xi32, #tpu.memory_space<hbm>>
    %dma_wait3A_87 = arith.constant 0 : i32
    %dma_wait3A_88 = arith.constant 0 : i32
    %dma_wait3A_89 = tpu.memref_slice %arg3[%dma_wait3A_82, %dma_wait3A_87, %dma_wait3A_88] : memref<4000x2x80xi32, #tpu.memory_space<hbm>> -> memref<1x2x80xi32, #tpu.memory_space<hbm>>
    %dma_wait3A_90 = tpu.memref_squeeze %dma_wait3A_89 : memref<1x2x80xi32, #tpu.memory_space<hbm>> -> memref<2x80xi32, #tpu.memory_space<hbm>>
    tpu.wait_dma2 semaphore(%arg17 : memref<!tpu.dma_semaphore, #tpu.memory_space<semaphore_mem>>) src(%dma_wait3A_90 : memref<2x80xi32, #tpu.memory_space<hbm>>) dst(%arg8 : memref<2x80xi32, #tpu.memory_space<vmem>>)
    %dma_start3A_91 = arith.constant 0 : i32
    %dma_start3A_92 = arith.constant 0 : i32
    %dma_start3A_93 = tpu.memref_slice %arg8[%dma_start3A_91, %dma_start3A_92] : memref<2x80xi32, #tpu.memory_space<vmem>> -> memref<1x80xi32, #tpu.memory_space<vmem>>
    %dma_start3A_94 = tpu.memref_squeeze %dma_start3A_93 : memref<1x80xi32, #tpu.memory_space<vmem>> -> memref<80xi32, #tpu.memory_space<vmem>>
    %dma_start3A_95 = arith.constant 0 : i32
    %dma_start3A_96 = arith.constant 0 : i32
    %dma_start3A_97 = tpu.memref_slice %arg2[%dma_start3A_95, %dma_start3A_96] : memref<10000x128xf32, #tpu.memory_space<hbm>> -> memref<10000x128xf32, #tpu.memory_space<hbm>>
    tpu.enqueue_indirect_dma source(%dma_start3A_97 : memref<10000x128xf32, #tpu.memory_space<hbm>>) target(%arg12 : memref<80x128xf32, #tpu.memory_space<vmem>>) offsets(%dma_start3A_94 : memref<80xi32, #tpu.memory_space<vmem>>) semaphore(%arg21 : memref<!tpu.dma_semaphore, #tpu.memory_space<semaphore_mem>>)
    %dma_wait3A_98 = arith.constant 0 : i32
    %dma_wait3A_99 = arith.constant 0 : i32
    %dma_wait3A_100 = arith.constant 0 : i32
    %dma_wait3A_101 = tpu.memref_slice %arg3[%dma_wait3A_98, %dma_wait3A_99, %dma_wait3A_100] : memref<4000x2x80xi32, #tpu.memory_space<hbm>> -> memref<1x2x80xi32, #tpu.memory_space<hbm>>
    %dma_wait3A_102 = tpu.memref_squeeze %dma_wait3A_101 : memref<1x2x80xi32, #tpu.memory_space<hbm>> -> memref<2x80xi32, #tpu.memory_space<hbm>>
    %dma_wait3A_103 = arith.constant 0 : i32
    %dma_wait3A_104 = arith.constant 0 : i32
    %dma_wait3A_105 = tpu.memref_slice %arg3[%dma_wait3A_98, %dma_wait3A_103, %dma_wait3A_104] : memref<4000x2x80xi32, #tpu.memory_space<hbm>> -> memref<1x2x80xi32, #tpu.memory_space<hbm>>
    %dma_wait3A_106 = tpu.memref_squeeze %dma_wait3A_105 : memref<1x2x80xi32, #tpu.memory_space<hbm>> -> memref<2x80xi32, #tpu.memory_space<hbm>>
    tpu.wait_dma2 semaphore(%arg18 : memref<!tpu.dma_semaphore, #tpu.memory_space<semaphore_mem>>) src(%dma_wait3A_106 : memref<2x80xi32, #tpu.memory_space<hbm>>) dst(%arg9 : memref<2x80xi32, #tpu.memory_space<vmem>>)
    %dma_start3A_107 = arith.constant 0 : i32
    %dma_start3A_108 = arith.constant 0 : i32
    %dma_start3A_109 = tpu.memref_slice %arg9[%dma_start3A_107, %dma_start3A_108] : memref<2x80xi32, #tpu.memory_space<vmem>> -> memref<1x80xi32, #tpu.memory_space<vmem>>
    %dma_start3A_110 = tpu.memref_squeeze %dma_start3A_109 : memref<1x80xi32, #tpu.memory_space<vmem>> -> memref<80xi32, #tpu.memory_space<vmem>>
    %dma_start3A_111 = arith.constant 0 : i32
    %dma_start3A_112 = arith.constant 0 : i32
    %dma_start3A_113 = tpu.memref_slice %arg2[%dma_start3A_111, %dma_start3A_112] : memref<10000x128xf32, #tpu.memory_space<hbm>> -> memref<10000x128xf32, #tpu.memory_space<hbm>>
    tpu.enqueue_indirect_dma source(%dma_start3A_113 : memref<10000x128xf32, #tpu.memory_space<hbm>>) target(%arg13 : memref<80x128xf32, #tpu.memory_space<vmem>>) offsets(%dma_start3A_110 : memref<80xi32, #tpu.memory_space<vmem>>) semaphore(%arg22 : memref<!tpu.dma_semaphore, #tpu.memory_space<semaphore_mem>>)
    %dma_wait3A_114 = arith.constant 0 : i32
    %dma_wait3A_115 = arith.constant 0 : i32
    %dma_wait3A_116 = tpu.memref_slice %arg2[%dma_wait3A_114, %dma_wait3A_115] : memref<10000x128xf32, #tpu.memory_space<hbm>> -> memref<80x128xf32, #tpu.memory_space<hbm>>
    %dma_wait3A_117 = arith.constant 0 : i32
    %dma_wait3A_118 = arith.constant 0 : i32
    %dma_wait3A_119 = tpu.memref_slice %arg2[%dma_wait3A_117, %dma_wait3A_118] : memref<10000x128xf32, #tpu.memory_space<hbm>> -> memref<80x128xf32, #tpu.memory_space<hbm>>
    tpu.wait_dma2 semaphore(%arg19 : memref<!tpu.dma_semaphore, #tpu.memory_space<semaphore_mem>>) src(%dma_wait3A_119 : memref<80x128xf32, #tpu.memory_space<hbm>>) dst(%arg10 : memref<80x128xf32, #tpu.memory_space<vmem>>)
    %dma_start3A_120 = arith.constant 1 : i32
    %dma_start3A_121 = arith.constant 0 : i32
    %dma_start3A_122 = tpu.memref_slice %arg6[%dma_start3A_120, %dma_start3A_121] : memref<2x80xi32, #tpu.memory_space<vmem>> -> memref<1x80xi32, #tpu.memory_space<vmem>>
    %dma_start3A_123 = tpu.memref_squeeze %dma_start3A_122 : memref<1x80xi32, #tpu.memory_space<vmem>> -> memref<80xi32, #tpu.memory_space<vmem>>
    %dma_start3A_124 = arith.constant 0 : i32
    %dma_start3A_125 = arith.constant 0 : i32
    %dma_start3A_126 = tpu.memref_slice %arg14[%dma_start3A_124, %dma_start3A_125] : memref<10240x128xf32, #tpu.memory_space<vmem_shared>> -> memref<10240x128xf32, #tpu.memory_space<vmem_shared>>
    tpu.enqueue_indirect_dma source(%arg10 : memref<80x128xf32, #tpu.memory_space<vmem>>) target(%dma_start3A_126 : memref<10240x128xf32, #tpu.memory_space<vmem_shared>>) offsets(%dma_start3A_123 : memref<80xi32, #tpu.memory_space<vmem>>) semaphore(%arg23 : memref<!tpu.dma_semaphore, #tpu.memory_space<semaphore_mem>>) {add = true}
    %dma_wait3A_127 = arith.constant 0 : i32
    %dma_wait3A_128 = arith.constant 0 : i32
    %dma_wait3A_129 = tpu.memref_slice %arg2[%dma_wait3A_127, %dma_wait3A_128] : memref<10000x128xf32, #tpu.memory_space<hbm>> -> memref<80x128xf32, #tpu.memory_space<hbm>>
    %dma_wait3A_130 = arith.constant 0 : i32
    %dma_wait3A_131 = arith.constant 0 : i32
    %dma_wait3A_132 = tpu.memref_slice %arg2[%dma_wait3A_130, %dma_wait3A_131] : memref<10000x128xf32, #tpu.memory_space<hbm>> -> memref<80x128xf32, #tpu.memory_space<hbm>>
    tpu.wait_dma2 semaphore(%arg20 : memref<!tpu.dma_semaphore, #tpu.memory_space<semaphore_mem>>) src(%dma_wait3A_132 : memref<80x128xf32, #tpu.memory_space<hbm>>) dst(%arg11 : memref<80x128xf32, #tpu.memory_space<vmem>>)
    %dma_start3A_133 = arith.constant 1 : i32
    %dma_start3A_134 = arith.constant 0 : i32
    %dma_start3A_135 = tpu.memref_slice %arg7[%dma_start3A_133, %dma_start3A_134] : memref<2x80xi32, #tpu.memory_space<vmem>> -> memref<1x80xi32, #tpu.memory_space<vmem>>
    %dma_start3A_136 = tpu.memref_squeeze %dma_start3A_135 : memref<1x80xi32, #tpu.memory_space<vmem>> -> memref<80xi32, #tpu.memory_space<vmem>>
    %dma_start3A_137 = arith.constant 0 : i32
    %dma_start3A_138 = arith.constant 0 : i32
    %dma_start3A_139 = tpu.memref_slice %arg14[%dma_start3A_137, %dma_start3A_138] : memref<10240x128xf32, #tpu.memory_space<vmem_shared>> -> memref<10240x128xf32, #tpu.memory_space<vmem_shared>>
    tpu.enqueue_indirect_dma source(%arg11 : memref<80x128xf32, #tpu.memory_space<vmem>>) target(%dma_start3A_139 : memref<10240x128xf32, #tpu.memory_space<vmem_shared>>) offsets(%dma_start3A_136 : memref<80xi32, #tpu.memory_space<vmem>>) semaphore(%arg24 : memref<!tpu.dma_semaphore, #tpu.memory_space<semaphore_mem>>) {add = true}
    %dma_wait3A_140 = arith.constant 0 : i32
    %dma_wait3A_141 = arith.constant 0 : i32
    %dma_wait3A_142 = tpu.memref_slice %arg2[%dma_wait3A_140, %dma_wait3A_141] : memref<10000x128xf32, #tpu.memory_space<hbm>> -> memref<80x128xf32, #tpu.memory_space<hbm>>
    %dma_wait3A_143 = arith.constant 0 : i32
    %dma_wait3A_144 = arith.constant 0 : i32
    %dma_wait3A_145 = tpu.memref_slice %arg2[%dma_wait3A_143, %dma_wait3A_144] : memref<10000x128xf32, #tpu.memory_space<hbm>> -> memref<80x128xf32, #tpu.memory_space<hbm>>
    tpu.wait_dma2 semaphore(%arg21 : memref<!tpu.dma_semaphore, #tpu.memory_space<semaphore_mem>>) src(%dma_wait3A_145 : memref<80x128xf32, #tpu.memory_space<hbm>>) dst(%arg12 : memref<80x128xf32, #tpu.memory_space<vmem>>)
    %dma_start3A_146 = arith.constant 1 : i32
    %dma_start3A_147 = arith.constant 0 : i32
    %dma_start3A_148 = tpu.memref_slice %arg8[%dma_start3A_146, %dma_start3A_147] : memref<2x80xi32, #tpu.memory_space<vmem>> -> memref<1x80xi32, #tpu.memory_space<vmem>>
    %dma_start3A_149 = tpu.memref_squeeze %dma_start3A_148 : memref<1x80xi32, #tpu.memory_space<vmem>> -> memref<80xi32, #tpu.memory_space<vmem>>
    %dma_start3A_150 = arith.constant 0 : i32
    %dma_start3A_151 = arith.constant 0 : i32
    %dma_start3A_152 = tpu.memref_slice %arg14[%dma_start3A_150, %dma_start3A_151] : memref<10240x128xf32, #tpu.memory_space<vmem_shared>> -> memref<10240x128xf32, #tpu.memory_space<vmem_shared>>
    tpu.enqueue_indirect_dma source(%arg12 : memref<80x128xf32, #tpu.memory_space<vmem>>) target(%dma_start3A_152 : memref<10240x128xf32, #tpu.memory_space<vmem_shared>>) offsets(%dma_start3A_149 : memref<80xi32, #tpu.memory_space<vmem>>) semaphore(%arg25 : memref<!tpu.dma_semaphore, #tpu.memory_space<semaphore_mem>>) {add = true}
    %dma_wait3A_153 = arith.constant 0 : i32
    %dma_wait3A_154 = arith.constant 0 : i32
    %dma_wait3A_155 = tpu.memref_slice %arg2[%dma_wait3A_153, %dma_wait3A_154] : memref<10000x128xf32, #tpu.memory_space<hbm>> -> memref<80x128xf32, #tpu.memory_space<hbm>>
    %dma_wait3A_156 = arith.constant 0 : i32
    %dma_wait3A_157 = arith.constant 0 : i32
    %dma_wait3A_158 = tpu.memref_slice %arg2[%dma_wait3A_156, %dma_wait3A_157] : memref<10000x128xf32, #tpu.memory_space<hbm>> -> memref<80x128xf32, #tpu.memory_space<hbm>>
    tpu.wait_dma2 semaphore(%arg22 : memref<!tpu.dma_semaphore, #tpu.memory_space<semaphore_mem>>) src(%dma_wait3A_158 : memref<80x128xf32, #tpu.memory_space<hbm>>) dst(%arg13 : memref<80x128xf32, #tpu.memory_space<vmem>>)
    %dma_start3A_159 = arith.constant 1 : i32
    %dma_start3A_160 = arith.constant 0 : i32
    %dma_start3A_161 = tpu.memref_slice %arg9[%dma_start3A_159, %dma_start3A_160] : memref<2x80xi32, #tpu.memory_space<vmem>> -> memref<1x80xi32, #tpu.memory_space<vmem>>
    %dma_start3A_162 = tpu.memref_squeeze %dma_start3A_161 : memref<1x80xi32, #tpu.memory_space<vmem>> -> memref<80xi32, #tpu.memory_space<vmem>>
    %dma_start3A_163 = arith.constant 0 : i32
    %dma_start3A_164 = arith.constant 0 : i32
    %dma_start3A_165 = tpu.memref_slice %arg14[%dma_start3A_163, %dma_start3A_164] : memref<10240x128xf32, #tpu.memory_space<vmem_shared>> -> memref<10240x128xf32, #tpu.memory_space<vmem_shared>>
    tpu.enqueue_indirect_dma source(%arg13 : memref<80x128xf32, #tpu.memory_space<vmem>>) target(%dma_start3A_165 : memref<10240x128xf32, #tpu.memory_space<vmem_shared>>) offsets(%dma_start3A_162 : memref<80xi32, #tpu.memory_space<vmem>>) semaphore(%arg26 : memref<!tpu.dma_semaphore, #tpu.memory_space<semaphore_mem>>) {add = true}
    %dma_wait3A_166 = arith.constant 0 : i32
    %dma_wait3A_167 = arith.constant 0 : i32
    %dma_wait3A_168 = tpu.memref_slice %arg2[%dma_wait3A_166, %dma_wait3A_167] : memref<10000x128xf32, #tpu.memory_space<hbm>> -> memref<80x128xf32, #tpu.memory_space<hbm>>
    %dma_wait3A_169 = arith.constant 0 : i32
    %dma_wait3A_170 = arith.constant 0 : i32
    %dma_wait3A_171 = tpu.memref_slice %arg2[%dma_wait3A_169, %dma_wait3A_170] : memref<10000x128xf32, #tpu.memory_space<hbm>> -> memref<80x128xf32, #tpu.memory_space<hbm>>
    tpu.wait_dma2 semaphore(%arg23 : memref<!tpu.dma_semaphore, #tpu.memory_space<semaphore_mem>>) src(%dma_wait3A_171 : memref<80x128xf32, #tpu.memory_space<hbm>>) dst(%arg10 : memref<80x128xf32, #tpu.memory_space<vmem>>)
    %dma_wait3A_172 = arith.constant 0 : i32
    %dma_wait3A_173 = arith.constant 0 : i32
    %dma_wait3A_174 = tpu.memref_slice %arg2[%dma_wait3A_172, %dma_wait3A_173] : memref<10000x128xf32, #tpu.memory_space<hbm>> -> memref<80x128xf32, #tpu.memory_space<hbm>>
    %dma_wait3A_175 = arith.constant 0 : i32
    %dma_wait3A_176 = arith.constant 0 : i32
    %dma_wait3A_177 = tpu.memref_slice %arg2[%dma_wait3A_175, %dma_wait3A_176] : memref<10000x128xf32, #tpu.memory_space<hbm>> -> memref<80x128xf32, #tpu.memory_space<hbm>>
    tpu.wait_dma2 semaphore(%arg24 : memref<!tpu.dma_semaphore, #tpu.memory_space<semaphore_mem>>) src(%dma_wait3A_177 : memref<80x128xf32, #tpu.memory_space<hbm>>) dst(%arg11 : memref<80x128xf32, #tpu.memory_space<vmem>>)
    %dma_wait3A_178 = arith.constant 0 : i32
    %dma_wait3A_179 = arith.constant 0 : i32
    %dma_wait3A_180 = tpu.memref_slice %arg2[%dma_wait3A_178, %dma_wait3A_179] : memref<10000x128xf32, #tpu.memory_space<hbm>> -> memref<80x128xf32, #tpu.memory_space<hbm>>
    %dma_wait3A_181 = arith.constant 0 : i32
    %dma_wait3A_182 = arith.constant 0 : i32
    %dma_wait3A_183 = tpu.memref_slice %arg2[%dma_wait3A_181, %dma_wait3A_182] : memref<10000x128xf32, #tpu.memory_space<hbm>> -> memref<80x128xf32, #tpu.memory_space<hbm>>
    tpu.wait_dma2 semaphore(%arg25 : memref<!tpu.dma_semaphore, #tpu.memory_space<semaphore_mem>>) src(%dma_wait3A_183 : memref<80x128xf32, #tpu.memory_space<hbm>>) dst(%arg12 : memref<80x128xf32, #tpu.memory_space<vmem>>)
    %dma_wait3A_184 = arith.constant 0 : i32
    %dma_wait3A_185 = arith.constant 0 : i32
    %dma_wait3A_186 = tpu.memref_slice %arg2[%dma_wait3A_184, %dma_wait3A_185] : memref<10000x128xf32, #tpu.memory_space<hbm>> -> memref<80x128xf32, #tpu.memory_space<hbm>>
    %dma_wait3A_187 = arith.constant 0 : i32
    %dma_wait3A_188 = arith.constant 0 : i32
    %dma_wait3A_189 = tpu.memref_slice %arg2[%dma_wait3A_187, %dma_wait3A_188] : memref<10000x128xf32, #tpu.memory_space<hbm>> -> memref<80x128xf32, #tpu.memory_space<hbm>>
    tpu.wait_dma2 semaphore(%arg26 : memref<!tpu.dma_semaphore, #tpu.memory_space<semaphore_mem>>) src(%dma_wait3A_189 : memref<80x128xf32, #tpu.memory_space<hbm>>) dst(%arg13 : memref<80x128xf32, #tpu.memory_space<vmem>>)
    %add3A_190 = arith.constant 124 : i32
    %add3A_191 = arith.addi %mul3A_2, %add3A_190 : i32
    %dma_start3A_192 = arith.constant 0 : i32
    %dma_start3A_193 = arith.constant 0 : i32
    %dma_start3A_194 = tpu.memref_slice %arg3[%add3A_191, %dma_start3A_192, %dma_start3A_193] : memref<4000x2x80xi32, #tpu.memory_space<hbm>> -> memref<1x2x80xi32, #tpu.memory_space<hbm>>
    %dma_start3A_195 = tpu.memref_squeeze %dma_start3A_194 : memref<1x2x80xi32, #tpu.memory_space<hbm>> -> memref<2x80xi32, #tpu.memory_space<hbm>>
    %dma_start3A_196 = arith.constant 0 : i32
    %dma_start3A_197 = arith.constant 0 : i32
    %dma_start3A_198 = tpu.memref_slice %arg3[%add3A_191, %dma_start3A_196, %dma_start3A_197] : memref<4000x2x80xi32, #tpu.memory_space<hbm>> -> memref<1x2x80xi32, #tpu.memory_space<hbm>>
    %dma_start3A_199 = tpu.memref_squeeze %dma_start3A_198 : memref<1x2x80xi32, #tpu.memory_space<hbm>> -> memref<2x80xi32, #tpu.memory_space<hbm>>
    tpu.enqueue_dma source(%dma_start3A_199 : memref<2x80xi32, #tpu.memory_space<hbm>>) target(%arg6 : memref<2x80xi32, #tpu.memory_space<vmem>>) target_semaphore(%arg15 : memref<!tpu.dma_semaphore, #tpu.memory_space<semaphore_mem>>)
    %dma_wait3A_200 = arith.constant 0 : i32
    %dma_wait3A_201 = arith.constant 0 : i32
    %dma_wait3A_202 = arith.constant 0 : i32
    %dma_wait3A_203 = tpu.memref_slice %arg3[%dma_wait3A_200, %dma_wait3A_201, %dma_wait3A_202] : memref<4000x2x80xi32, #tpu.memory_space<hbm>> -> memref<1x2x80xi32, #tpu.memory_space<hbm>>
    %dma_wait3A_204 = tpu.memref_squeeze %dma_wait3A_203 : memref<1x2x80xi32, #tpu.memory_space<hbm>> -> memref<2x80xi32, #tpu.memory_space<hbm>>
    %dma_wait3A_205 = arith.constant 0 : i32
    %dma_wait3A_206 = arith.constant 0 : i32
    %dma_wait3A_207 = tpu.memref_slice %arg3[%dma_wait3A_200, %dma_wait3A_205, %dma_wait3A_206] : memref<4000x2x80xi32, #tpu.memory_space<hbm>> -> memref<1x2x80xi32, #tpu.memory_space<hbm>>
    %dma_wait3A_208 = tpu.memref_squeeze %dma_wait3A_207 : memref<1x2x80xi32, #tpu.memory_space<hbm>> -> memref<2x80xi32, #tpu.memory_space<hbm>>
    tpu.wait_dma2 semaphore(%arg15 : memref<!tpu.dma_semaphore, #tpu.memory_space<semaphore_mem>>) src(%dma_wait3A_208 : memref<2x80xi32, #tpu.memory_space<hbm>>) dst(%arg6 : memref<2x80xi32, #tpu.memory_space<vmem>>)
    %dma_start3A_209 = arith.constant 0 : i32
    %dma_start3A_210 = arith.constant 0 : i32
    %dma_start3A_211 = tpu.memref_slice %arg6[%dma_start3A_209, %dma_start3A_210] : memref<2x80xi32, #tpu.memory_space<vmem>> -> memref<1x80xi32, #tpu.memory_space<vmem>>
    %dma_start3A_212 = tpu.memref_squeeze %dma_start3A_211 : memref<1x80xi32, #tpu.memory_space<vmem>> -> memref<80xi32, #tpu.memory_space<vmem>>
    %dma_start3A_213 = arith.constant 0 : i32
    %dma_start3A_214 = arith.constant 0 : i32
    %dma_start3A_215 = tpu.memref_slice %arg2[%dma_start3A_213, %dma_start3A_214] : memref<10000x128xf32, #tpu.memory_space<hbm>> -> memref<10000x128xf32, #tpu.memory_space<hbm>>
    tpu.enqueue_indirect_dma source(%dma_start3A_215 : memref<10000x128xf32, #tpu.memory_space<hbm>>) target(%arg10 : memref<80x128xf32, #tpu.memory_space<vmem>>) offsets(%dma_start3A_212 : memref<80xi32, #tpu.memory_space<vmem>>) semaphore(%arg19 : memref<!tpu.dma_semaphore, #tpu.memory_space<semaphore_mem>>)
    %dma_wait3A_216 = arith.constant 0 : i32
    %dma_wait3A_217 = arith.constant 0 : i32
    %dma_wait3A_218 = tpu.memref_slice %arg2[%dma_wait3A_216, %dma_wait3A_217] : memref<10000x128xf32, #tpu.memory_space<hbm>> -> memref<80x128xf32, #tpu.memory_space<hbm>>
    %dma_wait3A_219 = arith.constant 0 : i32
    %dma_wait3A_220 = arith.constant 0 : i32
    %dma_wait3A_221 = tpu.memref_slice %arg2[%dma_wait3A_219, %dma_wait3A_220] : memref<10000x128xf32, #tpu.memory_space<hbm>> -> memref<80x128xf32, #tpu.memory_space<hbm>>
    tpu.wait_dma2 semaphore(%arg19 : memref<!tpu.dma_semaphore, #tpu.memory_space<semaphore_mem>>) src(%dma_wait3A_221 : memref<80x128xf32, #tpu.memory_space<hbm>>) dst(%arg10 : memref<80x128xf32, #tpu.memory_space<vmem>>)
    %dma_start3A_222 = arith.constant 1 : i32
    %dma_start3A_223 = arith.constant 0 : i32
    %dma_start3A_224 = tpu.memref_slice %arg6[%dma_start3A_222, %dma_start3A_223] : memref<2x80xi32, #tpu.memory_space<vmem>> -> memref<1x80xi32, #tpu.memory_space<vmem>>
    %dma_start3A_225 = tpu.memref_squeeze %dma_start3A_224 : memref<1x80xi32, #tpu.memory_space<vmem>> -> memref<80xi32, #tpu.memory_space<vmem>>
    %dma_start3A_226 = arith.constant 0 : i32
    %dma_start3A_227 = arith.constant 0 : i32
    %dma_start3A_228 = tpu.memref_slice %arg14[%dma_start3A_226, %dma_start3A_227] : memref<10240x128xf32, #tpu.memory_space<vmem_shared>> -> memref<10240x128xf32, #tpu.memory_space<vmem_shared>>
    tpu.enqueue_indirect_dma source(%arg10 : memref<80x128xf32, #tpu.memory_space<vmem>>) target(%dma_start3A_228 : memref<10240x128xf32, #tpu.memory_space<vmem_shared>>) offsets(%dma_start3A_225 : memref<80xi32, #tpu.memory_space<vmem>>) semaphore(%arg23 : memref<!tpu.dma_semaphore, #tpu.memory_space<semaphore_mem>>) {add = true}
    %dma_wait3A_229 = arith.constant 0 : i32
    %dma_wait3A_230 = arith.constant 0 : i32
    %dma_wait3A_231 = tpu.memref_slice %arg2[%dma_wait3A_229, %dma_wait3A_230] : memref<10000x128xf32, #tpu.memory_space<hbm>> -> memref<80x128xf32, #tpu.memory_space<hbm>>
    %dma_wait3A_232 = arith.constant 0 : i32
    %dma_wait3A_233 = arith.constant 0 : i32
    %dma_wait3A_234 = tpu.memref_slice %arg2[%dma_wait3A_232, %dma_wait3A_233] : memref<10000x128xf32, #tpu.memory_space<hbm>> -> memref<80x128xf32, #tpu.memory_space<hbm>>
    tpu.wait_dma2 semaphore(%arg23 : memref<!tpu.dma_semaphore, #tpu.memory_space<semaphore_mem>>) src(%dma_wait3A_234 : memref<80x128xf32, #tpu.memory_space<hbm>>) dst(%arg10 : memref<80x128xf32, #tpu.memory_space<vmem>>)
    %barrier3A_235 = arith.constant 0 : index
    tpu.barrier barrier_id(%barrier3A_235)
    %mul3A_236 = arith.constant 10240 : i32
    %mul3A_237 = arith.muli %arg0, %mul3A_236 : i32
    %mul3A_238 = arith.constant 640 : i32
    %mul3A_239 = arith.muli %arg1, %mul3A_238 : i32
    %add3A_240 = arith.addi %mul3A_237, %mul3A_239 : i32
    %mul3A_241 = arith.constant 640 : i32
    %mul3A_242 = arith.muli %arg1, %mul3A_241 : i32
    "tpu.region"() ({
      %run_scoped3A = tpu.sem_alloc : memref<!tpu.dma_semaphore, #tpu.memory_space<semaphore_mem>>
      %dma_start3A_243 = arith.constant 0 : i32
      %dma_start3A_244 = tpu.memref_slice %arg5[%add3A_240, %dma_start3A_243] : memref<20480x128xf32, #tpu.memory_space<hbm>> -> memref<640x128xf32, #tpu.memory_space<hbm>>
      %dma_start3A_245 = arith.constant 0 : i32
      %dma_start3A_246 = tpu.memref_slice %arg14[%mul3A_242, %dma_start3A_245] : memref<10240x128xf32, #tpu.memory_space<vmem_shared>> -> memref<640x128xf32, #tpu.memory_space<vmem_shared>>
      tpu.enqueue_dma source(%dma_start3A_246 : memref<640x128xf32, #tpu.memory_space<vmem_shared>>) target(%dma_start3A_244 : memref<640x128xf32, #tpu.memory_space<hbm>>) target_semaphore(%run_scoped3A : memref<!tpu.dma_semaphore, #tpu.memory_space<semaphore_mem>>)
      %dma_wait3A_247 = arith.constant 0 : i32
      %dma_wait3A_248 = tpu.memref_slice %arg5[%add3A_240, %dma_wait3A_247] : memref<20480x128xf32, #tpu.memory_space<hbm>> -> memref<640x128xf32, #tpu.memory_space<hbm>>
      %dma_wait3A_249 = arith.constant 0 : i32
      %dma_wait3A_250 = tpu.memref_slice %arg14[%mul3A_242, %dma_wait3A_249] : memref<10240x128xf32, #tpu.memory_space<vmem_shared>> -> memref<640x128xf32, #tpu.memory_space<vmem_shared>>
      tpu.wait_dma2 semaphore(%run_scoped3A : memref<!tpu.dma_semaphore, #tpu.memory_space<semaphore_mem>>) src(%dma_wait3A_250 : memref<640x128xf32, #tpu.memory_space<vmem_shared>>) dst(%dma_wait3A_248 : memref<640x128xf32, #tpu.memory_space<hbm>>)
      tpu.yield
    }) : () -> ()
    return
  }
}

module attributes {stable_mosaic.version = 14 : i64} {
  func.func @_tc_embed_body(%arg0: memref<10000x2xi32, #tpu.memory_space<vmem>>, %arg1: memref<120x128xf32, #tpu.memory_space<vmem>>, %arg2: memref<3x128xf32, #tpu.memory_space<vmem>>, %arg3: memref<10000x128xf32, #tpu.memory_space<vmem>>) attributes {dimension_semantics = [], scalar_prefetch = 0 : i64, scratch_operands = 0 : i64, tpu.core_type = #tpu.core_type<tc>} {
    %get3A = arith.constant 0 : index
    %get3A_0 = arith.constant 0 : index
    %get3A_1 = vector.load %arg0[%get3A, %get3A_0] : memref<10000x2xi32, #tpu.memory_space<vmem>>, vector<10000x1xi32>
    %get3A_2 = vector.shape_cast %get3A_1 : vector<10000x1xi32> to vector<10000xi32>
    %mul3A = arith.constant 3 : i32
    %mul3A_3 = vector.broadcast %mul3A : i32 to vector<10000xi32>
    %mul3A_4 = arith.muli %get3A_2, %mul3A_3 : vector<10000xi32>
    %get3A_5 = arith.constant 0 : index
    %get3A_6 = arith.constant 1 : index
    %get3A_7 = vector.load %arg0[%get3A_5, %get3A_6] : memref<10000x2xi32, #tpu.memory_space<vmem>>, vector<10000x1xi32>
    %get3A_8 = vector.shape_cast %get3A_7 : vector<10000x1xi32> to vector<10000xi32>
    %add3A = arith.addi %mul3A_4, %get3A_8 : vector<10000xi32>
    %broadcast_in_dim3A = vector.shape_cast %add3A : vector<10000xi32> to vector<10000x1xi32>
    %iota3A = tpu.iota {dimensions = array<i32: 1>} : vector<1x16xi32>
    %eq3A = vector.broadcast %broadcast_in_dim3A : vector<10000x1xi32> to vector<10000x16xi32>
    %eq3A_9 = vector.broadcast %iota3A : vector<1x16xi32> to vector<10000x16xi32>
    %eq3A_10 = arith.cmpi eq, %eq3A, %eq3A_9 : vector<10000x16xi32>
    %convert_element_type3A = arith.extui %eq3A_10 : vector<10000x16xi1> to vector<10000x16xi32>
    %convert_element_type3A_11 = arith.sitofp %convert_element_type3A : vector<10000x16xi32> to vector<10000x16xf32>
    %get3A_12 = arith.constant 0 : index
    %get3A_13 = arith.constant 0 : index
    %get3A_14 = vector.load %arg1[%get3A_12, %get3A_13] : memref<120x128xf32, #tpu.memory_space<vmem>>, vector<1x128xf32>
    %get3A_15 = vector.shape_cast %get3A_14 : vector<1x128xf32> to vector<128xf32>
    %get3A_16 = arith.constant 0 : index
    %get3A_17 = arith.constant 0 : index
    %get3A_18 = vector.load %arg2[%get3A_16, %get3A_17] : memref<3x128xf32, #tpu.memory_space<vmem>>, vector<1x128xf32>
    %get3A_19 = vector.shape_cast %get3A_18 : vector<1x128xf32> to vector<128xf32>
    %add3A_20 = arith.addf %get3A_15, %get3A_19 : vector<128xf32>
    %get3A_21 = arith.constant 0 : index
    %get3A_22 = arith.constant 0 : index
    %get3A_23 = vector.load %arg1[%get3A_21, %get3A_22] : memref<120x128xf32, #tpu.memory_space<vmem>>, vector<1x128xf32>
    %get3A_24 = vector.shape_cast %get3A_23 : vector<1x128xf32> to vector<128xf32>
    %get3A_25 = arith.constant 1 : index
    %get3A_26 = arith.constant 0 : index
    %get3A_27 = vector.load %arg2[%get3A_25, %get3A_26] : memref<3x128xf32, #tpu.memory_space<vmem>>, vector<1x128xf32>
    %get3A_28 = vector.shape_cast %get3A_27 : vector<1x128xf32> to vector<128xf32>
    %add3A_29 = arith.addf %get3A_24, %get3A_28 : vector<128xf32>
    %get3A_30 = arith.constant 0 : index
    %get3A_31 = arith.constant 0 : index
    %get3A_32 = vector.load %arg1[%get3A_30, %get3A_31] : memref<120x128xf32, #tpu.memory_space<vmem>>, vector<1x128xf32>
    %get3A_33 = vector.shape_cast %get3A_32 : vector<1x128xf32> to vector<128xf32>
    %get3A_34 = arith.constant 2 : index
    %get3A_35 = arith.constant 0 : index
    %get3A_36 = vector.load %arg2[%get3A_34, %get3A_35] : memref<3x128xf32, #tpu.memory_space<vmem>>, vector<1x128xf32>
    %get3A_37 = vector.shape_cast %get3A_36 : vector<1x128xf32> to vector<128xf32>
    %add3A_38 = arith.addf %get3A_33, %get3A_37 : vector<128xf32>
    %get3A_39 = arith.constant 1 : index
    %get3A_40 = arith.constant 0 : index
    %get3A_41 = vector.load %arg1[%get3A_39, %get3A_40] : memref<120x128xf32, #tpu.memory_space<vmem>>, vector<1x128xf32>
    %get3A_42 = vector.shape_cast %get3A_41 : vector<1x128xf32> to vector<128xf32>
    %get3A_43 = arith.constant 0 : index
    %get3A_44 = arith.constant 0 : index
    %get3A_45 = vector.load %arg2[%get3A_43, %get3A_44] : memref<3x128xf32, #tpu.memory_space<vmem>>, vector<1x128xf32>
    %get3A_46 = vector.shape_cast %get3A_45 : vector<1x128xf32> to vector<128xf32>
    %add3A_47 = arith.addf %get3A_42, %get3A_46 : vector<128xf32>
    %get3A_48 = arith.constant 1 : index
    %get3A_49 = arith.constant 0 : index
    %get3A_50 = vector.load %arg1[%get3A_48, %get3A_49] : memref<120x128xf32, #tpu.memory_space<vmem>>, vector<1x128xf32>
    %get3A_51 = vector.shape_cast %get3A_50 : vector<1x128xf32> to vector<128xf32>
    %get3A_52 = arith.constant 1 : index
    %get3A_53 = arith.constant 0 : index
    %get3A_54 = vector.load %arg2[%get3A_52, %get3A_53] : memref<3x128xf32, #tpu.memory_space<vmem>>, vector<1x128xf32>
    %get3A_55 = vector.shape_cast %get3A_54 : vector<1x128xf32> to vector<128xf32>
    %add3A_56 = arith.addf %get3A_51, %get3A_55 : vector<128xf32>
    %get3A_57 = arith.constant 1 : index
    %get3A_58 = arith.constant 0 : index
    %get3A_59 = vector.load %arg1[%get3A_57, %get3A_58] : memref<120x128xf32, #tpu.memory_space<vmem>>, vector<1x128xf32>
    %get3A_60 = vector.shape_cast %get3A_59 : vector<1x128xf32> to vector<128xf32>
    %get3A_61 = arith.constant 2 : index
    %get3A_62 = arith.constant 0 : index
    %get3A_63 = vector.load %arg2[%get3A_61, %get3A_62] : memref<3x128xf32, #tpu.memory_space<vmem>>, vector<1x128xf32>
    %get3A_64 = vector.shape_cast %get3A_63 : vector<1x128xf32> to vector<128xf32>
    %add3A_65 = arith.addf %get3A_60, %get3A_64 : vector<128xf32>
    %get3A_66 = arith.constant 2 : index
    %get3A_67 = arith.constant 0 : index
    %get3A_68 = vector.load %arg1[%get3A_66, %get3A_67] : memref<120x128xf32, #tpu.memory_space<vmem>>, vector<1x128xf32>
    %get3A_69 = vector.shape_cast %get3A_68 : vector<1x128xf32> to vector<128xf32>
    %get3A_70 = arith.constant 0 : index
    %get3A_71 = arith.constant 0 : index
    %get3A_72 = vector.load %arg2[%get3A_70, %get3A_71] : memref<3x128xf32, #tpu.memory_space<vmem>>, vector<1x128xf32>
    %get3A_73 = vector.shape_cast %get3A_72 : vector<1x128xf32> to vector<128xf32>
    %add3A_74 = arith.addf %get3A_69, %get3A_73 : vector<128xf32>
    %get3A_75 = arith.constant 2 : index
    %get3A_76 = arith.constant 0 : index
    %get3A_77 = vector.load %arg1[%get3A_75, %get3A_76] : memref<120x128xf32, #tpu.memory_space<vmem>>, vector<1x128xf32>
    %get3A_78 = vector.shape_cast %get3A_77 : vector<1x128xf32> to vector<128xf32>
    %get3A_79 = arith.constant 1 : index
    %get3A_80 = arith.constant 0 : index
    %get3A_81 = vector.load %arg2[%get3A_79, %get3A_80] : memref<3x128xf32, #tpu.memory_space<vmem>>, vector<1x128xf32>
    %get3A_82 = vector.shape_cast %get3A_81 : vector<1x128xf32> to vector<128xf32>
    %add3A_83 = arith.addf %get3A_78, %get3A_82 : vector<128xf32>
    %get3A_84 = arith.constant 2 : index
    %get3A_85 = arith.constant 0 : index
    %get3A_86 = vector.load %arg1[%get3A_84, %get3A_85] : memref<120x128xf32, #tpu.memory_space<vmem>>, vector<1x128xf32>
    %get3A_87 = vector.shape_cast %get3A_86 : vector<1x128xf32> to vector<128xf32>
    %get3A_88 = arith.constant 2 : index
    %get3A_89 = arith.constant 0 : index
    %get3A_90 = vector.load %arg2[%get3A_88, %get3A_89] : memref<3x128xf32, #tpu.memory_space<vmem>>, vector<1x128xf32>
    %get3A_91 = vector.shape_cast %get3A_90 : vector<1x128xf32> to vector<128xf32>
    %add3A_92 = arith.addf %get3A_87, %get3A_91 : vector<128xf32>
    %broadcast_in_dim3A_93 = arith.constant 0.000000e+00 : f32
    %broadcast_in_dim3A_94 = vector.broadcast %broadcast_in_dim3A_93 : f32 to vector<128xf32>
    %stack3A = vector.shape_cast %add3A_20 : vector<128xf32> to vector<1x128xf32>
    %stack3A_95 = vector.shape_cast %add3A_29 : vector<128xf32> to vector<1x128xf32>
    %stack3A_96 = vector.shape_cast %add3A_38 : vector<128xf32> to vector<1x128xf32>
    %stack3A_97 = vector.shape_cast %add3A_47 : vector<128xf32> to vector<1x128xf32>
    %stack3A_98 = vector.shape_cast %add3A_56 : vector<128xf32> to vector<1x128xf32>
    %stack3A_99 = vector.shape_cast %add3A_65 : vector<128xf32> to vector<1x128xf32>
    %stack3A_100 = vector.shape_cast %add3A_74 : vector<128xf32> to vector<1x128xf32>
    %stack3A_101 = vector.shape_cast %add3A_83 : vector<128xf32> to vector<1x128xf32>
    %stack3A_102 = vector.shape_cast %add3A_92 : vector<128xf32> to vector<1x128xf32>
    %stack3A_103 = vector.shape_cast %broadcast_in_dim3A_94 : vector<128xf32> to vector<1x128xf32>
    %stack3A_104 = vector.shape_cast %broadcast_in_dim3A_94 : vector<128xf32> to vector<1x128xf32>
    %stack3A_105 = vector.shape_cast %broadcast_in_dim3A_94 : vector<128xf32> to vector<1x128xf32>
    %stack3A_106 = vector.shape_cast %broadcast_in_dim3A_94 : vector<128xf32> to vector<1x128xf32>
    %stack3A_107 = vector.shape_cast %broadcast_in_dim3A_94 : vector<128xf32> to vector<1x128xf32>
    %stack3A_108 = vector.shape_cast %broadcast_in_dim3A_94 : vector<128xf32> to vector<1x128xf32>
    %stack3A_109 = vector.shape_cast %broadcast_in_dim3A_94 : vector<128xf32> to vector<1x128xf32>
    %stack3A_110 = tpu.concatenate %stack3A, %stack3A_95, %stack3A_96, %stack3A_97, %stack3A_98, %stack3A_99, %stack3A_100, %stack3A_101, %stack3A_102, %stack3A_103, %stack3A_104, %stack3A_105, %stack3A_106, %stack3A_107, %stack3A_108, %stack3A_109 in 0 : vector<1x128xf32>, vector<1x128xf32>, vector<1x128xf32>, vector<1x128xf32>, vector<1x128xf32>, vector<1x128xf32>, vector<1x128xf32>, vector<1x128xf32>, vector<1x128xf32>, vector<1x128xf32>, vector<1x128xf32>, vector<1x128xf32>, vector<1x128xf32>, vector<1x128xf32>, vector<1x128xf32>, vector<1x128xf32> -> vector<16x128xf32>
    %dot_general3A = arith.constant dense<0.000000e+00> : vector<10000x128xf32>
    %dot_general3A_111 = tpu.matmul %convert_element_type3A_11, %stack3A_110, %dot_general3A {dimension_numbers = #tpu.dot_dimension_numbers<[1], [0], [0], [1], [0, 0, 1, 1], [], []>, precision = #tpu.contract_precision<fp32>, transpose_lhs_hint = false} : vector<10000x16xf32>, vector<16x128xf32>, vector<10000x128xf32> -> vector<10000x128xf32>
    %swap3A = arith.constant 0 : index
    %swap3A_112 = arith.constant 0 : index
    %swap3A_113 = vector.load %arg3[%swap3A, %swap3A_112] : memref<10000x128xf32, #tpu.memory_space<vmem>>, vector<10000x128xf32>
    tpu.vector_store %arg3[%swap3A, %swap3A_112], %dot_general3A_111 {strides = array<i32>} : memref<10000x128xf32, #tpu.memory_space<vmem>>, vector<10000x128xf32>,
    return
  }
}

module attributes {stable_mosaic.version = 14 : i64} {
  func.func @_tc_update_body(%arg0: memref<20480x128xf32, #tpu.memory_space<vmem>>, %arg1: memref<20480x128xf32, #tpu.memory_space<vmem>>, %arg2: memref<10000x128xf32, #tpu.memory_space<vmem>>, %arg3: memref<6x128xf32, #tpu.memory_space<vmem>>, %arg4: memref<3x128xf32, #tpu.memory_space<vmem>>, %arg5: memref<128x256xf32, #tpu.memory_space<vmem>>, %arg6: memref<256xf32, #tpu.memory_space<vmem>>, %arg7: memref<256x128xf32, #tpu.memory_space<vmem>>, %arg8: memref<128xf32, #tpu.memory_space<vmem>>, %arg9: memref<128xf32, #tpu.memory_space<vmem>>, %arg10: memref<128xf32, #tpu.memory_space<vmem>>, %arg11: memref<10000x128xf32, #tpu.memory_space<vmem>>) attributes {dimension_semantics = [], scalar_prefetch = 0 : i64, scratch_operands = 0 : i64, tpu.core_type = #tpu.core_type<tc>} {
    %get3A = arith.constant 0 : index
    %get3A_0 = arith.constant 0 : index
    %get3A_1 = vector.load %arg0[%get3A, %get3A_0] : memref<20480x128xf32, #tpu.memory_space<vmem>>, vector<10000x128xf32>
    %get3A_2 = arith.constant 10240 : index
    %get3A_3 = arith.constant 0 : index
    %get3A_4 = vector.load %arg0[%get3A_2, %get3A_3] : memref<20480x128xf32, #tpu.memory_space<vmem>>, vector<10000x128xf32>
    %add3A = arith.addf %get3A_1, %get3A_4 : vector<10000x128xf32>
    %get3A_5 = arith.constant 0 : index
    %get3A_6 = arith.constant 0 : index
    %get3A_7 = vector.load %arg1[%get3A_5, %get3A_6] : memref<20480x128xf32, #tpu.memory_space<vmem>>, vector<10000x128xf32>
    %get3A_8 = arith.constant 10240 : index
    %get3A_9 = arith.constant 0 : index
    %get3A_10 = vector.load %arg1[%get3A_8, %get3A_9] : memref<20480x128xf32, #tpu.memory_space<vmem>>, vector<10000x128xf32>
    %add3A_11 = arith.addf %get3A_7, %get3A_10 : vector<10000x128xf32>
    %get3A_12 = arith.constant 0 : index
    %get3A_13 = arith.constant 0 : index
    %get3A_14 = vector.load %arg3[%get3A_12, %get3A_13] : memref<6x128xf32, #tpu.memory_space<vmem>>, vector<1x128xf32>
    %get3A_15 = vector.shape_cast %get3A_14 : vector<1x128xf32> to vector<128xf32>
    %get3A_16 = arith.constant 0 : index
    %get3A_17 = arith.constant 0 : index
    %get3A_18 = vector.load %arg4[%get3A_16, %get3A_17] : memref<3x128xf32, #tpu.memory_space<vmem>>, vector<1x128xf32>
    %get3A_19 = vector.shape_cast %get3A_18 : vector<1x128xf32> to vector<128xf32>
    %add3A_20 = arith.addf %get3A_15, %get3A_19 : vector<128xf32>
    %get3A_21 = arith.constant 0 : index
    %get3A_22 = arith.constant 0 : index
    %get3A_23 = vector.load %arg3[%get3A_21, %get3A_22] : memref<6x128xf32, #tpu.memory_space<vmem>>, vector<1x128xf32>
    %get3A_24 = vector.shape_cast %get3A_23 : vector<1x128xf32> to vector<128xf32>
    %get3A_25 = arith.constant 1 : index
    %get3A_26 = arith.constant 0 : index
    %get3A_27 = vector.load %arg4[%get3A_25, %get3A_26] : memref<3x128xf32, #tpu.memory_space<vmem>>, vector<1x128xf32>
    %get3A_28 = vector.shape_cast %get3A_27 : vector<1x128xf32> to vector<128xf32>
    %add3A_29 = arith.addf %get3A_24, %get3A_28 : vector<128xf32>
    %get3A_30 = arith.constant 0 : index
    %get3A_31 = arith.constant 0 : index
    %get3A_32 = vector.load %arg3[%get3A_30, %get3A_31] : memref<6x128xf32, #tpu.memory_space<vmem>>, vector<1x128xf32>
    %get3A_33 = vector.shape_cast %get3A_32 : vector<1x128xf32> to vector<128xf32>
    %get3A_34 = arith.constant 2 : index
    %get3A_35 = arith.constant 0 : index
    %get3A_36 = vector.load %arg4[%get3A_34, %get3A_35] : memref<3x128xf32, #tpu.memory_space<vmem>>, vector<1x128xf32>
    %get3A_37 = vector.shape_cast %get3A_36 : vector<1x128xf32> to vector<128xf32>
    %add3A_38 = arith.addf %get3A_33, %get3A_37 : vector<128xf32>
    %get3A_39 = arith.constant 1 : index
    %get3A_40 = arith.constant 0 : index
    %get3A_41 = vector.load %arg3[%get3A_39, %get3A_40] : memref<6x128xf32, #tpu.memory_space<vmem>>, vector<1x128xf32>
    %get3A_42 = vector.shape_cast %get3A_41 : vector<1x128xf32> to vector<128xf32>
    %get3A_43 = arith.constant 0 : index
    %get3A_44 = arith.constant 0 : index
    %get3A_45 = vector.load %arg4[%get3A_43, %get3A_44] : memref<3x128xf32, #tpu.memory_space<vmem>>, vector<1x128xf32>
    %get3A_46 = vector.shape_cast %get3A_45 : vector<1x128xf32> to vector<128xf32>
    %add3A_47 = arith.addf %get3A_42, %get3A_46 : vector<128xf32>
    %get3A_48 = arith.constant 1 : index
    %get3A_49 = arith.constant 0 : index
    %get3A_50 = vector.load %arg3[%get3A_48, %get3A_49] : memref<6x128xf32, #tpu.memory_space<vmem>>, vector<1x128xf32>
    %get3A_51 = vector.shape_cast %get3A_50 : vector<1x128xf32> to vector<128xf32>
    %get3A_52 = arith.constant 1 : index
    %get3A_53 = arith.constant 0 : index
    %get3A_54 = vector.load %arg4[%get3A_52, %get3A_53] : memref<3x128xf32, #tpu.memory_space<vmem>>, vector<1x128xf32>
    %get3A_55 = vector.shape_cast %get3A_54 : vector<1x128xf32> to vector<128xf32>
    %add3A_56 = arith.addf %get3A_51, %get3A_55 : vector<128xf32>
    %get3A_57 = arith.constant 1 : index
    %get3A_58 = arith.constant 0 : index
    %get3A_59 = vector.load %arg3[%get3A_57, %get3A_58] : memref<6x128xf32, #tpu.memory_space<vmem>>, vector<1x128xf32>
    %get3A_60 = vector.shape_cast %get3A_59 : vector<1x128xf32> to vector<128xf32>
    %get3A_61 = arith.constant 2 : index
    %get3A_62 = arith.constant 0 : index
    %get3A_63 = vector.load %arg4[%get3A_61, %get3A_62] : memref<3x128xf32, #tpu.memory_space<vmem>>, vector<1x128xf32>
    %get3A_64 = vector.shape_cast %get3A_63 : vector<1x128xf32> to vector<128xf32>
    %add3A_65 = arith.addf %get3A_60, %get3A_64 : vector<128xf32>
    %get3A_66 = arith.constant 2 : index
    %get3A_67 = arith.constant 0 : index
    %get3A_68 = vector.load %arg3[%get3A_66, %get3A_67] : memref<6x128xf32, #tpu.memory_space<vmem>>, vector<1x128xf32>
    %get3A_69 = vector.shape_cast %get3A_68 : vector<1x128xf32> to vector<128xf32>
    %get3A_70 = arith.constant 0 : index
    %get3A_71 = arith.constant 0 : index
    %get3A_72 = vector.load %arg4[%get3A_70, %get3A_71] : memref<3x128xf32, #tpu.memory_space<vmem>>, vector<1x128xf32>
    %get3A_73 = vector.shape_cast %get3A_72 : vector<1x128xf32> to vector<128xf32>
    %add3A_74 = arith.addf %get3A_69, %get3A_73 : vector<128xf32>
    %get3A_75 = arith.constant 2 : index
    %get3A_76 = arith.constant 0 : index
    %get3A_77 = vector.load %arg3[%get3A_75, %get3A_76] : memref<6x128xf32, #tpu.memory_space<vmem>>, vector<1x128xf32>
    %get3A_78 = vector.shape_cast %get3A_77 : vector<1x128xf32> to vector<128xf32>
    %get3A_79 = arith.constant 1 : index
    %get3A_80 = arith.constant 0 : index
    %get3A_81 = vector.load %arg4[%get3A_79, %get3A_80] : memref<3x128xf32, #tpu.memory_space<vmem>>, vector<1x128xf32>
    %get3A_82 = vector.shape_cast %get3A_81 : vector<1x128xf32> to vector<128xf32>
    %add3A_83 = arith.addf %get3A_78, %get3A_82 : vector<128xf32>
    %get3A_84 = arith.constant 2 : index
    %get3A_85 = arith.constant 0 : index
    %get3A_86 = vector.load %arg3[%get3A_84, %get3A_85] : memref<6x128xf32, #tpu.memory_space<vmem>>, vector<1x128xf32>
    %get3A_87 = vector.shape_cast %get3A_86 : vector<1x128xf32> to vector<128xf32>
    %get3A_88 = arith.constant 2 : index
    %get3A_89 = arith.constant 0 : index
    %get3A_90 = vector.load %arg4[%get3A_88, %get3A_89] : memref<3x128xf32, #tpu.memory_space<vmem>>, vector<1x128xf32>
    %get3A_91 = vector.shape_cast %get3A_90 : vector<1x128xf32> to vector<128xf32>
    %add3A_92 = arith.addf %get3A_87, %get3A_91 : vector<128xf32>
    %broadcast_in_dim3A = arith.constant 0.000000e+00 : f32
    %broadcast_in_dim3A_93 = vector.broadcast %broadcast_in_dim3A : f32 to vector<128xf32>
    %stack3A = vector.shape_cast %add3A_20 : vector<128xf32> to vector<1x128xf32>
    %stack3A_94 = vector.shape_cast %add3A_29 : vector<128xf32> to vector<1x128xf32>
    %stack3A_95 = vector.shape_cast %add3A_38 : vector<128xf32> to vector<1x128xf32>
    %stack3A_96 = vector.shape_cast %add3A_47 : vector<128xf32> to vector<1x128xf32>
    %stack3A_97 = vector.shape_cast %add3A_56 : vector<128xf32> to vector<1x128xf32>
    %stack3A_98 = vector.shape_cast %add3A_65 : vector<128xf32> to vector<1x128xf32>
    %stack3A_99 = vector.shape_cast %add3A_74 : vector<128xf32> to vector<1x128xf32>
    %stack3A_100 = vector.shape_cast %add3A_83 : vector<128xf32> to vector<1x128xf32>
    %stack3A_101 = vector.shape_cast %add3A_92 : vector<128xf32> to vector<1x128xf32>
    %stack3A_102 = vector.shape_cast %broadcast_in_dim3A_93 : vector<128xf32> to vector<1x128xf32>
    %stack3A_103 = vector.shape_cast %broadcast_in_dim3A_93 : vector<128xf32> to vector<1x128xf32>
    %stack3A_104 = vector.shape_cast %broadcast_in_dim3A_93 : vector<128xf32> to vector<1x128xf32>
    %stack3A_105 = vector.shape_cast %broadcast_in_dim3A_93 : vector<128xf32> to vector<1x128xf32>
    %stack3A_106 = vector.shape_cast %broadcast_in_dim3A_93 : vector<128xf32> to vector<1x128xf32>
    %stack3A_107 = vector.shape_cast %broadcast_in_dim3A_93 : vector<128xf32> to vector<1x128xf32>
    %stack3A_108 = vector.shape_cast %broadcast_in_dim3A_93 : vector<128xf32> to vector<1x128xf32>
    %stack3A_109 = vector.shape_cast %broadcast_in_dim3A_93 : vector<128xf32> to vector<1x128xf32>
    %stack3A_110 = vector.shape_cast %broadcast_in_dim3A_93 : vector<128xf32> to vector<1x128xf32>
    %stack3A_111 = vector.shape_cast %broadcast_in_dim3A_93 : vector<128xf32> to vector<1x128xf32>
    %stack3A_112 = vector.shape_cast %broadcast_in_dim3A_93 : vector<128xf32> to vector<1x128xf32>
    %stack3A_113 = vector.shape_cast %broadcast_in_dim3A_93 : vector<128xf32> to vector<1x128xf32>
    %stack3A_114 = vector.shape_cast %broadcast_in_dim3A_93 : vector<128xf32> to vector<1x128xf32>
    %stack3A_115 = vector.shape_cast %broadcast_in_dim3A_93 : vector<128xf32> to vector<1x128xf32>
    %stack3A_116 = vector.shape_cast %broadcast_in_dim3A_93 : vector<128xf32> to vector<1x128xf32>
    %stack3A_117 = vector.shape_cast %broadcast_in_dim3A_93 : vector<128xf32> to vector<1x128xf32>
    %stack3A_118 = vector.shape_cast %broadcast_in_dim3A_93 : vector<128xf32> to vector<1x128xf32>
    %stack3A_119 = vector.shape_cast %broadcast_in_dim3A_93 : vector<128xf32> to vector<1x128xf32>
    %stack3A_120 = vector.shape_cast %broadcast_in_dim3A_93 : vector<128xf32> to vector<1x128xf32>
    %stack3A_121 = vector.shape_cast %broadcast_in_dim3A_93 : vector<128xf32> to vector<1x128xf32>
    %stack3A_122 = vector.shape_cast %broadcast_in_dim3A_93 : vector<128xf32> to vector<1x128xf32>
    %stack3A_123 = vector.shape_cast %broadcast_in_dim3A_93 : vector<128xf32> to vector<1x128xf32>
    %stack3A_124 = vector.shape_cast %broadcast_in_dim3A_93 : vector<128xf32> to vector<1x128xf32>
    %stack3A_125 = vector.shape_cast %broadcast_in_dim3A_93 : vector<128xf32> to vector<1x128xf32>
    %stack3A_126 = vector.shape_cast %broadcast_in_dim3A_93 : vector<128xf32> to vector<1x128xf32>
    %stack3A_127 = vector.shape_cast %broadcast_in_dim3A_93 : vector<128xf32> to vector<1x128xf32>
    %stack3A_128 = vector.shape_cast %broadcast_in_dim3A_93 : vector<128xf32> to vector<1x128xf32>
    %stack3A_129 = vector.shape_cast %broadcast_in_dim3A_93 : vector<128xf32> to vector<1x128xf32>
    %stack3A_130 = vector.shape_cast %broadcast_in_dim3A_93 : vector<128xf32> to vector<1x128xf32>
    %stack3A_131 = vector.shape_cast %broadcast_in_dim3A_93 : vector<128xf32> to vector<1x128xf32>
    %stack3A_132 = vector.shape_cast %broadcast_in_dim3A_93 : vector<128xf32> to vector<1x128xf32>
    %stack3A_133 = vector.shape_cast %broadcast_in_dim3A_93 : vector<128xf32> to vector<1x128xf32>
    %stack3A_134 = vector.shape_cast %broadcast_in_dim3A_93 : vector<128xf32> to vector<1x128xf32>
    %stack3A_135 = vector.shape_cast %broadcast_in_dim3A_93 : vector<128xf32> to vector<1x128xf32>
    %stack3A_136 = vector.shape_cast %broadcast_in_dim3A_93 : vector<128xf32> to vector<1x128xf32>
    %stack3A_137 = vector.shape_cast %broadcast_in_dim3A_93 : vector<128xf32> to vector<1x128xf32>
    %stack3A_138 = vector.shape_cast %broadcast_in_dim3A_93 : vector<128xf32> to vector<1x128xf32>
    %stack3A_139 = vector.shape_cast %broadcast_in_dim3A_93 : vector<128xf32> to vector<1x128xf32>
    %stack3A_140 = vector.shape_cast %broadcast_in_dim3A_93 : vector<128xf32> to vector<1x128xf32>
    %stack3A_141 = vector.shape_cast %broadcast_in_dim3A_93 : vector<128xf32> to vector<1x128xf32>
    %stack3A_142 = vector.shape_cast %broadcast_in_dim3A_93 : vector<128xf32> to vector<1x128xf32>
    %stack3A_143 = vector.shape_cast %broadcast_in_dim3A_93 : vector<128xf32> to vector<1x128xf32>
    %stack3A_144 = vector.shape_cast %broadcast_in_dim3A_93 : vector<128xf32> to vector<1x128xf32>
    %stack3A_145 = vector.shape_cast %broadcast_in_dim3A_93 : vector<128xf32> to vector<1x128xf32>
    %stack3A_146 = vector.shape_cast %broadcast_in_dim3A_93 : vector<128xf32> to vector<1x128xf32>
    %stack3A_147 = vector.shape_cast %broadcast_in_dim3A_93 : vector<128xf32> to vector<1x128xf32>
    %stack3A_148 = vector.shape_cast %broadcast_in_dim3A_93 : vector<128xf32> to vector<1x128xf32>
    %stack3A_149 = vector.shape_cast %broadcast_in_dim3A_93 : vector<128xf32> to vector<1x128xf32>
    %stack3A_150 = vector.shape_cast %broadcast_in_dim3A_93 : vector<128xf32> to vector<1x128xf32>
    %stack3A_151 = vector.shape_cast %broadcast_in_dim3A_93 : vector<128xf32> to vector<1x128xf32>
    %stack3A_152 = vector.shape_cast %broadcast_in_dim3A_93 : vector<128xf32> to vector<1x128xf32>
    %stack3A_153 = vector.shape_cast %broadcast_in_dim3A_93 : vector<128xf32> to vector<1x128xf32>
    %stack3A_154 = vector.shape_cast %broadcast_in_dim3A_93 : vector<128xf32> to vector<1x128xf32>
    %stack3A_155 = vector.shape_cast %broadcast_in_dim3A_93 : vector<128xf32> to vector<1x128xf32>
    %stack3A_156 = vector.shape_cast %broadcast_in_dim3A_93 : vector<128xf32> to vector<1x128xf32>
    %stack3A_157 = vector.shape_cast %broadcast_in_dim3A_93 : vector<128xf32> to vector<1x128xf32>
    %stack3A_158 = vector.shape_cast %broadcast_in_dim3A_93 : vector<128xf32> to vector<1x128xf32>
    %stack3A_159 = vector.shape_cast %broadcast_in_dim3A_93 : vector<128xf32> to vector<1x128xf32>
    %stack3A_160 = vector.shape_cast %broadcast_in_dim3A_93 : vector<128xf32> to vector<1x128xf32>
    %stack3A_161 = vector.shape_cast %broadcast_in_dim3A_93 : vector<128xf32> to vector<1x128xf32>
    %stack3A_162 = vector.shape_cast %broadcast_in_dim3A_93 : vector<128xf32> to vector<1x128xf32>
    %stack3A_163 = vector.shape_cast %broadcast_in_dim3A_93 : vector<128xf32> to vector<1x128xf32>
    %stack3A_164 = vector.shape_cast %broadcast_in_dim3A_93 : vector<128xf32> to vector<1x128xf32>
    %stack3A_165 = vector.shape_cast %broadcast_in_dim3A_93 : vector<128xf32> to vector<1x128xf32>
    %stack3A_166 = vector.shape_cast %broadcast_in_dim3A_93 : vector<128xf32> to vector<1x128xf32>
    %stack3A_167 = vector.shape_cast %broadcast_in_dim3A_93 : vector<128xf32> to vector<1x128xf32>
    %stack3A_168 = vector.shape_cast %broadcast_in_dim3A_93 : vector<128xf32> to vector<1x128xf32>
    %stack3A_169 = vector.shape_cast %broadcast_in_dim3A_93 : vector<128xf32> to vector<1x128xf32>
    %stack3A_170 = vector.shape_cast %broadcast_in_dim3A_93 : vector<128xf32> to vector<1x128xf32>
    %stack3A_171 = vector.shape_cast %broadcast_in_dim3A_93 : vector<128xf32> to vector<1x128xf32>
    %stack3A_172 = vector.shape_cast %broadcast_in_dim3A_93 : vector<128xf32> to vector<1x128xf32>
    %stack3A_173 = vector.shape_cast %broadcast_in_dim3A_93 : vector<128xf32> to vector<1x128xf32>
    %stack3A_174 = vector.shape_cast %broadcast_in_dim3A_93 : vector<128xf32> to vector<1x128xf32>
    %stack3A_175 = vector.shape_cast %broadcast_in_dim3A_93 : vector<128xf32> to vector<1x128xf32>
    %stack3A_176 = vector.shape_cast %broadcast_in_dim3A_93 : vector<128xf32> to vector<1x128xf32>
    %stack3A_177 = vector.shape_cast %broadcast_in_dim3A_93 : vector<128xf32> to vector<1x128xf32>
    %stack3A_178 = vector.shape_cast %broadcast_in_dim3A_93 : vector<128xf32> to vector<1x128xf32>
    %stack3A_179 = vector.shape_cast %broadcast_in_dim3A_93 : vector<128xf32> to vector<1x128xf32>
    %stack3A_180 = vector.shape_cast %broadcast_in_dim3A_93 : vector<128xf32> to vector<1x128xf32>
    %stack3A_181 = vector.shape_cast %broadcast_in_dim3A_93 : vector<128xf32> to vector<1x128xf32>
    %stack3A_182 = vector.shape_cast %broadcast_in_dim3A_93 : vector<128xf32> to vector<1x128xf32>
    %stack3A_183 = vector.shape_cast %broadcast_in_dim3A_93 : vector<128xf32> to vector<1x128xf32>
    %stack3A_184 = vector.shape_cast %broadcast_in_dim3A_93 : vector<128xf32> to vector<1x128xf32>
    %stack3A_185 = vector.shape_cast %broadcast_in_dim3A_93 : vector<128xf32> to vector<1x128xf32>
    %stack3A_186 = vector.shape_cast %broadcast_in_dim3A_93 : vector<128xf32> to vector<1x128xf32>
    %stack3A_187 = vector.shape_cast %broadcast_in_dim3A_93 : vector<128xf32> to vector<1x128xf32>
    %stack3A_188 = vector.shape_cast %broadcast_in_dim3A_93 : vector<128xf32> to vector<1x128xf32>
    %stack3A_189 = vector.shape_cast %broadcast_in_dim3A_93 : vector<128xf32> to vector<1x128xf32>
    %stack3A_190 = vector.shape_cast %broadcast_in_dim3A_93 : vector<128xf32> to vector<1x128xf32>
    %stack3A_191 = vector.shape_cast %broadcast_in_dim3A_93 : vector<128xf32> to vector<1x128xf32>
    %stack3A_192 = vector.shape_cast %broadcast_in_dim3A_93 : vector<128xf32> to vector<1x128xf32>
    %stack3A_193 = vector.shape_cast %broadcast_in_dim3A_93 : vector<128xf32> to vector<1x128xf32>
    %stack3A_194 = vector.shape_cast %broadcast_in_dim3A_93 : vector<128xf32> to vector<1x128xf32>
    %stack3A_195 = vector.shape_cast %broadcast_in_dim3A_93 : vector<128xf32> to vector<1x128xf32>
    %stack3A_196 = vector.shape_cast %broadcast_in_dim3A_93 : vector<128xf32> to vector<1x128xf32>
    %stack3A_197 = vector.shape_cast %broadcast_in_dim3A_93 : vector<128xf32> to vector<1x128xf32>
    %stack3A_198 = vector.shape_cast %broadcast_in_dim3A_93 : vector<128xf32> to vector<1x128xf32>
    %stack3A_199 = vector.shape_cast %broadcast_in_dim3A_93 : vector<128xf32> to vector<1x128xf32>
    %stack3A_200 = vector.shape_cast %broadcast_in_dim3A_93 : vector<128xf32> to vector<1x128xf32>
    %stack3A_201 = vector.shape_cast %broadcast_in_dim3A_93 : vector<128xf32> to vector<1x128xf32>
    %stack3A_202 = vector.shape_cast %broadcast_in_dim3A_93 : vector<128xf32> to vector<1x128xf32>
    %stack3A_203 = vector.shape_cast %broadcast_in_dim3A_93 : vector<128xf32> to vector<1x128xf32>
    %stack3A_204 = vector.shape_cast %broadcast_in_dim3A_93 : vector<128xf32> to vector<1x128xf32>
    %stack3A_205 = vector.shape_cast %broadcast_in_dim3A_93 : vector<128xf32> to vector<1x128xf32>
    %stack3A_206 = vector.shape_cast %broadcast_in_dim3A_93 : vector<128xf32> to vector<1x128xf32>
    %stack3A_207 = vector.shape_cast %broadcast_in_dim3A_93 : vector<128xf32> to vector<1x128xf32>
    %stack3A_208 = vector.shape_cast %broadcast_in_dim3A_93 : vector<128xf32> to vector<1x128xf32>
    %stack3A_209 = vector.shape_cast %broadcast_in_dim3A_93 : vector<128xf32> to vector<1x128xf32>
    %stack3A_210 = vector.shape_cast %broadcast_in_dim3A_93 : vector<128xf32> to vector<1x128xf32>
    %stack3A_211 = vector.shape_cast %broadcast_in_dim3A_93 : vector<128xf32> to vector<1x128xf32>
    %stack3A_212 = vector.shape_cast %broadcast_in_dim3A_93 : vector<128xf32> to vector<1x128xf32>
    %stack3A_213 = vector.shape_cast %broadcast_in_dim3A_93 : vector<128xf32> to vector<1x128xf32>
    %stack3A_214 = vector.shape_cast %broadcast_in_dim3A_93 : vector<128xf32> to vector<1x128xf32>
    %stack3A_215 = vector.shape_cast %broadcast_in_dim3A_93 : vector<128xf32> to vector<1x128xf32>
    %stack3A_216 = vector.shape_cast %broadcast_in_dim3A_93 : vector<128xf32> to vector<1x128xf32>
    %stack3A_217 = vector.shape_cast %broadcast_in_dim3A_93 : vector<128xf32> to vector<1x128xf32>
    %stack3A_218 = vector.shape_cast %broadcast_in_dim3A_93 : vector<128xf32> to vector<1x128xf32>
    %stack3A_219 = vector.shape_cast %broadcast_in_dim3A_93 : vector<128xf32> to vector<1x128xf32>
    %stack3A_220 = vector.shape_cast %broadcast_in_dim3A_93 : vector<128xf32> to vector<1x128xf32>
    %stack3A_221 = tpu.concatenate %stack3A, %stack3A_94, %stack3A_95, %stack3A_96, %stack3A_97, %stack3A_98, %stack3A_99, %stack3A_100, %stack3A_101, %stack3A_102, %stack3A_103, %stack3A_104, %stack3A_105, %stack3A_106, %stack3A_107, %stack3A_108, %stack3A_109, %stack3A_110, %stack3A_111, %stack3A_112, %stack3A_113, %stack3A_114, %stack3A_115, %stack3A_116, %stack3A_117, %stack3A_118, %stack3A_119, %stack3A_120, %stack3A_121, %stack3A_122, %stack3A_123, %stack3A_124, %stack3A_125, %stack3A_126, %stack3A_127, %stack3A_128, %stack3A_129, %stack3A_130, %stack3A_131, %stack3A_132, %stack3A_133, %stack3A_134, %stack3A_135, %stack3A_136, %stack3A_137, %stack3A_138, %stack3A_139, %stack3A_140, %stack3A_141, %stack3A_142, %stack3A_143, %stack3A_144, %stack3A_145, %stack3A_146, %stack3A_147, %stack3A_148, %stack3A_149, %stack3A_150, %stack3A_151, %stack3A_152, %stack3A_153, %stack3A_154, %stack3A_155, %stack3A_156, %stack3A_157, %stack3A_158, %stack3A_159, %stack3A_160, %stack3A_161, %stack3A_162, %stack3A_163, %stack3A_164, %stack3A_165, %stack3A_166, %stack3A_167, %stack3A_168, %stack3A_169, %stack3A_170, %stack3A_171, %stack3A_172, %stack3A_173, %stack3A_174, %stack3A_175, %stack3A_176, %stack3A_177, %stack3A_178, %stack3A_179, %stack3A_180, %stack3A_181, %stack3A_182, %stack3A_183, %stack3A_184, %stack3A_185, %stack3A_186, %stack3A_187, %stack3A_188, %stack3A_189, %stack3A_190, %stack3A_191, %stack3A_192, %stack3A_193, %stack3A_194, %stack3A_195, %stack3A_196, %stack3A_197, %stack3A_198, %stack3A_199, %stack3A_200, %stack3A_201, %stack3A_202, %stack3A_203, %stack3A_204, %stack3A_205, %stack3A_206, %stack3A_207, %stack3A_208, %stack3A_209, %stack3A_210, %stack3A_211, %stack3A_212, %stack3A_213, %stack3A_214, %stack3A_215, %stack3A_216, %stack3A_217, %stack3A_218, %stack3A_219, %stack3A_220 in 0 : vector<1x128xf32>, vector<1x128xf32>, vector<1x128xf32>, vector<1x128xf32>, vector<1x128xf32>, vector<1x128xf32>, vector<1x128xf32>, vector<1x128xf32>, vector<1x128xf32>, vector<1x128xf32>, vector<1x128xf32>, vector<1x128xf32>, vector<1x128xf32>, vector<1x128xf32>, vector<1x128xf32>, vector<1x128xf32>, vector<1x128xf32>, vector<1x128xf32>, vector<1x128xf32>, vector<1x128xf32>, vector<1x128xf32>, vector<1x128xf32>, vector<1x128xf32>, vector<1x128xf32>, vector<1x128xf32>, vector<1x128xf32>, vector<1x128xf32>, vector<1x128xf32>, vector<1x128xf32>, vector<1x128xf32>, vector<1x128xf32>, vector<1x128xf32>, vector<1x128xf32>, vector<1x128xf32>, vector<1x128xf32>, vector<1x128xf32>, vector<1x128xf32>, vector<1x128xf32>, vector<1x128xf32>, vector<1x128xf32>, vector<1x128xf32>, vector<1x128xf32>, vector<1x128xf32>, vector<1x128xf32>, vector<1x128xf32>, vector<1x128xf32>, vector<1x128xf32>, vector<1x128xf32>, vector<1x128xf32>, vector<1x128xf32>, vector<1x128xf32>, vector<1x128xf32>, vector<1x128xf32>, vector<1x128xf32>, vector<1x128xf32>, vector<1x128xf32>, vector<1x128xf32>, vector<1x128xf32>, vector<1x128xf32>, vector<1x128xf32>, vector<1x128xf32>, vector<1x128xf32>, vector<1x128xf32>, vector<1x128xf32>, vector<1x128xf32>, vector<1x128xf32>, vector<1x128xf32>, vector<1x128xf32>, vector<1x128xf32>, vector<1x128xf32>, vector<1x128xf32>, vector<1x128xf32>, vector<1x128xf32>, vector<1x128xf32>, vector<1x128xf32>, vector<1x128xf32>, vector<1x128xf32>, vector<1x128xf32>, vector<1x128xf32>, vector<1x128xf32>, vector<1x128xf32>, vector<1x128xf32>, vector<1x128xf32>, vector<1x128xf32>, vector<1x128xf32>, vector<1x128xf32>, vector<1x128xf32>, vector<1x128xf32>, vector<1x128xf32>, vector<1x128xf32>, vector<1x128xf32>, vector<1x128xf32>, vector<1x128xf32>, vector<1x128xf32>, vector<1x128xf32>, vector<1x128xf32>, vector<1x128xf32>, vector<1x128xf32>, vector<1x128xf32>, vector<1x128xf32>, vector<1x128xf32>, vector<1x128xf32>, vector<1x128xf32>, vector<1x128xf32>, vector<1x128xf32>, vector<1x128xf32>, vector<1x128xf32>, vector<1x128xf32>, vector<1x128xf32>, vector<1x128xf32>, vector<1x128xf32>, vector<1x128xf32>, vector<1x128xf32>, vector<1x128xf32>, vector<1x128xf32>, vector<1x128xf32>, vector<1x128xf32>, vector<1x128xf32>, vector<1x128xf32>, vector<1x128xf32>, vector<1x128xf32>, vector<1x128xf32>, vector<1x128xf32>, vector<1x128xf32>, vector<1x128xf32>, vector<1x128xf32>, vector<1x128xf32>, vector<1x128xf32> -> vector<128x128xf32>
    %get3A_222 = arith.constant 4 : index
    %get3A_223 = arith.constant 0 : index
    %get3A_224 = vector.load %arg3[%get3A_222, %get3A_223] : memref<6x128xf32, #tpu.memory_space<vmem>>, vector<1x128xf32>
    %get3A_225 = vector.shape_cast %get3A_224 : vector<1x128xf32> to vector<128xf32>
    %get3A_226 = arith.constant 0 : index
    %get3A_227 = arith.constant 0 : index
    %get3A_228 = vector.load %arg4[%get3A_226, %get3A_227] : memref<3x128xf32, #tpu.memory_space<vmem>>, vector<1x128xf32>
    %get3A_229 = vector.shape_cast %get3A_228 : vector<1x128xf32> to vector<128xf32>
    %add3A_230 = arith.addf %get3A_225, %get3A_229 : vector<128xf32>
    %get3A_231 = arith.constant 0 : index
    %get3A_232 = arith.constant 0 : index
    %get3A_233 = vector.load %arg2[%get3A_231, %get3A_232] : memref<10000x128xf32, #tpu.memory_space<vmem>>, vector<10000x128xf32>
    %add3A_234 = arith.addf %add3A, %get3A_233 : vector<10000x128xf32>
    %broadcast_in_dim3A_235 = vector.shape_cast %add3A_230 : vector<128xf32> to vector<1x128xf32>
    %add3A_236 = vector.broadcast %broadcast_in_dim3A_235 : vector<1x128xf32> to vector<10000x128xf32>
    %add3A_237 = arith.addf %add3A_234, %add3A_236 : vector<10000x128xf32>
    %dot_general3A = arith.constant dense<0.000000e+00> : vector<10000x128xf32>
    %dot_general3A_238 = tpu.matmul %add3A_11, %stack3A_221, %dot_general3A {dimension_numbers = #tpu.dot_dimension_numbers<[1], [0], [0], [1], [0, 0, 1, 1], [], []>, precision = #tpu.contract_precision<fp32>, transpose_lhs_hint = false} : vector<10000x128xf32>, vector<128x128xf32>, vector<10000x128xf32> -> vector<10000x128xf32>
    %add3A_239 = arith.addf %add3A_237, %dot_general3A_238 : vector<10000x128xf32>
    %get3A_240 = arith.constant 0 : index
    %get3A_241 = arith.constant 0 : index
    %get3A_242 = vector.load %arg5[%get3A_240, %get3A_241] : memref<128x256xf32, #tpu.memory_space<vmem>>, vector<128x256xf32>
    %dot_general3A_243 = arith.constant dense<0.000000e+00> : vector<10000x256xf32>
    %dot_general3A_244 = tpu.matmul %add3A_239, %get3A_242, %dot_general3A_243 {dimension_numbers = #tpu.dot_dimension_numbers<[1], [0], [0], [1], [0, 0, 1, 1], [], []>, transpose_lhs_hint = false} : vector<10000x128xf32>, vector<128x256xf32>, vector<10000x256xf32> -> vector<10000x256xf32>
    %get3A_245 = arith.constant 0 : index
    %get3A_246 = vector.load %arg6[%get3A_245] : memref<256xf32, #tpu.memory_space<vmem>>, vector<256xf32>
    %broadcast_in_dim3A_247 = vector.shape_cast %get3A_246 : vector<256xf32> to vector<1x256xf32>
    %add3A_248 = vector.broadcast %broadcast_in_dim3A_247 : vector<1x256xf32> to vector<10000x256xf32>
    %add3A_249 = arith.addf %dot_general3A_244, %add3A_248 : vector<10000x256xf32>
    %max3A = arith.constant 0.000000e+00 : f32
    %max3A_250 = vector.broadcast %max3A : f32 to vector<10000x256xf32>
    %max3A_251 = arith.maximumf %add3A_249, %max3A_250 : vector<10000x256xf32>
    %get3A_252 = arith.constant 0 : index
    %get3A_253 = arith.constant 0 : index
    %get3A_254 = vector.load %arg7[%get3A_252, %get3A_253] : memref<256x128xf32, #tpu.memory_space<vmem>>, vector<256x128xf32>
    %dot_general3A_255 = arith.constant dense<0.000000e+00> : vector<10000x128xf32>
    %dot_general3A_256 = tpu.matmul %max3A_251, %get3A_254, %dot_general3A_255 {dimension_numbers = #tpu.dot_dimension_numbers<[1], [0], [0], [1], [0, 0, 1, 1], [], []>, transpose_lhs_hint = false} : vector<10000x256xf32>, vector<256x128xf32>, vector<10000x128xf32> -> vector<10000x128xf32>
    %get3A_257 = arith.constant 0 : index
    %get3A_258 = vector.load %arg8[%get3A_257] : memref<128xf32, #tpu.memory_space<vmem>>, vector<128xf32>
    %broadcast_in_dim3A_259 = vector.shape_cast %get3A_258 : vector<128xf32> to vector<1x128xf32>
    %add3A_260 = vector.broadcast %broadcast_in_dim3A_259 : vector<1x128xf32> to vector<10000x128xf32>
    %add3A_261 = arith.addf %dot_general3A_256, %add3A_260 : vector<10000x128xf32>
    %reduce_sum3A = arith.constant dense<0.000000e+00> : vector<128xf32>
    %reduce_sum3A_262 = vector.multi_reduction <add>, %add3A_261, %reduce_sum3A [0] : vector<10000x128xf32> to vector<128xf32>
    %broadcast_in_dim3A_263 = vector.shape_cast %reduce_sum3A_262 : vector<128xf32> to vector<1x128xf32>
    %div3A = arith.constant 1.000000e+04 : f32
    %div3A_264 = vector.broadcast %div3A : f32 to vector<1x128xf32>
    %div3A_265 = arith.divf %broadcast_in_dim3A_263, %div3A_264 : vector<1x128xf32>
    %sub3A = vector.broadcast %div3A_265 : vector<1x128xf32> to vector<10000x128xf32>
    %sub3A_266 = arith.subf %add3A_261, %sub3A : vector<10000x128xf32>
    %integer_pow3A = arith.mulf %sub3A_266, %sub3A_266 : vector<10000x128xf32>
    %reduce_sum3A_267 = arith.constant dense<0.000000e+00> : vector<128xf32>
    %reduce_sum3A_268 = vector.multi_reduction <add>, %integer_pow3A, %reduce_sum3A_267 [0] : vector<10000x128xf32> to vector<128xf32>
    %broadcast_in_dim3A_269 = vector.shape_cast %reduce_sum3A_268 : vector<128xf32> to vector<1x128xf32>
    %div3A_270 = arith.constant 1.000000e+04 : f32
    %div3A_271 = vector.broadcast %div3A_270 : f32 to vector<1x128xf32>
    %div3A_272 = arith.divf %broadcast_in_dim3A_269, %div3A_271 : vector<1x128xf32>
    %sub3A_273 = vector.broadcast %div3A_265 : vector<1x128xf32> to vector<10000x128xf32>
    %sub3A_274 = arith.subf %add3A_261, %sub3A_273 : vector<10000x128xf32>
    %add3A_275 = arith.constant 9.99999974E-6 : f32
    %add3A_276 = vector.broadcast %add3A_275 : f32 to vector<1x128xf32>
    %add3A_277 = arith.addf %div3A_272, %add3A_276 : vector<1x128xf32>
    %rsqrt3A = math.rsqrt %add3A_277 : vector<1x128xf32>
    %mul3A = vector.broadcast %rsqrt3A : vector<1x128xf32> to vector<10000x128xf32>
    %mul3A_278 = arith.mulf %sub3A_274, %mul3A : vector<10000x128xf32>
    %get3A_279 = arith.constant 0 : index
    %get3A_280 = vector.load %arg9[%get3A_279] : memref<128xf32, #tpu.memory_space<vmem>>, vector<128xf32>
    %broadcast_in_dim3A_281 = vector.shape_cast %get3A_280 : vector<128xf32> to vector<1x128xf32>
    %mul3A_282 = vector.broadcast %broadcast_in_dim3A_281 : vector<1x128xf32> to vector<10000x128xf32>
    %mul3A_283 = arith.mulf %mul3A_278, %mul3A_282 : vector<10000x128xf32>
    %get3A_284 = arith.constant 0 : index
    %get3A_285 = vector.load %arg10[%get3A_284] : memref<128xf32, #tpu.memory_space<vmem>>, vector<128xf32>
    %broadcast_in_dim3A_286 = vector.shape_cast %get3A_285 : vector<128xf32> to vector<1x128xf32>
    %add3A_287 = vector.broadcast %broadcast_in_dim3A_286 : vector<1x128xf32> to vector<10000x128xf32>
    %add3A_288 = arith.addf %mul3A_283, %add3A_287 : vector<10000x128xf32>
    %max3A_289 = arith.constant 0.000000e+00 : f32
    %max3A_290 = vector.broadcast %max3A_289 : f32 to vector<10000x128xf32>
    %max3A_291 = arith.maximumf %add3A_288, %max3A_290 : vector<10000x128xf32>
    %swap3A = arith.constant 0 : index
    %swap3A_292 = arith.constant 0 : index
    %swap3A_293 = vector.load %arg11[%swap3A, %swap3A_292] : memref<10000x128xf32, #tpu.memory_space<vmem>>, vector<10000x128xf32>
    tpu.vector_store %arg11[%swap3A, %swap3A_292], %max3A_291 {strides = array<i32>} : memref<10000x128xf32, #tpu.memory_space<vmem>>, vector<10000x128xf32>,
    return
  }
}

module attributes {stable_mosaic.version = 14 : i64} {
  func.func @_tc_update_body(%arg0: memref<20480x128xf32, #tpu.memory_space<vmem>>, %arg1: memref<20480x128xf32, #tpu.memory_space<vmem>>, %arg2: memref<10000x128xf32, #tpu.memory_space<vmem>>, %arg3: memref<6x128xf32, #tpu.memory_space<vmem>>, %arg4: memref<3x128xf32, #tpu.memory_space<vmem>>, %arg5: memref<128x256xf32, #tpu.memory_space<vmem>>, %arg6: memref<256xf32, #tpu.memory_space<vmem>>, %arg7: memref<256x128xf32, #tpu.memory_space<vmem>>, %arg8: memref<128xf32, #tpu.memory_space<vmem>>, %arg9: memref<128xf32, #tpu.memory_space<vmem>>, %arg10: memref<128xf32, #tpu.memory_space<vmem>>, %arg11: memref<10000x128xf32, #tpu.memory_space<vmem>>) attributes {dimension_semantics = [], scalar_prefetch = 0 : i64, scratch_operands = 0 : i64, tpu.core_type = #tpu.core_type<tc>} {
    %get3A = arith.constant 0 : index
    %get3A_0 = arith.constant 0 : index
    %get3A_1 = vector.load %arg0[%get3A, %get3A_0] : memref<20480x128xf32, #tpu.memory_space<vmem>>, vector<10000x128xf32>
    %get3A_2 = arith.constant 10240 : index
    %get3A_3 = arith.constant 0 : index
    %get3A_4 = vector.load %arg0[%get3A_2, %get3A_3] : memref<20480x128xf32, #tpu.memory_space<vmem>>, vector<10000x128xf32>
    %add3A = arith.addf %get3A_1, %get3A_4 : vector<10000x128xf32>
    %get3A_5 = arith.constant 0 : index
    %get3A_6 = arith.constant 0 : index
    %get3A_7 = vector.load %arg1[%get3A_5, %get3A_6] : memref<20480x128xf32, #tpu.memory_space<vmem>>, vector<10000x128xf32>
    %get3A_8 = arith.constant 10240 : index
    %get3A_9 = arith.constant 0 : index
    %get3A_10 = vector.load %arg1[%get3A_8, %get3A_9] : memref<20480x128xf32, #tpu.memory_space<vmem>>, vector<10000x128xf32>
    %add3A_11 = arith.addf %get3A_7, %get3A_10 : vector<10000x128xf32>
    %get3A_12 = arith.constant 0 : index
    %get3A_13 = arith.constant 0 : index
    %get3A_14 = vector.load %arg3[%get3A_12, %get3A_13] : memref<6x128xf32, #tpu.memory_space<vmem>>, vector<1x128xf32>
    %get3A_15 = vector.shape_cast %get3A_14 : vector<1x128xf32> to vector<128xf32>
    %get3A_16 = arith.constant 0 : index
    %get3A_17 = arith.constant 0 : index
    %get3A_18 = vector.load %arg4[%get3A_16, %get3A_17] : memref<3x128xf32, #tpu.memory_space<vmem>>, vector<1x128xf32>
    %get3A_19 = vector.shape_cast %get3A_18 : vector<1x128xf32> to vector<128xf32>
    %add3A_20 = arith.addf %get3A_15, %get3A_19 : vector<128xf32>
    %get3A_21 = arith.constant 0 : index
    %get3A_22 = arith.constant 0 : index
    %get3A_23 = vector.load %arg3[%get3A_21, %get3A_22] : memref<6x128xf32, #tpu.memory_space<vmem>>, vector<1x128xf32>
    %get3A_24 = vector.shape_cast %get3A_23 : vector<1x128xf32> to vector<128xf32>
    %get3A_25 = arith.constant 1 : index
    %get3A_26 = arith.constant 0 : index
    %get3A_27 = vector.load %arg4[%get3A_25, %get3A_26] : memref<3x128xf32, #tpu.memory_space<vmem>>, vector<1x128xf32>
    %get3A_28 = vector.shape_cast %get3A_27 : vector<1x128xf32> to vector<128xf32>
    %add3A_29 = arith.addf %get3A_24, %get3A_28 : vector<128xf32>
    %get3A_30 = arith.constant 0 : index
    %get3A_31 = arith.constant 0 : index
    %get3A_32 = vector.load %arg3[%get3A_30, %get3A_31] : memref<6x128xf32, #tpu.memory_space<vmem>>, vector<1x128xf32>
    %get3A_33 = vector.shape_cast %get3A_32 : vector<1x128xf32> to vector<128xf32>
    %get3A_34 = arith.constant 2 : index
    %get3A_35 = arith.constant 0 : index
    %get3A_36 = vector.load %arg4[%get3A_34, %get3A_35] : memref<3x128xf32, #tpu.memory_space<vmem>>, vector<1x128xf32>
    %get3A_37 = vector.shape_cast %get3A_36 : vector<1x128xf32> to vector<128xf32>
    %add3A_38 = arith.addf %get3A_33, %get3A_37 : vector<128xf32>
    %get3A_39 = arith.constant 1 : index
    %get3A_40 = arith.constant 0 : index
    %get3A_41 = vector.load %arg3[%get3A_39, %get3A_40] : memref<6x128xf32, #tpu.memory_space<vmem>>, vector<1x128xf32>
    %get3A_42 = vector.shape_cast %get3A_41 : vector<1x128xf32> to vector<128xf32>
    %get3A_43 = arith.constant 0 : index
    %get3A_44 = arith.constant 0 : index
    %get3A_45 = vector.load %arg4[%get3A_43, %get3A_44] : memref<3x128xf32, #tpu.memory_space<vmem>>, vector<1x128xf32>
    %get3A_46 = vector.shape_cast %get3A_45 : vector<1x128xf32> to vector<128xf32>
    %add3A_47 = arith.addf %get3A_42, %get3A_46 : vector<128xf32>
    %get3A_48 = arith.constant 1 : index
    %get3A_49 = arith.constant 0 : index
    %get3A_50 = vector.load %arg3[%get3A_48, %get3A_49] : memref<6x128xf32, #tpu.memory_space<vmem>>, vector<1x128xf32>
    %get3A_51 = vector.shape_cast %get3A_50 : vector<1x128xf32> to vector<128xf32>
    %get3A_52 = arith.constant 1 : index
    %get3A_53 = arith.constant 0 : index
    %get3A_54 = vector.load %arg4[%get3A_52, %get3A_53] : memref<3x128xf32, #tpu.memory_space<vmem>>, vector<1x128xf32>
    %get3A_55 = vector.shape_cast %get3A_54 : vector<1x128xf32> to vector<128xf32>
    %add3A_56 = arith.addf %get3A_51, %get3A_55 : vector<128xf32>
    %get3A_57 = arith.constant 1 : index
    %get3A_58 = arith.constant 0 : index
    %get3A_59 = vector.load %arg3[%get3A_57, %get3A_58] : memref<6x128xf32, #tpu.memory_space<vmem>>, vector<1x128xf32>
    %get3A_60 = vector.shape_cast %get3A_59 : vector<1x128xf32> to vector<128xf32>
    %get3A_61 = arith.constant 2 : index
    %get3A_62 = arith.constant 0 : index
    %get3A_63 = vector.load %arg4[%get3A_61, %get3A_62] : memref<3x128xf32, #tpu.memory_space<vmem>>, vector<1x128xf32>
    %get3A_64 = vector.shape_cast %get3A_63 : vector<1x128xf32> to vector<128xf32>
    %add3A_65 = arith.addf %get3A_60, %get3A_64 : vector<128xf32>
    %get3A_66 = arith.constant 2 : index
    %get3A_67 = arith.constant 0 : index
    %get3A_68 = vector.load %arg3[%get3A_66, %get3A_67] : memref<6x128xf32, #tpu.memory_space<vmem>>, vector<1x128xf32>
    %get3A_69 = vector.shape_cast %get3A_68 : vector<1x128xf32> to vector<128xf32>
    %get3A_70 = arith.constant 0 : index
    %get3A_71 = arith.constant 0 : index
    %get3A_72 = vector.load %arg4[%get3A_70, %get3A_71] : memref<3x128xf32, #tpu.memory_space<vmem>>, vector<1x128xf32>
    %get3A_73 = vector.shape_cast %get3A_72 : vector<1x128xf32> to vector<128xf32>
    %add3A_74 = arith.addf %get3A_69, %get3A_73 : vector<128xf32>
    %get3A_75 = arith.constant 2 : index
    %get3A_76 = arith.constant 0 : index
    %get3A_77 = vector.load %arg3[%get3A_75, %get3A_76] : memref<6x128xf32, #tpu.memory_space<vmem>>, vector<1x128xf32>
    %get3A_78 = vector.shape_cast %get3A_77 : vector<1x128xf32> to vector<128xf32>
    %get3A_79 = arith.constant 1 : index
    %get3A_80 = arith.constant 0 : index
    %get3A_81 = vector.load %arg4[%get3A_79, %get3A_80] : memref<3x128xf32, #tpu.memory_space<vmem>>, vector<1x128xf32>
    %get3A_82 = vector.shape_cast %get3A_81 : vector<1x128xf32> to vector<128xf32>
    %add3A_83 = arith.addf %get3A_78, %get3A_82 : vector<128xf32>
    %get3A_84 = arith.constant 2 : index
    %get3A_85 = arith.constant 0 : index
    %get3A_86 = vector.load %arg3[%get3A_84, %get3A_85] : memref<6x128xf32, #tpu.memory_space<vmem>>, vector<1x128xf32>
    %get3A_87 = vector.shape_cast %get3A_86 : vector<1x128xf32> to vector<128xf32>
    %get3A_88 = arith.constant 2 : index
    %get3A_89 = arith.constant 0 : index
    %get3A_90 = vector.load %arg4[%get3A_88, %get3A_89] : memref<3x128xf32, #tpu.memory_space<vmem>>, vector<1x128xf32>
    %get3A_91 = vector.shape_cast %get3A_90 : vector<1x128xf32> to vector<128xf32>
    %add3A_92 = arith.addf %get3A_87, %get3A_91 : vector<128xf32>
    %broadcast_in_dim3A = arith.constant 0.000000e+00 : f32
    %broadcast_in_dim3A_93 = vector.broadcast %broadcast_in_dim3A : f32 to vector<128xf32>
    %stack3A = vector.shape_cast %add3A_20 : vector<128xf32> to vector<1x128xf32>
    %stack3A_94 = vector.shape_cast %add3A_29 : vector<128xf32> to vector<1x128xf32>
    %stack3A_95 = vector.shape_cast %add3A_38 : vector<128xf32> to vector<1x128xf32>
    %stack3A_96 = vector.shape_cast %add3A_47 : vector<128xf32> to vector<1x128xf32>
    %stack3A_97 = vector.shape_cast %add3A_56 : vector<128xf32> to vector<1x128xf32>
    %stack3A_98 = vector.shape_cast %add3A_65 : vector<128xf32> to vector<1x128xf32>
    %stack3A_99 = vector.shape_cast %add3A_74 : vector<128xf32> to vector<1x128xf32>
    %stack3A_100 = vector.shape_cast %add3A_83 : vector<128xf32> to vector<1x128xf32>
    %stack3A_101 = vector.shape_cast %add3A_92 : vector<128xf32> to vector<1x128xf32>
    %stack3A_102 = vector.shape_cast %broadcast_in_dim3A_93 : vector<128xf32> to vector<1x128xf32>
    %stack3A_103 = vector.shape_cast %broadcast_in_dim3A_93 : vector<128xf32> to vector<1x128xf32>
    %stack3A_104 = vector.shape_cast %broadcast_in_dim3A_93 : vector<128xf32> to vector<1x128xf32>
    %stack3A_105 = vector.shape_cast %broadcast_in_dim3A_93 : vector<128xf32> to vector<1x128xf32>
    %stack3A_106 = vector.shape_cast %broadcast_in_dim3A_93 : vector<128xf32> to vector<1x128xf32>
    %stack3A_107 = vector.shape_cast %broadcast_in_dim3A_93 : vector<128xf32> to vector<1x128xf32>
    %stack3A_108 = vector.shape_cast %broadcast_in_dim3A_93 : vector<128xf32> to vector<1x128xf32>
    %stack3A_109 = vector.shape_cast %broadcast_in_dim3A_93 : vector<128xf32> to vector<1x128xf32>
    %stack3A_110 = vector.shape_cast %broadcast_in_dim3A_93 : vector<128xf32> to vector<1x128xf32>
    %stack3A_111 = vector.shape_cast %broadcast_in_dim3A_93 : vector<128xf32> to vector<1x128xf32>
    %stack3A_112 = vector.shape_cast %broadcast_in_dim3A_93 : vector<128xf32> to vector<1x128xf32>
    %stack3A_113 = vector.shape_cast %broadcast_in_dim3A_93 : vector<128xf32> to vector<1x128xf32>
    %stack3A_114 = vector.shape_cast %broadcast_in_dim3A_93 : vector<128xf32> to vector<1x128xf32>
    %stack3A_115 = vector.shape_cast %broadcast_in_dim3A_93 : vector<128xf32> to vector<1x128xf32>
    %stack3A_116 = vector.shape_cast %broadcast_in_dim3A_93 : vector<128xf32> to vector<1x128xf32>
    %stack3A_117 = vector.shape_cast %broadcast_in_dim3A_93 : vector<128xf32> to vector<1x128xf32>
    %stack3A_118 = vector.shape_cast %broadcast_in_dim3A_93 : vector<128xf32> to vector<1x128xf32>
    %stack3A_119 = vector.shape_cast %broadcast_in_dim3A_93 : vector<128xf32> to vector<1x128xf32>
    %stack3A_120 = vector.shape_cast %broadcast_in_dim3A_93 : vector<128xf32> to vector<1x128xf32>
    %stack3A_121 = vector.shape_cast %broadcast_in_dim3A_93 : vector<128xf32> to vector<1x128xf32>
    %stack3A_122 = vector.shape_cast %broadcast_in_dim3A_93 : vector<128xf32> to vector<1x128xf32>
    %stack3A_123 = vector.shape_cast %broadcast_in_dim3A_93 : vector<128xf32> to vector<1x128xf32>
    %stack3A_124 = vector.shape_cast %broadcast_in_dim3A_93 : vector<128xf32> to vector<1x128xf32>
    %stack3A_125 = vector.shape_cast %broadcast_in_dim3A_93 : vector<128xf32> to vector<1x128xf32>
    %stack3A_126 = vector.shape_cast %broadcast_in_dim3A_93 : vector<128xf32> to vector<1x128xf32>
    %stack3A_127 = vector.shape_cast %broadcast_in_dim3A_93 : vector<128xf32> to vector<1x128xf32>
    %stack3A_128 = vector.shape_cast %broadcast_in_dim3A_93 : vector<128xf32> to vector<1x128xf32>
    %stack3A_129 = vector.shape_cast %broadcast_in_dim3A_93 : vector<128xf32> to vector<1x128xf32>
    %stack3A_130 = vector.shape_cast %broadcast_in_dim3A_93 : vector<128xf32> to vector<1x128xf32>
    %stack3A_131 = vector.shape_cast %broadcast_in_dim3A_93 : vector<128xf32> to vector<1x128xf32>
    %stack3A_132 = vector.shape_cast %broadcast_in_dim3A_93 : vector<128xf32> to vector<1x128xf32>
    %stack3A_133 = vector.shape_cast %broadcast_in_dim3A_93 : vector<128xf32> to vector<1x128xf32>
    %stack3A_134 = vector.shape_cast %broadcast_in_dim3A_93 : vector<128xf32> to vector<1x128xf32>
    %stack3A_135 = vector.shape_cast %broadcast_in_dim3A_93 : vector<128xf32> to vector<1x128xf32>
    %stack3A_136 = vector.shape_cast %broadcast_in_dim3A_93 : vector<128xf32> to vector<1x128xf32>
    %stack3A_137 = vector.shape_cast %broadcast_in_dim3A_93 : vector<128xf32> to vector<1x128xf32>
    %stack3A_138 = vector.shape_cast %broadcast_in_dim3A_93 : vector<128xf32> to vector<1x128xf32>
    %stack3A_139 = vector.shape_cast %broadcast_in_dim3A_93 : vector<128xf32> to vector<1x128xf32>
    %stack3A_140 = vector.shape_cast %broadcast_in_dim3A_93 : vector<128xf32> to vector<1x128xf32>
    %stack3A_141 = vector.shape_cast %broadcast_in_dim3A_93 : vector<128xf32> to vector<1x128xf32>
    %stack3A_142 = vector.shape_cast %broadcast_in_dim3A_93 : vector<128xf32> to vector<1x128xf32>
    %stack3A_143 = vector.shape_cast %broadcast_in_dim3A_93 : vector<128xf32> to vector<1x128xf32>
    %stack3A_144 = vector.shape_cast %broadcast_in_dim3A_93 : vector<128xf32> to vector<1x128xf32>
    %stack3A_145 = vector.shape_cast %broadcast_in_dim3A_93 : vector<128xf32> to vector<1x128xf32>
    %stack3A_146 = vector.shape_cast %broadcast_in_dim3A_93 : vector<128xf32> to vector<1x128xf32>
    %stack3A_147 = vector.shape_cast %broadcast_in_dim3A_93 : vector<128xf32> to vector<1x128xf32>
    %stack3A_148 = vector.shape_cast %broadcast_in_dim3A_93 : vector<128xf32> to vector<1x128xf32>
    %stack3A_149 = vector.shape_cast %broadcast_in_dim3A_93 : vector<128xf32> to vector<1x128xf32>
    %stack3A_150 = vector.shape_cast %broadcast_in_dim3A_93 : vector<128xf32> to vector<1x128xf32>
    %stack3A_151 = vector.shape_cast %broadcast_in_dim3A_93 : vector<128xf32> to vector<1x128xf32>
    %stack3A_152 = vector.shape_cast %broadcast_in_dim3A_93 : vector<128xf32> to vector<1x128xf32>
    %stack3A_153 = vector.shape_cast %broadcast_in_dim3A_93 : vector<128xf32> to vector<1x128xf32>
    %stack3A_154 = vector.shape_cast %broadcast_in_dim3A_93 : vector<128xf32> to vector<1x128xf32>
    %stack3A_155 = vector.shape_cast %broadcast_in_dim3A_93 : vector<128xf32> to vector<1x128xf32>
    %stack3A_156 = vector.shape_cast %broadcast_in_dim3A_93 : vector<128xf32> to vector<1x128xf32>
    %stack3A_157 = vector.shape_cast %broadcast_in_dim3A_93 : vector<128xf32> to vector<1x128xf32>
    %stack3A_158 = vector.shape_cast %broadcast_in_dim3A_93 : vector<128xf32> to vector<1x128xf32>
    %stack3A_159 = vector.shape_cast %broadcast_in_dim3A_93 : vector<128xf32> to vector<1x128xf32>
    %stack3A_160 = vector.shape_cast %broadcast_in_dim3A_93 : vector<128xf32> to vector<1x128xf32>
    %stack3A_161 = vector.shape_cast %broadcast_in_dim3A_93 : vector<128xf32> to vector<1x128xf32>
    %stack3A_162 = vector.shape_cast %broadcast_in_dim3A_93 : vector<128xf32> to vector<1x128xf32>
    %stack3A_163 = vector.shape_cast %broadcast_in_dim3A_93 : vector<128xf32> to vector<1x128xf32>
    %stack3A_164 = vector.shape_cast %broadcast_in_dim3A_93 : vector<128xf32> to vector<1x128xf32>
    %stack3A_165 = vector.shape_cast %broadcast_in_dim3A_93 : vector<128xf32> to vector<1x128xf32>
    %stack3A_166 = vector.shape_cast %broadcast_in_dim3A_93 : vector<128xf32> to vector<1x128xf32>
    %stack3A_167 = vector.shape_cast %broadcast_in_dim3A_93 : vector<128xf32> to vector<1x128xf32>
    %stack3A_168 = vector.shape_cast %broadcast_in_dim3A_93 : vector<128xf32> to vector<1x128xf32>
    %stack3A_169 = vector.shape_cast %broadcast_in_dim3A_93 : vector<128xf32> to vector<1x128xf32>
    %stack3A_170 = vector.shape_cast %broadcast_in_dim3A_93 : vector<128xf32> to vector<1x128xf32>
    %stack3A_171 = vector.shape_cast %broadcast_in_dim3A_93 : vector<128xf32> to vector<1x128xf32>
    %stack3A_172 = vector.shape_cast %broadcast_in_dim3A_93 : vector<128xf32> to vector<1x128xf32>
    %stack3A_173 = vector.shape_cast %broadcast_in_dim3A_93 : vector<128xf32> to vector<1x128xf32>
    %stack3A_174 = vector.shape_cast %broadcast_in_dim3A_93 : vector<128xf32> to vector<1x128xf32>
    %stack3A_175 = vector.shape_cast %broadcast_in_dim3A_93 : vector<128xf32> to vector<1x128xf32>
    %stack3A_176 = vector.shape_cast %broadcast_in_dim3A_93 : vector<128xf32> to vector<1x128xf32>
    %stack3A_177 = vector.shape_cast %broadcast_in_dim3A_93 : vector<128xf32> to vector<1x128xf32>
    %stack3A_178 = vector.shape_cast %broadcast_in_dim3A_93 : vector<128xf32> to vector<1x128xf32>
    %stack3A_179 = vector.shape_cast %broadcast_in_dim3A_93 : vector<128xf32> to vector<1x128xf32>
    %stack3A_180 = vector.shape_cast %broadcast_in_dim3A_93 : vector<128xf32> to vector<1x128xf32>
    %stack3A_181 = vector.shape_cast %broadcast_in_dim3A_93 : vector<128xf32> to vector<1x128xf32>
    %stack3A_182 = vector.shape_cast %broadcast_in_dim3A_93 : vector<128xf32> to vector<1x128xf32>
    %stack3A_183 = vector.shape_cast %broadcast_in_dim3A_93 : vector<128xf32> to vector<1x128xf32>
    %stack3A_184 = vector.shape_cast %broadcast_in_dim3A_93 : vector<128xf32> to vector<1x128xf32>
    %stack3A_185 = vector.shape_cast %broadcast_in_dim3A_93 : vector<128xf32> to vector<1x128xf32>
    %stack3A_186 = vector.shape_cast %broadcast_in_dim3A_93 : vector<128xf32> to vector<1x128xf32>
    %stack3A_187 = vector.shape_cast %broadcast_in_dim3A_93 : vector<128xf32> to vector<1x128xf32>
    %stack3A_188 = vector.shape_cast %broadcast_in_dim3A_93 : vector<128xf32> to vector<1x128xf32>
    %stack3A_189 = vector.shape_cast %broadcast_in_dim3A_93 : vector<128xf32> to vector<1x128xf32>
    %stack3A_190 = vector.shape_cast %broadcast_in_dim3A_93 : vector<128xf32> to vector<1x128xf32>
    %stack3A_191 = vector.shape_cast %broadcast_in_dim3A_93 : vector<128xf32> to vector<1x128xf32>
    %stack3A_192 = vector.shape_cast %broadcast_in_dim3A_93 : vector<128xf32> to vector<1x128xf32>
    %stack3A_193 = vector.shape_cast %broadcast_in_dim3A_93 : vector<128xf32> to vector<1x128xf32>
    %stack3A_194 = vector.shape_cast %broadcast_in_dim3A_93 : vector<128xf32> to vector<1x128xf32>
    %stack3A_195 = vector.shape_cast %broadcast_in_dim3A_93 : vector<128xf32> to vector<1x128xf32>
    %stack3A_196 = vector.shape_cast %broadcast_in_dim3A_93 : vector<128xf32> to vector<1x128xf32>
    %stack3A_197 = vector.shape_cast %broadcast_in_dim3A_93 : vector<128xf32> to vector<1x128xf32>
    %stack3A_198 = vector.shape_cast %broadcast_in_dim3A_93 : vector<128xf32> to vector<1x128xf32>
    %stack3A_199 = vector.shape_cast %broadcast_in_dim3A_93 : vector<128xf32> to vector<1x128xf32>
    %stack3A_200 = vector.shape_cast %broadcast_in_dim3A_93 : vector<128xf32> to vector<1x128xf32>
    %stack3A_201 = vector.shape_cast %broadcast_in_dim3A_93 : vector<128xf32> to vector<1x128xf32>
    %stack3A_202 = vector.shape_cast %broadcast_in_dim3A_93 : vector<128xf32> to vector<1x128xf32>
    %stack3A_203 = vector.shape_cast %broadcast_in_dim3A_93 : vector<128xf32> to vector<1x128xf32>
    %stack3A_204 = vector.shape_cast %broadcast_in_dim3A_93 : vector<128xf32> to vector<1x128xf32>
    %stack3A_205 = vector.shape_cast %broadcast_in_dim3A_93 : vector<128xf32> to vector<1x128xf32>
    %stack3A_206 = vector.shape_cast %broadcast_in_dim3A_93 : vector<128xf32> to vector<1x128xf32>
    %stack3A_207 = vector.shape_cast %broadcast_in_dim3A_93 : vector<128xf32> to vector<1x128xf32>
    %stack3A_208 = vector.shape_cast %broadcast_in_dim3A_93 : vector<128xf32> to vector<1x128xf32>
    %stack3A_209 = vector.shape_cast %broadcast_in_dim3A_93 : vector<128xf32> to vector<1x128xf32>
    %stack3A_210 = vector.shape_cast %broadcast_in_dim3A_93 : vector<128xf32> to vector<1x128xf32>
    %stack3A_211 = vector.shape_cast %broadcast_in_dim3A_93 : vector<128xf32> to vector<1x128xf32>
    %stack3A_212 = vector.shape_cast %broadcast_in_dim3A_93 : vector<128xf32> to vector<1x128xf32>
    %stack3A_213 = vector.shape_cast %broadcast_in_dim3A_93 : vector<128xf32> to vector<1x128xf32>
    %stack3A_214 = vector.shape_cast %broadcast_in_dim3A_93 : vector<128xf32> to vector<1x128xf32>
    %stack3A_215 = vector.shape_cast %broadcast_in_dim3A_93 : vector<128xf32> to vector<1x128xf32>
    %stack3A_216 = vector.shape_cast %broadcast_in_dim3A_93 : vector<128xf32> to vector<1x128xf32>
    %stack3A_217 = vector.shape_cast %broadcast_in_dim3A_93 : vector<128xf32> to vector<1x128xf32>
    %stack3A_218 = vector.shape_cast %broadcast_in_dim3A_93 : vector<128xf32> to vector<1x128xf32>
    %stack3A_219 = vector.shape_cast %broadcast_in_dim3A_93 : vector<128xf32> to vector<1x128xf32>
    %stack3A_220 = vector.shape_cast %broadcast_in_dim3A_93 : vector<128xf32> to vector<1x128xf32>
    %stack3A_221 = tpu.concatenate %stack3A, %stack3A_94, %stack3A_95, %stack3A_96, %stack3A_97, %stack3A_98, %stack3A_99, %stack3A_100, %stack3A_101, %stack3A_102, %stack3A_103, %stack3A_104, %stack3A_105, %stack3A_106, %stack3A_107, %stack3A_108, %stack3A_109, %stack3A_110, %stack3A_111, %stack3A_112, %stack3A_113, %stack3A_114, %stack3A_115, %stack3A_116, %stack3A_117, %stack3A_118, %stack3A_119, %stack3A_120, %stack3A_121, %stack3A_122, %stack3A_123, %stack3A_124, %stack3A_125, %stack3A_126, %stack3A_127, %stack3A_128, %stack3A_129, %stack3A_130, %stack3A_131, %stack3A_132, %stack3A_133, %stack3A_134, %stack3A_135, %stack3A_136, %stack3A_137, %stack3A_138, %stack3A_139, %stack3A_140, %stack3A_141, %stack3A_142, %stack3A_143, %stack3A_144, %stack3A_145, %stack3A_146, %stack3A_147, %stack3A_148, %stack3A_149, %stack3A_150, %stack3A_151, %stack3A_152, %stack3A_153, %stack3A_154, %stack3A_155, %stack3A_156, %stack3A_157, %stack3A_158, %stack3A_159, %stack3A_160, %stack3A_161, %stack3A_162, %stack3A_163, %stack3A_164, %stack3A_165, %stack3A_166, %stack3A_167, %stack3A_168, %stack3A_169, %stack3A_170, %stack3A_171, %stack3A_172, %stack3A_173, %stack3A_174, %stack3A_175, %stack3A_176, %stack3A_177, %stack3A_178, %stack3A_179, %stack3A_180, %stack3A_181, %stack3A_182, %stack3A_183, %stack3A_184, %stack3A_185, %stack3A_186, %stack3A_187, %stack3A_188, %stack3A_189, %stack3A_190, %stack3A_191, %stack3A_192, %stack3A_193, %stack3A_194, %stack3A_195, %stack3A_196, %stack3A_197, %stack3A_198, %stack3A_199, %stack3A_200, %stack3A_201, %stack3A_202, %stack3A_203, %stack3A_204, %stack3A_205, %stack3A_206, %stack3A_207, %stack3A_208, %stack3A_209, %stack3A_210, %stack3A_211, %stack3A_212, %stack3A_213, %stack3A_214, %stack3A_215, %stack3A_216, %stack3A_217, %stack3A_218, %stack3A_219, %stack3A_220 in 0 : vector<1x128xf32>, vector<1x128xf32>, vector<1x128xf32>, vector<1x128xf32>, vector<1x128xf32>, vector<1x128xf32>, vector<1x128xf32>, vector<1x128xf32>, vector<1x128xf32>, vector<1x128xf32>, vector<1x128xf32>, vector<1x128xf32>, vector<1x128xf32>, vector<1x128xf32>, vector<1x128xf32>, vector<1x128xf32>, vector<1x128xf32>, vector<1x128xf32>, vector<1x128xf32>, vector<1x128xf32>, vector<1x128xf32>, vector<1x128xf32>, vector<1x128xf32>, vector<1x128xf32>, vector<1x128xf32>, vector<1x128xf32>, vector<1x128xf32>, vector<1x128xf32>, vector<1x128xf32>, vector<1x128xf32>, vector<1x128xf32>, vector<1x128xf32>, vector<1x128xf32>, vector<1x128xf32>, vector<1x128xf32>, vector<1x128xf32>, vector<1x128xf32>, vector<1x128xf32>, vector<1x128xf32>, vector<1x128xf32>, vector<1x128xf32>, vector<1x128xf32>, vector<1x128xf32>, vector<1x128xf32>, vector<1x128xf32>, vector<1x128xf32>, vector<1x128xf32>, vector<1x128xf32>, vector<1x128xf32>, vector<1x128xf32>, vector<1x128xf32>, vector<1x128xf32>, vector<1x128xf32>, vector<1x128xf32>, vector<1x128xf32>, vector<1x128xf32>, vector<1x128xf32>, vector<1x128xf32>, vector<1x128xf32>, vector<1x128xf32>, vector<1x128xf32>, vector<1x128xf32>, vector<1x128xf32>, vector<1x128xf32>, vector<1x128xf32>, vector<1x128xf32>, vector<1x128xf32>, vector<1x128xf32>, vector<1x128xf32>, vector<1x128xf32>, vector<1x128xf32>, vector<1x128xf32>, vector<1x128xf32>, vector<1x128xf32>, vector<1x128xf32>, vector<1x128xf32>, vector<1x128xf32>, vector<1x128xf32>, vector<1x128xf32>, vector<1x128xf32>, vector<1x128xf32>, vector<1x128xf32>, vector<1x128xf32>, vector<1x128xf32>, vector<1x128xf32>, vector<1x128xf32>, vector<1x128xf32>, vector<1x128xf32>, vector<1x128xf32>, vector<1x128xf32>, vector<1x128xf32>, vector<1x128xf32>, vector<1x128xf32>, vector<1x128xf32>, vector<1x128xf32>, vector<1x128xf32>, vector<1x128xf32>, vector<1x128xf32>, vector<1x128xf32>, vector<1x128xf32>, vector<1x128xf32>, vector<1x128xf32>, vector<1x128xf32>, vector<1x128xf32>, vector<1x128xf32>, vector<1x128xf32>, vector<1x128xf32>, vector<1x128xf32>, vector<1x128xf32>, vector<1x128xf32>, vector<1x128xf32>, vector<1x128xf32>, vector<1x128xf32>, vector<1x128xf32>, vector<1x128xf32>, vector<1x128xf32>, vector<1x128xf32>, vector<1x128xf32>, vector<1x128xf32>, vector<1x128xf32>, vector<1x128xf32>, vector<1x128xf32>, vector<1x128xf32>, vector<1x128xf32>, vector<1x128xf32>, vector<1x128xf32>, vector<1x128xf32>, vector<1x128xf32> -> vector<128x128xf32>
    %get3A_222 = arith.constant 4 : index
    %get3A_223 = arith.constant 0 : index
    %get3A_224 = vector.load %arg3[%get3A_222, %get3A_223] : memref<6x128xf32, #tpu.memory_space<vmem>>, vector<1x128xf32>
    %get3A_225 = vector.shape_cast %get3A_224 : vector<1x128xf32> to vector<128xf32>
    %get3A_226 = arith.constant 0 : index
    %get3A_227 = arith.constant 0 : index
    %get3A_228 = vector.load %arg4[%get3A_226, %get3A_227] : memref<3x128xf32, #tpu.memory_space<vmem>>, vector<1x128xf32>
    %get3A_229 = vector.shape_cast %get3A_228 : vector<1x128xf32> to vector<128xf32>
    %add3A_230 = arith.addf %get3A_225, %get3A_229 : vector<128xf32>
    %get3A_231 = arith.constant 0 : index
    %get3A_232 = arith.constant 0 : index
    %get3A_233 = vector.load %arg2[%get3A_231, %get3A_232] : memref<10000x128xf32, #tpu.memory_space<vmem>>, vector<10000x128xf32>
    %add3A_234 = arith.addf %add3A, %get3A_233 : vector<10000x128xf32>
    %broadcast_in_dim3A_235 = vector.shape_cast %add3A_230 : vector<128xf32> to vector<1x128xf32>
    %add3A_236 = vector.broadcast %broadcast_in_dim3A_235 : vector<1x128xf32> to vector<10000x128xf32>
    %add3A_237 = arith.addf %add3A_234, %add3A_236 : vector<10000x128xf32>
    %dot_general3A = arith.constant dense<0.000000e+00> : vector<10000x128xf32>
    %dot_general3A_238 = tpu.matmul %add3A_11, %stack3A_221, %dot_general3A {dimension_numbers = #tpu.dot_dimension_numbers<[1], [0], [0], [1], [0, 0, 1, 1], [], []>, precision = #tpu.contract_precision<fp32>, transpose_lhs_hint = false} : vector<10000x128xf32>, vector<128x128xf32>, vector<10000x128xf32> -> vector<10000x128xf32>
    %add3A_239 = arith.addf %add3A_237, %dot_general3A_238 : vector<10000x128xf32>
    %get3A_240 = arith.constant 0 : index
    %get3A_241 = arith.constant 0 : index
    %get3A_242 = vector.load %arg5[%get3A_240, %get3A_241] : memref<128x256xf32, #tpu.memory_space<vmem>>, vector<128x256xf32>
    %dot_general3A_243 = arith.constant dense<0.000000e+00> : vector<10000x256xf32>
    %dot_general3A_244 = tpu.matmul %add3A_239, %get3A_242, %dot_general3A_243 {dimension_numbers = #tpu.dot_dimension_numbers<[1], [0], [0], [1], [0, 0, 1, 1], [], []>, transpose_lhs_hint = false} : vector<10000x128xf32>, vector<128x256xf32>, vector<10000x256xf32> -> vector<10000x256xf32>
    %get3A_245 = arith.constant 0 : index
    %get3A_246 = vector.load %arg6[%get3A_245] : memref<256xf32, #tpu.memory_space<vmem>>, vector<256xf32>
    %broadcast_in_dim3A_247 = vector.shape_cast %get3A_246 : vector<256xf32> to vector<1x256xf32>
    %add3A_248 = vector.broadcast %broadcast_in_dim3A_247 : vector<1x256xf32> to vector<10000x256xf32>
    %add3A_249 = arith.addf %dot_general3A_244, %add3A_248 : vector<10000x256xf32>
    %max3A = arith.constant 0.000000e+00 : f32
    %max3A_250 = vector.broadcast %max3A : f32 to vector<10000x256xf32>
    %max3A_251 = arith.maximumf %add3A_249, %max3A_250 : vector<10000x256xf32>
    %get3A_252 = arith.constant 0 : index
    %get3A_253 = arith.constant 0 : index
    %get3A_254 = vector.load %arg7[%get3A_252, %get3A_253] : memref<256x128xf32, #tpu.memory_space<vmem>>, vector<256x128xf32>
    %dot_general3A_255 = arith.constant dense<0.000000e+00> : vector<10000x128xf32>
    %dot_general3A_256 = tpu.matmul %max3A_251, %get3A_254, %dot_general3A_255 {dimension_numbers = #tpu.dot_dimension_numbers<[1], [0], [0], [1], [0, 0, 1, 1], [], []>, transpose_lhs_hint = false} : vector<10000x256xf32>, vector<256x128xf32>, vector<10000x128xf32> -> vector<10000x128xf32>
    %get3A_257 = arith.constant 0 : index
    %get3A_258 = vector.load %arg8[%get3A_257] : memref<128xf32, #tpu.memory_space<vmem>>, vector<128xf32>
    %broadcast_in_dim3A_259 = vector.shape_cast %get3A_258 : vector<128xf32> to vector<1x128xf32>
    %add3A_260 = vector.broadcast %broadcast_in_dim3A_259 : vector<1x128xf32> to vector<10000x128xf32>
    %add3A_261 = arith.addf %dot_general3A_256, %add3A_260 : vector<10000x128xf32>
    %reduce_sum3A = arith.constant dense<0.000000e+00> : vector<128xf32>
    %reduce_sum3A_262 = vector.multi_reduction <add>, %add3A_261, %reduce_sum3A [0] : vector<10000x128xf32> to vector<128xf32>
    %broadcast_in_dim3A_263 = vector.shape_cast %reduce_sum3A_262 : vector<128xf32> to vector<1x128xf32>
    %div3A = arith.constant 1.000000e+04 : f32
    %div3A_264 = vector.broadcast %div3A : f32 to vector<1x128xf32>
    %div3A_265 = arith.divf %broadcast_in_dim3A_263, %div3A_264 : vector<1x128xf32>
    %sub3A = vector.broadcast %div3A_265 : vector<1x128xf32> to vector<10000x128xf32>
    %sub3A_266 = arith.subf %add3A_261, %sub3A : vector<10000x128xf32>
    %integer_pow3A = arith.mulf %sub3A_266, %sub3A_266 : vector<10000x128xf32>
    %reduce_sum3A_267 = arith.constant dense<0.000000e+00> : vector<128xf32>
    %reduce_sum3A_268 = vector.multi_reduction <add>, %integer_pow3A, %reduce_sum3A_267 [0] : vector<10000x128xf32> to vector<128xf32>
    %broadcast_in_dim3A_269 = vector.shape_cast %reduce_sum3A_268 : vector<128xf32> to vector<1x128xf32>
    %div3A_270 = arith.constant 1.000000e+04 : f32
    %div3A_271 = vector.broadcast %div3A_270 : f32 to vector<1x128xf32>
    %div3A_272 = arith.divf %broadcast_in_dim3A_269, %div3A_271 : vector<1x128xf32>
    %sub3A_273 = vector.broadcast %div3A_265 : vector<1x128xf32> to vector<10000x128xf32>
    %sub3A_274 = arith.subf %add3A_261, %sub3A_273 : vector<10000x128xf32>
    %add3A_275 = arith.constant 9.99999974E-6 : f32
    %add3A_276 = vector.broadcast %add3A_275 : f32 to vector<1x128xf32>
    %add3A_277 = arith.addf %div3A_272, %add3A_276 : vector<1x128xf32>
    %rsqrt3A = math.rsqrt %add3A_277 : vector<1x128xf32>
    %mul3A = vector.broadcast %rsqrt3A : vector<1x128xf32> to vector<10000x128xf32>
    %mul3A_278 = arith.mulf %sub3A_274, %mul3A : vector<10000x128xf32>
    %get3A_279 = arith.constant 0 : index
    %get3A_280 = vector.load %arg9[%get3A_279] : memref<128xf32, #tpu.memory_space<vmem>>, vector<128xf32>
    %broadcast_in_dim3A_281 = vector.shape_cast %get3A_280 : vector<128xf32> to vector<1x128xf32>
    %mul3A_282 = vector.broadcast %broadcast_in_dim3A_281 : vector<1x128xf32> to vector<10000x128xf32>
    %mul3A_283 = arith.mulf %mul3A_278, %mul3A_282 : vector<10000x128xf32>
    %get3A_284 = arith.constant 0 : index
    %get3A_285 = vector.load %arg10[%get3A_284] : memref<128xf32, #tpu.memory_space<vmem>>, vector<128xf32>
    %broadcast_in_dim3A_286 = vector.shape_cast %get3A_285 : vector<128xf32> to vector<1x128xf32>
    %add3A_287 = vector.broadcast %broadcast_in_dim3A_286 : vector<1x128xf32> to vector<10000x128xf32>
    %add3A_288 = arith.addf %mul3A_283, %add3A_287 : vector<10000x128xf32>
    %swap3A = arith.constant 0 : index
    %swap3A_289 = arith.constant 0 : index
    %swap3A_290 = vector.load %arg11[%swap3A, %swap3A_289] : memref<10000x128xf32, #tpu.memory_space<vmem>>, vector<10000x128xf32>
    tpu.vector_store %arg11[%swap3A, %swap3A_289], %add3A_288 {strides = array<i32>} : memref<10000x128xf32, #tpu.memory_space<vmem>>, vector<10000x128xf32>,
    return
  }
}

</mosaic_0001>

<sc_bundles>
// kernel: kernel.11.cloned.1.call-start
scs
__scs_entry_jumppad:
0x0: {  	(pc) =	sbr.rel $0x88, $3  }
0x1: {  	(tag) =	ssettag $0x0;
	lr =	simm.s32 $0x1  }
0x2: {  	[smem:$0x3F8C] =	sst lr;
	_ =	strace $0xD0000000  }
0x3: {  	_ = 	snop  }
0x4: {  	_ = 	snop  }
0x5: {  	_ = 	snop  }
0x6: {  	_ = 	snop  }
0x7: {  	_ = 	snop  }
__scs_overlays_trampoline_lowered:
0x8: {  	[smem:$0x3F9B] =	sst s0  }
0x9: {  	[smem:$0x3F9C] =	sst s1  }
0xa: {  	[smem:$0x3F9D] =	sst s2  }
0xb: {  	[smem:$0x3F9E] =	sst s3  }
0xc: {  	[smem:$0x3F9F] =	sst s4  }
0xd: {  	[smem:$0x3FA0] =	sst s5  }
0xe: {  	[smem:$0x3FA1] =	sst s6  }
0xf: {  	[smem:$0x3FA2] =	sst s7  }
0x10: {  	[smem:$0x3FA3] =	sst s8  }
0x11: {  	[smem:$0x3FA4] =	sst s9;
	s0 =	simm.s32 @!p0 $0x0  }
0x12: {  	s1 =	sld [smem:$0x3F8A];
	s0 =	simm.s32 @p0 $0x1  }
0x13: {  	[smem:$0x3FA5] =	sst s0;
	s0 =	simm.s32 @!p1 $0x0  }
0x14: {  	s2 =	sld [smem:$0x3F89];
	s0 =	simm.s32 @p1 $0x1  }
0x15: {  	[smem:$0x3FA6] =	sst s0;
	s0 =	simm.s32 @!p2 $0x0  }
0x16: {  	s3 =	sld [smem:$0x3FDB];
	s0 =	simm.s32 @p2 $0x1  }
0x17: {  	s4 =	simm.s32 $0x1BF5;
	[smem:$0x3FA8] =	sst s0  }
0x18: {  	s0 =	sld [smem:$0x3F8B];
	_ =	swait.ge [sflag:s4], $0x0  }
0x19: {  	s7 =	sld [smem:$0x3F8C]  }
0x1a: {  	s8 =	sadd.s32 $0xFFFFE003, lr  }
0x1b: {  	s9 =	sadd.s32 $0xFFFFFEF7, lr;
	s5 =	simm.s32 $0xFFFFFFFF;
	p2 =	slt.u32 s8, $0xFFFFF086  }
0x1c: {  	p1 =	slt.u32 s9, $0xF7A;
	s5 =	simm.s32 @!p2 $0x0  }
0x1d: {  	s5 =	simm.s32 @p1 $0x1;
	p0 =	seq.s32 s7, s2  }
0x1e: {  	s7 =	smul.u32 @!p0 $0xF7A, s2;
	p2 =	seq.s32 @!p0 s5, $0x0  }
0x1f: {  	s9 =	smul.u32 $0xF7A, s1;
	s8 =	simm.s32 @!p0 $0x1BF5;
	p2 =	por !p2, p0  }
0x20: {  	[sflag:s8] =	ssyncset.s32 @!p0 $0xFFFFF086;
	s6 =	sadd.s32 @!p0 s3, s7;
	s7 =	simm.s32 @!p0 $0x108  }
0x21: {  	s3 =	sadd.s32 s3, s9;
	s6 =	sadd.s32 @!p0 $0x88, s6;
	s7 =	simm.s32 @p2 $0x1082  }
0x22: {  	[simem:s7], [sflag:s8] =	dma.local @!p0 [hbm:s6], $0xF7A  }
0x23: {  	s9 =	sor.u32 $0xD0000000, s2;
	s6 =	simm.s32 $0x108;
	_ =	swait.ge @!p0 [sflag:s8], $0x0  }
0x24: {  	s3 =	sadd.s32 $0x88, s3;
	s6 =	simm.s32 @!p1 $0x1082;
	[sflag:s4] =	ssyncset.s32 $0xFFFFF086  }
0x25: {  	[simem:s6], [sflag:s4] =	dma.local [hbm:s3], $0xF7A  }
0x26: {  	[smem:$0x3F8C] =	sst s1;
	(tag) =	ssettag s2;
	_ =	strace s9  }
0x27: {  	s1 =	sld [smem:$0x3F9C]  }
0x28: {  	s2 =	sld [smem:$0x3F9D]  }
0x29: {  	s4 =	sld [smem:$0x3F9F]  }
0x2a: {  	p0 =	seq.s32 s5, $0x0;
	s5 =	sld [smem:$0x3FA0]  }
0x2b: {  	s6 =	sld [smem:$0x3FA1]  }
0x2c: {  	s7 =	sld [smem:$0x3FA2]  }
0x2d: {  	s3 =	simm.s32 $0x108;
	s8 =	sld [smem:$0x3FA3]  }
0x2e: {  	s3 =	simm.s32 @!p0 $0x1082;
	s9 =	sld [smem:$0x3FA4]  }
0x2f: {  	lr =	sadd.s32 s0, s3;
	s0 =	sld [smem:$0x3F9B]  }
0x30: {  	s3 =	sld [smem:$0x3F9E]  }
0x31: {  	[smem:$0x3FA7] =	sst s10  }
0x32: {  	s10 =	sld [smem:$0x3FA5];
	_ =	sdelay $0x3  }
0x33: {  	p0 =	seq.s32 s10, $0x1;
	s10 =	sld [smem:$0x3FA7];
	_ =	sdelay $0x3  }
0x34: {  	[smem:$0x3FA7] =	sst s10  }
0x35: {  	s10 =	sld [smem:$0x3FA6];
	_ =	sdelay $0x3  }
0x36: {  	p1 =	seq.s32 s10, $0x1;
	s10 =	sld [smem:$0x3FA7];
	_ =	sdelay $0x3  }
0x37: {  	[smem:$0x3FA7] =	sst s10  }
0x38: {  	s10 =	sld [smem:$0x3FA8]  }
0x39: {  	_ = 	snop;
	(pc) =	sbr.ind lr, $3  }
0x3a: {  	_ = 	snop  }
0x3b: {  	_ = 	snop  }
0x3c: {  	p2 =	seq.s32 s10, $0x1;
	s10 =	sld [smem:$0x3FA7]  }
0x3d: {  	_ =	shalt  }
0x3e: {  	_ =	shalt  }
0x3f: {  	_ =	shalt  }
0x40: {  	_ =	shalt  }
0x41: {  	_ =	shalt  }
0x42: {  	_ =	shalt  }
0x43: {  	_ =	shalt  }
0x44: {  	_ =	shalt  }
0x45: {  	_ =	shalt  }
0x46: {  	_ =	shalt  }
0x47: {  	_ =	shalt  }
0x48: {  	_ =	shalt  }
0x49: {  	_ =	shalt  }
0x4a: {  	_ =	shalt  }
0x4b: {  	_ =	shalt  }
0x4c: {  	_ =	shalt  }
0x4d: {  	_ =	shalt  }
0x4e: {  	_ =	shalt  }
0x4f: {  	_ =	shalt  }
0x50: {  	_ =	shalt  }
0x51: {  	_ =	shalt  }
0x52: {  	_ =	shalt  }
0x53: {  	_ =	shalt  }
0x54: {  	_ =	shalt  }
0x55: {  	_ =	shalt  }
0x56: {  	_ =	shalt  }
0x57: {  	_ =	shalt  }
0x58: {  	_ =	shalt  }
0x59: {  	_ =	shalt  }
0x5a: {  	_ =	shalt  }
0x5b: {  	_ =	shalt  }
0x5c: {  	_ =	shalt  }
0x5d: {  	_ =	shalt  }
0x5e: {  	_ =	shalt  }
0x5f: {  	_ =	shalt  }
0x60: {  	_ =	shalt  }
0x61: {  	_ =	shalt  }
0x62: {  	_ =	shalt  }
0x63: {  	_ =	shalt  }
0x64: {  	_ =	shalt  }
0x65: {  	_ =	shalt  }
0x66: {  	_ =	shalt  }
0x67: {  	_ =	shalt  }
0x68: {  	_ =	shalt  }
0x69: {  	_ =	shalt  }
0x6a: {  	_ =	shalt  }
0x6b: {  	_ =	shalt  }
0x6c: {  	_ =	shalt  }
0x6d: {  	_ =	shalt  }
0x6e: {  	_ =	shalt  }
0x6f: {  	_ =	shalt  }
0x70: {  	_ =	shalt  }
0x71: {  	_ =	shalt  }
0x72: {  	_ =	shalt  }
0x73: {  	_ =	shalt  }
0x74: {  	_ =	shalt  }
0x75: {  	_ =	shalt  }
0x76: {  	_ =	shalt  }
0x77: {  	_ =	shalt  }
0x78: {  	_ =	shalt  }
0x79: {  	_ =	shalt  }
0x7a: {  	_ =	shalt  }
0x7b: {  	_ =	shalt  }
0x7c: {  	_ =	shalt  }
0x7d: {  	_ =	shalt  }
0x7e: {  	_ =	shalt  }
0x7f: {  	_ =	shalt  }
0x80: {  	_ =	shalt  }
0x81: {  	_ =	shalt  }
0x82: {  	_ =	shalt  }
0x83: {  	_ =	shalt  }
0x84: {  	_ =	shalt  }
0x85: {  	_ =	shalt  }
0x86: {  	_ =	shalt  }
0x87: {  	_ =	shalt  }
.Lfunc_end0:
.L_simem_size_0:
called_computation.1_lowered:
.L_overlay_start_0:
0x88: {  	s2 =	sld [smem:$0x3FD9]  }
0x89: {  	s3 =	sld [smem:$0x3FFE];
	_ =	sdelay $0x1  }
0x8a: {  	s1 =	srdreg.scid  }
0x8b: {  	s0 =	sand.u32 $0x1, s1  }
0x8c: {  	s17 =	sshll.u32 s0, $0xA;
	s2 =	sadd.s32 s3, s2  }
0x8d: {  	s2 =	sadd.s32 s2, s17  }
0x8e: {  	[smem:$0x3FB3] =	sst s2  }
0x8f: {  	_ = 	snop  }
0x90: {  	s18 =	sld [smem:$0x3FD0];
	(tm) =	ssettm $0x1  }
0x91: {  	s19 =	sld [smem:$0x3FFB];
	_ =	sdelay $0x3  }
0x92: {  	_ =	strace s19  }
0x93: {  	s2 =	sld [smem:$0x3FFC];
	_ =	sdelay $0x3  }
0x94: {  	_ =	strace s2  }
0x95: {  	s2 =	sld [smem:$0x3FFD];
	_ =	sdelay $0x3  }
0x96: {  	_ =	strace s2  }
0x97: {  	_ =	strace $0x8FFFFFFF  }
0x98: {  	s20 =	sld [smem:$0x3FDB];
	_ =	sdelay $0x1  }
0x99: {  	s4 =	simm.s32 $_scs_section_size  }
0x9a: {  	s5 =	simm.s32 $_size__tile_overlayer_lowered;
	s6 =	simm.s32 $_tile_overlayer_lowered  }
0x9b: {  	s7 =	simm.s32 $0x1BFF;
	s21 =	sshll.u32 s6, $0x1;
	s4 =	sadd.s32 s4, s20  }
0x9c: {  	s22 =	simm.s32 $0x0;
	s5 =	sshll.u32 s5, $0x1;
	s6 =	sadd.s32 s21, s4  }
0x9d: {  	[timem:s22], [sflag:s7] =	dma.local [hbm:s6], s5  }
0x9e: {  	_ =	swait.ge [sflag:s7], s5  }
0x9f: {  	s5 =	ssub.s32 $0x0, s5;
	[sflag:s7] =	ssyncset.done $0x0  }
0xa0: {  	[sflag:s7] =	ssyncadd.s32 s5;
	_ =	sdelay $0x1  }
0xa1: {  	s23 =	simm.s32 $0x1B8B  }
0xa2: {  	_ =	swait.ge [sflag:s23], $0x1  }
0xa3: {  	[sflag:s23] =	ssyncset.done $0x0  }
0xa4: {  	[sflag:s23] =	ssyncadd.s32 $0xFFFFFFFF  }
0xa5: {  	s5 =	sld [smem:$0x0]  }
0xa6: {  	s6 =	sand.u32 $0xFFFFFFFE, s1  }
0xa7: {  	p0 =	sne.s32 s1, s6  }
0xa8: {  	s6 =	sshll.u32 @p0 s6, $0xE  }
0xa9: {  	s6 =	sadd.s32 @p0 $0x11B8D, s6;
	s7 =	sshll.u32 @p0 s5, $0x11  }
0xaa: {  	s6 =	sor.u32 @p0 s7, s6  }
0xab: {  	[sflag:s6] =	ssyncadd.remote.s32 @p0 $0x1;
	_ =	sdelay $0x1  }
0xac: {  	s6 =	simm.s32 @p0 $0x1B8D  }
0xad: {  	_ =	swait.eq @p0 [sflag:s6], $0x1  }
0xae: {  	[sflag:s6] =	ssyncadd.s32 @p0 $0xFFFFFFFF  }
0xaf: {  	s7 =	sshll.u32 @!p0 s1, $0xE  }
0xb0: {  	s7 =	sor.u32 @!p0 $0x4000, s7;
	s6 =	simm.s32 @!p0 $0x1B8D  }
0xb1: {  	s5 =	sshll.u32 @!p0 s5, $0x11;
	s7 =	sadd.s32 @!p0 $0x11B8D, s7;
	_ =	swait.eq @!p0 [sflag:s6], $0x1  }
0xb2: {  	s5 =	sor.u32 @!p0 s5, s7;
	[sflag:s6] =	ssyncadd.s32 @!p0 $0xFFFFFFFF  }
0xb3: {  	s25 =	simm.s32 $0x1B8E;
	s24 =	sld [smem:$0x3FFE];
	[sflag:s5] =	ssyncadd.remote.s32 @!p0 $0x1  }
0xb4: {  	s26 =	simm.s32 $execute0_lowered;
	[smem:$0x3FD2] =	sst s25  }
0xb5: {  	s6 =	sshll.u32 s26, $0x1;
	_ =	strace $0x80000049;
	[dreg:$0x1] =	wrdreg $0xFFFFFFFF  }
0xb6: {  	s28 =	simm.s32 $_size_execute0_lowered;
	s4 =	sadd.s32 s4, s6;
	[dreg:$0x0] =	wrdreg $0x0  }
0xb7: {  	s6 =	sshll.u32 s28, $0x1;
	[dreg:$0x2] =	wrdreg s4  }
0xb8: {  	[dreg:$0x3] =	wrdreg s6  }
0xb9: {  	[dreg:$0x4] =	wrdreg $0xC0  }
0xba: {  	_ =	task [dreg:s22], $0x5FFFF  }
0xbb: {  	[dreg:$0x1] =	wrdreg $0xFFFFFFFF  }
0xbc: {  	[dreg:$0x0] =	wrdreg $0x60  }
0xbd: {  	[dreg:$0x2] =	wrdreg s18  }
0xbe: {  	[dreg:$0x3] =	wrdreg s24  }
0xbf: {  	[dreg:$0x4] =	wrdreg $0xA4000  }
0xc0: {  	[dreg:$0x5] =	wrdreg $0xA  }
0xc1: {  	_ =	task.clear_ibuf [dreg:s22], $0x6FFFF;
	_ =	strace $0x90000049  }
0xc2: {  	s29 =	simm.s32 $0xA;
	_ =	strace $0x8000004B  }
0xc3: {  	_ =	swait.ge [sflag:s29], $0x1  }
0xc4: {  	[sflag:s29] =	ssyncadd.s32 $0xFFFFFFFF  }
0xc5: {  	_ =	strace $0x9000004B  }
0xc6: {  	_ =	sfence  }
0xc7: {  	s30 =	sld [smem:$0x0];
	_ =	sdelay $0x2  }
0xc8: {  	s31 =	sshll.u32 s1, $0xD;
	s1 =	sshrl.u32 s1, $0x2  }
0xc9: {  	s4 =	sand.u32 $0x4000, s31;
	s1 =	sadd.s32 s1, s30  }
0xca: {  	s0 =	sor.u32 s4, s0;
	s1 =	sshll.u32 s1, $0x11  }
0xcb: {  	s0 =	sor.u32 s1, s0  }
0xcc: {  	s0 =	sadd.s32 $0x8F2B, s0  }
0xcd: {  	[sflag:s0] =	ssyncadd.remote.s32 $0x1  }
0xce: {  	_ =	sfence.sel $0xFFFF  }
0xcf: {  	[dreg:$0x0] =	wrdreg $0xFFFFFFFF;
	(pc) =	sbr.abs _section_cstart, $3  }
0xd0: {  	[dreg:$0x1] =	wrdreg $0xFFFFFFFF  }
0xd1: {  	_ =	task.clear_ibuf [dreg:s22], $0x2FFFF;
	_ =	strace $0x9FFFFFFF  }
0xd2: {  	(tm) =	ssettm $0x7FFFFFFF  }
0xd3: {  	_ =	shalt  }
tec
execute0_lowered:
.L_overlay_start_1:
0x0: {  	(tag) =	ssettag $0x1  }
0x1: {  	s2 =	rddreg [dreg:$0x0]  }
0x2: {  	s0 =	rddreg [dreg:$0x1]  }
0x3: {  	s3 =	rddreg [dreg:$0x2]  }
0x4: {  	s12 =	stileid.u32;
	s1 =	srdreg.scid  }
0x5: {  	s4 =	simm.s32 $0x0;
	s28 =	simm.s32 $0x7C00;
	s29 =	simm.s32 $0x5  }
0x6: {  	s30 =	simm.s32 $0x80;
	s31 =	simm.s32 $0x6;
	s13 =	simm.s32 $0x0  }
0x7: {  	s5 =	smul.u32 $0x2800, s12;
	s1 =	sand.u32 $0x1, s1;
	[smem:$0x7FF] =	sst s4  }
0x8: {  	s7 =	sadd.s32 $0x22400, s0;
	s17 =	smul.u32 $0x50000, s12;
	s10 =	sshll.u32 s12, $0x1  }
0x9: {  	s11 =	smul.u32 $0xFA, s12;
	s19 =	sshll.u32 s12, $0x6;
	s12 =	simm.s32 $0xC  }
0xa: {  	s6 =	smul.u32 $0x28000, s1;
	_ =	strace $0x8000004A;
	s16 =	ssub.s32 $0x2, s1  }
0xb: {  	s10 =	sor.u32 s1, s10;
	s1 =	smul.u32 $0x7D, s1;
	s14 =	sor.u32 $0x1C0D, s19  }
0xc: {  	s19 =	simm.s32 $0x1;
	s8 =	sadd.s32 s5, s0;
	s18 =	smul.u32 $0x7D00, s10  }
0xd: {  	s9 =	sshrl.u32 s16, $0x1;
	s10 =	smul.u32 $0xFA0, s10;
	[dreg:$0x9] =	wrdreg s14  }
0xe: {  	s5 =	sadd.s32 s5, s6;
	s6 =	sshrl.u32 s17, $0x2;
	s8 =	sadd.s32 $0x49800, s8  }
0xf: {  	s1 =	sadd.s32 s1, s11;
	s0 =	sadd.s32 s5, s0;
	s5 =	ssub.s32 s16, s9  }
0x10: {  	[dreg:$0x8] =	wrdreg s8;
	s9 =	sshrl.u32 s18, $0x3;
	s1 =	sshll.u32 s1, $0x5  }
0x11: {  	s20 =	sadd.s32 s7, s9;
	s1 =	sadd.s32 s1, s7;
	s7 =	sadd.s32 s7, s10  }
0x12: {  	s17 =	simm.s32 $0x200;
	s0 =	sadd.s32 $0xC1800, s0;
	[dreg:$0xa] =	wrdreg s7  }
0x13: {  	s6 =	sadd.s32 s6, s3;
	s26 =	smax.u32 s5, $0x1;
	[dreg:$0xf] =	wrdreg s0  }
0x14: {  	s11 =	simm.s32 $0xB;
	s15 =	sshrl.u32 s6, $0x3;
	[dreg:$0x10] =	wrdreg s26  }
0x15: {  	s16 =	simm.s32 $0x100;
	s21 =	sadd.s32 $0x20, s20;
	[dreg:$0x11] =	wrdreg s15  }
0x16: {  	s18 =	simm.s32 $0x300;
	s9 =	sadd.s32 $0x40, s20;
	[dreg:$0xb] =	wrdreg s21  }
0x17: {  	s5 =	simm.s32 $0x280;
	s22 =	sadd.s32 $0xE0, s1;
	[dreg:$0xc] =	wrdreg s9  }
0x18: {  	s10 =	simm.s32 $0xA;
	s24 =	sadd.s32 $0x60, s20;
	[dreg:$0x4] =	wrdreg s22  }
0x19: {  	s23 =	sadd.s32 $0xC0, s1;
	s25 =	sadd.s32 $0xA0, s1;
	[dreg:$0xd] =	wrdreg s24  }
0x1a: {  	s8 =	sadd.s32 $0xF80, s20;
	s1 =	sadd.s32 $0x80, s1;
	[dreg:$0x5] =	wrdreg s23  }
0x1b: {  	s20 =	simm.s32 $0x50;
	s26 =	simm.s32 $0x4;
	[dreg:$0xe] =	wrdreg s8  }
0x1c: {  	s0 =	simm.s32 $0x180;
	s7 =	simm.s32 $0x8;
	[dreg:$0x6] =	wrdreg s25  }
0x1d: {  	[dreg:$0x7] =	wrdreg s1;
	s21 =	simm.s32 $0x400;
	s22 =	simm.s32 $0x2  }
0x1e: {  	s23 =	simm.s32 $0x2C00;
	s24 =	simm.s32 $0x3;
	s25 =	simm.s32 $0x5400  }
0x1f: {  	s1 =	simm.s32 $0x7;
	s8 =	simm.s32 $0x380;
	s9 =	simm.s32 $0x9  }
.LBB2_1:
0x20: {  	[dreg:$0x12] =	wrdreg s13  }
0x21: {  	s13 =	simm.s32 $0xD;
	s6 =	rddreg [dreg:$0x8]  }
0x22: {  	[spmem:s15], [sflag:s14] =	dma.local [hbm:s6], $0x2800  }
0x23: {  	_ =	swait.ge [sflag:s13], $0x2800  }
0x24: {  	[sflag:s13] =	ssyncset.done $0x0  }
0x25: {  	[sflag:s13] =	ssyncadd.s32 $0xFFFFD800  }
0x26: {  	[bflag:$0x0] =	sbarrier.arrive $0xFFFF  }
0x27: {  	s14 =	rddreg [dreg:$0xa]  }
0x28: {  	[tilespmem:s4], [sflag:$0x1] =	stream.linear.gather [hbm4b:s14+s4], $0x100, $0x38;
	[tilespmem:$0x1E400] =	vst v63  }
0x29: {  	s15 =	rddreg [dreg:$0xb]  }
0x2a: {  	[tilespmem:s16], [sflag:$0x2] =	stream.linear.gather [hbm4b:s15+s4], $0x100, $0x38;
	[tilespmem:$0x1E400] =	vst v63  }
0x2b: {  	s13 =	rddreg [dreg:$0xc]  }
0x2c: {  	[tilespmem:s17], [sflag:$0x3] =	stream.linear.gather [hbm4b:s13+s4], $0x100, $0x38;
	[tilespmem:$0x1E400] =	vst v63  }
0x2d: {  	s14 =	rddreg [dreg:$0xd]  }
0x2e: {  	[tilespmem:s18], [sflag:$0x4] =	stream.linear.gather [hbm4b:s14+s4], $0x100, $0x38;
	[tilespmem:$0x1E400] =	vst v63  }
0x2f: {  	_ =	swait.ge [sflag:s19], $0x100  }
0x30: {  	[sflag:s19] =	ssyncset.done $0x0  }
0x31: {  	[sflag:s19] =	ssyncadd.s32 $0xFFFFFF00  }
0x32: {  	[tilespmem:s21], [sflag:$0x5] =	stream.indirect.gather [hbm4b:s2+s20], $0x80, s4, s20, $0xb8;
	[tilespmem:$0x1E400] =	vst v63  }
0x33: {  	_ =	swait.ge [sflag:s22], $0x100  }
0x34: {  	[sflag:s22] =	ssyncset.done $0x0  }
0x35: {  	[sflag:s22] =	ssyncadd.s32 $0xFFFFFF00  }
0x36: {  	[tilespmem:s23], [sflag:$0x6] =	stream.indirect.gather [hbm4b:s2+s20], $0x80, s16, s20, $0xb8;
	[tilespmem:$0x1E400] =	vst v63  }
0x37: {  	_ =	swait.ge [sflag:s24], $0x100  }
0x38: {  	[sflag:s24] =	ssyncset.done $0x0  }
0x39: {  	[sflag:s24] =	ssyncadd.s32 $0xFFFFFF00  }
0x3a: {  	[tilespmem:s25], [sflag:$0x7] =	stream.indirect.gather [hbm4b:s2+s20], $0x80, s17, s20, $0xb8;
	[tilespmem:$0x1E400] =	vst v63  }
0x3b: {  	_ =	swait.ge [sflag:s26], $0x100  }
0x3c: {  	[sflag:s26] =	ssyncset.done $0x0  }
0x3d: {  	[sflag:s26] =	ssyncadd.s32 $0xFFFFFF00  }
0x3e: {  	[tilespmem:s28], [sflag:$0x8] =	stream.indirect.gather [hbm4b:s2+s20], $0x80, s18, s20, $0xb8;
	[tilespmem:$0x1E400] =	vst v63  }
0x3f: {  	_ =	swait.ge [sflag:s29], $0x2800  }
0x40: {  	[sflag:s29] =	ssyncset.done $0x0  }
0x41: {  	[sflag:s29] =	ssyncadd.s32 $0xFFFFD800  }
0x42: {  	[spmem:s3] =	stream.indirect.scatter.add.f32 [tilespmem:s21], [sflag:$0x9], $0x80, s30, s20, $0xb8;
	[tilespmem:$0x1E400] =	vst v63  }
0x43: {  	_ =	swait.ge [sflag:s31], $0x2800  }
0x44: {  	[sflag:s31] =	ssyncset.done $0x0  }
0x45: {  	[sflag:s31] =	ssyncadd.s32 $0xFFFFD800  }
0x46: {  	[spmem:s3] =	stream.indirect.scatter.add.f32 [tilespmem:s23], [sflag:$0xA], $0x80, s0, s20, $0xb8;
	[tilespmem:$0x1E400] =	vst v63  }
0x47: {  	_ =	swait.ge [sflag:s1], $0x2800  }
0x48: {  	[sflag:s1] =	ssyncset.done $0x0  }
0x49: {  	[sflag:s1] =	ssyncadd.s32 $0xFFFFD800  }
0x4a: {  	[spmem:s3] =	stream.indirect.scatter.add.f32 [tilespmem:s25], [sflag:$0xB], $0x80, s5, s20, $0xb8;
	[tilespmem:$0x1E400] =	vst v63  }
0x4b: {  	_ =	swait.ge [sflag:s7], $0x2800  }
0x4c: {  	[sflag:s7] =	ssyncset.done $0x0  }
0x4d: {  	[sflag:s7] =	ssyncadd.s32 $0xFFFFD800  }
0x4e: {  	[spmem:s3] =	stream.indirect.scatter.add.f32 [tilespmem:s28], [sflag:$0xC], $0x80, s8, s20, $0xb8;
	[tilespmem:$0x1E400] =	vst v63  }
0x4f: {  	_ =	swait.ge [sflag:s9], $0x2800  }
0x50: {  	s15 =	rddreg [dreg:$0x7];
	[sflag:s9] =	ssyncset.done $0x0  }
0x51: {  	[sflag:s9] =	ssyncadd.s32 $0xFFFFD800;
	s6 =	sadd.s32 $0x0, s15  }
0x52: {  	[tilespmem:s4], [sflag:$0x1] =	stream.linear.gather [hbm4b:s6+s4], $0x100, $0x38;
	[tilespmem:$0x1E400] =	vst v63  }
0x53: {  	_ =	swait.ge [sflag:s10], $0x2800  }
0x54: {  	s13 =	rddreg [dreg:$0x6];
	[sflag:s10] =	ssyncset.done $0x0  }
0x55: {  	[sflag:s10] =	ssyncadd.s32 $0xFFFFD800;
	s6 =	sadd.s32 $0x0, s13  }
0x56: {  	[tilespmem:s16], [sflag:$0x2] =	stream.linear.gather [hbm4b:s6+s4], $0x100, $0x38;
	[tilespmem:$0x1E400] =	vst v63  }
0x57: {  	_ =	swait.ge [sflag:s11], $0x2800  }
0x58: {  	s14 =	rddreg [dreg:$0x5];
	[sflag:s11] =	ssyncset.done $0x0  }
0x59: {  	[sflag:s11] =	ssyncadd.s32 $0xFFFFD800;
	s6 =	sadd.s32 $0x0, s14  }
0x5a: {  	[tilespmem:s17], [sflag:$0x3] =	stream.linear.gather [hbm4b:s6+s4], $0x100, $0x38;
	[tilespmem:$0x1E400] =	vst v63  }
0x5b: {  	_ =	swait.ge [sflag:s12], $0x2800  }
0x5c: {  	s15 =	rddreg [dreg:$0x4];
	[sflag:s12] =	ssyncset.done $0x0  }
0x5d: {  	s6 =	simm.s32 $0x80;
	[sflag:s12] =	ssyncadd.s32 $0xFFFFD800;
	s14 =	sadd.s32 $0x0, s15  }
.LBB2_2:
0x5e: {  	[tilespmem:s18], [sflag:$0x4] =	stream.linear.gather [hbm4b:s14+s4], $0x100, $0x38;
	[tilespmem:$0x1E400] =	vst v63  }
0x5f: {  	_ =	swait.ge [sflag:s19], $0x100  }
0x60: {  	[sflag:s19] =	ssyncset.done $0x0  }
0x61: {  	[sflag:s19] =	ssyncadd.s32 $0xFFFFFF00  }
0x62: {  	[tilespmem:s21], [sflag:$0x5] =	stream.indirect.gather [hbm4b:s2+s20], $0x80, s4, s20, $0xb8;
	[tilespmem:$0x1E400] =	vst v63  }
0x63: {  	_ =	swait.ge [sflag:s22], $0x100  }
0x64: {  	[sflag:s22] =	ssyncset.done $0x0  }
0x65: {  	[sflag:s22] =	ssyncadd.s32 $0xFFFFFF00  }
0x66: {  	[tilespmem:s23], [sflag:$0x6] =	stream.indirect.gather [hbm4b:s2+s20], $0x80, s16, s20, $0xb8;
	[tilespmem:$0x1E400] =	vst v63  }
0x67: {  	_ =	swait.ge [sflag:s24], $0x100  }
0x68: {  	[sflag:s24] =	ssyncset.done $0x0  }
0x69: {  	[sflag:s24] =	ssyncadd.s32 $0xFFFFFF00  }
0x6a: {  	[tilespmem:s25], [sflag:$0x7] =	stream.indirect.gather [hbm4b:s2+s20], $0x80, s17, s20, $0xb8;
	[tilespmem:$0x1E400] =	vst v63  }
0x6b: {  	_ =	swait.ge [sflag:s26], $0x100  }
0x6c: {  	[sflag:s26] =	ssyncset.done $0x0  }
0x6d: {  	[sflag:s26] =	ssyncadd.s32 $0xFFFFFF00  }
0x6e: {  	[tilespmem:s28], [sflag:$0x8] =	stream.indirect.gather [hbm4b:s2+s20], $0x80, s18, s20, $0xb8;
	[tilespmem:$0x1E400] =	vst v63  }
0x6f: {  	_ =	swait.ge [sflag:s29], $0x2800  }
0x70: {  	[sflag:s29] =	ssyncset.done $0x0  }
0x71: {  	[sflag:s29] =	ssyncadd.s32 $0xFFFFD800  }
0x72: {  	[spmem:s3] =	stream.indirect.scatter.add.f32 [tilespmem:s21], [sflag:$0x9], $0x80, s30, s20, $0xb8;
	[tilespmem:$0x1E400] =	vst v63  }
0x73: {  	_ =	swait.ge [sflag:s31], $0x2800  }
0x74: {  	[sflag:s31] =	ssyncset.done $0x0  }
0x75: {  	[sflag:s31] =	ssyncadd.s32 $0xFFFFD800  }
0x76: {  	[spmem:s3] =	stream.indirect.scatter.add.f32 [tilespmem:s23], [sflag:$0xA], $0x80, s0, s20, $0xb8;
	[tilespmem:$0x1E400] =	vst v63  }
0x77: {  	_ =	swait.ge [sflag:s1], $0x2800  }
0x78: {  	[sflag:s1] =	ssyncset.done $0x0  }
0x79: {  	[sflag:s1] =	ssyncadd.s32 $0xFFFFD800  }
0x7a: {  	[spmem:s3] =	stream.indirect.scatter.add.f32 [tilespmem:s25], [sflag:$0xB], $0x80, s5, s20, $0xb8;
	[tilespmem:$0x1E400] =	vst v63  }
0x7b: {  	_ =	swait.ge [sflag:s7], $0x2800  }
0x7c: {  	[sflag:s7] =	ssyncset.done $0x0  }
0x7d: {  	[sflag:s7] =	ssyncadd.s32 $0xFFFFD800  }
0x7e: {  	[spmem:s3] =	stream.indirect.scatter.add.f32 [tilespmem:s28], [sflag:$0xC], $0x80, s8, s20, $0xb8;
	[tilespmem:$0x1E400] =	vst v63  }
0x7f: {  	_ =	swait.ge [sflag:s9], $0x2800  }
0x80: {  	s14 =	smov.u32 s6;
	s15 =	rddreg [dreg:$0x7];
	[sflag:s9] =	ssyncset.done $0x0  }
0x81: {  	[sflag:s9] =	ssyncadd.s32 $0xFFFFD800;
	s15 =	sadd.s32 s14, s15  }
0x82: {  	[tilespmem:s4], [sflag:$0x1] =	stream.linear.gather [hbm4b:s15+s4], $0x100, $0x38;
	[tilespmem:$0x1E400] =	vst v63  }
0x83: {  	_ =	swait.ge [sflag:s10], $0x2800  }
0x84: {  	s13 =	rddreg [dreg:$0x6];
	[sflag:s10] =	ssyncset.done $0x0  }
0x85: {  	[sflag:s10] =	ssyncadd.s32 $0xFFFFD800;
	s15 =	sadd.s32 s14, s13  }
0x86: {  	[tilespmem:s16], [sflag:$0x2] =	stream.linear.gather [hbm4b:s15+s4], $0x100, $0x38;
	[tilespmem:$0x1E400] =	vst v63  }
0x87: {  	_ =	swait.ge [sflag:s11], $0x2800  }
0x88: {  	p0 =	sne.s32 s6, $0xE80;
	s13 =	rddreg [dreg:$0x5];
	[sflag:s11] =	ssyncset.done $0x0  }
.Ltmp0:
0x89: {  	[sflag:s11] =	ssyncadd.s32 $0xFFFFD800;
	s15 =	sadd.s32 s14, s13;
	(pc) =	sbr.rel @p0 .LBB2_2-.Ltmp0, $4  }
0x8a: {  	[tilespmem:s17], [sflag:$0x3] =	stream.linear.gather [hbm4b:s15+s4], $0x100, $0x38;
	[tilespmem:$0x1E400] =	vst v63  }
0x8b: {  	_ =	swait.ge [sflag:s12], $0x2800  }
0x8c: {  	[sflag:s12] =	ssyncset.done $0x0;
	s13 =	rddreg [dreg:$0x4]  }
0x8d: {  	s6 =	sadd.s32 $0x80, s6;
	[sflag:s12] =	ssyncadd.s32 $0xFFFFD800;
	s14 =	sadd.s32 s14, s13  }
0x8e: {  	[tilespmem:s18], [sflag:$0x4] =	stream.linear.gather [hbm4b:s14+s4], $0x100, $0x38;
	[tilespmem:$0x1E400] =	vst v63  }
0x8f: {  	_ =	swait.ge [sflag:s19], $0x100  }
0x90: {  	[sflag:s19] =	ssyncset.done $0x0  }
0x91: {  	[sflag:s19] =	ssyncadd.s32 $0xFFFFFF00  }
0x92: {  	[tilespmem:s21], [sflag:$0x5] =	stream.indirect.gather [hbm4b:s2+s20], $0x80, s4, s20, $0xb8;
	[tilespmem:$0x1E400] =	vst v63  }
0x93: {  	_ =	swait.ge [sflag:s22], $0x100  }
0x94: {  	[sflag:s22] =	ssyncset.done $0x0  }
0x95: {  	[sflag:s22] =	ssyncadd.s32 $0xFFFFFF00  }
0x96: {  	[tilespmem:s23], [sflag:$0x6] =	stream.indirect.gather [hbm4b:s2+s20], $0x80, s16, s20, $0xb8;
	[tilespmem:$0x1E400] =	vst v63  }
0x97: {  	_ =	swait.ge [sflag:s24], $0x100  }
0x98: {  	[sflag:s24] =	ssyncset.done $0x0  }
0x99: {  	[sflag:s24] =	ssyncadd.s32 $0xFFFFFF00  }
0x9a: {  	[tilespmem:s25], [sflag:$0x7] =	stream.indirect.gather [hbm4b:s2+s20], $0x80, s17, s20, $0xb8;
	[tilespmem:$0x1E400] =	vst v63  }
0x9b: {  	_ =	swait.ge [sflag:s26], $0x100  }
0x9c: {  	[sflag:s26] =	ssyncset.done $0x0  }
0x9d: {  	[sflag:s26] =	ssyncadd.s32 $0xFFFFFF00  }
0x9e: {  	[tilespmem:s28], [sflag:$0x8] =	stream.indirect.gather [hbm4b:s2+s20], $0x80, s18, s20, $0xb8;
	[tilespmem:$0x1E400] =	vst v63  }
0x9f: {  	_ =	swait.ge [sflag:s29], $0x2800  }
0xa0: {  	[sflag:s29] =	ssyncset.done $0x0  }
0xa1: {  	[sflag:s29] =	ssyncadd.s32 $0xFFFFD800  }
0xa2: {  	[spmem:s3] =	stream.indirect.scatter.add.f32 [tilespmem:s21], [sflag:$0x9], $0x80, s30, s20, $0xb8;
	[tilespmem:$0x1E400] =	vst v63  }
0xa3: {  	_ =	swait.ge [sflag:s31], $0x2800  }
0xa4: {  	[sflag:s31] =	ssyncset.done $0x0  }
0xa5: {  	[sflag:s31] =	ssyncadd.s32 $0xFFFFD800  }
0xa6: {  	[spmem:s3] =	stream.indirect.scatter.add.f32 [tilespmem:s23], [sflag:$0xA], $0x80, s0, s20, $0xb8;
	[tilespmem:$0x1E400] =	vst v63  }
0xa7: {  	_ =	swait.ge [sflag:s1], $0x2800  }
0xa8: {  	[sflag:s1] =	ssyncset.done $0x0  }
0xa9: {  	[sflag:s1] =	ssyncadd.s32 $0xFFFFD800  }
0xaa: {  	[spmem:s3] =	stream.indirect.scatter.add.f32 [tilespmem:s25], [sflag:$0xB], $0x80, s5, s20, $0xb8;
	[tilespmem:$0x1E400] =	vst v63  }
0xab: {  	_ =	swait.ge [sflag:s7], $0x2800  }
0xac: {  	[sflag:s7] =	ssyncset.done $0x0  }
0xad: {  	[sflag:s7] =	ssyncadd.s32 $0xFFFFD800  }
0xae: {  	[spmem:s3] =	stream.indirect.scatter.add.f32 [tilespmem:s28], [sflag:$0xC], $0x80, s8, s20, $0xb8;
	[tilespmem:$0x1E400] =	vst v63  }
0xaf: {  	_ =	swait.ge [sflag:s9], $0x2800  }
0xb0: {  	[sflag:s9] =	ssyncset.done $0x0  }
0xb1: {  	[sflag:s9] =	ssyncadd.s32 $0xFFFFD800  }
0xb2: {  	_ =	swait.ge [sflag:s10], $0x2800  }
0xb3: {  	[sflag:s10] =	ssyncset.done $0x0  }
0xb4: {  	[sflag:s10] =	ssyncadd.s32 $0xFFFFD800  }
0xb5: {  	_ =	swait.ge [sflag:s11], $0x2800  }
0xb6: {  	[sflag:s11] =	ssyncset.done $0x0  }
0xb7: {  	[sflag:s11] =	ssyncadd.s32 $0xFFFFD800  }
0xb8: {  	_ =	swait.ge [sflag:s12], $0x2800  }
0xb9: {  	[sflag:s12] =	ssyncset.done $0x0  }
0xba: {  	s6 =	rddreg [dreg:$0xe];
	[sflag:s12] =	ssyncadd.s32 $0xFFFFD800  }
0xbb: {  	[tilespmem:s4], [sflag:$0x1] =	stream.linear.gather [hbm4b:s6+s4], $0x100, $0x38;
	[tilespmem:$0x1E400] =	vst v63  }
0xbc: {  	_ =	swait.ge [sflag:s19], $0x100  }
0xbd: {  	[sflag:s19] =	ssyncset.done $0x0  }
0xbe: {  	[sflag:s19] =	ssyncadd.s32 $0xFFFFFF00  }
0xbf: {  	[tilespmem:s21], [sflag:$0x5] =	stream.indirect.gather [hbm4b:s2+s20], $0x80, s4, s20, $0xb8;
	[tilespmem:$0x1E400] =	vst v63  }
0xc0: {  	_ =	swait.ge [sflag:s29], $0x2800  }
0xc1: {  	[sflag:s29] =	ssyncset.done $0x0  }
0xc2: {  	[sflag:s29] =	ssyncadd.s32 $0xFFFFD800  }
0xc3: {  	[spmem:s3] =	stream.indirect.scatter.add.f32 [tilespmem:s21], [sflag:$0x9], $0x80, s30, s20, $0xb8;
	[tilespmem:$0x1E400] =	vst v63  }
0xc4: {  	_ =	swait.ge [sflag:s9], $0x2800  }
0xc5: {  	[sflag:s9] =	ssyncset.done $0x0  }
0xc6: {  	[sflag:s9] =	ssyncadd.s32 $0xFFFFD800  }
0xc7: {  	[bflag:$0x0] =	sbarrier.arrive $0xFFFF  }
0xc8: {  	s14 =	rddreg [dreg:$0x9]  }
0xc9: {  	s13 =	rddreg [dreg:$0xf]  }
0xca: {  	s6 =	simm.s32 $0xD;
	s15 =	rddreg [dreg:$0x11]  }
0xcb: {  	[hbm:s13], [sflag:s14] =	dma.local [spmem:s15], $0x2800  }
0xcc: {  	_ =	swait.ge [sflag:s6], $0x2800  }
0xcd: {  	s13 =	rddreg [dreg:$0x12]  }
0xce: {  	[sflag:s6] =	ssyncset.done $0x0;
	s6 =	rddreg [dreg:$0x10];
	s13 =	sadd.s32 $0x1, s13  }
0xcf: {  	p0 =	sne.s32 s13, s6  }
.Ltmp1:
0xd0: {  	_ = 	snop;
	(pc) =	sbr.rel @p0 .LBB2_1-.Ltmp1, $3  }
0xd1: {  	_ =	sdelay $0x1  }
0xd2: {  	s6 =	simm.s32 $0xD  }
0xd3: {  	[sflag:s6] =	ssyncadd.s32 $0xFFFFD800  }
0xd4: {  	_ =	sfence.sel $0x180000  }
0xd5: {  	[bflag:$0x0] =	sbarrier.arrive $0xFFFF  }
0xd6: {  	_ =	strace $0x9000004A  }
0xd7: {  	s0 =	stileid.u32;
	[bflag:$0x2] =	sbarrier.arrive $0xFFFF  }
0xd8: {  	p0 =	sne.s32 s0, $0x0;
	s0 =	rddreg [dreg:$0x3]  }
0xd9: {  	s0 =	sadd.s32 @!p0 $0x100000, s0  }
0xda: {  	[sflag:s0] =	ssyncadd.tile.s32 @!p0 $0x1;
	_ =	shalt  }
.Lfunc_end2:
_tile_overlayer_lowered:
.L_overlay_start_2:
0xdb: {  	(tag) =	ssettag $0x2  }
0xdc: {  	s0 =	rddreg [dreg:$0x0];
	s2 =	stileid.u32  }
0xdd: {  	s1 =	rddreg [dreg:$0x1];
	p0 =	sne.s32 s2, $0x0  }
0xde: {  	s3 =	rddreg [dreg:$0x2];
	[bflag:$0x3] =	sbarrier.arrive $0xFFFF;
	s2 =	simm.s32 @!p0 $0x1C0D  }
0xdf: {  	[timem:s3], [sflag:s2] =	dma.local @!p0 [hbm:s0], s1  }
0xe0: {  	s0 =	simm.s32 @!p0 $0xD  }
0xe1: {  	_ =	swait.ge @!p0 [sflag:s0], s1  }
0xe2: {  	s1 =	ssub.s32 @!p0 $0x0, s1;
	[sflag:s0] =	ssyncset.done @!p0 $0x0  }
0xe3: {  	[sflag:s0] =	ssyncadd.s32 @!p0 s1  }
0xe4: {  	[bflag:$0x3] =	sbarrier.arrive $0xFFFF  }
0xe5: {  	_ =	shalt  }

// kernel: kernel.14.cloned.1.call-start
scs
__scs_entry_jumppad:
0x0: {  	(pc) =	sbr.rel $0x88, $3  }
0x1: {  	(tag) =	ssettag $0x0;
	lr =	simm.s32 $0x1  }
0x2: {  	[smem:$0x3F8C] =	sst lr;
	_ =	strace $0xD0000000  }
0x3: {  	_ = 	snop  }
0x4: {  	_ = 	snop  }
0x5: {  	_ = 	snop  }
0x6: {  	_ = 	snop  }
0x7: {  	_ = 	snop  }
__scs_overlays_trampoline_lowered:
0x8: {  	[smem:$0x3F9B] =	sst s0  }
0x9: {  	[smem:$0x3F9C] =	sst s1  }
0xa: {  	[smem:$0x3F9D] =	sst s2  }
0xb: {  	[smem:$0x3F9E] =	sst s3  }
0xc: {  	[smem:$0x3F9F] =	sst s4  }
0xd: {  	[smem:$0x3FA0] =	sst s5  }
0xe: {  	[smem:$0x3FA1] =	sst s6  }
0xf: {  	[smem:$0x3FA2] =	sst s7  }
0x10: {  	[smem:$0x3FA3] =	sst s8  }
0x11: {  	[smem:$0x3FA4] =	sst s9;
	s0 =	simm.s32 @!p0 $0x0  }
0x12: {  	s1 =	sld [smem:$0x3F8A];
	s0 =	simm.s32 @p0 $0x1  }
0x13: {  	[smem:$0x3FA5] =	sst s0;
	s0 =	simm.s32 @!p1 $0x0  }
0x14: {  	s2 =	sld [smem:$0x3F89];
	s0 =	simm.s32 @p1 $0x1  }
0x15: {  	[smem:$0x3FA6] =	sst s0;
	s0 =	simm.s32 @!p2 $0x0  }
0x16: {  	s3 =	sld [smem:$0x3FDB];
	s0 =	simm.s32 @p2 $0x1  }
0x17: {  	s4 =	simm.s32 $0x1BF5;
	[smem:$0x3FA8] =	sst s0  }
0x18: {  	s0 =	sld [smem:$0x3F8B];
	_ =	swait.ge [sflag:s4], $0x0  }
0x19: {  	s7 =	sld [smem:$0x3F8C]  }
0x1a: {  	s8 =	sadd.s32 $0xFFFFE003, lr  }
0x1b: {  	s9 =	sadd.s32 $0xFFFFFEF7, lr;
	s5 =	simm.s32 $0xFFFFFFFF;
	p2 =	slt.u32 s8, $0xFFFFF086  }
0x1c: {  	p1 =	slt.u32 s9, $0xF7A;
	s5 =	simm.s32 @!p2 $0x0  }
0x1d: {  	s5 =	simm.s32 @p1 $0x1;
	p0 =	seq.s32 s7, s2  }
0x1e: {  	s7 =	smul.u32 @!p0 $0xF7A, s2;
	p2 =	seq.s32 @!p0 s5, $0x0  }
0x1f: {  	s9 =	smul.u32 $0xF7A, s1;
	s8 =	simm.s32 @!p0 $0x1BF5;
	p2 =	por !p2, p0  }
0x20: {  	[sflag:s8] =	ssyncset.s32 @!p0 $0xFFFFF086;
	s6 =	sadd.s32 @!p0 s3, s7;
	s7 =	simm.s32 @!p0 $0x108  }
0x21: {  	s3 =	sadd.s32 s3, s9;
	s6 =	sadd.s32 @!p0 $0x88, s6;
	s7 =	simm.s32 @p2 $0x1082  }
0x22: {  	[simem:s7], [sflag:s8] =	dma.local @!p0 [hbm:s6], $0xF7A  }
0x23: {  	s9 =	sor.u32 $0xD0000000, s2;
	s6 =	simm.s32 $0x108;
	_ =	swait.ge @!p0 [sflag:s8], $0x0  }
0x24: {  	s3 =	sadd.s32 $0x88, s3;
	s6 =	simm.s32 @!p1 $0x1082;
	[sflag:s4] =	ssyncset.s32 $0xFFFFF086  }
0x25: {  	[simem:s6], [sflag:s4] =	dma.local [hbm:s3], $0xF7A  }
0x26: {  	[smem:$0x3F8C] =	sst s1;
	(tag) =	ssettag s2;
	_ =	strace s9  }
0x27: {  	s1 =	sld [smem:$0x3F9C]  }
0x28: {  	s2 =	sld [smem:$0x3F9D]  }
0x29: {  	s4 =	sld [smem:$0x3F9F]  }
0x2a: {  	p0 =	seq.s32 s5, $0x0;
	s5 =	sld [smem:$0x3FA0]  }
0x2b: {  	s6 =	sld [smem:$0x3FA1]  }
0x2c: {  	s7 =	sld [smem:$0x3FA2]  }
0x2d: {  	s3 =	simm.s32 $0x108;
	s8 =	sld [smem:$0x3FA3]  }
0x2e: {  	s3 =	simm.s32 @!p0 $0x1082;
	s9 =	sld [smem:$0x3FA4]  }
0x2f: {  	lr =	sadd.s32 s0, s3;
	s0 =	sld [smem:$0x3F9B]  }
0x30: {  	s3 =	sld [smem:$0x3F9E]  }
0x31: {  	[smem:$0x3FA7] =	sst s10  }
0x32: {  	s10 =	sld [smem:$0x3FA5];
	_ =	sdelay $0x3  }
0x33: {  	p0 =	seq.s32 s10, $0x1;
	s10 =	sld [smem:$0x3FA7];
	_ =	sdelay $0x3  }
0x34: {  	[smem:$0x3FA7] =	sst s10  }
0x35: {  	s10 =	sld [smem:$0x3FA6];
	_ =	sdelay $0x3  }
0x36: {  	p1 =	seq.s32 s10, $0x1;
	s10 =	sld [smem:$0x3FA7];
	_ =	sdelay $0x3  }
0x37: {  	[smem:$0x3FA7] =	sst s10  }
0x38: {  	s10 =	sld [smem:$0x3FA8]  }
0x39: {  	_ = 	snop;
	(pc) =	sbr.ind lr, $3  }
0x3a: {  	_ = 	snop  }
0x3b: {  	_ = 	snop  }
0x3c: {  	p2 =	seq.s32 s10, $0x1;
	s10 =	sld [smem:$0x3FA7]  }
0x3d: {  	_ =	shalt  }
0x3e: {  	_ =	shalt  }
0x3f: {  	_ =	shalt  }
0x40: {  	_ =	shalt  }
0x41: {  	_ =	shalt  }
0x42: {  	_ =	shalt  }
0x43: {  	_ =	shalt  }
0x44: {  	_ =	shalt  }
0x45: {  	_ =	shalt  }
0x46: {  	_ =	shalt  }
0x47: {  	_ =	shalt  }
0x48: {  	_ =	shalt  }
0x49: {  	_ =	shalt  }
0x4a: {  	_ =	shalt  }
0x4b: {  	_ =	shalt  }
0x4c: {  	_ =	shalt  }
0x4d: {  	_ =	shalt  }
0x4e: {  	_ =	shalt  }
0x4f: {  	_ =	shalt  }
0x50: {  	_ =	shalt  }
0x51: {  	_ =	shalt  }
0x52: {  	_ =	shalt  }
0x53: {  	_ =	shalt  }
0x54: {  	_ =	shalt  }
0x55: {  	_ =	shalt  }
0x56: {  	_ =	shalt  }
0x57: {  	_ =	shalt  }
0x58: {  	_ =	shalt  }
0x59: {  	_ =	shalt  }
0x5a: {  	_ =	shalt  }
0x5b: {  	_ =	shalt  }
0x5c: {  	_ =	shalt  }
0x5d: {  	_ =	shalt  }
0x5e: {  	_ =	shalt  }
0x5f: {  	_ =	shalt  }
0x60: {  	_ =	shalt  }
0x61: {  	_ =	shalt  }
0x62: {  	_ =	shalt  }
0x63: {  	_ =	shalt  }
0x64: {  	_ =	shalt  }
0x65: {  	_ =	shalt  }
0x66: {  	_ =	shalt  }
0x67: {  	_ =	shalt  }
0x68: {  	_ =	shalt  }
0x69: {  	_ =	shalt  }
0x6a: {  	_ =	shalt  }
0x6b: {  	_ =	shalt  }
0x6c: {  	_ =	shalt  }
0x6d: {  	_ =	shalt  }
0x6e: {  	_ =	shalt  }
0x6f: {  	_ =	shalt  }
0x70: {  	_ =	shalt  }
0x71: {  	_ =	shalt  }
0x72: {  	_ =	shalt  }
0x73: {  	_ =	shalt  }
0x74: {  	_ =	shalt  }
0x75: {  	_ =	shalt  }
0x76: {  	_ =	shalt  }
0x77: {  	_ =	shalt  }
0x78: {  	_ =	shalt  }
0x79: {  	_ =	shalt  }
0x7a: {  	_ =	shalt  }
0x7b: {  	_ =	shalt  }
0x7c: {  	_ =	shalt  }
0x7d: {  	_ =	shalt  }
0x7e: {  	_ =	shalt  }
0x7f: {  	_ =	shalt  }
0x80: {  	_ =	shalt  }
0x81: {  	_ =	shalt  }
0x82: {  	_ =	shalt  }
0x83: {  	_ =	shalt  }
0x84: {  	_ =	shalt  }
0x85: {  	_ =	shalt  }
0x86: {  	_ =	shalt  }
0x87: {  	_ =	shalt  }
.Lfunc_end0:
.L_simem_size_0:
called_computation.2_lowered:
.L_overlay_start_0:
0x88: {  	s2 =	sld [smem:$0x3FD9]  }
0x89: {  	s3 =	sld [smem:$0x3FFE];
	_ =	sdelay $0x1  }
0x8a: {  	s1 =	srdreg.scid  }
0x8b: {  	s0 =	sand.u32 $0x1, s1  }
0x8c: {  	s17 =	sshll.u32 s0, $0xA;
	s2 =	sadd.s32 s3, s2  }
0x8d: {  	s2 =	sadd.s32 s2, s17  }
0x8e: {  	[smem:$0x3FB3] =	sst s2  }
0x8f: {  	_ = 	snop  }
0x90: {  	s2 =	sld [smem:$0x3FD0];
	(tm) =	ssettm $0x1  }
0x91: {  	s18 =	sld [smem:$0x3FFB];
	_ =	sdelay $0x3  }
0x92: {  	_ =	strace s18  }
0x93: {  	s3 =	sld [smem:$0x3FFC];
	_ =	sdelay $0x3  }
0x94: {  	_ =	strace s3  }
0x95: {  	s3 =	sld [smem:$0x3FFD];
	_ =	sdelay $0x3  }
0x96: {  	_ =	strace s3  }
0x97: {  	_ =	strace $0x8FFFFFFF  }
0x98: {  	s19 =	sld [smem:$0x3FDB];
	_ =	sdelay $0x1  }
0x99: {  	s4 =	simm.s32 $_scs_section_size  }
0x9a: {  	s5 =	simm.s32 $_size__tile_overlayer_lowered;
	s6 =	simm.s32 $_tile_overlayer_lowered  }
0x9b: {  	s22 =	simm.s32 $0x1BFF;
	s21 =	sshll.u32 s6, $0x1;
	s3 =	sadd.s32 s4, s19  }
0x9c: {  	s7 =	simm.s32 $0x0;
	s20 =	sshll.u32 s5, $0x1;
	s5 =	sadd.s32 s21, s3  }
0x9d: {  	[timem:s7], [sflag:s22] =	dma.local [hbm:s5], s20  }
0x9e: {  	_ =	swait.ge [sflag:s22], s20  }
0x9f: {  	s4 =	ssub.s32 $0x0, s20;
	[sflag:s22] =	ssyncset.done $0x0  }
0xa0: {  	[sflag:s22] =	ssyncadd.s32 s4;
	_ =	sdelay $0x1  }
0xa1: {  	s23 =	simm.s32 $0x1B8B  }
0xa2: {  	_ =	swait.ge [sflag:s23], $0x1  }
0xa3: {  	[sflag:s23] =	ssyncset.done $0x0  }
0xa4: {  	s25 =	simm.s32 $0x1B8E;
	s24 =	sld [smem:$0x3FFE];
	[sflag:s23] =	ssyncadd.s32 $0xFFFFFFFF  }
0xa5: {  	s26 =	simm.s32 $execute0_lowered;
	[smem:$0x3FD2] =	sst s25  }
0xa6: {  	s5 =	sshll.u32 s26, $0x1;
	_ =	strace $0x8000004C;
	[dreg:$0x1] =	wrdreg $0xFFFFFFFF  }
0xa7: {  	s28 =	simm.s32 $_size_execute0_lowered;
	s3 =	sadd.s32 s3, s5;
	[dreg:$0x0] =	wrdreg $0x0  }
0xa8: {  	s5 =	sshll.u32 s28, $0x1;
	[dreg:$0x2] =	wrdreg s3  }
0xa9: {  	[dreg:$0x3] =	wrdreg s5  }
0xaa: {  	[dreg:$0x4] =	wrdreg $0xC0  }
0xab: {  	_ =	task [dreg:s7], $0x5FFFF  }
0xac: {  	[dreg:$0x1] =	wrdreg $0xFFFFFFFF  }
0xad: {  	[dreg:$0x0] =	wrdreg $0x60  }
0xae: {  	[dreg:$0x2] =	wrdreg s2  }
0xaf: {  	[dreg:$0x3] =	wrdreg s24  }
0xb0: {  	[dreg:$0x4] =	wrdreg $0xA4000  }
0xb1: {  	[dreg:$0x5] =	wrdreg $0x9  }
0xb2: {  	_ =	task.clear_ibuf [dreg:s7], $0x6FFFF;
	_ =	strace $0x9000004C  }
0xb3: {  	s29 =	simm.s32 $0x9;
	_ =	strace $0x8000004E  }
0xb4: {  	_ =	swait.ge [sflag:s29], $0x1  }
0xb5: {  	[sflag:s29] =	ssyncadd.s32 $0xFFFFFFFF  }
0xb6: {  	_ =	strace $0x9000004E  }
0xb7: {  	_ =	sfence  }
0xb8: {  	s30 =	sld [smem:$0x0];
	_ =	sdelay $0x2  }
0xb9: {  	s31 =	sshll.u32 s1, $0xD;
	s1 =	sshrl.u32 s1, $0x2  }
0xba: {  	s3 =	sand.u32 $0x4000, s31;
	s1 =	sadd.s32 s1, s30  }
0xbb: {  	s0 =	sor.u32 s3, s0;
	s1 =	sshll.u32 s1, $0x11  }
0xbc: {  	s0 =	sor.u32 s1, s0  }
0xbd: {  	s0 =	sadd.s32 $0x8F2B, s0  }
0xbe: {  	[sflag:s0] =	ssyncadd.remote.s32 $0x1  }
0xbf: {  	_ =	sfence.sel $0xFFFF  }
0xc0: {  	[dreg:$0x0] =	wrdreg $0xFFFFFFFF;
	(pc) =	sbr.abs _section_cstart, $3  }
0xc1: {  	[dreg:$0x1] =	wrdreg $0xFFFFFFFF  }
0xc2: {  	_ =	task.clear_ibuf [dreg:s7], $0x2FFFF;
	_ =	strace $0x9FFFFFFF  }
0xc3: {  	(tm) =	ssettm $0x7FFFFFFF  }
tec
execute0_lowered:
.L_overlay_start_1:
0x0: {  	(tag) =	ssettag $0x1  }
0x1: {  	s2 =	rddreg [dreg:$0x0]  }
0x2: {  	s0 =	rddreg [dreg:$0x1]  }
0x3: {  	s3 =	rddreg [dreg:$0x2]  }
0x4: {  	s12 =	stileid.u32;
	s1 =	srdreg.scid  }
0x5: {  	s4 =	simm.s32 $0x0;
	s28 =	simm.s32 $0x7C00;
	s29 =	simm.s32 $0x5  }
0x6: {  	s30 =	simm.s32 $0x80;
	s31 =	simm.s32 $0x6;
	s13 =	simm.s32 $0x0  }
0x7: {  	s5 =	smul.u32 $0x2800, s12;
	s1 =	sand.u32 $0x1, s1;
	[smem:$0x7FF] =	sst s4  }
0x8: {  	s7 =	sadd.s32 $0x22400, s0;
	s17 =	smul.u32 $0x50000, s12;
	s10 =	sshll.u32 s12, $0x1  }
0x9: {  	s11 =	smul.u32 $0xFA, s12;
	s19 =	sshll.u32 s12, $0x6;
	s12 =	simm.s32 $0xC  }
0xa: {  	s6 =	smul.u32 $0x28000, s1;
	_ =	strace $0x8000004D;
	s16 =	ssub.s32 $0x2, s1  }
0xb: {  	s10 =	sor.u32 s1, s10;
	s1 =	smul.u32 $0x7D, s1;
	s14 =	sor.u32 $0x1C0D, s19  }
0xc: {  	s19 =	simm.s32 $0x1;
	s8 =	sadd.s32 s5, s0;
	s18 =	smul.u32 $0x7D00, s10  }
0xd: {  	s9 =	sshrl.u32 s16, $0x1;
	s10 =	smul.u32 $0xFA0, s10;
	[dreg:$0x9] =	wrdreg s14  }
0xe: {  	s5 =	sadd.s32 s5, s6;
	s6 =	sshrl.u32 s17, $0x2;
	s8 =	sadd.s32 $0x49800, s8  }
0xf: {  	s1 =	sadd.s32 s1, s11;
	s0 =	sadd.s32 s5, s0;
	s5 =	ssub.s32 s16, s9  }
0x10: {  	[dreg:$0x8] =	wrdreg s8;
	s9 =	sshrl.u32 s18, $0x3;
	s1 =	sshll.u32 s1, $0x5  }
0x11: {  	s20 =	sadd.s32 s7, s9;
	s1 =	sadd.s32 s1, s7;
	s7 =	sadd.s32 s7, s10  }
0x12: {  	s17 =	simm.s32 $0x200;
	s0 =	sadd.s32 $0xC1800, s0;
	[dreg:$0xa] =	wrdreg s7  }
0x13: {  	s6 =	sadd.s32 s6, s3;
	s26 =	smax.u32 s5, $0x1;
	[dreg:$0xf] =	wrdreg s0  }
0x14: {  	s11 =	simm.s32 $0xB;
	s15 =	sshrl.u32 s6, $0x3;
	[dreg:$0x10] =	wrdreg s26  }
0x15: {  	s16 =	simm.s32 $0x100;
	s21 =	sadd.s32 $0x20, s20;
	[dreg:$0x11] =	wrdreg s15  }
0x16: {  	s18 =	simm.s32 $0x300;
	s9 =	sadd.s32 $0x40, s20;
	[dreg:$0xb] =	wrdreg s21  }
0x17: {  	s5 =	simm.s32 $0x280;
	s22 =	sadd.s32 $0xE0, s1;
	[dreg:$0xc] =	wrdreg s9  }
0x18: {  	s10 =	simm.s32 $0xA;
	s24 =	sadd.s32 $0x60, s20;
	[dreg:$0x4] =	wrdreg s22  }
0x19: {  	s23 =	sadd.s32 $0xC0, s1;
	s25 =	sadd.s32 $0xA0, s1;
	[dreg:$0xd] =	wrdreg s24  }
0x1a: {  	s8 =	sadd.s32 $0xF80, s20;
	s1 =	sadd.s32 $0x80, s1;
	[dreg:$0x5] =	wrdreg s23  }
0x1b: {  	s20 =	simm.s32 $0x50;
	s26 =	simm.s32 $0x4;
	[dreg:$0xe] =	wrdreg s8  }
0x1c: {  	s0 =	simm.s32 $0x180;
	s7 =	simm.s32 $0x8;
	[dreg:$0x6] =	wrdreg s25  }
0x1d: {  	[dreg:$0x7] =	wrdreg s1;
	s21 =	simm.s32 $0x400;
	s22 =	simm.s32 $0x2  }
0x1e: {  	s23 =	simm.s32 $0x2C00;
	s24 =	simm.s32 $0x3;
	s25 =	simm.s32 $0x5400  }
0x1f: {  	s1 =	simm.s32 $0x7;
	s8 =	simm.s32 $0x380;
	s9 =	simm.s32 $0x9  }
.LBB2_1:
0x20: {  	[dreg:$0x12] =	wrdreg s13  }
0x21: {  	s13 =	simm.s32 $0xD;
	s6 =	rddreg [dreg:$0x8]  }
0x22: {  	[spmem:s15], [sflag:s14] =	dma.local [hbm:s6], $0x2800  }
0x23: {  	_ =	swait.ge [sflag:s13], $0x2800  }
0x24: {  	[sflag:s13] =	ssyncset.done $0x0  }
0x25: {  	[sflag:s13] =	ssyncadd.s32 $0xFFFFD800  }
0x26: {  	[bflag:$0x0] =	sbarrier.arrive $0xFFFF  }
0x27: {  	s14 =	rddreg [dreg:$0xa]  }
0x28: {  	[tilespmem:s4], [sflag:$0x1] =	stream.linear.gather [hbm4b:s14+s4], $0x100, $0x38;
	[tilespmem:$0x1E400] =	vst v63  }
0x29: {  	s15 =	rddreg [dreg:$0xb]  }
0x2a: {  	[tilespmem:s16], [sflag:$0x2] =	stream.linear.gather [hbm4b:s15+s4], $0x100, $0x38;
	[tilespmem:$0x1E400] =	vst v63  }
0x2b: {  	s13 =	rddreg [dreg:$0xc]  }
0x2c: {  	[tilespmem:s17], [sflag:$0x3] =	stream.linear.gather [hbm4b:s13+s4], $0x100, $0x38;
	[tilespmem:$0x1E400] =	vst v63  }
0x2d: {  	s14 =	rddreg [dreg:$0xd]  }
0x2e: {  	[tilespmem:s18], [sflag:$0x4] =	stream.linear.gather [hbm4b:s14+s4], $0x100, $0x38;
	[tilespmem:$0x1E400] =	vst v63  }
0x2f: {  	_ =	swait.ge [sflag:s19], $0x100  }
0x30: {  	[sflag:s19] =	ssyncset.done $0x0  }
0x31: {  	[sflag:s19] =	ssyncadd.s32 $0xFFFFFF00  }
0x32: {  	[tilespmem:s21], [sflag:$0x5] =	stream.indirect.gather [hbm4b:s2+s20], $0x80, s4, s20, $0xb8;
	[tilespmem:$0x1E400] =	vst v63  }
0x33: {  	_ =	swait.ge [sflag:s22], $0x100  }
0x34: {  	[sflag:s22] =	ssyncset.done $0x0  }
0x35: {  	[sflag:s22] =	ssyncadd.s32 $0xFFFFFF00  }
0x36: {  	[tilespmem:s23], [sflag:$0x6] =	stream.indirect.gather [hbm4b:s2+s20], $0x80, s16, s20, $0xb8;
	[tilespmem:$0x1E400] =	vst v63  }
0x37: {  	_ =	swait.ge [sflag:s24], $0x100  }
0x38: {  	[sflag:s24] =	ssyncset.done $0x0  }
0x39: {  	[sflag:s24] =	ssyncadd.s32 $0xFFFFFF00  }
0x3a: {  	[tilespmem:s25], [sflag:$0x7] =	stream.indirect.gather [hbm4b:s2+s20], $0x80, s17, s20, $0xb8;
	[tilespmem:$0x1E400] =	vst v63  }
0x3b: {  	_ =	swait.ge [sflag:s26], $0x100  }
0x3c: {  	[sflag:s26] =	ssyncset.done $0x0  }
0x3d: {  	[sflag:s26] =	ssyncadd.s32 $0xFFFFFF00  }
0x3e: {  	[tilespmem:s28], [sflag:$0x8] =	stream.indirect.gather [hbm4b:s2+s20], $0x80, s18, s20, $0xb8;
	[tilespmem:$0x1E400] =	vst v63  }
0x3f: {  	_ =	swait.ge [sflag:s29], $0x2800  }
0x40: {  	[sflag:s29] =	ssyncset.done $0x0  }
0x41: {  	[sflag:s29] =	ssyncadd.s32 $0xFFFFD800  }
0x42: {  	[spmem:s3] =	stream.indirect.scatter.add.f32 [tilespmem:s21], [sflag:$0x9], $0x80, s30, s20, $0xb8;
	[tilespmem:$0x1E400] =	vst v63  }
0x43: {  	_ =	swait.ge [sflag:s31], $0x2800  }
0x44: {  	[sflag:s31] =	ssyncset.done $0x0  }
0x45: {  	[sflag:s31] =	ssyncadd.s32 $0xFFFFD800  }
0x46: {  	[spmem:s3] =	stream.indirect.scatter.add.f32 [tilespmem:s23], [sflag:$0xA], $0x80, s0, s20, $0xb8;
	[tilespmem:$0x1E400] =	vst v63  }
0x47: {  	_ =	swait.ge [sflag:s1], $0x2800  }
0x48: {  	[sflag:s1] =	ssyncset.done $0x0  }
0x49: {  	[sflag:s1] =	ssyncadd.s32 $0xFFFFD800  }
0x4a: {  	[spmem:s3] =	stream.indirect.scatter.add.f32 [tilespmem:s25], [sflag:$0xB], $0x80, s5, s20, $0xb8;
	[tilespmem:$0x1E400] =	vst v63  }
0x4b: {  	_ =	swait.ge [sflag:s7], $0x2800  }
0x4c: {  	[sflag:s7] =	ssyncset.done $0x0  }
0x4d: {  	[sflag:s7] =	ssyncadd.s32 $0xFFFFD800  }
0x4e: {  	[spmem:s3] =	stream.indirect.scatter.add.f32 [tilespmem:s28], [sflag:$0xC], $0x80, s8, s20, $0xb8;
	[tilespmem:$0x1E400] =	vst v63  }
0x4f: {  	_ =	swait.ge [sflag:s9], $0x2800  }
0x50: {  	s15 =	rddreg [dreg:$0x7];
	[sflag:s9] =	ssyncset.done $0x0  }
0x51: {  	[sflag:s9] =	ssyncadd.s32 $0xFFFFD800;
	s6 =	sadd.s32 $0x0, s15  }
0x52: {  	[tilespmem:s4], [sflag:$0x1] =	stream.linear.gather [hbm4b:s6+s4], $0x100, $0x38;
	[tilespmem:$0x1E400] =	vst v63  }
0x53: {  	_ =	swait.ge [sflag:s10], $0x2800  }
0x54: {  	s13 =	rddreg [dreg:$0x6];
	[sflag:s10] =	ssyncset.done $0x0  }
0x55: {  	[sflag:s10] =	ssyncadd.s32 $0xFFFFD800;
	s6 =	sadd.s32 $0x0, s13  }
0x56: {  	[tilespmem:s16], [sflag:$0x2] =	stream.linear.gather [hbm4b:s6+s4], $0x100, $0x38;
	[tilespmem:$0x1E400] =	vst v63  }
0x57: {  	_ =	swait.ge [sflag:s11], $0x2800  }
0x58: {  	s14 =	rddreg [dreg:$0x5];
	[sflag:s11] =	ssyncset.done $0x0  }
0x59: {  	[sflag:s11] =	ssyncadd.s32 $0xFFFFD800;
	s6 =	sadd.s32 $0x0, s14  }
0x5a: {  	[tilespmem:s17], [sflag:$0x3] =	stream.linear.gather [hbm4b:s6+s4], $0x100, $0x38;
	[tilespmem:$0x1E400] =	vst v63  }
0x5b: {  	_ =	swait.ge [sflag:s12], $0x2800  }
0x5c: {  	s15 =	rddreg [dreg:$0x4];
	[sflag:s12] =	ssyncset.done $0x0  }
0x5d: {  	s6 =	simm.s32 $0x80;
	[sflag:s12] =	ssyncadd.s32 $0xFFFFD800;
	s14 =	sadd.s32 $0x0, s15  }
.LBB2_2:
0x5e: {  	[tilespmem:s18], [sflag:$0x4] =	stream.linear.gather [hbm4b:s14+s4], $0x100, $0x38;
	[tilespmem:$0x1E400] =	vst v63  }
0x5f: {  	_ =	swait.ge [sflag:s19], $0x100  }
0x60: {  	[sflag:s19] =	ssyncset.done $0x0  }
0x61: {  	[sflag:s19] =	ssyncadd.s32 $0xFFFFFF00  }
0x62: {  	[tilespmem:s21], [sflag:$0x5] =	stream.indirect.gather [hbm4b:s2+s20], $0x80, s4, s20, $0xb8;
	[tilespmem:$0x1E400] =	vst v63  }
0x63: {  	_ =	swait.ge [sflag:s22], $0x100  }
0x64: {  	[sflag:s22] =	ssyncset.done $0x0  }
0x65: {  	[sflag:s22] =	ssyncadd.s32 $0xFFFFFF00  }
0x66: {  	[tilespmem:s23], [sflag:$0x6] =	stream.indirect.gather [hbm4b:s2+s20], $0x80, s16, s20, $0xb8;
	[tilespmem:$0x1E400] =	vst v63  }
0x67: {  	_ =	swait.ge [sflag:s24], $0x100  }
0x68: {  	[sflag:s24] =	ssyncset.done $0x0  }
0x69: {  	[sflag:s24] =	ssyncadd.s32 $0xFFFFFF00  }
0x6a: {  	[tilespmem:s25], [sflag:$0x7] =	stream.indirect.gather [hbm4b:s2+s20], $0x80, s17, s20, $0xb8;
	[tilespmem:$0x1E400] =	vst v63  }
0x6b: {  	_ =	swait.ge [sflag:s26], $0x100  }
0x6c: {  	[sflag:s26] =	ssyncset.done $0x0  }
0x6d: {  	[sflag:s26] =	ssyncadd.s32 $0xFFFFFF00  }
0x6e: {  	[tilespmem:s28], [sflag:$0x8] =	stream.indirect.gather [hbm4b:s2+s20], $0x80, s18, s20, $0xb8;
	[tilespmem:$0x1E400] =	vst v63  }
0x6f: {  	_ =	swait.ge [sflag:s29], $0x2800  }
0x70: {  	[sflag:s29] =	ssyncset.done $0x0  }
0x71: {  	[sflag:s29] =	ssyncadd.s32 $0xFFFFD800  }
0x72: {  	[spmem:s3] =	stream.indirect.scatter.add.f32 [tilespmem:s21], [sflag:$0x9], $0x80, s30, s20, $0xb8;
	[tilespmem:$0x1E400] =	vst v63  }
0x73: {  	_ =	swait.ge [sflag:s31], $0x2800  }
0x74: {  	[sflag:s31] =	ssyncset.done $0x0  }
0x75: {  	[sflag:s31] =	ssyncadd.s32 $0xFFFFD800  }
0x76: {  	[spmem:s3] =	stream.indirect.scatter.add.f32 [tilespmem:s23], [sflag:$0xA], $0x80, s0, s20, $0xb8;
	[tilespmem:$0x1E400] =	vst v63  }
0x77: {  	_ =	swait.ge [sflag:s1], $0x2800  }
0x78: {  	[sflag:s1] =	ssyncset.done $0x0  }
0x79: {  	[sflag:s1] =	ssyncadd.s32 $0xFFFFD800  }
0x7a: {  	[spmem:s3] =	stream.indirect.scatter.add.f32 [tilespmem:s25], [sflag:$0xB], $0x80, s5, s20, $0xb8;
	[tilespmem:$0x1E400] =	vst v63  }
0x7b: {  	_ =	swait.ge [sflag:s7], $0x2800  }
0x7c: {  	[sflag:s7] =	ssyncset.done $0x0  }
0x7d: {  	[sflag:s7] =	ssyncadd.s32 $0xFFFFD800  }
0x7e: {  	[spmem:s3] =	stream.indirect.scatter.add.f32 [tilespmem:s28], [sflag:$0xC], $0x80, s8, s20, $0xb8;
	[tilespmem:$0x1E400] =	vst v63  }
0x7f: {  	_ =	swait.ge [sflag:s9], $0x2800  }
0x80: {  	s14 =	smov.u32 s6;
	s15 =	rddreg [dreg:$0x7];
	[sflag:s9] =	ssyncset.done $0x0  }
0x81: {  	[sflag:s9] =	ssyncadd.s32 $0xFFFFD800;
	s15 =	sadd.s32 s14, s15  }
0x82: {  	[tilespmem:s4], [sflag:$0x1] =	stream.linear.gather [hbm4b:s15+s4], $0x100, $0x38;
	[tilespmem:$0x1E400] =	vst v63  }
0x83: {  	_ =	swait.ge [sflag:s10], $0x2800  }
0x84: {  	s13 =	rddreg [dreg:$0x6];
	[sflag:s10] =	ssyncset.done $0x0  }
0x85: {  	[sflag:s10] =	ssyncadd.s32 $0xFFFFD800;
	s15 =	sadd.s32 s14, s13  }
0x86: {  	[tilespmem:s16], [sflag:$0x2] =	stream.linear.gather [hbm4b:s15+s4], $0x100, $0x38;
	[tilespmem:$0x1E400] =	vst v63  }
0x87: {  	_ =	swait.ge [sflag:s11], $0x2800  }
0x88: {  	p0 =	sne.s32 s6, $0xE80;
	s13 =	rddreg [dreg:$0x5];
	[sflag:s11] =	ssyncset.done $0x0  }
.Ltmp0:
0x89: {  	[sflag:s11] =	ssyncadd.s32 $0xFFFFD800;
	s15 =	sadd.s32 s14, s13;
	(pc) =	sbr.rel @p0 .LBB2_2-.Ltmp0, $4  }
0x8a: {  	[tilespmem:s17], [sflag:$0x3] =	stream.linear.gather [hbm4b:s15+s4], $0x100, $0x38;
	[tilespmem:$0x1E400] =	vst v63  }
0x8b: {  	_ =	swait.ge [sflag:s12], $0x2800  }
0x8c: {  	[sflag:s12] =	ssyncset.done $0x0;
	s13 =	rddreg [dreg:$0x4]  }
0x8d: {  	s6 =	sadd.s32 $0x80, s6;
	[sflag:s12] =	ssyncadd.s32 $0xFFFFD800;
	s14 =	sadd.s32 s14, s13  }
0x8e: {  	[tilespmem:s18], [sflag:$0x4] =	stream.linear.gather [hbm4b:s14+s4], $0x100, $0x38;
	[tilespmem:$0x1E400] =	vst v63  }
0x8f: {  	_ =	swait.ge [sflag:s19], $0x100  }
0x90: {  	[sflag:s19] =	ssyncset.done $0x0  }
0x91: {  	[sflag:s19] =	ssyncadd.s32 $0xFFFFFF00  }
0x92: {  	[tilespmem:s21], [sflag:$0x5] =	stream.indirect.gather [hbm4b:s2+s20], $0x80, s4, s20, $0xb8;
	[tilespmem:$0x1E400] =	vst v63  }
0x93: {  	_ =	swait.ge [sflag:s22], $0x100  }
0x94: {  	[sflag:s22] =	ssyncset.done $0x0  }
0x95: {  	[sflag:s22] =	ssyncadd.s32 $0xFFFFFF00  }
0x96: {  	[tilespmem:s23], [sflag:$0x6] =	stream.indirect.gather [hbm4b:s2+s20], $0x80, s16, s20, $0xb8;
	[tilespmem:$0x1E400] =	vst v63  }
0x97: {  	_ =	swait.ge [sflag:s24], $0x100  }
0x98: {  	[sflag:s24] =	ssyncset.done $0x0  }
0x99: {  	[sflag:s24] =	ssyncadd.s32 $0xFFFFFF00  }
0x9a: {  	[tilespmem:s25], [sflag:$0x7] =	stream.indirect.gather [hbm4b:s2+s20], $0x80, s17, s20, $0xb8;
	[tilespmem:$0x1E400] =	vst v63  }
0x9b: {  	_ =	swait.ge [sflag:s26], $0x100  }
0x9c: {  	[sflag:s26] =	ssyncset.done $0x0  }
0x9d: {  	[sflag:s26] =	ssyncadd.s32 $0xFFFFFF00  }
0x9e: {  	[tilespmem:s28], [sflag:$0x8] =	stream.indirect.gather [hbm4b:s2+s20], $0x80, s18, s20, $0xb8;
	[tilespmem:$0x1E400] =	vst v63  }
0x9f: {  	_ =	swait.ge [sflag:s29], $0x2800  }
0xa0: {  	[sflag:s29] =	ssyncset.done $0x0  }
0xa1: {  	[sflag:s29] =	ssyncadd.s32 $0xFFFFD800  }
0xa2: {  	[spmem:s3] =	stream.indirect.scatter.add.f32 [tilespmem:s21], [sflag:$0x9], $0x80, s30, s20, $0xb8;
	[tilespmem:$0x1E400] =	vst v63  }
0xa3: {  	_ =	swait.ge [sflag:s31], $0x2800  }
0xa4: {  	[sflag:s31] =	ssyncset.done $0x0  }
0xa5: {  	[sflag:s31] =	ssyncadd.s32 $0xFFFFD800  }
0xa6: {  	[spmem:s3] =	stream.indirect.scatter.add.f32 [tilespmem:s23], [sflag:$0xA], $0x80, s0, s20, $0xb8;
	[tilespmem:$0x1E400] =	vst v63  }
0xa7: {  	_ =	swait.ge [sflag:s1], $0x2800  }
0xa8: {  	[sflag:s1] =	ssyncset.done $0x0  }
0xa9: {  	[sflag:s1] =	ssyncadd.s32 $0xFFFFD800  }
0xaa: {  	[spmem:s3] =	stream.indirect.scatter.add.f32 [tilespmem:s25], [sflag:$0xB], $0x80, s5, s20, $0xb8;
	[tilespmem:$0x1E400] =	vst v63  }
0xab: {  	_ =	swait.ge [sflag:s7], $0x2800  }
0xac: {  	[sflag:s7] =	ssyncset.done $0x0  }
0xad: {  	[sflag:s7] =	ssyncadd.s32 $0xFFFFD800  }
0xae: {  	[spmem:s3] =	stream.indirect.scatter.add.f32 [tilespmem:s28], [sflag:$0xC], $0x80, s8, s20, $0xb8;
	[tilespmem:$0x1E400] =	vst v63  }
0xaf: {  	_ =	swait.ge [sflag:s9], $0x2800  }
0xb0: {  	[sflag:s9] =	ssyncset.done $0x0  }
0xb1: {  	[sflag:s9] =	ssyncadd.s32 $0xFFFFD800  }
0xb2: {  	_ =	swait.ge [sflag:s10], $0x2800  }
0xb3: {  	[sflag:s10] =	ssyncset.done $0x0  }
0xb4: {  	[sflag:s10] =	ssyncadd.s32 $0xFFFFD800  }
0xb5: {  	_ =	swait.ge [sflag:s11], $0x2800  }
0xb6: {  	[sflag:s11] =	ssyncset.done $0x0  }
0xb7: {  	[sflag:s11] =	ssyncadd.s32 $0xFFFFD800  }
0xb8: {  	_ =	swait.ge [sflag:s12], $0x2800  }
0xb9: {  	[sflag:s12] =	ssyncset.done $0x0  }
0xba: {  	s6 =	rddreg [dreg:$0xe];
	[sflag:s12] =	ssyncadd.s32 $0xFFFFD800  }
0xbb: {  	[tilespmem:s4], [sflag:$0x1] =	stream.linear.gather [hbm4b:s6+s4], $0x100, $0x38;
	[tilespmem:$0x1E400] =	vst v63  }
0xbc: {  	_ =	swait.ge [sflag:s19], $0x100  }
0xbd: {  	[sflag:s19] =	ssyncset.done $0x0  }
0xbe: {  	[sflag:s19] =	ssyncadd.s32 $0xFFFFFF00  }
0xbf: {  	[tilespmem:s21], [sflag:$0x5] =	stream.indirect.gather [hbm4b:s2+s20], $0x80, s4, s20, $0xb8;
	[tilespmem:$0x1E400] =	vst v63  }
0xc0: {  	_ =	swait.ge [sflag:s29], $0x2800  }
0xc1: {  	[sflag:s29] =	ssyncset.done $0x0  }
0xc2: {  	[sflag:s29] =	ssyncadd.s32 $0xFFFFD800  }
0xc3: {  	[spmem:s3] =	stream.indirect.scatter.add.f32 [tilespmem:s21], [sflag:$0x9], $0x80, s30, s20, $0xb8;
	[tilespmem:$0x1E400] =	vst v63  }
0xc4: {  	_ =	swait.ge [sflag:s9], $0x2800  }
0xc5: {  	[sflag:s9] =	ssyncset.done $0x0  }
0xc6: {  	[sflag:s9] =	ssyncadd.s32 $0xFFFFD800  }
0xc7: {  	[bflag:$0x0] =	sbarrier.arrive $0xFFFF  }
0xc8: {  	s14 =	rddreg [dreg:$0x9]  }
0xc9: {  	s13 =	rddreg [dreg:$0xf]  }
0xca: {  	s6 =	simm.s32 $0xD;
	s15 =	rddreg [dreg:$0x11]  }
0xcb: {  	[hbm:s13], [sflag:s14] =	dma.local [spmem:s15], $0x2800  }
0xcc: {  	_ =	swait.ge [sflag:s6], $0x2800  }
0xcd: {  	s13 =	rddreg [dreg:$0x12]  }
0xce: {  	[sflag:s6] =	ssyncset.done $0x0;
	s6 =	rddreg [dreg:$0x10];
	s13 =	sadd.s32 $0x1, s13  }
0xcf: {  	p0 =	sne.s32 s13, s6  }
.Ltmp1:
0xd0: {  	_ = 	snop;
	(pc) =	sbr.rel @p0 .LBB2_1-.Ltmp1, $3  }
0xd1: {  	_ =	sdelay $0x1  }
0xd2: {  	s6 =	simm.s32 $0xD  }
0xd3: {  	[sflag:s6] =	ssyncadd.s32 $0xFFFFD800  }
0xd4: {  	_ =	sfence.sel $0x180000  }
0xd5: {  	[bflag:$0x0] =	sbarrier.arrive $0xFFFF  }
0xd6: {  	_ =	strace $0x9000004D  }
0xd7: {  	s0 =	stileid.u32;
	[bflag:$0x2] =	sbarrier.arrive $0xFFFF  }
0xd8: {  	p0 =	sne.s32 s0, $0x0;
	s0 =	rddreg [dreg:$0x3]  }
0xd9: {  	s0 =	sadd.s32 @!p0 $0x100000, s0  }
0xda: {  	[sflag:s0] =	ssyncadd.tile.s32 @!p0 $0x1;
	_ =	shalt  }
.Lfunc_end2:
_tile_overlayer_lowered:
.L_overlay_start_2:
0xdb: {  	(tag) =	ssettag $0x2  }
0xdc: {  	s0 =	rddreg [dreg:$0x0];
	s2 =	stileid.u32  }
0xdd: {  	s1 =	rddreg [dreg:$0x1];
	p0 =	sne.s32 s2, $0x0  }
0xde: {  	s3 =	rddreg [dreg:$0x2];
	[bflag:$0x3] =	sbarrier.arrive $0xFFFF;
	s2 =	simm.s32 @!p0 $0x1C0D  }
0xdf: {  	[timem:s3], [sflag:s2] =	dma.local @!p0 [hbm:s0], s1  }
0xe0: {  	s0 =	simm.s32 @!p0 $0xD  }
0xe1: {  	_ =	swait.ge @!p0 [sflag:s0], s1  }
0xe2: {  	s1 =	ssub.s32 @!p0 $0x0, s1;
	[sflag:s0] =	ssyncset.done @!p0 $0x0  }
0xe3: {  	[sflag:s0] =	ssyncadd.s32 @!p0 s1  }
0xe4: {  	[bflag:$0x3] =	sbarrier.arrive $0xFFFF  }
0xe5: {  	_ =	shalt  }

// kernel: kernel.8.cloned.1.call-start
scs
__scs_entry_jumppad:
0x0: {  	(pc) =	sbr.rel $0x88, $3  }
0x1: {  	(tag) =	ssettag $0x0;
	lr =	simm.s32 $0x1  }
0x2: {  	[smem:$0x3F8C] =	sst lr;
	_ =	strace $0xD0000000  }
0x3: {  	_ = 	snop  }
0x4: {  	_ = 	snop  }
0x5: {  	_ = 	snop  }
0x6: {  	_ = 	snop  }
0x7: {  	_ = 	snop  }
__scs_overlays_trampoline_lowered:
0x8: {  	[smem:$0x3F9B] =	sst s0  }
0x9: {  	[smem:$0x3F9C] =	sst s1  }
0xa: {  	[smem:$0x3F9D] =	sst s2  }
0xb: {  	[smem:$0x3F9E] =	sst s3  }
0xc: {  	[smem:$0x3F9F] =	sst s4  }
0xd: {  	[smem:$0x3FA0] =	sst s5  }
0xe: {  	[smem:$0x3FA1] =	sst s6  }
0xf: {  	[smem:$0x3FA2] =	sst s7  }
0x10: {  	[smem:$0x3FA3] =	sst s8  }
0x11: {  	[smem:$0x3FA4] =	sst s9;
	s0 =	simm.s32 @!p0 $0x0  }
0x12: {  	s1 =	sld [smem:$0x3F8A];
	s0 =	simm.s32 @p0 $0x1  }
0x13: {  	[smem:$0x3FA5] =	sst s0;
	s0 =	simm.s32 @!p1 $0x0  }
0x14: {  	s2 =	sld [smem:$0x3F89];
	s0 =	simm.s32 @p1 $0x1  }
0x15: {  	[smem:$0x3FA6] =	sst s0;
	s0 =	simm.s32 @!p2 $0x0  }
0x16: {  	s3 =	sld [smem:$0x3FDB];
	s0 =	simm.s32 @p2 $0x1  }
0x17: {  	s4 =	simm.s32 $0x1BF5;
	[smem:$0x3FA8] =	sst s0  }
0x18: {  	s0 =	sld [smem:$0x3F8B];
	_ =	swait.ge [sflag:s4], $0x0  }
0x19: {  	s7 =	sld [smem:$0x3F8C]  }
0x1a: {  	s8 =	sadd.s32 $0xFFFFE003, lr  }
0x1b: {  	s9 =	sadd.s32 $0xFFFFFEF7, lr;
	s5 =	simm.s32 $0xFFFFFFFF;
	p2 =	slt.u32 s8, $0xFFFFF086  }
0x1c: {  	p1 =	slt.u32 s9, $0xF7A;
	s5 =	simm.s32 @!p2 $0x0  }
0x1d: {  	s5 =	simm.s32 @p1 $0x1;
	p0 =	seq.s32 s7, s2  }
0x1e: {  	s7 =	smul.u32 @!p0 $0xF7A, s2;
	p2 =	seq.s32 @!p0 s5, $0x0  }
0x1f: {  	s9 =	smul.u32 $0xF7A, s1;
	s8 =	simm.s32 @!p0 $0x1BF5;
	p2 =	por !p2, p0  }
0x20: {  	[sflag:s8] =	ssyncset.s32 @!p0 $0xFFFFF086;
	s6 =	sadd.s32 @!p0 s3, s7;
	s7 =	simm.s32 @!p0 $0x108  }
0x21: {  	s3 =	sadd.s32 s3, s9;
	s6 =	sadd.s32 @!p0 $0x88, s6;
	s7 =	simm.s32 @p2 $0x1082  }
0x22: {  	[simem:s7], [sflag:s8] =	dma.local @!p0 [hbm:s6], $0xF7A  }
0x23: {  	s9 =	sor.u32 $0xD0000000, s2;
	s6 =	simm.s32 $0x108;
	_ =	swait.ge @!p0 [sflag:s8], $0x0  }
0x24: {  	s3 =	sadd.s32 $0x88, s3;
	s6 =	simm.s32 @!p1 $0x1082;
	[sflag:s4] =	ssyncset.s32 $0xFFFFF086  }
0x25: {  	[simem:s6], [sflag:s4] =	dma.local [hbm:s3], $0xF7A  }
0x26: {  	[smem:$0x3F8C] =	sst s1;
	(tag) =	ssettag s2;
	_ =	strace s9  }
0x27: {  	s1 =	sld [smem:$0x3F9C]  }
0x28: {  	s2 =	sld [smem:$0x3F9D]  }
0x29: {  	s4 =	sld [smem:$0x3F9F]  }
0x2a: {  	p0 =	seq.s32 s5, $0x0;
	s5 =	sld [smem:$0x3FA0]  }
0x2b: {  	s6 =	sld [smem:$0x3FA1]  }
0x2c: {  	s7 =	sld [smem:$0x3FA2]  }
0x2d: {  	s3 =	simm.s32 $0x108;
	s8 =	sld [smem:$0x3FA3]  }
0x2e: {  	s3 =	simm.s32 @!p0 $0x1082;
	s9 =	sld [smem:$0x3FA4]  }
0x2f: {  	lr =	sadd.s32 s0, s3;
	s0 =	sld [smem:$0x3F9B]  }
0x30: {  	s3 =	sld [smem:$0x3F9E]  }
0x31: {  	[smem:$0x3FA7] =	sst s10  }
0x32: {  	s10 =	sld [smem:$0x3FA5];
	_ =	sdelay $0x3  }
0x33: {  	p0 =	seq.s32 s10, $0x1;
	s10 =	sld [smem:$0x3FA7];
	_ =	sdelay $0x3  }
0x34: {  	[smem:$0x3FA7] =	sst s10  }
0x35: {  	s10 =	sld [smem:$0x3FA6];
	_ =	sdelay $0x3  }
0x36: {  	p1 =	seq.s32 s10, $0x1;
	s10 =	sld [smem:$0x3FA7];
	_ =	sdelay $0x3  }
0x37: {  	[smem:$0x3FA7] =	sst s10  }
0x38: {  	s10 =	sld [smem:$0x3FA8]  }
0x39: {  	_ = 	snop;
	(pc) =	sbr.ind lr, $3  }
0x3a: {  	_ = 	snop  }
0x3b: {  	_ = 	snop  }
0x3c: {  	p2 =	seq.s32 s10, $0x1;
	s10 =	sld [smem:$0x3FA7]  }
0x3d: {  	_ =	shalt  }
0x3e: {  	_ =	shalt  }
0x3f: {  	_ =	shalt  }
0x40: {  	_ =	shalt  }
0x41: {  	_ =	shalt  }
0x42: {  	_ =	shalt  }
0x43: {  	_ =	shalt  }
0x44: {  	_ =	shalt  }
0x45: {  	_ =	shalt  }
0x46: {  	_ =	shalt  }
0x47: {  	_ =	shalt  }
0x48: {  	_ =	shalt  }
0x49: {  	_ =	shalt  }
0x4a: {  	_ =	shalt  }
0x4b: {  	_ =	shalt  }
0x4c: {  	_ =	shalt  }
0x4d: {  	_ =	shalt  }
0x4e: {  	_ =	shalt  }
0x4f: {  	_ =	shalt  }
0x50: {  	_ =	shalt  }
0x51: {  	_ =	shalt  }
0x52: {  	_ =	shalt  }
0x53: {  	_ =	shalt  }
0x54: {  	_ =	shalt  }
0x55: {  	_ =	shalt  }
0x56: {  	_ =	shalt  }
0x57: {  	_ =	shalt  }
0x58: {  	_ =	shalt  }
0x59: {  	_ =	shalt  }
0x5a: {  	_ =	shalt  }
0x5b: {  	_ =	shalt  }
0x5c: {  	_ =	shalt  }
0x5d: {  	_ =	shalt  }
0x5e: {  	_ =	shalt  }
0x5f: {  	_ =	shalt  }
0x60: {  	_ =	shalt  }
0x61: {  	_ =	shalt  }
0x62: {  	_ =	shalt  }
0x63: {  	_ =	shalt  }
0x64: {  	_ =	shalt  }
0x65: {  	_ =	shalt  }
0x66: {  	_ =	shalt  }
0x67: {  	_ =	shalt  }
0x68: {  	_ =	shalt  }
0x69: {  	_ =	shalt  }
0x6a: {  	_ =	shalt  }
0x6b: {  	_ =	shalt  }
0x6c: {  	_ =	shalt  }
0x6d: {  	_ =	shalt  }
0x6e: {  	_ =	shalt  }
0x6f: {  	_ =	shalt  }
0x70: {  	_ =	shalt  }
0x71: {  	_ =	shalt  }
0x72: {  	_ =	shalt  }
0x73: {  	_ =	shalt  }
0x74: {  	_ =	shalt  }
0x75: {  	_ =	shalt  }
0x76: {  	_ =	shalt  }
0x77: {  	_ =	shalt  }
0x78: {  	_ =	shalt  }
0x79: {  	_ =	shalt  }
0x7a: {  	_ =	shalt  }
0x7b: {  	_ =	shalt  }
0x7c: {  	_ =	shalt  }
0x7d: {  	_ =	shalt  }
0x7e: {  	_ =	shalt  }
0x7f: {  	_ =	shalt  }
0x80: {  	_ =	shalt  }
0x81: {  	_ =	shalt  }
0x82: {  	_ =	shalt  }
0x83: {  	_ =	shalt  }
0x84: {  	_ =	shalt  }
0x85: {  	_ =	shalt  }
0x86: {  	_ =	shalt  }
0x87: {  	_ =	shalt  }
.Lfunc_end0:
.L_simem_size_0:
called_computation_lowered:
.L_overlay_start_0:
0x88: {  	s2 =	sld [smem:$0x3FD9]  }
0x89: {  	s3 =	sld [smem:$0x3FFE];
	_ =	sdelay $0x1  }
0x8a: {  	s1 =	srdreg.scid  }
0x8b: {  	s0 =	sand.u32 $0x1, s1  }
0x8c: {  	s16 =	sshll.u32 s0, $0xA;
	s2 =	sadd.s32 s3, s2  }
0x8d: {  	s2 =	sadd.s32 s2, s16  }
0x8e: {  	[smem:$0x3FB3] =	sst s2  }
0x8f: {  	_ = 	snop  }
0x90: {  	(tm) =	ssettm $0x1  }
0x91: {  	s17 =	sld [smem:$0x3FFB];
	_ =	sdelay $0x3  }
0x92: {  	_ =	strace s17  }
0x93: {  	s2 =	sld [smem:$0x3FFC];
	_ =	sdelay $0x3  }
0x94: {  	_ =	strace s2  }
0x95: {  	s2 =	sld [smem:$0x3FFD];
	_ =	sdelay $0x3  }
0x96: {  	_ =	strace s2  }
0x97: {  	_ =	strace $0x8FFFFFFF  }
0x98: {  	s18 =	sld [smem:$0x3FDB];
	_ =	sdelay $0x1  }
0x99: {  	s19 =	simm.s32 $_scs_section_size  }
0x9a: {  	s4 =	simm.s32 $_size__tile_overlayer_lowered;
	s5 =	simm.s32 $_tile_overlayer_lowered  }
0x9b: {  	s22 =	simm.s32 $0x1BFF;
	s21 =	sshll.u32 s5, $0x1;
	s2 =	sadd.s32 s19, s18  }
0x9c: {  	s6 =	simm.s32 $0x0;
	s20 =	sshll.u32 s4, $0x1;
	s4 =	sadd.s32 s21, s2  }
0x9d: {  	[timem:s6], [sflag:s22] =	dma.local [hbm:s4], s20  }
0x9e: {  	_ =	swait.ge [sflag:s22], s20  }
0x9f: {  	s3 =	ssub.s32 $0x0, s20;
	[sflag:s22] =	ssyncset.done $0x0  }
0xa0: {  	[sflag:s22] =	ssyncadd.s32 s3;
	_ =	sdelay $0x1  }
0xa1: {  	s23 =	simm.s32 $0x1B8B  }
0xa2: {  	_ =	swait.ge [sflag:s23], $0x1  }
0xa3: {  	[sflag:s23] =	ssyncset.done $0x0  }
0xa4: {  	s25 =	simm.s32 $0x1B8E;
	s24 =	sld [smem:$0x3FFE];
	[sflag:s23] =	ssyncadd.s32 $0xFFFFFFFF  }
0xa5: {  	s26 =	simm.s32 $execute0_lowered;
	[smem:$0x3FD2] =	sst s25  }
0xa6: {  	s4 =	sshll.u32 s26, $0x1;
	_ =	strace $0x80000046;
	[dreg:$0x1] =	wrdreg $0xFFFFFFFF  }
0xa7: {  	s28 =	simm.s32 $_size_execute0_lowered;
	s2 =	sadd.s32 s2, s4;
	[dreg:$0x0] =	wrdreg $0x0  }
0xa8: {  	s4 =	sshll.u32 s28, $0x1;
	[dreg:$0x2] =	wrdreg s2  }
0xa9: {  	[dreg:$0x3] =	wrdreg s4  }
0xaa: {  	[dreg:$0x4] =	wrdreg $0xC0  }
0xab: {  	_ =	task [dreg:s6], $0x5FFFF  }
0xac: {  	[dreg:$0x1] =	wrdreg $0xFFFFFFFF  }
0xad: {  	[dreg:$0x0] =	wrdreg $0x60  }
0xae: {  	[dreg:$0x2] =	wrdreg s24  }
0xaf: {  	[dreg:$0x3] =	wrdreg $0xAA000  }
0xb0: {  	[dreg:$0x4] =	wrdreg $0x9  }
0xb1: {  	_ =	task.clear_ibuf [dreg:s6], $0x5FFFF;
	_ =	strace $0x90000046  }
0xb2: {  	s29 =	simm.s32 $0x9;
	_ =	strace $0x80000048  }
0xb3: {  	_ =	swait.ge [sflag:s29], $0x1  }
0xb4: {  	[sflag:s29] =	ssyncadd.s32 $0xFFFFFFFF  }
0xb5: {  	_ =	strace $0x90000048  }
0xb6: {  	_ =	sfence  }
0xb7: {  	s30 =	sld [smem:$0x0];
	_ =	sdelay $0x2  }
0xb8: {  	s31 =	sshll.u32 s1, $0xD;
	s1 =	sshrl.u32 s1, $0x2  }
0xb9: {  	s3 =	sand.u32 $0x4000, s31;
	s1 =	sadd.s32 s1, s30  }
0xba: {  	s0 =	sor.u32 s3, s0;
	s1 =	sshll.u32 s1, $0x11  }
0xbb: {  	s0 =	sor.u32 s1, s0  }
0xbc: {  	s0 =	sadd.s32 $0x8F2B, s0  }
0xbd: {  	[sflag:s0] =	ssyncadd.remote.s32 $0x1  }
0xbe: {  	_ =	sfence.sel $0xFFFF  }
0xbf: {  	[dreg:$0x0] =	wrdreg $0xFFFFFFFF;
	(pc) =	sbr.abs _section_cstart, $3  }
0xc0: {  	[dreg:$0x1] =	wrdreg $0xFFFFFFFF  }
0xc1: {  	_ =	task.clear_ibuf [dreg:s6], $0x2FFFF;
	_ =	strace $0x9FFFFFFF  }
0xc2: {  	(tm) =	ssettm $0x7FFFFFFF  }
0xc3: {  	_ =	shalt  }
tec
execute0_lowered:
.L_overlay_start_1:
0x0: {  	(tag) =	ssettag $0x1  }
0x1: {  	s0 =	rddreg [dreg:$0x0]  }
0x2: {  	s2 =	rddreg [dreg:$0x1];
	s3 =	simm.s32 $0x0;
	s13 =	stileid.u32  }
0x3: {  	s1 =	srdreg.scid;
	s29 =	simm.s32 $0x1;
	s30 =	simm.s32 $0x5  }
0x4: {  	s31 =	simm.s32 $0x50;
	[smem:$0x7FF] =	sst s3;
	s5 =	smul.u32 $0x2800, s13  }
0x5: {  	s1 =	sand.u32 $0x1, s1;
	s4 =	sadd.s32 $0x41800, s0;
	s7 =	sadd.s32 $0x22400, s0  }
0x6: {  	s8 =	sadd.s32 $0x3000, s0;
	s25 =	sshll.u32 s13, $0x1;
	s10 =	smul.u32 $0x50000, s13  }
0x7: {  	s14 =	sshll.u32 s13, $0x6;
	s15 =	smul.u32 $0xFA, s13;
	_ =	strace $0x80000047  }
0x8: {  	s6 =	smul.u32 $0x28000, s1;
	s26 =	ssub.s32 $0x2, s1;
	s19 =	sor.u32 $0x1C11, s14  }
0x9: {  	s9 =	sadd.s32 s5, s0;
	s11 =	sshrl.u32 s26, $0x1;
	s10 =	sshrl.u32 s10, $0x2  }
0xa: {  	[dreg:$0xd] =	wrdreg s19;
	s5 =	sadd.s32 s5, s6;
	s6 =	sor.u32 s1, s25  }
0xb: {  	s10 =	sadd.s32 s10, s2;
	s9 =	sadd.s32 $0x49800, s9;
	s1 =	smul.u32 $0x7D, s1  }
0xc: {  	s0 =	sadd.s32 s5, s0;
	s12 =	smul.u32 $0xFA0, s6;
	[dreg:$0xb] =	wrdreg s10  }
0xd: {  	s5 =	ssub.s32 s26, s11;
	s11 =	smul.u32 $0x7D00, s6;
	[dreg:$0xc] =	wrdreg s9  }
0xe: {  	s1 =	sadd.s32 s1, s15;
	s0 =	sadd.s32 $0x71800, s0;
	s5 =	smax.u32 s5, $0x1  }
0xf: {  	s9 =	sshrl.u32 s11, $0x3;
	s16 =	sadd.s32 s7, s12;
	s17 =	sadd.s32 s8, s12  }
0x10: {  	s1 =	sshll.u32 s1, $0x5;
	s12 =	sshll.u32 s6, $0x6;
	[dreg:$0x18] =	wrdreg s0  }
0x11: {  	[dreg:$0x19] =	wrdreg s5;
	s5 =	simm.s32 $0x2;
	s6 =	simm.s32 $0x6  }
0x12: {  	s11 =	simm.s32 $0x7;
	s0 =	simm.s32 $0x10;
	[dreg:$0xe] =	wrdreg s16  }
0x13: {  	[dreg:$0xf] =	wrdreg s17;
	s18 =	sadd.s32 $0x20, s9;
	s21 =	sadd.s32 $0x40, s9  }
0x14: {  	s24 =	sadd.s32 $0x60, s9;
	s25 =	sadd.s32 $0xE0, s1;
	s20 =	sadd.s32 s7, s18  }
0x15: {  	s15 =	sadd.s32 $0xC0, s1;
	s10 =	sadd.s32 s8, s18;
	[dreg:$0x10] =	wrdreg s20  }
0x16: {  	s9 =	sadd.s32 $0xF80, s9;
	s22 =	sadd.s32 s7, s21;
	[dreg:$0x11] =	wrdreg s10  }
0x17: {  	s28 =	sor.u32 $0x20, s12;
	s23 =	sadd.s32 s8, s21;
	[dreg:$0x12] =	wrdreg s22  }
0x18: {  	s26 =	sadd.s32 s7, s24;
	s13 =	sadd.s32 s25, s7;
	[dreg:$0x13] =	wrdreg s23  }
0x19: {  	s14 =	sadd.s32 s25, s8;
	s16 =	sadd.s32 s15, s7;
	[dreg:$0x14] =	wrdreg s26  }
0x1a: {  	s17 =	sadd.s32 s15, s8;
	s18 =	sadd.s32 $0xA0, s1;
	[dreg:$0x3] =	wrdreg s13  }
0x1b: {  	s15 =	simm.s32 $0x8;
	v2 =	vmov s28;
	s28 =	simm.s32 $0xF;
	[dreg:$0x4] =	wrdreg s14  }
0x1c: {  	s10 =	sadd.s32 s8, s24;
	[dreg:$0x5] =	wrdreg s16;
	s16 =	sor.u32 $0x10, s12  }
0x1d: {  	[dreg:$0x6] =	wrdreg s17;
	s20 =	sadd.s32 s18, s7;
	s21 =	sadd.s32 s18, s8  }
0x1e: {  	s22 =	sadd.s32 s7, s9;
	s23 =	sadd.s32 s8, s9;
	s24 =	sadd.s32 s1, s7  }
0x1f: {  	s1 =	sadd.s32 s1, s8;
	s8 =	sor.u32 $0x30, s12;
	[dreg:$0x15] =	wrdreg s10  }
0x20: {  	s13 =	simm.s32 $0x5A00;
	s14 =	simm.s32 $0x4;
	[dreg:$0x7] =	wrdreg s20  }
0x21: {  	s17 =	simm.s32 $0x8200;
	s18 =	simm.s32 $0x9;
	[dreg:$0x8] =	wrdreg s21  }
0x22: {  	s9 =	simm.s32 $0x80;
	s7 =	simm.s32 $0xA;
	[dreg:$0x16] =	wrdreg s22  }
0x23: {  	v0 =	vmov s12;
	s12 =	simm.s32 $0x0;
	[dreg:$0x17] =	wrdreg s23;
	s25 =	sadd.s32 $0x80, s24  }
0x24: {  	s26 =	sadd.s32 $0x80, s1;
	s20 =	simm.s32 $0x11;
	s22 =	simm.s32 $0x400  }
0x25: {  	s1 =	simm.s32 $0x800;
	s10 =	simm.s32 $0x3;
	s21 =	simm.s32 $0xB  }
0x26: {  	s24 =	simm.s32 $0x280;
	s23 =	simm.s32 $0xC;
	[dreg:$0x9] =	wrdreg s25  }
0x27: {  	v1 =	vmov s16;
	v3 =	vmov s8;
	[dreg:$0xa] =	wrdreg s26;
	s25 =	simm.s32 $0xD;
	s26 =	simm.s32 $0xE  }
.LBB2_1:
0x28: {  	[dreg:$0x1a] =	wrdreg s12  }
0x29: {  	s8 =	rddreg [dreg:$0xb]  }
0x2a: {  	s16 =	rddreg [dreg:$0xc];
	s8 =	sshrl.u32 s8, $0x3  }
0x2b: {  	[dreg:$0x1b] =	wrdreg s8  }
0x2c: {  	[spmem:s8], [sflag:s19] =	dma.local [hbm:s16], $0x2800  }
0x2d: {  	_ =	swait.ge [sflag:s20], $0x2800  }
0x2e: {  	[sflag:s20] =	ssyncset.done $0x0  }
0x2f: {  	[sflag:s20] =	ssyncadd.s32 $0xFFFFD800  }
0x30: {  	[bflag:$0x0] =	sbarrier.arrive $0xFFFF  }
0x31: {  	s12 =	rddreg [dreg:$0xe]  }
0x32: {  	[tilespmem:s3], [sflag:$0x1] =	stream.linear.gather [hbm4b:s12+s3], $0x100, $0x38;
	[tilespmem:$0x1EA00] =	vst v63  }
0x33: {  	s16 =	rddreg [dreg:$0xf]  }
0x34: {  	[tilespmem:s22], [sflag:$0x5] =	stream.linear.gather [hbm4b:s16+s3], $0x100, $0x38;
	[tilespmem:$0x1EA00] =	vst v63  }
0x35: {  	s20 =	simm.s32 $0x100;
	s19 =	rddreg [dreg:$0x10]  }
0x36: {  	[tilespmem:s20], [sflag:$0x2] =	stream.linear.gather [hbm4b:s19+s3], $0x100, $0x38;
	[tilespmem:$0x1EA00] =	vst v63  }
0x37: {  	s12 =	rddreg [dreg:$0x11];
	s16 =	simm.s32 $0x500  }
0x38: {  	[tilespmem:s16], [sflag:$0x6] =	stream.linear.gather [hbm4b:s12+s3], $0x100, $0x38;
	[tilespmem:$0x1EA00] =	vst v63  }
0x39: {  	s19 =	rddreg [dreg:$0x12];
	s20 =	simm.s32 $0x200  }
0x3a: {  	[tilespmem:s20], [sflag:$0x3] =	stream.linear.gather [hbm4b:s19+s3], $0x100, $0x38;
	[tilespmem:$0x1EA00] =	vst v63  }
0x3b: {  	s12 =	rddreg [dreg:$0x13];
	s16 =	simm.s32 $0x600  }
0x3c: {  	[tilespmem:s16], [sflag:$0x7] =	stream.linear.gather [hbm4b:s12+s3], $0x100, $0x38;
	[tilespmem:$0x1EA00] =	vst v63  }
0x3d: {  	s19 =	rddreg [dreg:$0x14];
	s20 =	simm.s32 $0x300  }
0x3e: {  	[tilespmem:s20], [sflag:$0x4] =	stream.linear.gather [hbm4b:s19+s3], $0x100, $0x38;
	[tilespmem:$0x1EA00] =	vst v63  }
0x3f: {  	s12 =	rddreg [dreg:$0x15];
	s16 =	simm.s32 $0x700  }
0x40: {  	[tilespmem:s16], [sflag:$0x8] =	stream.linear.gather [hbm4b:s12+s3], $0x100, $0x38;
	[tilespmem:$0x1EA00] =	vst v63  }
0x41: {  	_ =	swait.ge [sflag:s29], $0x100  }
0x42: {  	[sflag:s29] =	ssyncset.done $0x0  }
0x43: {  	[sflag:s29] =	ssyncadd.s32 $0xFFFFFF00  }
0x44: {  	_ =	swait.ge [sflag:s30], $0x100  }
0x45: {  	[sflag:s30] =	ssyncset.done $0x0  }
0x46: {  	[sflag:s30] =	ssyncadd.s32 $0xFFFFFF00  }
0x47: {  	v4 =	vld [tilespmem:$0x4A0]  }
0x48: {  	v5 =	vld [tilespmem:$0x420]  }
0x49: {  	v6 =	vld [tilespmem:$0x490]  }
0x4a: {  	v7 =	vld [tilespmem:$0x410]  }
0x4b: {  	v8 =	vld [tilespmem:$0x4B0]  }
0x4c: {  	v9 =	vld [tilespmem:$0x4C0]  }
0x4d: {  	v11 =	vld [tilespmem:$0x430]  }
0x4e: {  	v10 =	vld [tilespmem:$0x440]  }
0x4f: {  	v12 =	vld [tilespmem:$0x400]  }
0x50: {  	v13 =	vld [tilespmem:$0x480];
	v5 =	vmul.u32 $0x3, v5  }
0x51: {  	v4 =	vadd.s32 v0, v4;
	v7 =	vmul.u32 $0x3, v7  }
0x52: {  	v6 =	vadd.s32 v0, v6;
	v23 =	vmul.u32 $0x3, v11;
	v4 =	vadd.s32 v5, v4  }
0x53: {  	v8 =	vadd.s32 v0, v8;
	v5 =	vmul.u32 $0x3, v10;
	[tilespmem:$0x820] =	vst v4;
	v4 =	vadd.s32 v7, v6  }
0x54: {  	v24 =	vadd.s32 v0, v9;
	v6 =	vadd.s32 v23, v8;
	[tilespmem:$0x810] =	vst v4;
	v4 =	vmul.u32 $0x3, v12  }
0x55: {  	v25 =	vadd.s32 v0, v13;
	v5 =	vadd.s32 v5, v24;
	[tilespmem:$0x830] =	vst v6  }
0x56: {  	[tilespmem:$0x840] =	vst v5;
	v4 =	vadd.s32 v4, v25  }
0x57: {  	s8 =	simm.s32 $0xA00;
	[tilespmem:$0x800] =	vst v4  }
0x58: {  	[tilespmem:s8], [sflag:$0x9] =	stream.indirect.gather [hbm4b:s4+s31], $0x80, s1, s31, $0xb8;
	[tilespmem:$0x1EA00] =	vst v63  }
0x59: {  	_ =	swait.ge [sflag:s5], $0x100  }
0x5a: {  	[sflag:s5] =	ssyncset.done $0x0  }
0x5b: {  	[sflag:s5] =	ssyncadd.s32 $0xFFFFFF00  }
0x5c: {  	_ =	swait.ge [sflag:s6], $0x100  }
0x5d: {  	[sflag:s6] =	ssyncset.done $0x0  }
0x5e: {  	[sflag:s6] =	ssyncadd.s32 $0xFFFFFF00  }
0x5f: {  	v4 =	vld [tilespmem:$0x5B0]  }
0x60: {  	v5 =	vld [tilespmem:$0x500]  }
0x61: {  	v26 =	vld [tilespmem:$0x580]  }
0x62: {  	v27 =	vld [tilespmem:$0x530]  }
0x63: {  	v28 =	vld [tilespmem:$0x590]  }
0x64: {  	v29 =	vld [tilespmem:$0x510]  }
0x65: {  	v30 =	vld [tilespmem:$0x520]  }
0x66: {  	v31 =	vld [tilespmem:$0x5A0]  }
0x67: {  	v32 =	vld [tilespmem:$0x540]  }
0x68: {  	v33 =	vld [tilespmem:$0x5C0];
	v5 =	vmul.u32 $0x3, v5  }
0x69: {  	v6 =	vadd.s32 v1, v26;
	v9 =	vmul.u32 $0x3, v29  }
0x6a: {  	v34 =	vadd.s32 v1, v28;
	v35 =	vmul.u32 $0x3, v30;
	v5 =	vadd.s32 v5, v6  }
0x6b: {  	v36 =	vadd.s32 v1, v31;
	v6 =	vadd.s32 v9, v34;
	[tilespmem:$0x880] =	vst v5;
	v5 =	vmul.u32 $0x3, v27  }
0x6c: {  	v4 =	vadd.s32 v1, v4;
	v38 =	vmul.u32 $0x3, v32;
	v37 =	vadd.s32 v35, v36;
	[tilespmem:$0x890] =	vst v6  }
0x6d: {  	v39 =	vadd.s32 v1, v33;
	[tilespmem:$0x8A0] =	vst v37;
	v4 =	vadd.s32 v5, v4  }
0x6e: {  	[tilespmem:$0x8B0] =	vst v4;
	v4 =	vadd.s32 v38, v39  }
0x6f: {  	s19 =	simm.s32 $0x880;
	s16 =	simm.s32 $0x3200;
	[tilespmem:$0x8C0] =	vst v4  }
0x70: {  	[tilespmem:s16], [sflag:$0xA] =	stream.indirect.gather [hbm4b:s4+s31], $0x80, s19, s31, $0xb8;
	[tilespmem:$0x1EA00] =	vst v63  }
0x71: {  	_ =	swait.ge [sflag:s10], $0x100  }
0x72: {  	[sflag:s10] =	ssyncset.done $0x0  }
0x73: {  	[sflag:s10] =	ssyncadd.s32 $0xFFFFFF00  }
0x74: {  	_ =	swait.ge [sflag:s11], $0x100  }
0x75: {  	[sflag:s11] =	ssyncset.done $0x0  }
0x76: {  	[sflag:s11] =	ssyncadd.s32 $0xFFFFFF00  }
0x77: {  	v4 =	vld [tilespmem:$0x6C0]  }
0x78: {  	v5 =	vld [tilespmem:$0x680]  }
0x79: {  	v40 =	vld [tilespmem:$0x6B0]  }
0x7a: {  	v41 =	vld [tilespmem:$0x640]  }
0x7b: {  	v42 =	vld [tilespmem:$0x600]  }
0x7c: {  	v43 =	vld [tilespmem:$0x6A0]  }
0x7d: {  	v44 =	vld [tilespmem:$0x630]  }
0x7e: {  	v45 =	vld [tilespmem:$0x620]  }
0x7f: {  	v46 =	vld [tilespmem:$0x610]  }
0x80: {  	v47 =	vld [tilespmem:$0x690];
	v7 =	vmul.u32 $0x3, v41  }
0x81: {  	v4 =	vadd.s32 v2, v4;
	v8 =	vmul.u32 $0x3, v42  }
0x82: {  	v5 =	vadd.s32 v2, v5;
	v48 =	vmul.u32 $0x3, v44;
	v4 =	vadd.s32 v7, v4  }
0x83: {  	v6 =	vadd.s32 v2, v40;
	v5 =	vadd.s32 v8, v5;
	[tilespmem:$0x940] =	vst v4;
	v4 =	vmul.u32 $0x3, v45  }
0x84: {  	v49 =	vmul.u32 $0x3, v46;
	v6 =	vadd.s32 v48, v6;
	[tilespmem:$0x900] =	vst v5;
	v5 =	vadd.s32 v2, v43  }
0x85: {  	v50 =	vadd.s32 v2, v47;
	[tilespmem:$0x930] =	vst v6;
	v4 =	vadd.s32 v4, v5  }
0x86: {  	v5 =	vadd.s32 v49, v50;
	[tilespmem:$0x920] =	vst v4  }
0x87: {  	s20 =	simm.s32 $0x900;
	[tilespmem:$0x910] =	vst v5  }
0x88: {  	[tilespmem:s13], [sflag:$0xB] =	stream.indirect.gather [hbm4b:s4+s31], $0x80, s20, s31, $0xb8;
	[tilespmem:$0x1EA00] =	vst v63  }
0x89: {  	_ =	swait.ge [sflag:s14], $0x100  }
0x8a: {  	[sflag:s14] =	ssyncset.done $0x0  }
0x8b: {  	[sflag:s14] =	ssyncadd.s32 $0xFFFFFF00  }
0x8c: {  	_ =	swait.ge [sflag:s15], $0x100  }
0x8d: {  	[sflag:s15] =	ssyncset.done $0x0  }
0x8e: {  	[sflag:s15] =	ssyncadd.s32 $0xFFFFFF00  }
0x8f: {  	v4 =	vld [tilespmem:$0x700]  }
0x90: {  	v5 =	vld [tilespmem:$0x780]  }
0x91: {  	v51 =	vld [tilespmem:$0x7C0]  }
0x92: {  	v52 =	vld [tilespmem:$0x7B0]  }
0x93: {  	v53 =	vld [tilespmem:$0x740]  }
0x94: {  	v56 =	vld [tilespmem:$0x720]  }
0x95: {  	v57 =	vld [tilespmem:$0x7A0]  }
0x96: {  	v55 =	vld [tilespmem:$0x730]  }
0x97: {  	v54 =	vld [tilespmem:$0x710]  }
0x98: {  	v58 =	vld [tilespmem:$0x790];
	v4 =	vmul.u32 $0x3, v4  }
0x99: {  	v5 =	vadd.s32 v3, v5;
	v60 =	vmul.u32 $0x3, v56  }
0x9a: {  	v8 =	vmul.u32 $0x3, v53;
	v62 =	vadd.s32 v3, v57;
	v4 =	vadd.s32 v4, v5  }
0x9b: {  	v59 =	vmul.u32 $0x3, v55;
	v5 =	vadd.s32 v3, v51;
	v63 =	vadd.s32 v60, v62;
	[tilespmem:$0x980] =	vst v4  }
0x9c: {  	v61 =	vmul.u32 $0x3, v54;
	v4 =	vadd.s32 v8, v5;
	v5 =	vadd.s32 v3, v52;
	[tilespmem:$0x9A0] =	vst v63  }
0x9d: {  	[tilespmem:$0x9C0] =	vst v4;
	v4 =	vadd.s32 v59, v5;
	v5 =	vadd.s32 v3, v58  }
0x9e: {  	[tilespmem:$0x9B0] =	vst v4;
	v4 =	vadd.s32 v61, v5  }
0x9f: {  	s19 =	simm.s32 $0x980;
	[tilespmem:$0x990] =	vst v4  }
0xa0: {  	[tilespmem:s17], [sflag:$0xC] =	stream.indirect.gather [hbm4b:s4+s31], $0x80, s19, s31, $0xb8;
	[tilespmem:$0x1EA00] =	vst v63  }
0xa1: {  	_ =	swait.ge [sflag:s18], $0x2800  }
0xa2: {  	[sflag:s18] =	ssyncset.done $0x0  }
0xa3: {  	[sflag:s18] =	ssyncadd.s32 $0xFFFFD800  }
0xa4: {  	[spmem:s2] =	stream.indirect.scatter.add.f32 [tilespmem:s8], [sflag:$0xD], $0x80, s9, s31, $0xb8;
	[tilespmem:$0x1EA00] =	vst v63  }
0xa5: {  	_ =	swait.ge [sflag:s7], $0x2800  }
0xa6: {  	[sflag:s7] =	ssyncset.done $0x0  }
0xa7: {  	s20 =	simm.s32 $0x180;
	[sflag:s7] =	ssyncadd.s32 $0xFFFFD800  }
0xa8: {  	[spmem:s2] =	stream.indirect.scatter.add.f32 [tilespmem:s16], [sflag:$0xE], $0x80, s20, s31, $0xb8;
	[tilespmem:$0x1EA00] =	vst v63  }
0xa9: {  	_ =	swait.ge [sflag:s21], $0x2800  }
0xaa: {  	[sflag:s21] =	ssyncset.done $0x0  }
0xab: {  	s12 =	simm.s32 $0x80;
	s8 =	simm.s32 $0x0;
	[sflag:s21] =	ssyncadd.s32 $0xFFFFD800  }
.LBB2_2:
0xac: {  	s17 =	simm.s32 $0x5A00  }
0xad: {  	[spmem:s2] =	stream.indirect.scatter.add.f32 [tilespmem:s17], [sflag:$0xF], $0x80, s24, s31, $0xb8;
	[tilespmem:$0x1EA00] =	vst v63  }
0xae: {  	_ =	swait.ge [sflag:s23], $0x2800  }
0xaf: {  	[sflag:s23] =	ssyncset.done $0x0  }
0xb0: {  	s13 =	simm.s32 $0x8200;
	s19 =	simm.s32 $0x380;
	[sflag:s23] =	ssyncadd.s32 $0xFFFFD800  }
0xb1: {  	[spmem:s2] =	stream.indirect.scatter.add.f32 [tilespmem:s13], [sflag:$0x10], $0x80, s19, s31, $0xb8;
	[tilespmem:$0x1EA00] =	vst v63  }
0xb2: {  	_ =	swait.ge [sflag:s25], $0x2800  }
0xb3: {  	s24 =	rddreg [dreg:$0x9];
	[sflag:s25] =	ssyncset.done $0x0  }
0xb4: {  	s20 =	rddreg [dreg:$0xa];
	[sflag:s25] =	ssyncadd.s32 $0xFFFFD800;
	s19 =	sadd.s32 s8, s24  }
0xb5: {  	[tilespmem:s3], [sflag:$0x1] =	stream.linear.gather [hbm4b:s19+s3], $0x100, $0x38;
	[tilespmem:$0x1EA00] =	vst v63  }
0xb6: {  	s20 =	sadd.s32 s8, s20  }
0xb7: {  	[tilespmem:s22], [sflag:$0x5] =	stream.linear.gather [hbm4b:s20+s3], $0x100, $0x38;
	[tilespmem:$0x1EA00] =	vst v63  }
0xb8: {  	_ =	swait.ge [sflag:s26], $0x2800  }
0xb9: {  	s24 =	rddreg [dreg:$0x7]  }
0xba: {  	[sflag:s26] =	ssyncset.done $0x0;
	s20 =	rddreg [dreg:$0x8]  }
0xbb: {  	[sflag:s26] =	ssyncadd.s32 $0xFFFFD800;
	s19 =	sadd.s32 s8, s24;
	s24 =	simm.s32 $0x100  }
0xbc: {  	[tilespmem:s24], [sflag:$0x2] =	stream.linear.gather [hbm4b:s19+s3], $0x100, $0x38;
	[tilespmem:$0x1EA00] =	vst v63  }
0xbd: {  	s20 =	sadd.s32 s8, s20;
	s24 =	simm.s32 $0x500  }
0xbe: {  	[tilespmem:s24], [sflag:$0x6] =	stream.linear.gather [hbm4b:s20+s3], $0x100, $0x38;
	[tilespmem:$0x1EA00] =	vst v63  }
0xbf: {  	_ =	swait.ge [sflag:s28], $0x2800  }
0xc0: {  	s24 =	rddreg [dreg:$0x5]  }
0xc1: {  	[sflag:s28] =	ssyncset.done $0x0;
	s20 =	rddreg [dreg:$0x6]  }
0xc2: {  	[sflag:s28] =	ssyncadd.s32 $0xFFFFD800;
	s19 =	sadd.s32 s8, s24;
	s24 =	simm.s32 $0x200  }
0xc3: {  	[tilespmem:s24], [sflag:$0x3] =	stream.linear.gather [hbm4b:s19+s3], $0x100, $0x38;
	[tilespmem:$0x1EA00] =	vst v63  }
0xc4: {  	s20 =	sadd.s32 s8, s20;
	s24 =	simm.s32 $0x600  }
0xc5: {  	[tilespmem:s24], [sflag:$0x7] =	stream.linear.gather [hbm4b:s20+s3], $0x100, $0x38;
	[tilespmem:$0x1EA00] =	vst v63  }
0xc6: {  	_ =	swait.ge [sflag:s0], $0x2800  }
0xc7: {  	s24 =	rddreg [dreg:$0x3]  }
0xc8: {  	[sflag:s0] =	ssyncset.done $0x0;
	s20 =	rddreg [dreg:$0x4]  }
0xc9: {  	[sflag:s0] =	ssyncadd.s32 $0xFFFFD800;
	s19 =	sadd.s32 s8, s24;
	s24 =	simm.s32 $0x300  }
0xca: {  	[tilespmem:s24], [sflag:$0x4] =	stream.linear.gather [hbm4b:s19+s3], $0x100, $0x38;
	[tilespmem:$0x1EA00] =	vst v63  }
0xcb: {  	s19 =	sadd.s32 s8, s20;
	s20 =	simm.s32 $0x700  }
0xcc: {  	[tilespmem:s20], [sflag:$0x8] =	stream.linear.gather [hbm4b:s19+s3], $0x100, $0x38;
	[tilespmem:$0x1EA00] =	vst v63  }
0xcd: {  	_ =	swait.ge [sflag:s29], $0x100  }
0xce: {  	[sflag:s29] =	ssyncset.done $0x0  }
0xcf: {  	[sflag:s29] =	ssyncadd.s32 $0xFFFFFF00  }
0xd0: {  	_ =	swait.ge [sflag:s30], $0x100  }
0xd1: {  	[sflag:s30] =	ssyncset.done $0x0  }
0xd2: {  	[sflag:s30] =	ssyncadd.s32 $0xFFFFFF00  }
0xd3: {  	v4 =	vld [tilespmem:$0x4A0]  }
0xd4: {  	v6 =	vld [tilespmem:$0x420]  }
0xd5: {  	v7 =	vld [tilespmem:$0x490]  }
0xd6: {  	v8 =	vld [tilespmem:$0x410]  }
0xd7: {  	v9 =	vld [tilespmem:$0x4B0]  }
0xd8: {  	v10 =	vld [tilespmem:$0x4C0]  }
0xd9: {  	v12 =	vld [tilespmem:$0x430]  }
0xda: {  	v11 =	vld [tilespmem:$0x440]  }
0xdb: {  	v13 =	vld [tilespmem:$0x400];
	v6 =	vmul.u32 $0x3, v6  }
0xdc: {  	v5 =	vld [tilespmem:$0x480];
	v4 =	vadd.s32 v0, v4;
	v8 =	vmul.u32 $0x3, v8  }
0xdd: {  	v7 =	vadd.s32 v0, v7;
	v4 =	vadd.s32 v6, v4  }
0xde: {  	v33 =	vmul.u32 $0x3, v12;
	[tilespmem:$0x820] =	vst v4;
	v4 =	vadd.s32 v8, v7  }
0xdf: {  	v9 =	vadd.s32 v0, v9;
	[tilespmem:$0x810] =	vst v4;
	v4 =	vmul.u32 $0x3, v11  }
0xe0: {  	v34 =	vadd.s32 v0, v10;
	v35 =	vmul.u32 $0x3, v13;
	v6 =	vadd.s32 v33, v9  }
0xe1: {  	v5 =	vadd.s32 v0, v5;
	[tilespmem:$0x830] =	vst v6;
	v4 =	vadd.s32 v4, v34  }
0xe2: {  	s16 =	smov.u32 s12;
	[tilespmem:$0x840] =	vst v4;
	v4 =	vadd.s32 v35, v5  }
0xe3: {  	s8 =	smov.u32 s16;
	s16 =	simm.s32 $0xA00;
	[tilespmem:$0x800] =	vst v4  }
0xe4: {  	[tilespmem:s16], [sflag:$0x9] =	stream.indirect.gather [hbm4b:s4+s31], $0x80, s1, s31, $0xb8;
	[tilespmem:$0x1EA00] =	vst v63  }
0xe5: {  	_ =	swait.ge [sflag:s5], $0x100  }
0xe6: {  	[sflag:s5] =	ssyncset.done $0x0  }
0xe7: {  	[sflag:s5] =	ssyncadd.s32 $0xFFFFFF00  }
0xe8: {  	_ =	swait.ge [sflag:s6], $0x100  }
0xe9: {  	[sflag:s6] =	ssyncset.done $0x0  }
0xea: {  	[sflag:s6] =	ssyncadd.s32 $0xFFFFFF00  }
0xeb: {  	v4 =	vld [tilespmem:$0x5B0]  }
0xec: {  	v5 =	vld [tilespmem:$0x500]  }
0xed: {  	v36 =	vld [tilespmem:$0x580]  }
0xee: {  	v38 =	vld [tilespmem:$0x530]  }
0xef: {  	v39 =	vld [tilespmem:$0x590]  }
0xf0: {  	v40 =	vld [tilespmem:$0x510]  }
0xf1: {  	v41 =	vld [tilespmem:$0x520]  }
0xf2: {  	v42 =	vld [tilespmem:$0x5A0]  }
0xf3: {  	v43 =	vld [tilespmem:$0x540];
	v5 =	vmul.u32 $0x3, v5  }
0xf4: {  	v37 =	vld [tilespmem:$0x5C0];
	v6 =	vadd.s32 v1, v36  }
0xf5: {  	v10 =	vmul.u32 $0x3, v40;
	v5 =	vadd.s32 v5, v6  }
0xf6: {  	v9 =	vadd.s32 v1, v39;
	v11 =	vmul.u32 $0x3, v41;
	[tilespmem:$0x880] =	vst v5;
	v5 =	vmul.u32 $0x3, v38  }
0xf7: {  	v4 =	vadd.s32 v1, v4;
	v9 =	vadd.s32 v10, v9;
	v6 =	vadd.s32 v1, v42  }
0xf8: {  	v44 =	vmul.u32 $0x3, v43;
	[tilespmem:$0x890] =	vst v9;
	v4 =	vadd.s32 v5, v4;
	v5 =	vadd.s32 v11, v6  }
0xf9: {  	v7 =	vadd.s32 v1, v37;
	[tilespmem:$0x8A0] =	vst v5  }
0xfa: {  	[tilespmem:$0x8B0] =	vst v4;
	v4 =	vadd.s32 v44, v7  }
0xfb: {  	s19 =	simm.s32 $0x880;
	s20 =	simm.s32 $0x3200;
	[tilespmem:$0x8C0] =	vst v4  }
0xfc: {  	[tilespmem:s20], [sflag:$0xA] =	stream.indirect.gather [hbm4b:s4+s31], $0x80, s19, s31, $0xb8;
	[tilespmem:$0x1EA00] =	vst v63  }
0xfd: {  	_ =	swait.ge [sflag:s10], $0x100  }
0xfe: {  	[sflag:s10] =	ssyncset.done $0x0  }
0xff: {  	[sflag:s10] =	ssyncadd.s32 $0xFFFFFF00  }
0x100: {  	_ =	swait.ge [sflag:s11], $0x100  }
0x101: {  	[sflag:s11] =	ssyncset.done $0x0  }
0x102: {  	[sflag:s11] =	ssyncadd.s32 $0xFFFFFF00  }
0x103: {  	v4 =	vld [tilespmem:$0x6C0]  }
0x104: {  	v5 =	vld [tilespmem:$0x680]  }
0x105: {  	v45 =	vld [tilespmem:$0x6B0]  }
0x106: {  	v46 =	vld [tilespmem:$0x640]  }
0x107: {  	v47 =	vld [tilespmem:$0x600]  }
0x108: {  	v48 =	vld [tilespmem:$0x6A0]  }
0x109: {  	v49 =	vld [tilespmem:$0x630]  }
0x10a: {  	v50 =	vld [tilespmem:$0x620]  }
0x10b: {  	v51 =	vld [tilespmem:$0x610]  }
0x10c: {  	v52 =	vld [tilespmem:$0x690];
	v7 =	vmul.u32 $0x3, v46  }
0x10d: {  	v4 =	vadd.s32 v2, v4;
	v8 =	vmul.u32 $0x3, v47  }
0x10e: {  	v5 =	vadd.s32 v2, v5;
	v53 =	vmul.u32 $0x3, v49;
	v4 =	vadd.s32 v7, v4  }
0x10f: {  	v6 =	vadd.s32 v2, v45;
	v5 =	vadd.s32 v8, v5;
	[tilespmem:$0x940] =	vst v4;
	v4 =	vmul.u32 $0x3, v50  }
0x110: {  	v54 =	vmul.u32 $0x3, v51;
	v6 =	vadd.s32 v53, v6;
	[tilespmem:$0x900] =	vst v5;
	v5 =	vadd.s32 v2, v48  }
0x111: {  	v55 =	vadd.s32 v2, v52;
	[tilespmem:$0x930] =	vst v6;
	v4 =	vadd.s32 v4, v5  }
0x112: {  	v5 =	vadd.s32 v54, v55;
	[tilespmem:$0x920] =	vst v4  }
0x113: {  	s19 =	simm.s32 $0x900;
	[tilespmem:$0x910] =	vst v5  }
0x114: {  	[tilespmem:s17], [sflag:$0xB] =	stream.indirect.gather [hbm4b:s4+s31], $0x80, s19, s31, $0xb8;
	[tilespmem:$0x1EA00] =	vst v63  }
0x115: {  	_ =	swait.ge [sflag:s14], $0x100  }
0x116: {  	[sflag:s14] =	ssyncset.done $0x0  }
0x117: {  	[sflag:s14] =	ssyncadd.s32 $0xFFFFFF00  }
0x118: {  	_ =	swait.ge [sflag:s15], $0x100  }
0x119: {  	[sflag:s15] =	ssyncset.done $0x0  }
0x11a: {  	[sflag:s15] =	ssyncadd.s32 $0xFFFFFF00  }
0x11b: {  	v4 =	vld [tilespmem:$0x700]  }
0x11c: {  	v5 =	vld [tilespmem:$0x780]  }
0x11d: {  	v56 =	vld [tilespmem:$0x7C0]  }
0x11e: {  	v57 =	vld [tilespmem:$0x7B0]  }
0x11f: {  	v58 =	vld [tilespmem:$0x740]  }
0x120: {  	v59 =	vld [tilespmem:$0x710];
	v4 =	vmul.u32 $0x3, v4  }
0x121: {  	v61 =	vld [tilespmem:$0x790];
	v5 =	vadd.s32 v3, v5  }
0x122: {  	v4 =	vadd.s32 v4, v5;
	v5 =	vld [tilespmem:$0x730]  }
0x123: {  	[tilespmem:$0x980] =	vst v4;
	v4 =	vld [tilespmem:$0x720]  }
0x124: {  	v60 =	vld [tilespmem:$0x7A0]  }
0x125: {  	v8 =	vmul.u32 $0x3, v58  }
0x126: {  	v9 =	vmul.u32 $0x3, v59;
	v6 =	vadd.s32 v3, v56  }
0x127: {  	v63 =	vadd.s32 v3, v61;
	v6 =	vadd.s32 v8, v6;
	v5 =	vmul.u32 $0x3, v5  }
0x128: {  	v7 =	vadd.s32 v3, v57;
	[tilespmem:$0x9C0] =	vst v6;
	v6 =	vadd.s32 v9, v63;
	v4 =	vmul.u32 $0x3, v4  }
0x129: {  	v62 =	vadd.s32 v3, v60;
	[tilespmem:$0x990] =	vst v6;
	v5 =	vadd.s32 v5, v7  }
0x12a: {  	v4 =	vadd.s32 v4, v62;
	[tilespmem:$0x9B0] =	vst v5  }
0x12b: {  	s17 =	simm.s32 $0x980;
	[tilespmem:$0x9A0] =	vst v4  }
0x12c: {  	[tilespmem:s13], [sflag:$0xC] =	stream.indirect.gather [hbm4b:s4+s31], $0x80, s17, s31, $0xb8;
	[tilespmem:$0x1EA00] =	vst v63  }
0x12d: {  	_ =	swait.ge [sflag:s18], $0x2800  }
0x12e: {  	[sflag:s18] =	ssyncset.done $0x0  }
0x12f: {  	[sflag:s18] =	ssyncadd.s32 $0xFFFFD800  }
0x130: {  	[spmem:s2] =	stream.indirect.scatter.add.f32 [tilespmem:s16], [sflag:$0xD], $0x80, s9, s31, $0xb8;
	[tilespmem:$0x1EA00] =	vst v63  }
0x131: {  	_ =	swait.ge [sflag:s7], $0x2800  }
0x132: {  	p0 =	sne.s32 s12, $0xE80;
	[sflag:s7] =	ssyncset.done $0x0  }
.Ltmp0:
0x133: {  	s19 =	simm.s32 $0x180;
	[sflag:s7] =	ssyncadd.s32 $0xFFFFD800;
	(pc) =	sbr.rel @p0 .LBB2_2-.Ltmp0, $4  }
0x134: {  	[spmem:s2] =	stream.indirect.scatter.add.f32 [tilespmem:s20], [sflag:$0xE], $0x80, s19, s31, $0xb8;
	[tilespmem:$0x1EA00] =	vst v63  }
0x135: {  	_ =	swait.ge [sflag:s21], $0x2800  }
0x136: {  	[sflag:s21] =	ssyncset.done $0x0  }
0x137: {  	s12 =	sadd.s32 $0x80, s12;
	s24 =	simm.s32 $0x280;
	[sflag:s21] =	ssyncadd.s32 $0xFFFFD800  }
0x138: {  	s17 =	simm.s32 $0x5A00  }
0x139: {  	[spmem:s2] =	stream.indirect.scatter.add.f32 [tilespmem:s17], [sflag:$0xF], $0x80, s24, s31, $0xb8;
	[tilespmem:$0x1EA00] =	vst v63  }
0x13a: {  	_ =	swait.ge [sflag:s23], $0x2800  }
0x13b: {  	[sflag:s23] =	ssyncset.done $0x0  }
0x13c: {  	s9 =	simm.s32 $0x380;
	s22 =	simm.s32 $0x8200;
	[sflag:s23] =	ssyncadd.s32 $0xFFFFD800  }
0x13d: {  	[spmem:s2] =	stream.indirect.scatter.add.f32 [tilespmem:s22], [sflag:$0x10], $0x80, s9, s31, $0xb8;
	[tilespmem:$0x1EA00] =	vst v63  }
0x13e: {  	_ =	swait.ge [sflag:s25], $0x2800  }
0x13f: {  	s12 =	rddreg [dreg:$0x9];
	[sflag:s25] =	ssyncset.done $0x0  }
0x140: {  	s16 =	rddreg [dreg:$0xa];
	[sflag:s25] =	ssyncadd.s32 $0xFFFFD800;
	s12 =	sadd.s32 s8, s12  }
0x141: {  	[tilespmem:s3], [sflag:$0x1] =	stream.linear.gather [hbm4b:s12+s3], $0x100, $0x38;
	[tilespmem:$0x1EA00] =	vst v63  }
0x142: {  	s19 =	simm.s32 $0x400;
	s20 =	sadd.s32 s8, s16  }
0x143: {  	[tilespmem:s19], [sflag:$0x5] =	stream.linear.gather [hbm4b:s20+s3], $0x100, $0x38;
	[tilespmem:$0x1EA00] =	vst v63  }
0x144: {  	_ =	swait.ge [sflag:s26], $0x2800  }
0x145: {  	s20 =	simm.s32 $0x100;
	s1 =	rddreg [dreg:$0x7];
	[sflag:s26] =	ssyncset.done $0x0  }
0x146: {  	s13 =	rddreg [dreg:$0x8];
	[sflag:s26] =	ssyncadd.s32 $0xFFFFD800;
	s12 =	sadd.s32 s8, s1  }
0x147: {  	[tilespmem:s20], [sflag:$0x2] =	stream.linear.gather [hbm4b:s12+s3], $0x100, $0x38;
	[tilespmem:$0x1EA00] =	vst v63  }
0x148: {  	s1 =	sadd.s32 s8, s13;
	s13 =	simm.s32 $0x500  }
0x149: {  	[tilespmem:s13], [sflag:$0x6] =	stream.linear.gather [hbm4b:s1+s3], $0x100, $0x38;
	[tilespmem:$0x1EA00] =	vst v63  }
0x14a: {  	_ =	swait.ge [sflag:s28], $0x2800  }
0x14b: {  	s13 =	simm.s32 $0x200;
	s20 =	rddreg [dreg:$0x5];
	[sflag:s28] =	ssyncset.done $0x0  }
0x14c: {  	s1 =	rddreg [dreg:$0x6];
	[sflag:s28] =	ssyncadd.s32 $0xFFFFD800;
	s12 =	sadd.s32 s8, s20  }
0x14d: {  	[tilespmem:s13], [sflag:$0x3] =	stream.linear.gather [hbm4b:s12+s3], $0x100, $0x38;
	[tilespmem:$0x1EA00] =	vst v63  }
0x14e: {  	s1 =	sadd.s32 s8, s1;
	s13 =	simm.s32 $0x600  }
0x14f: {  	[tilespmem:s13], [sflag:$0x7] =	stream.linear.gather [hbm4b:s1+s3], $0x100, $0x38;
	[tilespmem:$0x1EA00] =	vst v63  }
0x150: {  	_ =	swait.ge [sflag:s0], $0x2800  }
0x151: {  	s13 =	simm.s32 $0x300;
	s20 =	rddreg [dreg:$0x3];
	[sflag:s0] =	ssyncset.done $0x0  }
0x152: {  	s1 =	rddreg [dreg:$0x4];
	[sflag:s0] =	ssyncadd.s32 $0xFFFFD800;
	s12 =	sadd.s32 s8, s20  }
0x153: {  	[tilespmem:s13], [sflag:$0x4] =	stream.linear.gather [hbm4b:s12+s3], $0x100, $0x38;
	[tilespmem:$0x1EA00] =	vst v63  }
0x154: {  	s20 =	sadd.s32 s8, s1;
	s1 =	simm.s32 $0x700  }
0x155: {  	[tilespmem:s1], [sflag:$0x8] =	stream.linear.gather [hbm4b:s20+s3], $0x100, $0x38;
	[tilespmem:$0x1EA00] =	vst v63  }
0x156: {  	_ =	swait.ge [sflag:s29], $0x100  }
0x157: {  	[sflag:s29] =	ssyncset.done $0x0  }
0x158: {  	[sflag:s29] =	ssyncadd.s32 $0xFFFFFF00  }
0x159: {  	_ =	swait.ge [sflag:s30], $0x100  }
0x15a: {  	[sflag:s30] =	ssyncset.done $0x0  }
0x15b: {  	[sflag:s30] =	ssyncadd.s32 $0xFFFFFF00  }
0x15c: {  	v4 =	vld [tilespmem:$0x400]  }
0x15d: {  	v5 =	vld [tilespmem:$0x480]  }
0x15e: {  	v6 =	vld [tilespmem:$0x410]  }
0x15f: {  	v7 =	vld [tilespmem:$0x490]  }
0x160: {  	v8 =	vld [tilespmem:$0x420]  }
0x161: {  	v9 =	vld [tilespmem:$0x4A0]  }
0x162: {  	v10 =	vld [tilespmem:$0x430]  }
0x163: {  	v11 =	vld [tilespmem:$0x4B0]  }
0x164: {  	v12 =	vld [tilespmem:$0x440]  }
0x165: {  	v13 =	vld [tilespmem:$0x4C0];
	v4 =	vmul.u32 $0x3, v4  }
0x166: {  	v5 =	vadd.s32 v0, v5;
	v6 =	vmul.u32 $0x3, v6  }
0x167: {  	v17 =	vmul.u32 $0x3, v8;
	v4 =	vadd.s32 v4, v5;
	v5 =	vadd.s32 v0, v7  }
0x168: {  	v18 =	vmul.u32 $0x3, v10;
	[tilespmem:$0x800] =	vst v4;
	v4 =	vadd.s32 v6, v5;
	v5 =	vadd.s32 v0, v9  }
0x169: {  	v19 =	vmul.u32 $0x3, v12;
	[tilespmem:$0x810] =	vst v4;
	v4 =	vadd.s32 v17, v5;
	v5 =	vadd.s32 v0, v11  }
0x16a: {  	[tilespmem:$0x820] =	vst v4;
	v4 =	vadd.s32 v18, v5;
	v5 =	vadd.s32 v0, v13  }
0x16b: {  	[tilespmem:$0x830] =	vst v4;
	v4 =	vadd.s32 v19, v5  }
0x16c: {  	s16 =	simm.s32 $0xA00;
	s12 =	simm.s32 $0x800;
	[tilespmem:$0x840] =	vst v4  }
0x16d: {  	[tilespmem:s16], [sflag:$0x9] =	stream.indirect.gather [hbm4b:s4+s31], $0x80, s12, s31, $0xb8;
	[tilespmem:$0x1EA00] =	vst v63  }
0x16e: {  	_ =	swait.ge [sflag:s5], $0x100  }
0x16f: {  	[sflag:s5] =	ssyncset.done $0x0  }
0x170: {  	[sflag:s5] =	ssyncadd.s32 $0xFFFFFF00  }
0x171: {  	_ =	swait.ge [sflag:s6], $0x100  }
0x172: {  	[sflag:s6] =	ssyncset.done $0x0  }
0x173: {  	[sflag:s6] =	ssyncadd.s32 $0xFFFFFF00  }
0x174: {  	v4 =	vld [tilespmem:$0x500]  }
0x175: {  	v5 =	vld [tilespmem:$0x580]  }
0x176: {  	v20 =	vld [tilespmem:$0x510]  }
0x177: {  	v21 =	vld [tilespmem:$0x590]  }
0x178: {  	v22 =	vld [tilespmem:$0x520]  }
0x179: {  	v23 =	vld [tilespmem:$0x5A0]  }
0x17a: {  	v24 =	vld [tilespmem:$0x530]  }
0x17b: {  	v25 =	vld [tilespmem:$0x5B0]  }
0x17c: {  	v26 =	vld [tilespmem:$0x540]  }
0x17d: {  	v27 =	vld [tilespmem:$0x5C0];
	v4 =	vmul.u32 $0x3, v4  }
0x17e: {  	v5 =	vadd.s32 v1, v5;
	v6 =	vmul.u32 $0x3, v20  }
0x17f: {  	v28 =	vmul.u32 $0x3, v22;
	v4 =	vadd.s32 v4, v5;
	v5 =	vadd.s32 v1, v21  }
0x180: {  	v29 =	vmul.u32 $0x3, v24;
	[tilespmem:$0x880] =	vst v4;
	v4 =	vadd.s32 v6, v5;
	v5 =	vadd.s32 v1, v23  }
0x181: {  	v30 =	vmul.u32 $0x3, v26;
	[tilespmem:$0x890] =	vst v4;
	v4 =	vadd.s32 v28, v5;
	v5 =	vadd.s32 v1, v25  }
0x182: {  	[tilespmem:$0x8A0] =	vst v4;
	v4 =	vadd.s32 v29, v5;
	v5 =	vadd.s32 v1, v27  }
0x183: {  	[tilespmem:$0x8B0] =	vst v4;
	v4 =	vadd.s32 v30, v5  }
0x184: {  	s8 =	simm.s32 $0x3200;
	s1 =	simm.s32 $0x880;
	[tilespmem:$0x8C0] =	vst v4  }
0x185: {  	[tilespmem:s8], [sflag:$0xA] =	stream.indirect.gather [hbm4b:s4+s31], $0x80, s1, s31, $0xb8;
	[tilespmem:$0x1EA00] =	vst v63  }
0x186: {  	_ =	swait.ge [sflag:s10], $0x100  }
0x187: {  	[sflag:s10] =	ssyncset.done $0x0  }
0x188: {  	[sflag:s10] =	ssyncadd.s32 $0xFFFFFF00  }
0x189: {  	_ =	swait.ge [sflag:s11], $0x100  }
0x18a: {  	[sflag:s11] =	ssyncset.done $0x0  }
0x18b: {  	[sflag:s11] =	ssyncadd.s32 $0xFFFFFF00  }
0x18c: {  	v4 =	vld [tilespmem:$0x600]  }
0x18d: {  	v5 =	vld [tilespmem:$0x680]  }
0x18e: {  	v31 =	vld [tilespmem:$0x610]  }
0x18f: {  	v32 =	vld [tilespmem:$0x690]  }
0x190: {  	v33 =	vld [tilespmem:$0x620]  }
0x191: {  	v34 =	vld [tilespmem:$0x6A0]  }
0x192: {  	v35 =	vld [tilespmem:$0x630]  }
0x193: {  	v36 =	vld [tilespmem:$0x6B0]  }
0x194: {  	v37 =	vld [tilespmem:$0x640]  }
0x195: {  	v38 =	vld [tilespmem:$0x6C0];
	v4 =	vmul.u32 $0x3, v4  }
0x196: {  	v5 =	vadd.s32 v2, v5;
	v6 =	vmul.u32 $0x3, v31  }
0x197: {  	v39 =	vmul.u32 $0x3, v33;
	v4 =	vadd.s32 v4, v5;
	v5 =	vadd.s32 v2, v32  }
0x198: {  	v40 =	vmul.u32 $0x3, v35;
	[tilespmem:$0x900] =	vst v4;
	v4 =	vadd.s32 v6, v5;
	v5 =	vadd.s32 v2, v34  }
0x199: {  	v41 =	vmul.u32 $0x3, v37;
	[tilespmem:$0x910] =	vst v4;
	v4 =	vadd.s32 v39, v5;
	v5 =	vadd.s32 v2, v36  }
0x19a: {  	[tilespmem:$0x920] =	vst v4;
	v4 =	vadd.s32 v40, v5;
	v5 =	vadd.s32 v2, v38  }
0x19b: {  	[tilespmem:$0x930] =	vst v4;
	v4 =	vadd.s32 v41, v5  }
0x19c: {  	s13 =	simm.s32 $0x900;
	[tilespmem:$0x940] =	vst v4  }
0x19d: {  	[tilespmem:s17], [sflag:$0xB] =	stream.indirect.gather [hbm4b:s4+s31], $0x80, s13, s31, $0xb8;
	[tilespmem:$0x1EA00] =	vst v63  }
0x19e: {  	_ =	swait.ge [sflag:s14], $0x100  }
0x19f: {  	[sflag:s14] =	ssyncset.done $0x0  }
0x1a0: {  	[sflag:s14] =	ssyncadd.s32 $0xFFFFFF00  }
0x1a1: {  	_ =	swait.ge [sflag:s15], $0x100  }
0x1a2: {  	[sflag:s15] =	ssyncset.done $0x0  }
0x1a3: {  	[sflag:s15] =	ssyncadd.s32 $0xFFFFFF00  }
0x1a4: {  	v4 =	vld [tilespmem:$0x700]  }
0x1a5: {  	v5 =	vld [tilespmem:$0x780]  }
0x1a6: {  	v42 =	vld [tilespmem:$0x710]  }
0x1a7: {  	v43 =	vld [tilespmem:$0x790]  }
0x1a8: {  	v44 =	vld [tilespmem:$0x720]  }
0x1a9: {  	v45 =	vld [tilespmem:$0x7A0]  }
0x1aa: {  	v46 =	vld [tilespmem:$0x730]  }
0x1ab: {  	v47 =	vld [tilespmem:$0x7B0]  }
0x1ac: {  	v48 =	vld [tilespmem:$0x740]  }
0x1ad: {  	v49 =	vld [tilespmem:$0x7C0];
	v4 =	vmul.u32 $0x3, v4  }
0x1ae: {  	v5 =	vadd.s32 v3, v5;
	v6 =	vmul.u32 $0x3, v42  }
0x1af: {  	v50 =	vmul.u32 $0x3, v44;
	v4 =	vadd.s32 v4, v5;
	v5 =	vadd.s32 v3, v43  }
0x1b0: {  	v51 =	vmul.u32 $0x3, v46;
	[tilespmem:$0x980] =	vst v4;
	v4 =	vadd.s32 v6, v5;
	v5 =	vadd.s32 v3, v45  }
0x1b1: {  	v52 =	vmul.u32 $0x3, v48;
	[tilespmem:$0x990] =	vst v4;
	v4 =	vadd.s32 v50, v5;
	v5 =	vadd.s32 v3, v47  }
0x1b2: {  	[tilespmem:$0x9A0] =	vst v4;
	v4 =	vadd.s32 v51, v5;
	v5 =	vadd.s32 v3, v49  }
0x1b3: {  	[tilespmem:$0x9B0] =	vst v4;
	v4 =	vadd.s32 v52, v5  }
0x1b4: {  	s20 =	simm.s32 $0x980;
	[tilespmem:$0x9C0] =	vst v4  }
0x1b5: {  	[tilespmem:s22], [sflag:$0xC] =	stream.indirect.gather [hbm4b:s4+s31], $0x80, s20, s31, $0xb8;
	[tilespmem:$0x1EA00] =	vst v63  }
0x1b6: {  	_ =	swait.ge [sflag:s18], $0x2800  }
0x1b7: {  	[sflag:s18] =	ssyncset.done $0x0  }
0x1b8: {  	s20 =	simm.s32 $0x80;
	[sflag:s18] =	ssyncadd.s32 $0xFFFFD800  }
0x1b9: {  	[spmem:s2] =	stream.indirect.scatter.add.f32 [tilespmem:s16], [sflag:$0xD], $0x80, s20, s31, $0xb8;
	[tilespmem:$0x1EA00] =	vst v63  }
0x1ba: {  	_ =	swait.ge [sflag:s7], $0x2800  }
0x1bb: {  	[sflag:s7] =	ssyncset.done $0x0  }
0x1bc: {  	s13 =	simm.s32 $0x180;
	[sflag:s7] =	ssyncadd.s32 $0xFFFFD800  }
0x1bd: {  	[spmem:s2] =	stream.indirect.scatter.add.f32 [tilespmem:s8], [sflag:$0xE], $0x80, s13, s31, $0xb8;
	[tilespmem:$0x1EA00] =	vst v63  }
0x1be: {  	_ =	swait.ge [sflag:s21], $0x2800  }
0x1bf: {  	[sflag:s21] =	ssyncset.done $0x0  }
0x1c0: {  	[sflag:s21] =	ssyncadd.s32 $0xFFFFD800  }
0x1c1: {  	[spmem:s2] =	stream.indirect.scatter.add.f32 [tilespmem:s17], [sflag:$0xF], $0x80, s24, s31, $0xb8;
	[tilespmem:$0x1EA00] =	vst v63  }
0x1c2: {  	_ =	swait.ge [sflag:s23], $0x2800  }
0x1c3: {  	[sflag:s23] =	ssyncset.done $0x0  }
0x1c4: {  	[sflag:s23] =	ssyncadd.s32 $0xFFFFD800  }
0x1c5: {  	[spmem:s2] =	stream.indirect.scatter.add.f32 [tilespmem:s22], [sflag:$0x10], $0x80, s9, s31, $0xb8;
	[tilespmem:$0x1EA00] =	vst v63  }
0x1c6: {  	_ =	swait.ge [sflag:s25], $0x2800  }
0x1c7: {  	[sflag:s25] =	ssyncset.done $0x0  }
0x1c8: {  	[sflag:s25] =	ssyncadd.s32 $0xFFFFD800  }
0x1c9: {  	_ =	swait.ge [sflag:s26], $0x2800  }
0x1ca: {  	[sflag:s26] =	ssyncset.done $0x0  }
0x1cb: {  	[sflag:s26] =	ssyncadd.s32 $0xFFFFD800  }
0x1cc: {  	_ =	swait.ge [sflag:s28], $0x2800  }
0x1cd: {  	[sflag:s28] =	ssyncset.done $0x0  }
0x1ce: {  	[sflag:s28] =	ssyncadd.s32 $0xFFFFD800  }
0x1cf: {  	_ =	swait.ge [sflag:s0], $0x2800  }
0x1d0: {  	[sflag:s0] =	ssyncset.done $0x0  }
0x1d1: {  	s1 =	rddreg [dreg:$0x16];
	[sflag:s0] =	ssyncadd.s32 $0xFFFFD800  }
0x1d2: {  	[tilespmem:s3], [sflag:$0x1] =	stream.linear.gather [hbm4b:s1+s3], $0x100, $0x38;
	[tilespmem:$0x1EA00] =	vst v63  }
0x1d3: {  	s9 =	rddreg [dreg:$0x17]  }
0x1d4: {  	[tilespmem:s19], [sflag:$0x5] =	stream.linear.gather [hbm4b:s9+s3], $0x100, $0x38;
	[tilespmem:$0x1EA00] =	vst v63  }
0x1d5: {  	_ =	swait.ge [sflag:s29], $0x100  }
0x1d6: {  	[sflag:s29] =	ssyncset.done $0x0  }
0x1d7: {  	[sflag:s29] =	ssyncadd.s32 $0xFFFFFF00  }
0x1d8: {  	_ =	swait.ge [sflag:s30], $0x100  }
0x1d9: {  	[sflag:s30] =	ssyncset.done $0x0  }
0x1da: {  	[sflag:s30] =	ssyncadd.s32 $0xFFFFFF00  }
0x1db: {  	v4 =	vld [tilespmem:$0x400]  }
0x1dc: {  	v5 =	vld [tilespmem:$0x480]  }
0x1dd: {  	v53 =	vld [tilespmem:$0x410]  }
0x1de: {  	v54 =	vld [tilespmem:$0x490]  }
0x1df: {  	v55 =	vld [tilespmem:$0x420]  }
0x1e0: {  	v56 =	vld [tilespmem:$0x4A0]  }
0x1e1: {  	v57 =	vld [tilespmem:$0x430]  }
0x1e2: {  	v58 =	vld [tilespmem:$0x4B0]  }
0x1e3: {  	v59 =	vld [tilespmem:$0x440]  }
0x1e4: {  	v60 =	vld [tilespmem:$0x4C0];
	v4 =	vmul.u32 $0x3, v4  }
0x1e5: {  	v5 =	vadd.s32 v0, v5;
	v6 =	vmul.u32 $0x3, v53  }
0x1e6: {  	v61 =	vmul.u32 $0x3, v55;
	v4 =	vadd.s32 v4, v5;
	v5 =	vadd.s32 v0, v54  }
0x1e7: {  	v62 =	vmul.u32 $0x3, v57;
	[tilespmem:$0x800] =	vst v4;
	v4 =	vadd.s32 v6, v5;
	v5 =	vadd.s32 v0, v56  }
0x1e8: {  	v63 =	vmul.u32 $0x3, v59;
	[tilespmem:$0x810] =	vst v4;
	v4 =	vadd.s32 v61, v5;
	v5 =	vadd.s32 v0, v58  }
0x1e9: {  	[tilespmem:$0x820] =	vst v4;
	v4 =	vadd.s32 v62, v5;
	v5 =	vadd.s32 v0, v60  }
0x1ea: {  	[tilespmem:$0x830] =	vst v4;
	v4 =	vadd.s32 v63, v5  }
0x1eb: {  	[tilespmem:$0x840] =	vst v4  }
0x1ec: {  	[tilespmem:s16], [sflag:$0x9] =	stream.indirect.gather [hbm4b:s4+s31], $0x80, s12, s31, $0xb8;
	[tilespmem:$0x1EA00] =	vst v63  }
0x1ed: {  	_ =	swait.ge [sflag:s18], $0x2800  }
0x1ee: {  	[sflag:s18] =	ssyncset.done $0x0  }
0x1ef: {  	[sflag:s18] =	ssyncadd.s32 $0xFFFFD800  }
0x1f0: {  	[spmem:s2] =	stream.indirect.scatter.add.f32 [tilespmem:s16], [sflag:$0xD], $0x80, s20, s31, $0xb8;
	[tilespmem:$0x1EA00] =	vst v63  }
0x1f1: {  	_ =	swait.ge [sflag:s25], $0x2800  }
0x1f2: {  	[sflag:s25] =	ssyncset.done $0x0  }
0x1f3: {  	[sflag:s25] =	ssyncadd.s32 $0xFFFFD800  }
0x1f4: {  	[bflag:$0x0] =	sbarrier.arrive $0xFFFF  }
0x1f5: {  	s19 =	rddreg [dreg:$0xd]  }
0x1f6: {  	s16 =	rddreg [dreg:$0x18]  }
0x1f7: {  	s20 =	rddreg [dreg:$0x1b]  }
0x1f8: {  	[hbm:s16], [sflag:s19] =	dma.local [spmem:s20], $0x2800  }
0x1f9: {  	s20 =	simm.s32 $0x11  }
0x1fa: {  	_ =	swait.ge [sflag:s20], $0x2800  }
0x1fb: {  	s8 =	rddreg [dreg:$0x1a]  }
0x1fc: {  	s16 =	rddreg [dreg:$0x19];
	s12 =	sadd.s32 $0x1, s8  }
0x1fd: {  	p0 =	sne.s32 s12, s16  }
.Ltmp1:
0x1fe: {  	_ = 	snop;
	(pc) =	sbr.rel @p0 .LBB2_1-.Ltmp1, $4  }
0x1ff: {  	_ = 	snop  }
0x200: {  	s13 =	simm.s32 $0x5A00  }
0x201: {  	s17 =	simm.s32 $0x8200;
	s22 =	simm.s32 $0x400;
	[sflag:s20] =	ssyncset.done $0x0  }
0x202: {  	s1 =	simm.s32 $0x800;
	s9 =	simm.s32 $0x80;
	[sflag:s20] =	ssyncadd.s32 $0xFFFFD800  }
0x203: {  	_ =	sfence.sel $0x180000  }
0x204: {  	[bflag:$0x0] =	sbarrier.arrive $0xFFFF  }
0x205: {  	_ =	strace $0x90000047  }
0x206: {  	s0 =	stileid.u32;
	[bflag:$0x2] =	sbarrier.arrive $0xFFFF  }
0x207: {  	p0 =	sne.s32 s0, $0x0;
	s0 =	rddreg [dreg:$0x2]  }
0x208: {  	s0 =	sadd.s32 @!p0 $0x100000, s0  }
0x209: {  	[sflag:s0] =	ssyncadd.tile.s32 @!p0 $0x1;
	_ =	shalt  }
.Lfunc_end2:
_tile_overlayer_lowered:
.L_overlay_start_2:
0x20a: {  	(tag) =	ssettag $0x2  }
0x20b: {  	s0 =	rddreg [dreg:$0x0];
	s2 =	stileid.u32  }
0x20c: {  	s1 =	rddreg [dreg:$0x1];
	p0 =	sne.s32 s2, $0x0  }
0x20d: {  	s3 =	rddreg [dreg:$0x2];
	[bflag:$0x3] =	sbarrier.arrive $0xFFFF;
	s2 =	simm.s32 @!p0 $0x1C11  }
0x20e: {  	[timem:s3], [sflag:s2] =	dma.local @!p0 [hbm:s0], s1  }
0x20f: {  	s0 =	simm.s32 @!p0 $0x11  }
0x210: {  	_ =	swait.ge @!p0 [sflag:s0], s1  }
0x211: {  	s1 =	ssub.s32 @!p0 $0x0, s1;
	[sflag:s0] =	ssyncset.done @!p0 $0x0  }
0x212: {  	[sflag:s0] =	ssyncadd.s32 @!p0 s1  }
0x213: {  	[bflag:$0x3] =	sbarrier.arrive $0xFFFF  }
0x214: {  	_ =	shalt  }

</sc_bundles>
